<compile_context>
chip_gen: v7x
topology: tpu7x:2x2x1
jax: 0.10.2.dev20260603
libtpu: 0.0.44.dev20260713+nightly
codegen_flags: <defaults>
</compile_context>

<pallas_src>
import functools

import jax
import jax.numpy as jnp
from jax import lax
from jax.experimental import pallas as pl
from jax.experimental.pallas import tpu as pltpu
from jax.experimental.pallas import tpu_sc as plsc

N = 100000
E = 1600000
G = 256
H = 32
HH = 16
NCORE = 2
NSUB = 16
NW = NCORE * NSUB

NP = 102400
PER_W_N = NP // NW
GC = 640
PER_S_E = E // NSUB
EB = 800
STRIPE = NP // NSUB
SCP = 800

_mesh = plsc.VectorSubcoreMesh(core_axis_name="c", subcore_axis_name="s")
_SC_PARAMS = pltpu.CompilerParams(use_tc_tiling_on_sc=False,
                                  needs_layout_passes=False)

F32 = jnp.float32
I32 = jnp.int32


def _emb_body(act_hbm, loc_hbm, e0_hbm, e1_hbm, x_hbm, ia, il, r0, r1, s0, s1):
    c = lax.axis_index("c")
    s = lax.axis_index("s")
    wid = s * NCORE + c
    base = wid * PER_W_N

    @pl.loop(0, PER_W_N, step=GC)
    def _(off):
        b = base + off
        pltpu.sync_copy(act_hbm.at[pl.ds(b, GC)], ia)
        pltpu.sync_copy(loc_hbm.at[pl.ds(b, GC)], il)
        cp0 = pltpu.async_copy(e0_hbm.at[ia], r0, s0)
        cp1 = pltpu.async_copy(e1_hbm.at[il], r1, s1)
        cp0.wait()
        cp1.wait()

        @pl.loop(0, GC)
        def _(i):
            for j in range(2):
                sl = (i, pl.ds(j * 16, 16))
                r0[sl] = jnp.maximum(r0[sl] + r1[sl], 0.0)

        pltpu.sync_copy(r0, x_hbm.at[pl.ds(b, GC)])


def _emb_lookup(act_p, loc_p, e0, e1):
    kern = pl.kernel(
        _emb_body,
        out_type=jax.ShapeDtypeStruct((NP, H), F32),
        mesh=_mesh,
        scratch_types=[
            pltpu.VMEM((GC,), I32),
            pltpu.VMEM((GC,), I32),
            pltpu.VMEM((GC, H), F32),
            pltpu.VMEM((GC, H), F32),
            pltpu.SemaphoreType.DMA,
            pltpu.SemaphoreType.DMA,
        ],
        compiler_params=_SC_PARAMS,
    )
    return kern(act_p, loc_p, e0, e1)


BLK = 2048
NB = NP // BLK

_HIGH = lax.Precision.HIGHEST


def _node_body(x_ref, w_ref, asr_ref, adr_ref, e0_ref, we_ref, ae_ref,
               hlo_ref, hhi_ref, as_ref, ad_ref, econ_ref):
    i = pl.program_id(0)
    x = x_ref[...]
    h = lax.dot_general(x, w_ref[...], (((1,), (0,)), ((), ())), precision=_HIGH)
    hlo_ref[...] = h[:, :HH]
    hhi_ref[...] = h[:, HH:]
    as_ref[...] = jnp.sum(h * asr_ref[...], axis=1, keepdims=True)
    ad_ref[...] = jnp.sum(h * adr_ref[...], axis=1, keepdims=True)

    @pl.when(i == 0)
    def _():
        we = lax.dot_general(ae_ref[...], we_ref[...], (((1,), (1,)), ((), ())),
                             precision=_HIGH)
        te = lax.dot_general(we[:, :H], e0_ref[...], (((1,), (1,)), ((), ())),
                             precision=_HIGH)
        te16 = jnp.concatenate([te, jnp.zeros((1, 6), F32)], axis=1)
        w0 = jnp.broadcast_to(we[:, H:H + 1], (1, 16))
        w1 = jnp.broadcast_to(we[:, H + 1:H + 2], (1, 16))
        w2 = jnp.broadcast_to(we[:, H + 2:H + 3], (1, 16))
        econ_ref[...] = jnp.concatenate(
            [te16, w0, w1, w2, jnp.zeros((4, 16), F32)], axis=0)


def _node_stage(x, W, att_src2, att_dst2, edge_emb0, W_edge, att_edge2):
    return pl.pallas_call(
        _node_body,
        grid=(NB,),
        in_specs=[
            pl.BlockSpec((BLK, H), lambda i: (i, 0)),
            pl.BlockSpec((H, H), lambda i: (0, 0)),
            pl.BlockSpec((1, H), lambda i: (0, 0)),
            pl.BlockSpec((1, H), lambda i: (0, 0)),
            pl.BlockSpec((10, H), lambda i: (0, 0)),
            pl.BlockSpec((H + 3, H), lambda i: (0, 0)),
            pl.BlockSpec((1, H), lambda i: (0, 0)),
        ],
        out_specs=[
            pl.BlockSpec((BLK, HH), lambda i: (i, 0)),
            pl.BlockSpec((BLK, HH), lambda i: (i, 0)),
            pl.BlockSpec((BLK, 1), lambda i: (i, 0)),
            pl.BlockSpec((BLK, 1), lambda i: (i, 0)),
            pl.BlockSpec((8, 16), lambda i: (0, 0)),
        ],
        out_shape=[
            jax.ShapeDtypeStruct((NP, HH), F32),
            jax.ShapeDtypeStruct((NP, HH), F32),
            jax.ShapeDtypeStruct((NP, 1), F32),
            jax.ShapeDtypeStruct((NP, 1), F32),
            jax.ShapeDtypeStruct((8, 16), F32),
        ],
    )(x, W, att_src2, att_dst2, edge_emb0, W_edge, att_edge2)


def _zero_phase(s, rows, exv, acc_sh, den_sh, do_den):
    @pl.loop(0, EB)
    def _(i):
        rows[i, :] = jnp.zeros((16,), F32)

    @pl.loop(0, EB, step=16)
    def _(i):
        exv[pl.ds(i, 16)] = jnp.zeros((16,), F32)

    srow = s * STRIPE
    for k in range(STRIPE // SCP):
        pltpu.sync_copy(rows.at[pl.ds(0, SCP)],
                        acc_sh.at[pl.ds(srow + k * SCP, SCP)])
    if do_den:
        for k in range(STRIPE // SCP):
            pltpu.sync_copy(exv.at[pl.ds(0, SCP)],
                            den_sh.at[pl.ds(srow + k * SCP, SCP)])


def _sweep_phase(s, src_hbm, dst_hbm, trav_hbm, du_hbm, ts_hbm, tt_hbm,
                 as_hbm, ad_hbm, h_hbm, econv,
                 srcv, dstv, travv, duv, tsv, ttv, asv, adv, exv, rows,
                 sema, semb, semr, acc_sh, den_sh, do_den):
    zero16 = jnp.zeros((16,), I32)
    w0v = plsc.load_gather(econv, [jnp.full((16,), 1, I32), zero16])
    w1v = plsc.load_gather(econv, [jnp.full((16,), 2, I32), zero16])
    w2v = plsc.load_gather(econv, [jnp.full((16,), 3, I32), zero16])
    ebase = s * PER_S_E

    @pl.loop(0, PER_S_E, step=EB)
    def _(off):
        b = ebase + off
        pltpu.sync_copy(src_hbm.at[pl.ds(b, EB)], srcv)
        pltpu.sync_copy(dst_hbm.at[pl.ds(b, EB)], dstv)
        pltpu.sync_copy(trav_hbm.at[pl.ds(b, EB)], travv)
        pltpu.sync_copy(du_hbm.at[pl.ds(b, EB)], duv)
        pltpu.sync_copy(ts_hbm.at[pl.ds(b, EB)], tsv)
        pltpu.sync_copy(tt_hbm.at[pl.ds(b, EB)], ttv)
        cpa = pltpu.async_copy(as_hbm.at[srcv], asv, sema)
        cpb = pltpu.async_copy(ad_hbm.at[dstv], adv, semb)
        cpr = pltpu.async_copy(h_hbm.at[srcv], rows, semr)
        cpa.wait()
        cpb.wait()
        cpr.wait()

        @pl.loop(0, EB, step=16)
        def _(g):
            tr = travv[pl.ds(g, 16)]
            aev = plsc.load_gather(econv, [zero16, tr])
            al = (asv[pl.ds(g, 16)] + adv[pl.ds(g, 16)] + aev
                  + duv[pl.ds(g, 16)] * w0v
                  + tsv[pl.ds(g, 16)] * w1v
                  + ttv[pl.ds(g, 16)] * w2v)
            al = jnp.maximum(al, 0.2 * al)
            ex = jnp.exp(al)
            exv[pl.ds(g, 16)] = ex
            for j in range(16):
                spl = plsc.load_gather(exv, [jnp.broadcast_to(g + j, (16,))])
                rows[g + j, :] = rows[g + j, :] * spl

        pltpu.sync_copy(rows, acc_sh.at[dstv], add=True)
        if do_den:
            pltpu.sync_copy(exv, den_sh.at[dstv], add=True)


def _out_phase(s, acc_sh, den_sh, acc_hbm, den_hbm, do_den):
    srow = s * STRIPE
    for k in range(STRIPE // SCP):
        sl = pl.ds(srow + k * SCP, SCP)
        pltpu.sync_copy(acc_sh.at[sl], acc_hbm.at[sl])
    if do_den:
        for k in range(STRIPE // SCP):
            sl = pl.ds(srow + k * SCP, SCP)
            pltpu.sync_copy(den_sh.at[sl], den_hbm.at[sl])


def _edge_body(src_hbm, dst_hbm, trav_hbm, du_hbm, ts_hbm, tt_hbm,
               as_hbm, ad_hbm, hlo_hbm, hhi_hbm, econ_hbm,
               acclo_hbm, acchi_hbm, den_hbm,
               srcv, dstv, travv, duv, tsv, ttv, asv, adv, exv, rows, econv,
               sema, semb, semr, acc_sh, den_sh):
    c = lax.axis_index("c")
    s = lax.axis_index("s")
    pltpu.sync_copy(econ_hbm, econv)

    @pl.when(c == 0)
    def _():
        _zero_phase(s, rows, exv, acc_sh, den_sh, True)

    @pl.when(c == 1)
    def _():
        _zero_phase(s, rows, exv, acc_sh, den_sh, False)

    plsc.subcore_barrier()

    common = (srcv, dstv, travv, duv, tsv, ttv, asv, adv, exv, rows,
              sema, semb, semr, acc_sh, den_sh)

    @pl.when(c == 0)
    def _():
        _sweep_phase(s, src_hbm, dst_hbm, trav_hbm, du_hbm, ts_hbm, tt_hbm,
                     as_hbm, ad_hbm, hlo_hbm, econv, *common, True)

    @pl.when(c == 1)
    def _():
        _sweep_phase(s, src_hbm, dst_hbm, trav_hbm, du_hbm, ts_hbm, tt_hbm,
                     as_hbm, ad_hbm, hhi_hbm, econv, *common, False)

    plsc.subcore_barrier()

    @pl.when(c == 0)
    def _():
        _out_phase(s, acc_sh, den_sh, acclo_hbm, den_hbm, True)

    @pl.when(c == 1)
    def _():
        _out_phase(s, acc_sh, den_sh, acchi_hbm, den_hbm, False)


def _edge_stage(src, dst, trav, du, ts, tt, as1, ad1, hlo, hhi, econ):
    kern = pl.kernel(
        _edge_body,
        out_type=(
            jax.ShapeDtypeStruct((NP, HH), F32),
            jax.ShapeDtypeStruct((NP, HH), F32),
            jax.ShapeDtypeStruct((NP,), F32),
        ),
        mesh=_mesh,
        scratch_types=[
            pltpu.VMEM((EB,), I32),
            pltpu.VMEM((EB,), I32),
            pltpu.VMEM((EB,), I32),
            pltpu.VMEM((EB,), F32),
            pltpu.VMEM((EB,), F32),
            pltpu.VMEM((EB,), F32),
            pltpu.VMEM((EB,), F32),
            pltpu.VMEM((EB,), F32),
            pltpu.VMEM((EB,), F32),
            pltpu.VMEM((EB, 16), F32),
            pltpu.VMEM((8, 16), F32),
            pltpu.SemaphoreType.DMA,
            pltpu.SemaphoreType.DMA,
            pltpu.SemaphoreType.DMA,
            pltpu.VMEM_SHARED((NP, HH), F32),
            pltpu.VMEM_SHARED((NP,), F32),
        ],
        compiler_params=_SC_PARAMS,
    )
    return kern(src, dst, trav, du, ts, tt, as1, ad1, hlo, hhi, econ)


BLK4 = 2048
NB4 = NP // BLK4


def _pool_body(acclo_ref, acchi_ref, den_ref, batch_ref, bias_ref,
               fcw_ref, fcb_ref, out_ref, gsum, cnt):
    i = pl.program_id(0)

    @pl.when(i == 0)
    def _():
        gsum[...] = jnp.zeros_like(gsum)
        cnt[...] = jnp.zeros_like(cnt)

    a = jnp.concatenate([acclo_ref[...], acchi_ref[...]], axis=1)
    den = den_ref[...]
    outn = jnp.maximum(a / (den + 1e-16) + bias_ref[...], 0.0)
    bt = batch_ref[...]
    oh = (bt == lax.broadcasted_iota(I32, (BLK4, G), 1)).astype(F32)
    gsum[...] += lax.dot_general(oh, outn, (((0,), (0,)), ((), ())),
                                 precision=_HIGH)
    cnt[...] += lax.dot_general(oh, jnp.ones((BLK4, 1), F32),
                                (((0,), (0,)), ((), ())), precision=_HIGH)

    @pl.when(i == NB4 - 1)
    def _():
        gmean = gsum[...] / jnp.maximum(cnt[...], 1.0)
        logits = lax.dot_general(gmean, fcw_ref[...], (((1,), (0,)), ((), ())),
                                 precision=_HIGH) + fcb_ref[...]
        m = jnp.max(logits, axis=1, keepdims=True)
        sh = logits - m
        out_ref[...] = sh - jnp.log(jnp.sum(jnp.exp(sh), axis=1, keepdims=True))


def _pool_stage(acclo, acchi, den2, batch2, bias2, fc_W, fcb2):
    return pl.pallas_call(
        _pool_body,
        grid=(NB4,),
        in_specs=[
            pl.BlockSpec((BLK4, HH), lambda i: (i, 0)),
            pl.BlockSpec((BLK4, HH), lambda i: (i, 0)),
            pl.BlockSpec((BLK4, 1), lambda i: (i, 0)),
            pl.BlockSpec((BLK4, 1), lambda i: (i, 0)),
            pl.BlockSpec((1, H), lambda i: (0, 0)),
            pl.BlockSpec((H, 16), lambda i: (0, 0)),
            pl.BlockSpec((1, 16), lambda i: (0, 0)),
        ],
        out_specs=pl.BlockSpec((G, 16), lambda i: (0, 0)),
        out_shape=jax.ShapeDtypeStruct((G, 16), F32),
        scratch_shapes=[
            pltpu.VMEM((G, H), F32),
            pltpu.VMEM((G, 1), F32),
        ],
    )(acclo, acchi, den2, batch2, bias2, fc_W, fcb2)


def kernel(act, location, duration, tst, tet, travel, edge_index, batch,
           node_emb0, node_emb1, edge_emb0, W, att_src, att_dst,
           W_edge, att_edge, gat_bias, fc_W, fc_b):
    pad_n = NP - N
    act_p = jnp.concatenate([act.astype(I32), jnp.zeros((pad_n,), I32)])
    loc_p = jnp.concatenate([location.astype(I32), jnp.zeros((pad_n,), I32)])
    batch_p = jnp.concatenate(
        [batch.astype(I32), jnp.full((pad_n,), G, I32)]).reshape(NP, 1)
    src = edge_index[0].astype(I32)
    dst = edge_index[1].astype(I32)
    trav = travel.astype(I32)

    x = _emb_lookup(act_p, loc_p, node_emb0, node_emb1)
    hlo, hhi, as2, ad2, econ = _node_stage(
        x, W, att_src.reshape(1, H), att_dst.reshape(1, H),
        edge_emb0, W_edge, att_edge.reshape(1, H))
    as1 = as2.reshape(NP)
    ad1 = ad2.reshape(NP)
    acclo, acchi, den = _edge_stage(
        src, dst, trav, duration, tst, tet, as1, ad1, hlo, hhi, econ)
    return _pool_stage(acclo, acchi, den.reshape(NP, 1), batch_p,
                       gat_bias.reshape(1, H), fc_W, fc_b.reshape(1, 16))

# --- scband reference (transcript-rebuilt; emitter-appended) ---
"""Pipeline reference for scband-gatgraph-labeller-22058952032416 (READ-ONLY COPY).

The authoritative reference and input builder live on the scoring server;
editing this copy changes nothing except your own understanding.
"""

import jax, jax.numpy as jnp
import numpy as np

N_NODES = 100000
N_EDGES = 1600000
N_GRAPHS = 256
HIDDEN = 32
TARGET = 16


def setup_inputs(seed: int = 0) -> dict:
    key = jax.random.key(seed)
    ks = jax.random.split(key, 20)
    inp = {}
    inp["act"] = jax.random.randint(ks[0], (N_NODES,), 0, 100)
    inp["location"] = jax.random.randint(ks[1], (N_NODES,), 0, 1000)
    inp["duration"] = jax.random.uniform(ks[2], (N_EDGES,), dtype=jnp.float32)
    inp["tst"] = jax.random.uniform(ks[3], (N_EDGES,), dtype=jnp.float32)
    inp["tet"] = jax.random.uniform(ks[4], (N_EDGES,), dtype=jnp.float32)
    inp["travel"] = jax.random.randint(ks[5], (N_EDGES,), 0, 10)
    inp["edge_index"] = jax.random.randint(ks[6], (2, N_EDGES), 0, N_NODES)
    inp["batch"] = jnp.sort(jax.random.randint(ks[7], (N_NODES,), 0, N_GRAPHS))
    inp["node_emb0"] = 0.1 * jax.random.normal(ks[8], (100, HIDDEN), dtype=jnp.float32)
    inp["node_emb1"] = 0.1 * jax.random.normal(ks[9], (1000, HIDDEN), dtype=jnp.float32)
    inp["edge_emb0"] = 0.1 * jax.random.normal(ks[10], (10, HIDDEN), dtype=jnp.float32)
    inp["W"] = 0.1 * jax.random.normal(ks[11], (HIDDEN, HIDDEN), dtype=jnp.float32)
    inp["att_src"] = 0.1 * jax.random.normal(ks[12], (HIDDEN,), dtype=jnp.float32)
    inp["att_dst"] = 0.1 * jax.random.normal(ks[13], (HIDDEN,), dtype=jnp.float32)
    inp["W_edge"] = 0.1 * jax.random.normal(ks[14], (HIDDEN + 3, HIDDEN), dtype=jnp.float32)
    inp["att_edge"] = 0.1 * jax.random.normal(ks[15], (HIDDEN,), dtype=jnp.float32)
    inp["gat_bias"] = jnp.zeros((HIDDEN,), dtype=jnp.float32)
    inp["fc_W"] = 0.1 * jax.random.normal(ks[16], (HIDDEN, TARGET), dtype=jnp.float32)
    inp["fc_b"] = jnp.zeros((TARGET,), dtype=jnp.float32)
    return inp


def _forward(act, location, duration, tst, tet, travel, edge_index, batch,
             node_emb0, node_emb1, edge_emb0, W, att_src, att_dst,
             W_edge, att_edge, gat_bias, fc_W, fc_b):
    # MultiTokenEmbedSum for nodes: sum of per-token embeddings
    x = node_emb0[act] + node_emb1[location]
    # edge features: categorical embed + continuous stack
    x_edge_cont = jnp.stack([duration, tst, tet], axis=1)
    x_edge_cat = edge_emb0[travel]
    x_edge = jnp.concatenate([x_edge_cat, x_edge_cont], axis=-1)
    x = jax.nn.relu(x)
    # GATConv (1 head) with edge features
    src = edge_index[0]
    dst = edge_index[1]
    h = x @ W
    alpha_src = (h * att_src).sum(-1)
    alpha_dst = (h * att_dst).sum(-1)
    e = x_edge @ W_edge
    alpha_e = (e * att_edge).sum(-1)
    alpha = alpha_src[src] + alpha_dst[dst] + alpha_e
    alpha = jax.nn.leaky_relu(alpha, 0.2)
    # segment softmax over incoming edges of each dst node
    amax = jax.ops.segment_max(alpha, dst, num_segments=N_NODES)
    amax = jnp.where(jnp.isfinite(amax), amax, 0.0)
    ex = jnp.exp(alpha - amax[dst])
    denom = jax.ops.segment_sum(ex, dst, num_segments=N_NODES)
    a = ex / (denom[dst] + 1e-16)
    msg = h[src] * a[:, None]
    out = jax.ops.segment_sum(msg, dst, num_segments=N_NODES) + gat_bias
    out = jax.nn.relu(out)
    # global_mean_pool over graph ids
    gsum = jax.ops.segment_sum(out, batch, num_segments=N_GRAPHS)
    counts = jax.ops.segment_sum(jnp.ones((out.shape[0],), dtype=out.dtype), batch, num_segments=N_GRAPHS)
    gmean = gsum / jnp.maximum(counts, 1.0)[:, None]
    # dropout is identity at inference
    logits = gmean @ fc_W + fc_b
    return jax.nn.log_softmax(logits, axis=1)


def reference(act, location, duration, tst, tet, travel, edge_index, batch,
              node_emb0, node_emb1, edge_emb0, W, att_src, att_dst,
              W_edge, att_edge, gat_bias, fc_W, fc_b):
    return _forward(act, location, duration, tst, tet, travel, edge_index, batch,
                    node_emb0, node_emb1, edge_emb0, W, att_src, att_dst,
                    W_edge, att_edge, gat_bias, fc_W, fc_b)

if __name__ == "__main__":
    import jax
    _d = setup_inputs()
    print(jax.jit(kernel)(*tuple(_d.values())))

</pallas_src>

<mosaic_0001>
#map = affine_map<(d0, d1) -> (0)>
#map1 = affine_map<(d0, d1) -> (0, 0)>
module attributes {stable_mosaic.version = 14 : i64} {
  func.func @_emb_body(%arg0: i32, %arg1: i32, %arg2: memref<102400xi32, #tpu.memory_space<hbm>>, %arg3: memref<102400xi32, #tpu.memory_space<hbm>>, %arg4: memref<100x32xf32, #tpu.memory_space<hbm>>, %arg5: memref<1000x32xf32, #tpu.memory_space<hbm>>, %arg6: memref<102400x32xf32, #tpu.memory_space<hbm>>, %arg7: memref<640xi32, #tpu.memory_space<vmem>>, %arg8: memref<640xi32, #tpu.memory_space<vmem>>, %arg9: memref<640x32xf32, #tpu.memory_space<vmem>>, %arg10: memref<640x32xf32, #tpu.memory_space<vmem>>, %arg11: memref<!tpu.dma_semaphore, #tpu.memory_space<semaphore_mem>>, %arg12: memref<!tpu.dma_semaphore, #tpu.memory_space<semaphore_mem>>) attributes {dimension_semantics = [#tpu.dimension_semantics<core_parallel>, #tpu.dimension_semantics<subcore_parallel>], iteration_bounds = array<i64: 2, 16>, scalar_prefetch = 0 : i64, scratch_operands = 6 : i64, tpu.core_type = #tpu.core_type<sc_vector_subcore>, window_params = [{transform_indices = #map}, {transform_indices = #map}, {transform_indices = #map1}, {transform_indices = #map1}, {transform_indices = #map1}]} {
    %mul3A = arith.constant 2 : i32
    %mul3A_0 = arith.muli %arg1, %mul3A : i32
    %add3A = arith.addi %mul3A_0, %arg0 : i32
    %mul3A_1 = arith.constant 3200 : i32
    %mul3A_2 = arith.muli %add3A, %mul3A_1 : i32
    %scan3A = arith.constant 0 : i32
    %scan3A_3 = arith.constant 5 : i32
    %scan3A_4 = arith.addi %scan3A, %scan3A_3 : i32
    %scan3A_5 = arith.constant 1 : i32
    scf.for %scan3A_7 = %scan3A to %scan3A_4 step %scan3A_5  : i32 {
      %mul3A_8 = arith.constant 640 : i32
      %mul3A_9 = arith.muli %scan3A_7, %mul3A_8 : i32
      %add3A_10 = arith.constant 0 : i32
      %add3A_11 = arith.addi %add3A_10, %mul3A_9 : i32
      %add3A_12 = arith.addi %mul3A_2, %add3A_11 : i32
      "tpu.region"() ({
        %run_scoped3A = tpu.sem_alloc : memref<!tpu.dma_semaphore, #tpu.memory_space<semaphore_mem>>
        %dma_start3A_28 = tpu.memref_slice %arg2[%add3A_12] : memref<102400xi32, #tpu.memory_space<hbm>> -> memref<640xi32, #tpu.memory_space<hbm>>
        %dma_start3A_29 = tpu.memref_slice %arg2[%add3A_12] : memref<102400xi32, #tpu.memory_space<hbm>> -> memref<640xi32, #tpu.memory_space<hbm>>
        tpu.enqueue_dma source(%dma_start3A_29 : memref<640xi32, #tpu.memory_space<hbm>>) target(%arg7 : memref<640xi32, #tpu.memory_space<vmem>>) target_semaphore(%run_scoped3A : memref<!tpu.dma_semaphore, #tpu.memory_space<semaphore_mem>>)
        %dma_wait3A_30 = tpu.memref_slice %arg2[%add3A_12] : memref<102400xi32, #tpu.memory_space<hbm>> -> memref<640xi32, #tpu.memory_space<hbm>>
        %dma_wait3A_31 = tpu.memref_slice %arg2[%add3A_12] : memref<102400xi32, #tpu.memory_space<hbm>> -> memref<640xi32, #tpu.memory_space<hbm>>
        tpu.wait_dma2 semaphore(%run_scoped3A : memref<!tpu.dma_semaphore, #tpu.memory_space<semaphore_mem>>) src(%dma_wait3A_31 : memref<640xi32, #tpu.memory_space<hbm>>) dst(%arg7 : memref<640xi32, #tpu.memory_space<vmem>>)
        tpu.yield
      }) : () -> ()
      "tpu.region"() ({
        %run_scoped3A = tpu.sem_alloc : memref<!tpu.dma_semaphore, #tpu.memory_space<semaphore_mem>>
        %dma_start3A_28 = tpu.memref_slice %arg3[%add3A_12] : memref<102400xi32, #tpu.memory_space<hbm>> -> memref<640xi32, #tpu.memory_space<hbm>>
        %dma_start3A_29 = tpu.memref_slice %arg3[%add3A_12] : memref<102400xi32, #tpu.memory_space<hbm>> -> memref<640xi32, #tpu.memory_space<hbm>>
        tpu.enqueue_dma source(%dma_start3A_29 : memref<640xi32, #tpu.memory_space<hbm>>) target(%arg8 : memref<640xi32, #tpu.memory_space<vmem>>) target_semaphore(%run_scoped3A : memref<!tpu.dma_semaphore, #tpu.memory_space<semaphore_mem>>)
        %dma_wait3A_30 = tpu.memref_slice %arg3[%add3A_12] : memref<102400xi32, #tpu.memory_space<hbm>> -> memref<640xi32, #tpu.memory_space<hbm>>
        %dma_wait3A_31 = tpu.memref_slice %arg3[%add3A_12] : memref<102400xi32, #tpu.memory_space<hbm>> -> memref<640xi32, #tpu.memory_space<hbm>>
        tpu.wait_dma2 semaphore(%run_scoped3A : memref<!tpu.dma_semaphore, #tpu.memory_space<semaphore_mem>>) src(%dma_wait3A_31 : memref<640xi32, #tpu.memory_space<hbm>>) dst(%arg8 : memref<640xi32, #tpu.memory_space<vmem>>)
        tpu.yield
      }) : () -> ()
      %dma_start3A = arith.constant 0 : i32
      %dma_start3A_13 = arith.constant 0 : i32
      %dma_start3A_14 = tpu.memref_slice %arg4[%dma_start3A, %dma_start3A_13] : memref<100x32xf32, #tpu.memory_space<hbm>> -> memref<100x32xf32, #tpu.memory_space<hbm>>
      tpu.enqueue_indirect_dma source(%dma_start3A_14 : memref<100x32xf32, #tpu.memory_space<hbm>>) target(%arg9 : memref<640x32xf32, #tpu.memory_space<vmem>>) offsets(%arg7 : memref<640xi32, #tpu.memory_space<vmem>>) semaphore(%arg11 : memref<!tpu.dma_semaphore, #tpu.memory_space<semaphore_mem>>)
      %dma_start3A_15 = arith.constant 0 : i32
      %dma_start3A_16 = arith.constant 0 : i32
      %dma_start3A_17 = tpu.memref_slice %arg5[%dma_start3A_15, %dma_start3A_16] : memref<1000x32xf32, #tpu.memory_space<hbm>> -> memref<1000x32xf32, #tpu.memory_space<hbm>>
      tpu.enqueue_indirect_dma source(%dma_start3A_17 : memref<1000x32xf32, #tpu.memory_space<hbm>>) target(%arg10 : memref<640x32xf32, #tpu.memory_space<vmem>>) offsets(%arg8 : memref<640xi32, #tpu.memory_space<vmem>>) semaphore(%arg12 : memref<!tpu.dma_semaphore, #tpu.memory_space<semaphore_mem>>)
      %dma_wait3A = arith.constant 0 : i32
      %dma_wait3A_18 = arith.constant 0 : i32
      %dma_wait3A_19 = tpu.memref_slice %arg4[%dma_wait3A, %dma_wait3A_18] : memref<100x32xf32, #tpu.memory_space<hbm>> -> memref<100x32xf32, #tpu.memory_space<hbm>>
      tpu.wait_indirect_dma semaphore(%arg11 : memref<!tpu.dma_semaphore, #tpu.memory_space<semaphore_mem>>) src(%dma_wait3A_19 : memref<100x32xf32, #tpu.memory_space<hbm>>) dst(%arg9 : memref<640x32xf32, #tpu.memory_space<vmem>>)
      %dma_wait3A_20 = arith.constant 0 : i32
      %dma_wait3A_21 = arith.constant 0 : i32
      %dma_wait3A_22 = tpu.memref_slice %arg5[%dma_wait3A_20, %dma_wait3A_21] : memref<1000x32xf32, #tpu.memory_space<hbm>> -> memref<1000x32xf32, #tpu.memory_space<hbm>>
      tpu.wait_indirect_dma semaphore(%arg12 : memref<!tpu.dma_semaphore, #tpu.memory_space<semaphore_mem>>) src(%dma_wait3A_22 : memref<1000x32xf32, #tpu.memory_space<hbm>>) dst(%arg10 : memref<640x32xf32, #tpu.memory_space<vmem>>)
      %scan3A_23 = arith.constant 0 : i32
      %scan3A_24 = arith.constant 640 : i32
      %scan3A_25 = arith.addi %scan3A_23, %scan3A_24 : i32
      %scan3A_26 = arith.constant 1 : i32
      scf.for %scan3A_28 = %scan3A_23 to %scan3A_25 step %scan3A_26  : i32 {
        %mul3A_29 = arith.constant 1 : i32
        %mul3A_30 = arith.muli %scan3A_28, %mul3A_29 : i32
        %add3A_31 = arith.constant 0 : i32
        %add3A_32 = arith.addi %add3A_31, %mul3A_30 : i32
        %get3A = arith.index_cast %add3A_32 : i32 to index
        %get3A_33 = arith.constant 0 : index
        %get3A_34 = tpu.vector_load %arg9[%get3A, %get3A_33] {strides = array<i32>} : memref<640x32xf32, #tpu.memory_space<vmem>>, vector<16xf32>,
        %get3A_35 = arith.index_cast %add3A_32 : i32 to index
        %get3A_36 = arith.constant 0 : index
        %get3A_37 = tpu.vector_load %arg10[%get3A_35, %get3A_36] {strides = array<i32>} : memref<640x32xf32, #tpu.memory_space<vmem>>, vector<16xf32>,
        %add3A_38 = arith.addf %get3A_34, %get3A_37 : vector<16xf32>
        %max3A = arith.constant 0.000000e+00 : f32
        %max3A_39 = vector.broadcast %max3A : f32 to vector<16xf32>
        %max3A_40 = arith.maximumf %add3A_38, %max3A_39 : vector<16xf32>
        %swap3A = arith.index_cast %add3A_32 : i32 to index
        %swap3A_41 = arith.constant 0 : index
        %swap3A_42 = tpu.vector_load %arg9[%swap3A, %swap3A_41] {strides = array<i32>} : memref<640x32xf32, #tpu.memory_space<vmem>>, vector<16xf32>,
        tpu.vector_store %arg9[%swap3A, %swap3A_41], %max3A_40 {strides = array<i32>} : memref<640x32xf32, #tpu.memory_space<vmem>>, vector<16xf32>,
        %get3A_43 = arith.index_cast %add3A_32 : i32 to index
        %get3A_44 = arith.constant 16 : index
        %get3A_45 = tpu.vector_load %arg9[%get3A_43, %get3A_44] {strides = array<i32>} : memref<640x32xf32, #tpu.memory_space<vmem>>, vector<16xf32>,
        %get3A_46 = arith.index_cast %add3A_32 : i32 to index
        %get3A_47 = arith.constant 16 : index
        %get3A_48 = tpu.vector_load %arg10[%get3A_46, %get3A_47] {strides = array<i32>} : memref<640x32xf32, #tpu.memory_space<vmem>>, vector<16xf32>,
        %add3A_49 = arith.addf %get3A_45, %get3A_48 : vector<16xf32>
        %max3A_50 = arith.constant 0.000000e+00 : f32
        %max3A_51 = vector.broadcast %max3A_50 : f32 to vector<16xf32>
        %max3A_52 = arith.maximumf %add3A_49, %max3A_51 : vector<16xf32>
        %swap3A_53 = arith.index_cast %add3A_32 : i32 to index
        %swap3A_54 = arith.constant 16 : index
        %swap3A_55 = tpu.vector_load %arg9[%swap3A_53, %swap3A_54] {strides = array<i32>} : memref<640x32xf32, #tpu.memory_space<vmem>>, vector<16xf32>,
        tpu.vector_store %arg9[%swap3A_53, %swap3A_54], %max3A_52 {strides = array<i32>} : memref<640x32xf32, #tpu.memory_space<vmem>>, vector<16xf32>,
      }
      %scan3A_27 = arith.constant 640 : i32
      "tpu.region"() ({
        %run_scoped3A = tpu.sem_alloc : memref<!tpu.dma_semaphore, #tpu.memory_space<semaphore_mem>>
        %dma_start3A_28 = arith.constant 0 : i32
        %dma_start3A_29 = tpu.memref_slice %arg6[%add3A_12, %dma_start3A_28] : memref<102400x32xf32, #tpu.memory_space<hbm>> -> memref<640x32xf32, #tpu.memory_space<hbm>>
        %dma_start3A_30 = arith.constant 0 : i32
        %dma_start3A_31 = tpu.memref_slice %arg6[%add3A_12, %dma_start3A_30] : memref<102400x32xf32, #tpu.memory_space<hbm>> -> memref<640x32xf32, #tpu.memory_space<hbm>>
        tpu.enqueue_dma source(%arg9 : memref<640x32xf32, #tpu.memory_space<vmem>>) target(%dma_start3A_31 : memref<640x32xf32, #tpu.memory_space<hbm>>) target_semaphore(%run_scoped3A : memref<!tpu.dma_semaphore, #tpu.memory_space<semaphore_mem>>)
        %dma_wait3A_32 = arith.constant 0 : i32
        %dma_wait3A_33 = tpu.memref_slice %arg6[%add3A_12, %dma_wait3A_32] : memref<102400x32xf32, #tpu.memory_space<hbm>> -> memref<640x32xf32, #tpu.memory_space<hbm>>
        %dma_wait3A_34 = arith.constant 0 : i32
        %dma_wait3A_35 = tpu.memref_slice %arg6[%add3A_12, %dma_wait3A_34] : memref<102400x32xf32, #tpu.memory_space<hbm>> -> memref<640x32xf32, #tpu.memory_space<hbm>>
        tpu.wait_dma2 semaphore(%run_scoped3A : memref<!tpu.dma_semaphore, #tpu.memory_space<semaphore_mem>>) src(%arg9 : memref<640x32xf32, #tpu.memory_space<vmem>>) dst(%dma_wait3A_35 : memref<640x32xf32, #tpu.memory_space<hbm>>)
        tpu.yield
      }) : () -> ()
    }
    %scan3A_6 = arith.constant 5 : i32
    return
  }
}

#map = affine_map<(d0, d1) -> (0)>
#map1 = affine_map<(d0, d1) -> (0, 0)>
module attributes {stable_mosaic.version = 14 : i64} {
  func.func @_edge_body(%arg0: i32, %arg1: i32, %arg2: memref<1600000xi32, #tpu.memory_space<hbm>>, %arg3: memref<1600000xi32, #tpu.memory_space<hbm>>, %arg4: memref<1600000xi32, #tpu.memory_space<hbm>>, %arg5: memref<1600000xf32, #tpu.memory_space<hbm>>, %arg6: memref<1600000xf32, #tpu.memory_space<hbm>>, %arg7: memref<1600000xf32, #tpu.memory_space<hbm>>, %arg8: memref<102400xf32, #tpu.memory_space<hbm>>, %arg9: memref<102400xf32, #tpu.memory_space<hbm>>, %arg10: memref<102400x16xf32, #tpu.memory_space<hbm>>, %arg11: memref<102400x16xf32, #tpu.memory_space<hbm>>, %arg12: memref<8x16xf32, #tpu.memory_space<hbm>>, %arg13: memref<102400x16xf32, #tpu.memory_space<hbm>>, %arg14: memref<102400x16xf32, #tpu.memory_space<hbm>>, %arg15: memref<102400xf32, #tpu.memory_space<hbm>>, %arg16: memref<800xi32, #tpu.memory_space<vmem>>, %arg17: memref<800xi32, #tpu.memory_space<vmem>>, %arg18: memref<800xi32, #tpu.memory_space<vmem>>, %arg19: memref<800xf32, #tpu.memory_space<vmem>>, %arg20: memref<800xf32, #tpu.memory_space<vmem>>, %arg21: memref<800xf32, #tpu.memory_space<vmem>>, %arg22: memref<800xf32, #tpu.memory_space<vmem>>, %arg23: memref<800xf32, #tpu.memory_space<vmem>>, %arg24: memref<800xf32, #tpu.memory_space<vmem>>, %arg25: memref<800x16xf32, #tpu.memory_space<vmem>>, %arg26: memref<8x16xf32, #tpu.memory_space<vmem>>, %arg27: memref<!tpu.dma_semaphore, #tpu.memory_space<semaphore_mem>>, %arg28: memref<!tpu.dma_semaphore, #tpu.memory_space<semaphore_mem>>, %arg29: memref<!tpu.dma_semaphore, #tpu.memory_space<semaphore_mem>>, %arg30: memref<102400x16xf32, #tpu.memory_space<vmem_shared>>, %arg31: memref<102400xf32, #tpu.memory_space<vmem_shared>>) attributes {dimension_semantics = [#tpu.dimension_semantics<core_parallel>, #tpu.dimension_semantics<subcore_parallel>], iteration_bounds = array<i64: 2, 16>, scalar_prefetch = 0 : i64, scratch_operands = 16 : i64, tpu.core_type = #tpu.core_type<sc_vector_subcore>, window_params = [{transform_indices = #map}, {transform_indices = #map}, {transform_indices = #map}, {transform_indices = #map}, {transform_indices = #map}, {transform_indices = #map}, {transform_indices = #map}, {transform_indices = #map}, {transform_indices = #map1}, {transform_indices = #map1}, {transform_indices = #map1}, {transform_indices = #map1}, {transform_indices = #map1}, {transform_indices = #map}]} {
    "tpu.region"() ({
      %run_scoped3A = tpu.sem_alloc : memref<!tpu.dma_semaphore, #tpu.memory_space<semaphore_mem>>
      tpu.enqueue_dma source(%arg12 : memref<8x16xf32, #tpu.memory_space<hbm>>) target(%arg26 : memref<8x16xf32, #tpu.memory_space<vmem>>) target_semaphore(%run_scoped3A : memref<!tpu.dma_semaphore, #tpu.memory_space<semaphore_mem>>)
      tpu.wait_dma2 semaphore(%run_scoped3A : memref<!tpu.dma_semaphore, #tpu.memory_space<semaphore_mem>>) src(%arg12 : memref<8x16xf32, #tpu.memory_space<hbm>>) dst(%arg26 : memref<8x16xf32, #tpu.memory_space<vmem>>)
      tpu.yield
    }) : () -> ()
    %eq3A = arith.constant 0 : i32
    %eq3A_0 = arith.cmpi eq, %arg0, %eq3A : i32
    %convert_element_type3A = arith.extui %eq3A_0 : i1 to i32
    %cond3A = arith.constant 0 : i32
    %cond3A_1 = arith.cmpi ne, %convert_element_type3A, %cond3A : i32
    scf.if %cond3A_1 {
      %scan3A = arith.constant 0 : i32
      %scan3A_28 = arith.constant 800 : i32
      %scan3A_29 = arith.addi %scan3A, %scan3A_28 : i32
      %scan3A_30 = arith.constant 1 : i32
      scf.for %scan3A_69 = %scan3A to %scan3A_29 step %scan3A_30  : i32 {
        %mul3A_70 = arith.constant 1 : i32
        %mul3A_71 = arith.muli %scan3A_69, %mul3A_70 : i32
        %add3A_72 = arith.constant 0 : i32
        %add3A_73 = arith.addi %add3A_72, %mul3A_71 : i32
        %broadcast_in_dim3A = arith.constant 0.000000e+00 : f32
        %broadcast_in_dim3A_74 = vector.broadcast %broadcast_in_dim3A : f32 to vector<16xf32>
        %swap3A = arith.index_cast %add3A_73 : i32 to index
        %swap3A_75 = arith.constant 0 : index
        %swap3A_76 = tpu.vector_load %arg25[%swap3A, %swap3A_75] {strides = array<i32>} : memref<800x16xf32, #tpu.memory_space<vmem>>, vector<16xf32>,
        tpu.vector_store %arg25[%swap3A, %swap3A_75], %broadcast_in_dim3A_74 {strides = array<i32>} : memref<800x16xf32, #tpu.memory_space<vmem>>, vector<16xf32>,
      }
      %scan3A_31 = arith.constant 800 : i32
      %scan3A_32 = arith.constant 0 : i32
      %scan3A_33 = arith.constant 50 : i32
      %scan3A_34 = arith.addi %scan3A_32, %scan3A_33 : i32
      %scan3A_35 = arith.constant 1 : i32
      scf.for %scan3A_69 = %scan3A_32 to %scan3A_34 step %scan3A_35  : i32 {
        %mul3A_70 = arith.constant 16 : i32
        %mul3A_71 = arith.muli %scan3A_69, %mul3A_70 : i32
        %add3A_72 = arith.constant 0 : i32
        %add3A_73 = arith.addi %add3A_72, %mul3A_71 : i32
        %broadcast_in_dim3A = arith.constant 0.000000e+00 : f32
        %broadcast_in_dim3A_74 = vector.broadcast %broadcast_in_dim3A : f32 to vector<16xf32>
        %swap3A = arith.index_cast %add3A_73 : i32 to index
        %swap3A_75 = tpu.vector_load %arg24[%swap3A] {strides = array<i32>} : memref<800xf32, #tpu.memory_space<vmem>>, vector<16xf32>,
        tpu.vector_store %arg24[%swap3A], %broadcast_in_dim3A_74 {strides = array<i32>} : memref<800xf32, #tpu.memory_space<vmem>>, vector<16xf32>,
      }
      %scan3A_36 = arith.constant 50 : i32
      %mul3A = arith.constant 6400 : i32
      %mul3A_37 = arith.muli %arg1, %mul3A : i32
      %add3A = arith.constant 0 : i32
      %add3A_38 = arith.addi %mul3A_37, %add3A : i32
      "tpu.region"() ({
        %run_scoped3A = tpu.sem_alloc : memref<!tpu.dma_semaphore, #tpu.memory_space<semaphore_mem>>
        %dma_start3A = arith.constant 0 : i32
        %dma_start3A_69 = arith.constant 0 : i32
        %dma_start3A_70 = tpu.memref_slice %arg25[%dma_start3A, %dma_start3A_69] : memref<800x16xf32, #tpu.memory_space<vmem>> -> memref<800x16xf32, #tpu.memory_space<vmem>>
        %dma_start3A_71 = arith.constant 0 : i32
        %dma_start3A_72 = tpu.memref_slice %arg30[%add3A_38, %dma_start3A_71] : memref<102400x16xf32, #tpu.memory_space<vmem_shared>> -> memref<800x16xf32, #tpu.memory_space<vmem_shared>>
        %dma_start3A_73 = arith.constant 0 : i32
        %dma_start3A_74 = tpu.memref_slice %arg30[%add3A_38, %dma_start3A_73] : memref<102400x16xf32, #tpu.memory_space<vmem_shared>> -> memref<800x16xf32, #tpu.memory_space<vmem_shared>>
        %dma_start3A_75 = arith.constant 0 : i32
        %dma_start3A_76 = arith.constant 0 : i32
        %dma_start3A_77 = tpu.memref_slice %arg25[%dma_start3A_75, %dma_start3A_76] : memref<800x16xf32, #tpu.memory_space<vmem>> -> memref<800x16xf32, #tpu.memory_space<vmem>>
        tpu.enqueue_dma source(%dma_start3A_77 : memref<800x16xf32, #tpu.memory_space<vmem>>) target(%dma_start3A_74 : memref<800x16xf32, #tpu.memory_space<vmem_shared>>) target_semaphore(%run_scoped3A : memref<!tpu.dma_semaphore, #tpu.memory_space<semaphore_mem>>)
        %dma_wait3A = arith.constant 0 : i32
        %dma_wait3A_78 = arith.constant 0 : i32
        %dma_wait3A_79 = tpu.memref_slice %arg25[%dma_wait3A, %dma_wait3A_78] : memref<800x16xf32, #tpu.memory_space<vmem>> -> memref<800x16xf32, #tpu.memory_space<vmem>>
        %dma_wait3A_80 = arith.constant 0 : i32
        %dma_wait3A_81 = tpu.memref_slice %arg30[%add3A_38, %dma_wait3A_80] : memref<102400x16xf32, #tpu.memory_space<vmem_shared>> -> memref<800x16xf32, #tpu.memory_space<vmem_shared>>
        %dma_wait3A_82 = arith.constant 0 : i32
        %dma_wait3A_83 = tpu.memref_slice %arg30[%add3A_38, %dma_wait3A_82] : memref<102400x16xf32, #tpu.memory_space<vmem_shared>> -> memref<800x16xf32, #tpu.memory_space<vmem_shared>>
        %dma_wait3A_84 = arith.constant 0 : i32
        %dma_wait3A_85 = arith.constant 0 : i32
        %dma_wait3A_86 = tpu.memref_slice %arg25[%dma_wait3A_84, %dma_wait3A_85] : memref<800x16xf32, #tpu.memory_space<vmem>> -> memref<800x16xf32, #tpu.memory_space<vmem>>
        tpu.wait_dma2 semaphore(%run_scoped3A : memref<!tpu.dma_semaphore, #tpu.memory_space<semaphore_mem>>) src(%dma_wait3A_86 : memref<800x16xf32, #tpu.memory_space<vmem>>) dst(%dma_wait3A_83 : memref<800x16xf32, #tpu.memory_space<vmem_shared>>)
        tpu.yield
      }) : () -> ()
      %add3A_39 = arith.constant 800 : i32
      %add3A_40 = arith.addi %mul3A_37, %add3A_39 : i32
      "tpu.region"() ({
        %run_scoped3A = tpu.sem_alloc : memref<!tpu.dma_semaphore, #tpu.memory_space<semaphore_mem>>
        %dma_start3A = arith.constant 0 : i32
        %dma_start3A_69 = arith.constant 0 : i32
        %dma_start3A_70 = tpu.memref_slice %arg25[%dma_start3A, %dma_start3A_69] : memref<800x16xf32, #tpu.memory_space<vmem>> -> memref<800x16xf32, #tpu.memory_space<vmem>>
        %dma_start3A_71 = arith.constant 0 : i32
        %dma_start3A_72 = tpu.memref_slice %arg30[%add3A_40, %dma_start3A_71] : memref<102400x16xf32, #tpu.memory_space<vmem_shared>> -> memref<800x16xf32, #tpu.memory_space<vmem_shared>>
        %dma_start3A_73 = arith.constant 0 : i32
        %dma_start3A_74 = tpu.memref_slice %arg30[%add3A_40, %dma_start3A_73] : memref<102400x16xf32, #tpu.memory_space<vmem_shared>> -> memref<800x16xf32, #tpu.memory_space<vmem_shared>>
        %dma_start3A_75 = arith.constant 0 : i32
        %dma_start3A_76 = arith.constant 0 : i32
        %dma_start3A_77 = tpu.memref_slice %arg25[%dma_start3A_75, %dma_start3A_76] : memref<800x16xf32, #tpu.memory_space<vmem>> -> memref<800x16xf32, #tpu.memory_space<vmem>>
        tpu.enqueue_dma source(%dma_start3A_77 : memref<800x16xf32, #tpu.memory_space<vmem>>) target(%dma_start3A_74 : memref<800x16xf32, #tpu.memory_space<vmem_shared>>) target_semaphore(%run_scoped3A : memref<!tpu.dma_semaphore, #tpu.memory_space<semaphore_mem>>)
        %dma_wait3A = arith.constant 0 : i32
        %dma_wait3A_78 = arith.constant 0 : i32
        %dma_wait3A_79 = tpu.memref_slice %arg25[%dma_wait3A, %dma_wait3A_78] : memref<800x16xf32, #tpu.memory_space<vmem>> -> memref<800x16xf32, #tpu.memory_space<vmem>>
        %dma_wait3A_80 = arith.constant 0 : i32
        %dma_wait3A_81 = tpu.memref_slice %arg30[%add3A_40, %dma_wait3A_80] : memref<102400x16xf32, #tpu.memory_space<vmem_shared>> -> memref<800x16xf32, #tpu.memory_space<vmem_shared>>
        %dma_wait3A_82 = arith.constant 0 : i32
        %dma_wait3A_83 = tpu.memref_slice %arg30[%add3A_40, %dma_wait3A_82] : memref<102400x16xf32, #tpu.memory_space<vmem_shared>> -> memref<800x16xf32, #tpu.memory_space<vmem_shared>>
        %dma_wait3A_84 = arith.constant 0 : i32
        %dma_wait3A_85 = arith.constant 0 : i32
        %dma_wait3A_86 = tpu.memref_slice %arg25[%dma_wait3A_84, %dma_wait3A_85] : memref<800x16xf32, #tpu.memory_space<vmem>> -> memref<800x16xf32, #tpu.memory_space<vmem>>
        tpu.wait_dma2 semaphore(%run_scoped3A : memref<!tpu.dma_semaphore, #tpu.memory_space<semaphore_mem>>) src(%dma_wait3A_86 : memref<800x16xf32, #tpu.memory_space<vmem>>) dst(%dma_wait3A_83 : memref<800x16xf32, #tpu.memory_space<vmem_shared>>)
        tpu.yield
      }) : () -> ()
      %add3A_41 = arith.constant 1600 : i32
      %add3A_42 = arith.addi %mul3A_37, %add3A_41 : i32
      "tpu.region"() ({
        %run_scoped3A = tpu.sem_alloc : memref<!tpu.dma_semaphore, #tpu.memory_space<semaphore_mem>>
        %dma_start3A = arith.constant 0 : i32
        %dma_start3A_69 = arith.constant 0 : i32
        %dma_start3A_70 = tpu.memref_slice %arg25[%dma_start3A, %dma_start3A_69] : memref<800x16xf32, #tpu.memory_space<vmem>> -> memref<800x16xf32, #tpu.memory_space<vmem>>
        %dma_start3A_71 = arith.constant 0 : i32
        %dma_start3A_72 = tpu.memref_slice %arg30[%add3A_42, %dma_start3A_71] : memref<102400x16xf32, #tpu.memory_space<vmem_shared>> -> memref<800x16xf32, #tpu.memory_space<vmem_shared>>
        %dma_start3A_73 = arith.constant 0 : i32
        %dma_start3A_74 = tpu.memref_slice %arg30[%add3A_42, %dma_start3A_73] : memref<102400x16xf32, #tpu.memory_space<vmem_shared>> -> memref<800x16xf32, #tpu.memory_space<vmem_shared>>
        %dma_start3A_75 = arith.constant 0 : i32
        %dma_start3A_76 = arith.constant 0 : i32
        %dma_start3A_77 = tpu.memref_slice %arg25[%dma_start3A_75, %dma_start3A_76] : memref<800x16xf32, #tpu.memory_space<vmem>> -> memref<800x16xf32, #tpu.memory_space<vmem>>
        tpu.enqueue_dma source(%dma_start3A_77 : memref<800x16xf32, #tpu.memory_space<vmem>>) target(%dma_start3A_74 : memref<800x16xf32, #tpu.memory_space<vmem_shared>>) target_semaphore(%run_scoped3A : memref<!tpu.dma_semaphore, #tpu.memory_space<semaphore_mem>>)
        %dma_wait3A = arith.constant 0 : i32
        %dma_wait3A_78 = arith.constant 0 : i32
        %dma_wait3A_79 = tpu.memref_slice %arg25[%dma_wait3A, %dma_wait3A_78] : memref<800x16xf32, #tpu.memory_space<vmem>> -> memref<800x16xf32, #tpu.memory_space<vmem>>
        %dma_wait3A_80 = arith.constant 0 : i32
        %dma_wait3A_81 = tpu.memref_slice %arg30[%add3A_42, %dma_wait3A_80] : memref<102400x16xf32, #tpu.memory_space<vmem_shared>> -> memref<800x16xf32, #tpu.memory_space<vmem_shared>>
        %dma_wait3A_82 = arith.constant 0 : i32
        %dma_wait3A_83 = tpu.memref_slice %arg30[%add3A_42, %dma_wait3A_82] : memref<102400x16xf32, #tpu.memory_space<vmem_shared>> -> memref<800x16xf32, #tpu.memory_space<vmem_shared>>
        %dma_wait3A_84 = arith.constant 0 : i32
        %dma_wait3A_85 = arith.constant 0 : i32
        %dma_wait3A_86 = tpu.memref_slice %arg25[%dma_wait3A_84, %dma_wait3A_85] : memref<800x16xf32, #tpu.memory_space<vmem>> -> memref<800x16xf32, #tpu.memory_space<vmem>>
        tpu.wait_dma2 semaphore(%run_scoped3A : memref<!tpu.dma_semaphore, #tpu.memory_space<semaphore_mem>>) src(%dma_wait3A_86 : memref<800x16xf32, #tpu.memory_space<vmem>>) dst(%dma_wait3A_83 : memref<800x16xf32, #tpu.memory_space<vmem_shared>>)
        tpu.yield
      }) : () -> ()
      %add3A_43 = arith.constant 2400 : i32
      %add3A_44 = arith.addi %mul3A_37, %add3A_43 : i32
      "tpu.region"() ({
        %run_scoped3A = tpu.sem_alloc : memref<!tpu.dma_semaphore, #tpu.memory_space<semaphore_mem>>
        %dma_start3A = arith.constant 0 : i32
        %dma_start3A_69 = arith.constant 0 : i32
        %dma_start3A_70 = tpu.memref_slice %arg25[%dma_start3A, %dma_start3A_69] : memref<800x16xf32, #tpu.memory_space<vmem>> -> memref<800x16xf32, #tpu.memory_space<vmem>>
        %dma_start3A_71 = arith.constant 0 : i32
        %dma_start3A_72 = tpu.memref_slice %arg30[%add3A_44, %dma_start3A_71] : memref<102400x16xf32, #tpu.memory_space<vmem_shared>> -> memref<800x16xf32, #tpu.memory_space<vmem_shared>>
        %dma_start3A_73 = arith.constant 0 : i32
        %dma_start3A_74 = tpu.memref_slice %arg30[%add3A_44, %dma_start3A_73] : memref<102400x16xf32, #tpu.memory_space<vmem_shared>> -> memref<800x16xf32, #tpu.memory_space<vmem_shared>>
        %dma_start3A_75 = arith.constant 0 : i32
        %dma_start3A_76 = arith.constant 0 : i32
        %dma_start3A_77 = tpu.memref_slice %arg25[%dma_start3A_75, %dma_start3A_76] : memref<800x16xf32, #tpu.memory_space<vmem>> -> memref<800x16xf32, #tpu.memory_space<vmem>>
        tpu.enqueue_dma source(%dma_start3A_77 : memref<800x16xf32, #tpu.memory_space<vmem>>) target(%dma_start3A_74 : memref<800x16xf32, #tpu.memory_space<vmem_shared>>) target_semaphore(%run_scoped3A : memref<!tpu.dma_semaphore, #tpu.memory_space<semaphore_mem>>)
        %dma_wait3A = arith.constant 0 : i32
        %dma_wait3A_78 = arith.constant 0 : i32
        %dma_wait3A_79 = tpu.memref_slice %arg25[%dma_wait3A, %dma_wait3A_78] : memref<800x16xf32, #tpu.memory_space<vmem>> -> memref<800x16xf32, #tpu.memory_space<vmem>>
        %dma_wait3A_80 = arith.constant 0 : i32
        %dma_wait3A_81 = tpu.memref_slice %arg30[%add3A_44, %dma_wait3A_80] : memref<102400x16xf32, #tpu.memory_space<vmem_shared>> -> memref<800x16xf32, #tpu.memory_space<vmem_shared>>
        %dma_wait3A_82 = arith.constant 0 : i32
        %dma_wait3A_83 = tpu.memref_slice %arg30[%add3A_44, %dma_wait3A_82] : memref<102400x16xf32, #tpu.memory_space<vmem_shared>> -> memref<800x16xf32, #tpu.memory_space<vmem_shared>>
        %dma_wait3A_84 = arith.constant 0 : i32
        %dma_wait3A_85 = arith.constant 0 : i32
        %dma_wait3A_86 = tpu.memref_slice %arg25[%dma_wait3A_84, %dma_wait3A_85] : memref<800x16xf32, #tpu.memory_space<vmem>> -> memref<800x16xf32, #tpu.memory_space<vmem>>
        tpu.wait_dma2 semaphore(%run_scoped3A : memref<!tpu.dma_semaphore, #tpu.memory_space<semaphore_mem>>) src(%dma_wait3A_86 : memref<800x16xf32, #tpu.memory_space<vmem>>) dst(%dma_wait3A_83 : memref<800x16xf32, #tpu.memory_space<vmem_shared>>)
        tpu.yield
      }) : () -> ()
      %add3A_45 = arith.constant 3200 : i32
      %add3A_46 = arith.addi %mul3A_37, %add3A_45 : i32
      "tpu.region"() ({
        %run_scoped3A = tpu.sem_alloc : memref<!tpu.dma_semaphore, #tpu.memory_space<semaphore_mem>>
        %dma_start3A = arith.constant 0 : i32
        %dma_start3A_69 = arith.constant 0 : i32
        %dma_start3A_70 = tpu.memref_slice %arg25[%dma_start3A, %dma_start3A_69] : memref<800x16xf32, #tpu.memory_space<vmem>> -> memref<800x16xf32, #tpu.memory_space<vmem>>
        %dma_start3A_71 = arith.constant 0 : i32
        %dma_start3A_72 = tpu.memref_slice %arg30[%add3A_46, %dma_start3A_71] : memref<102400x16xf32, #tpu.memory_space<vmem_shared>> -> memref<800x16xf32, #tpu.memory_space<vmem_shared>>
        %dma_start3A_73 = arith.constant 0 : i32
        %dma_start3A_74 = tpu.memref_slice %arg30[%add3A_46, %dma_start3A_73] : memref<102400x16xf32, #tpu.memory_space<vmem_shared>> -> memref<800x16xf32, #tpu.memory_space<vmem_shared>>
        %dma_start3A_75 = arith.constant 0 : i32
        %dma_start3A_76 = arith.constant 0 : i32
        %dma_start3A_77 = tpu.memref_slice %arg25[%dma_start3A_75, %dma_start3A_76] : memref<800x16xf32, #tpu.memory_space<vmem>> -> memref<800x16xf32, #tpu.memory_space<vmem>>
        tpu.enqueue_dma source(%dma_start3A_77 : memref<800x16xf32, #tpu.memory_space<vmem>>) target(%dma_start3A_74 : memref<800x16xf32, #tpu.memory_space<vmem_shared>>) target_semaphore(%run_scoped3A : memref<!tpu.dma_semaphore, #tpu.memory_space<semaphore_mem>>)
        %dma_wait3A = arith.constant 0 : i32
        %dma_wait3A_78 = arith.constant 0 : i32
        %dma_wait3A_79 = tpu.memref_slice %arg25[%dma_wait3A, %dma_wait3A_78] : memref<800x16xf32, #tpu.memory_space<vmem>> -> memref<800x16xf32, #tpu.memory_space<vmem>>
        %dma_wait3A_80 = arith.constant 0 : i32
        %dma_wait3A_81 = tpu.memref_slice %arg30[%add3A_46, %dma_wait3A_80] : memref<102400x16xf32, #tpu.memory_space<vmem_shared>> -> memref<800x16xf32, #tpu.memory_space<vmem_shared>>
        %dma_wait3A_82 = arith.constant 0 : i32
        %dma_wait3A_83 = tpu.memref_slice %arg30[%add3A_46, %dma_wait3A_82] : memref<102400x16xf32, #tpu.memory_space<vmem_shared>> -> memref<800x16xf32, #tpu.memory_space<vmem_shared>>
        %dma_wait3A_84 = arith.constant 0 : i32
        %dma_wait3A_85 = arith.constant 0 : i32
        %dma_wait3A_86 = tpu.memref_slice %arg25[%dma_wait3A_84, %dma_wait3A_85] : memref<800x16xf32, #tpu.memory_space<vmem>> -> memref<800x16xf32, #tpu.memory_space<vmem>>
        tpu.wait_dma2 semaphore(%run_scoped3A : memref<!tpu.dma_semaphore, #tpu.memory_space<semaphore_mem>>) src(%dma_wait3A_86 : memref<800x16xf32, #tpu.memory_space<vmem>>) dst(%dma_wait3A_83 : memref<800x16xf32, #tpu.memory_space<vmem_shared>>)
        tpu.yield
      }) : () -> ()
      %add3A_47 = arith.constant 4000 : i32
      %add3A_48 = arith.addi %mul3A_37, %add3A_47 : i32
      "tpu.region"() ({
        %run_scoped3A = tpu.sem_alloc : memref<!tpu.dma_semaphore, #tpu.memory_space<semaphore_mem>>
        %dma_start3A = arith.constant 0 : i32
        %dma_start3A_69 = arith.constant 0 : i32
        %dma_start3A_70 = tpu.memref_slice %arg25[%dma_start3A, %dma_start3A_69] : memref<800x16xf32, #tpu.memory_space<vmem>> -> memref<800x16xf32, #tpu.memory_space<vmem>>
        %dma_start3A_71 = arith.constant 0 : i32
        %dma_start3A_72 = tpu.memref_slice %arg30[%add3A_48, %dma_start3A_71] : memref<102400x16xf32, #tpu.memory_space<vmem_shared>> -> memref<800x16xf32, #tpu.memory_space<vmem_shared>>
        %dma_start3A_73 = arith.constant 0 : i32
        %dma_start3A_74 = tpu.memref_slice %arg30[%add3A_48, %dma_start3A_73] : memref<102400x16xf32, #tpu.memory_space<vmem_shared>> -> memref<800x16xf32, #tpu.memory_space<vmem_shared>>
        %dma_start3A_75 = arith.constant 0 : i32
        %dma_start3A_76 = arith.constant 0 : i32
        %dma_start3A_77 = tpu.memref_slice %arg25[%dma_start3A_75, %dma_start3A_76] : memref<800x16xf32, #tpu.memory_space<vmem>> -> memref<800x16xf32, #tpu.memory_space<vmem>>
        tpu.enqueue_dma source(%dma_start3A_77 : memref<800x16xf32, #tpu.memory_space<vmem>>) target(%dma_start3A_74 : memref<800x16xf32, #tpu.memory_space<vmem_shared>>) target_semaphore(%run_scoped3A : memref<!tpu.dma_semaphore, #tpu.memory_space<semaphore_mem>>)
        %dma_wait3A = arith.constant 0 : i32
        %dma_wait3A_78 = arith.constant 0 : i32
        %dma_wait3A_79 = tpu.memref_slice %arg25[%dma_wait3A, %dma_wait3A_78] : memref<800x16xf32, #tpu.memory_space<vmem>> -> memref<800x16xf32, #tpu.memory_space<vmem>>
        %dma_wait3A_80 = arith.constant 0 : i32
        %dma_wait3A_81 = tpu.memref_slice %arg30[%add3A_48, %dma_wait3A_80] : memref<102400x16xf32, #tpu.memory_space<vmem_shared>> -> memref<800x16xf32, #tpu.memory_space<vmem_shared>>
        %dma_wait3A_82 = arith.constant 0 : i32
        %dma_wait3A_83 = tpu.memref_slice %arg30[%add3A_48, %dma_wait3A_82] : memref<102400x16xf32, #tpu.memory_space<vmem_shared>> -> memref<800x16xf32, #tpu.memory_space<vmem_shared>>
        %dma_wait3A_84 = arith.constant 0 : i32
        %dma_wait3A_85 = arith.constant 0 : i32
        %dma_wait3A_86 = tpu.memref_slice %arg25[%dma_wait3A_84, %dma_wait3A_85] : memref<800x16xf32, #tpu.memory_space<vmem>> -> memref<800x16xf32, #tpu.memory_space<vmem>>
        tpu.wait_dma2 semaphore(%run_scoped3A : memref<!tpu.dma_semaphore, #tpu.memory_space<semaphore_mem>>) src(%dma_wait3A_86 : memref<800x16xf32, #tpu.memory_space<vmem>>) dst(%dma_wait3A_83 : memref<800x16xf32, #tpu.memory_space<vmem_shared>>)
        tpu.yield
      }) : () -> ()
      %add3A_49 = arith.constant 4800 : i32
      %add3A_50 = arith.addi %mul3A_37, %add3A_49 : i32
      "tpu.region"() ({
        %run_scoped3A = tpu.sem_alloc : memref<!tpu.dma_semaphore, #tpu.memory_space<semaphore_mem>>
        %dma_start3A = arith.constant 0 : i32
        %dma_start3A_69 = arith.constant 0 : i32
        %dma_start3A_70 = tpu.memref_slice %arg25[%dma_start3A, %dma_start3A_69] : memref<800x16xf32, #tpu.memory_space<vmem>> -> memref<800x16xf32, #tpu.memory_space<vmem>>
        %dma_start3A_71 = arith.constant 0 : i32
        %dma_start3A_72 = tpu.memref_slice %arg30[%add3A_50, %dma_start3A_71] : memref<102400x16xf32, #tpu.memory_space<vmem_shared>> -> memref<800x16xf32, #tpu.memory_space<vmem_shared>>
        %dma_start3A_73 = arith.constant 0 : i32
        %dma_start3A_74 = tpu.memref_slice %arg30[%add3A_50, %dma_start3A_73] : memref<102400x16xf32, #tpu.memory_space<vmem_shared>> -> memref<800x16xf32, #tpu.memory_space<vmem_shared>>
        %dma_start3A_75 = arith.constant 0 : i32
        %dma_start3A_76 = arith.constant 0 : i32
        %dma_start3A_77 = tpu.memref_slice %arg25[%dma_start3A_75, %dma_start3A_76] : memref<800x16xf32, #tpu.memory_space<vmem>> -> memref<800x16xf32, #tpu.memory_space<vmem>>
        tpu.enqueue_dma source(%dma_start3A_77 : memref<800x16xf32, #tpu.memory_space<vmem>>) target(%dma_start3A_74 : memref<800x16xf32, #tpu.memory_space<vmem_shared>>) target_semaphore(%run_scoped3A : memref<!tpu.dma_semaphore, #tpu.memory_space<semaphore_mem>>)
        %dma_wait3A = arith.constant 0 : i32
        %dma_wait3A_78 = arith.constant 0 : i32
        %dma_wait3A_79 = tpu.memref_slice %arg25[%dma_wait3A, %dma_wait3A_78] : memref<800x16xf32, #tpu.memory_space<vmem>> -> memref<800x16xf32, #tpu.memory_space<vmem>>
        %dma_wait3A_80 = arith.constant 0 : i32
        %dma_wait3A_81 = tpu.memref_slice %arg30[%add3A_50, %dma_wait3A_80] : memref<102400x16xf32, #tpu.memory_space<vmem_shared>> -> memref<800x16xf32, #tpu.memory_space<vmem_shared>>
        %dma_wait3A_82 = arith.constant 0 : i32
        %dma_wait3A_83 = tpu.memref_slice %arg30[%add3A_50, %dma_wait3A_82] : memref<102400x16xf32, #tpu.memory_space<vmem_shared>> -> memref<800x16xf32, #tpu.memory_space<vmem_shared>>
        %dma_wait3A_84 = arith.constant 0 : i32
        %dma_wait3A_85 = arith.constant 0 : i32
        %dma_wait3A_86 = tpu.memref_slice %arg25[%dma_wait3A_84, %dma_wait3A_85] : memref<800x16xf32, #tpu.memory_space<vmem>> -> memref<800x16xf32, #tpu.memory_space<vmem>>
        tpu.wait_dma2 semaphore(%run_scoped3A : memref<!tpu.dma_semaphore, #tpu.memory_space<semaphore_mem>>) src(%dma_wait3A_86 : memref<800x16xf32, #tpu.memory_space<vmem>>) dst(%dma_wait3A_83 : memref<800x16xf32, #tpu.memory_space<vmem_shared>>)
        tpu.yield
      }) : () -> ()
      %add3A_51 = arith.constant 5600 : i32
      %add3A_52 = arith.addi %mul3A_37, %add3A_51 : i32
      "tpu.region"() ({
        %run_scoped3A = tpu.sem_alloc : memref<!tpu.dma_semaphore, #tpu.memory_space<semaphore_mem>>
        %dma_start3A = arith.constant 0 : i32
        %dma_start3A_69 = arith.constant 0 : i32
        %dma_start3A_70 = tpu.memref_slice %arg25[%dma_start3A, %dma_start3A_69] : memref<800x16xf32, #tpu.memory_space<vmem>> -> memref<800x16xf32, #tpu.memory_space<vmem>>
        %dma_start3A_71 = arith.constant 0 : i32
        %dma_start3A_72 = tpu.memref_slice %arg30[%add3A_52, %dma_start3A_71] : memref<102400x16xf32, #tpu.memory_space<vmem_shared>> -> memref<800x16xf32, #tpu.memory_space<vmem_shared>>
        %dma_start3A_73 = arith.constant 0 : i32
        %dma_start3A_74 = tpu.memref_slice %arg30[%add3A_52, %dma_start3A_73] : memref<102400x16xf32, #tpu.memory_space<vmem_shared>> -> memref<800x16xf32, #tpu.memory_space<vmem_shared>>
        %dma_start3A_75 = arith.constant 0 : i32
        %dma_start3A_76 = arith.constant 0 : i32
        %dma_start3A_77 = tpu.memref_slice %arg25[%dma_start3A_75, %dma_start3A_76] : memref<800x16xf32, #tpu.memory_space<vmem>> -> memref<800x16xf32, #tpu.memory_space<vmem>>
        tpu.enqueue_dma source(%dma_start3A_77 : memref<800x16xf32, #tpu.memory_space<vmem>>) target(%dma_start3A_74 : memref<800x16xf32, #tpu.memory_space<vmem_shared>>) target_semaphore(%run_scoped3A : memref<!tpu.dma_semaphore, #tpu.memory_space<semaphore_mem>>)
        %dma_wait3A = arith.constant 0 : i32
        %dma_wait3A_78 = arith.constant 0 : i32
        %dma_wait3A_79 = tpu.memref_slice %arg25[%dma_wait3A, %dma_wait3A_78] : memref<800x16xf32, #tpu.memory_space<vmem>> -> memref<800x16xf32, #tpu.memory_space<vmem>>
        %dma_wait3A_80 = arith.constant 0 : i32
        %dma_wait3A_81 = tpu.memref_slice %arg30[%add3A_52, %dma_wait3A_80] : memref<102400x16xf32, #tpu.memory_space<vmem_shared>> -> memref<800x16xf32, #tpu.memory_space<vmem_shared>>
        %dma_wait3A_82 = arith.constant 0 : i32
        %dma_wait3A_83 = tpu.memref_slice %arg30[%add3A_52, %dma_wait3A_82] : memref<102400x16xf32, #tpu.memory_space<vmem_shared>> -> memref<800x16xf32, #tpu.memory_space<vmem_shared>>
        %dma_wait3A_84 = arith.constant 0 : i32
        %dma_wait3A_85 = arith.constant 0 : i32
        %dma_wait3A_86 = tpu.memref_slice %arg25[%dma_wait3A_84, %dma_wait3A_85] : memref<800x16xf32, #tpu.memory_space<vmem>> -> memref<800x16xf32, #tpu.memory_space<vmem>>
        tpu.wait_dma2 semaphore(%run_scoped3A : memref<!tpu.dma_semaphore, #tpu.memory_space<semaphore_mem>>) src(%dma_wait3A_86 : memref<800x16xf32, #tpu.memory_space<vmem>>) dst(%dma_wait3A_83 : memref<800x16xf32, #tpu.memory_space<vmem_shared>>)
        tpu.yield
      }) : () -> ()
      %add3A_53 = arith.constant 0 : i32
      %add3A_54 = arith.addi %mul3A_37, %add3A_53 : i32
      "tpu.region"() ({
        %run_scoped3A = tpu.sem_alloc : memref<!tpu.dma_semaphore, #tpu.memory_space<semaphore_mem>>
        %dma_start3A = arith.constant 0 : i32
        %dma_start3A_69 = tpu.memref_slice %arg24[%dma_start3A] : memref<800xf32, #tpu.memory_space<vmem>> -> memref<800xf32, #tpu.memory_space<vmem>>
        %dma_start3A_70 = tpu.memref_slice %arg31[%add3A_54] : memref<102400xf32, #tpu.memory_space<vmem_shared>> -> memref<800xf32, #tpu.memory_space<vmem_shared>>
        %dma_start3A_71 = tpu.memref_slice %arg31[%add3A_54] : memref<102400xf32, #tpu.memory_space<vmem_shared>> -> memref<800xf32, #tpu.memory_space<vmem_shared>>
        %dma_start3A_72 = arith.constant 0 : i32
        %dma_start3A_73 = tpu.memref_slice %arg24[%dma_start3A_72] : memref<800xf32, #tpu.memory_space<vmem>> -> memref<800xf32, #tpu.memory_space<vmem>>
        tpu.enqueue_dma source(%dma_start3A_73 : memref<800xf32, #tpu.memory_space<vmem>>) target(%dma_start3A_71 : memref<800xf32, #tpu.memory_space<vmem_shared>>) target_semaphore(%run_scoped3A : memref<!tpu.dma_semaphore, #tpu.memory_space<semaphore_mem>>)
        %dma_wait3A = arith.constant 0 : i32
        %dma_wait3A_74 = tpu.memref_slice %arg24[%dma_wait3A] : memref<800xf32, #tpu.memory_space<vmem>> -> memref<800xf32, #tpu.memory_space<vmem>>
        %dma_wait3A_75 = tpu.memref_slice %arg31[%add3A_54] : memref<102400xf32, #tpu.memory_space<vmem_shared>> -> memref<800xf32, #tpu.memory_space<vmem_shared>>
        %dma_wait3A_76 = tpu.memref_slice %arg31[%add3A_54] : memref<102400xf32, #tpu.memory_space<vmem_shared>> -> memref<800xf32, #tpu.memory_space<vmem_shared>>
        %dma_wait3A_77 = arith.constant 0 : i32
        %dma_wait3A_78 = tpu.memref_slice %arg24[%dma_wait3A_77] : memref<800xf32, #tpu.memory_space<vmem>> -> memref<800xf32, #tpu.memory_space<vmem>>
        tpu.wait_dma2 semaphore(%run_scoped3A : memref<!tpu.dma_semaphore, #tpu.memory_space<semaphore_mem>>) src(%dma_wait3A_78 : memref<800xf32, #tpu.memory_space<vmem>>) dst(%dma_wait3A_76 : memref<800xf32, #tpu.memory_space<vmem_shared>>)
        tpu.yield
      }) : () -> ()
      %add3A_55 = arith.constant 800 : i32
      %add3A_56 = arith.addi %mul3A_37, %add3A_55 : i32
      "tpu.region"() ({
        %run_scoped3A = tpu.sem_alloc : memref<!tpu.dma_semaphore, #tpu.memory_space<semaphore_mem>>
        %dma_start3A = arith.constant 0 : i32
        %dma_start3A_69 = tpu.memref_slice %arg24[%dma_start3A] : memref<800xf32, #tpu.memory_space<vmem>> -> memref<800xf32, #tpu.memory_space<vmem>>
        %dma_start3A_70 = tpu.memref_slice %arg31[%add3A_56] : memref<102400xf32, #tpu.memory_space<vmem_shared>> -> memref<800xf32, #tpu.memory_space<vmem_shared>>
        %dma_start3A_71 = tpu.memref_slice %arg31[%add3A_56] : memref<102400xf32, #tpu.memory_space<vmem_shared>> -> memref<800xf32, #tpu.memory_space<vmem_shared>>
        %dma_start3A_72 = arith.constant 0 : i32
        %dma_start3A_73 = tpu.memref_slice %arg24[%dma_start3A_72] : memref<800xf32, #tpu.memory_space<vmem>> -> memref<800xf32, #tpu.memory_space<vmem>>
        tpu.enqueue_dma source(%dma_start3A_73 : memref<800xf32, #tpu.memory_space<vmem>>) target(%dma_start3A_71 : memref<800xf32, #tpu.memory_space<vmem_shared>>) target_semaphore(%run_scoped3A : memref<!tpu.dma_semaphore, #tpu.memory_space<semaphore_mem>>)
        %dma_wait3A = arith.constant 0 : i32
        %dma_wait3A_74 = tpu.memref_slice %arg24[%dma_wait3A] : memref<800xf32, #tpu.memory_space<vmem>> -> memref<800xf32, #tpu.memory_space<vmem>>
        %dma_wait3A_75 = tpu.memref_slice %arg31[%add3A_56] : memref<102400xf32, #tpu.memory_space<vmem_shared>> -> memref<800xf32, #tpu.memory_space<vmem_shared>>
        %dma_wait3A_76 = tpu.memref_slice %arg31[%add3A_56] : memref<102400xf32, #tpu.memory_space<vmem_shared>> -> memref<800xf32, #tpu.memory_space<vmem_shared>>
        %dma_wait3A_77 = arith.constant 0 : i32
        %dma_wait3A_78 = tpu.memref_slice %arg24[%dma_wait3A_77] : memref<800xf32, #tpu.memory_space<vmem>> -> memref<800xf32, #tpu.memory_space<vmem>>
        tpu.wait_dma2 semaphore(%run_scoped3A : memref<!tpu.dma_semaphore, #tpu.memory_space<semaphore_mem>>) src(%dma_wait3A_78 : memref<800xf32, #tpu.memory_space<vmem>>) dst(%dma_wait3A_76 : memref<800xf32, #tpu.memory_space<vmem_shared>>)
        tpu.yield
      }) : () -> ()
      %add3A_57 = arith.constant 1600 : i32
      %add3A_58 = arith.addi %mul3A_37, %add3A_57 : i32
      "tpu.region"() ({
        %run_scoped3A = tpu.sem_alloc : memref<!tpu.dma_semaphore, #tpu.memory_space<semaphore_mem>>
        %dma_start3A = arith.constant 0 : i32
        %dma_start3A_69 = tpu.memref_slice %arg24[%dma_start3A] : memref<800xf32, #tpu.memory_space<vmem>> -> memref<800xf32, #tpu.memory_space<vmem>>
        %dma_start3A_70 = tpu.memref_slice %arg31[%add3A_58] : memref<102400xf32, #tpu.memory_space<vmem_shared>> -> memref<800xf32, #tpu.memory_space<vmem_shared>>
        %dma_start3A_71 = tpu.memref_slice %arg31[%add3A_58] : memref<102400xf32, #tpu.memory_space<vmem_shared>> -> memref<800xf32, #tpu.memory_space<vmem_shared>>
        %dma_start3A_72 = arith.constant 0 : i32
        %dma_start3A_73 = tpu.memref_slice %arg24[%dma_start3A_72] : memref<800xf32, #tpu.memory_space<vmem>> -> memref<800xf32, #tpu.memory_space<vmem>>
        tpu.enqueue_dma source(%dma_start3A_73 : memref<800xf32, #tpu.memory_space<vmem>>) target(%dma_start3A_71 : memref<800xf32, #tpu.memory_space<vmem_shared>>) target_semaphore(%run_scoped3A : memref<!tpu.dma_semaphore, #tpu.memory_space<semaphore_mem>>)
        %dma_wait3A = arith.constant 0 : i32
        %dma_wait3A_74 = tpu.memref_slice %arg24[%dma_wait3A] : memref<800xf32, #tpu.memory_space<vmem>> -> memref<800xf32, #tpu.memory_space<vmem>>
        %dma_wait3A_75 = tpu.memref_slice %arg31[%add3A_58] : memref<102400xf32, #tpu.memory_space<vmem_shared>> -> memref<800xf32, #tpu.memory_space<vmem_shared>>
        %dma_wait3A_76 = tpu.memref_slice %arg31[%add3A_58] : memref<102400xf32, #tpu.memory_space<vmem_shared>> -> memref<800xf32, #tpu.memory_space<vmem_shared>>
        %dma_wait3A_77 = arith.constant 0 : i32
        %dma_wait3A_78 = tpu.memref_slice %arg24[%dma_wait3A_77] : memref<800xf32, #tpu.memory_space<vmem>> -> memref<800xf32, #tpu.memory_space<vmem>>
        tpu.wait_dma2 semaphore(%run_scoped3A : memref<!tpu.dma_semaphore, #tpu.memory_space<semaphore_mem>>) src(%dma_wait3A_78 : memref<800xf32, #tpu.memory_space<vmem>>) dst(%dma_wait3A_76 : memref<800xf32, #tpu.memory_space<vmem_shared>>)
        tpu.yield
      }) : () -> ()
      %add3A_59 = arith.constant 2400 : i32
      %add3A_60 = arith.addi %mul3A_37, %add3A_59 : i32
      "tpu.region"() ({
        %run_scoped3A = tpu.sem_alloc : memref<!tpu.dma_semaphore, #tpu.memory_space<semaphore_mem>>
        %dma_start3A = arith.constant 0 : i32
        %dma_start3A_69 = tpu.memref_slice %arg24[%dma_start3A] : memref<800xf32, #tpu.memory_space<vmem>> -> memref<800xf32, #tpu.memory_space<vmem>>
        %dma_start3A_70 = tpu.memref_slice %arg31[%add3A_60] : memref<102400xf32, #tpu.memory_space<vmem_shared>> -> memref<800xf32, #tpu.memory_space<vmem_shared>>
        %dma_start3A_71 = tpu.memref_slice %arg31[%add3A_60] : memref<102400xf32, #tpu.memory_space<vmem_shared>> -> memref<800xf32, #tpu.memory_space<vmem_shared>>
        %dma_start3A_72 = arith.constant 0 : i32
        %dma_start3A_73 = tpu.memref_slice %arg24[%dma_start3A_72] : memref<800xf32, #tpu.memory_space<vmem>> -> memref<800xf32, #tpu.memory_space<vmem>>
        tpu.enqueue_dma source(%dma_start3A_73 : memref<800xf32, #tpu.memory_space<vmem>>) target(%dma_start3A_71 : memref<800xf32, #tpu.memory_space<vmem_shared>>) target_semaphore(%run_scoped3A : memref<!tpu.dma_semaphore, #tpu.memory_space<semaphore_mem>>)
        %dma_wait3A = arith.constant 0 : i32
        %dma_wait3A_74 = tpu.memref_slice %arg24[%dma_wait3A] : memref<800xf32, #tpu.memory_space<vmem>> -> memref<800xf32, #tpu.memory_space<vmem>>
        %dma_wait3A_75 = tpu.memref_slice %arg31[%add3A_60] : memref<102400xf32, #tpu.memory_space<vmem_shared>> -> memref<800xf32, #tpu.memory_space<vmem_shared>>
        %dma_wait3A_76 = tpu.memref_slice %arg31[%add3A_60] : memref<102400xf32, #tpu.memory_space<vmem_shared>> -> memref<800xf32, #tpu.memory_space<vmem_shared>>
        %dma_wait3A_77 = arith.constant 0 : i32
        %dma_wait3A_78 = tpu.memref_slice %arg24[%dma_wait3A_77] : memref<800xf32, #tpu.memory_space<vmem>> -> memref<800xf32, #tpu.memory_space<vmem>>
        tpu.wait_dma2 semaphore(%run_scoped3A : memref<!tpu.dma_semaphore, #tpu.memory_space<semaphore_mem>>) src(%dma_wait3A_78 : memref<800xf32, #tpu.memory_space<vmem>>) dst(%dma_wait3A_76 : memref<800xf32, #tpu.memory_space<vmem_shared>>)
        tpu.yield
      }) : () -> ()
      %add3A_61 = arith.constant 3200 : i32
      %add3A_62 = arith.addi %mul3A_37, %add3A_61 : i32
      "tpu.region"() ({
        %run_scoped3A = tpu.sem_alloc : memref<!tpu.dma_semaphore, #tpu.memory_space<semaphore_mem>>
        %dma_start3A = arith.constant 0 : i32
        %dma_start3A_69 = tpu.memref_slice %arg24[%dma_start3A] : memref<800xf32, #tpu.memory_space<vmem>> -> memref<800xf32, #tpu.memory_space<vmem>>
        %dma_start3A_70 = tpu.memref_slice %arg31[%add3A_62] : memref<102400xf32, #tpu.memory_space<vmem_shared>> -> memref<800xf32, #tpu.memory_space<vmem_shared>>
        %dma_start3A_71 = tpu.memref_slice %arg31[%add3A_62] : memref<102400xf32, #tpu.memory_space<vmem_shared>> -> memref<800xf32, #tpu.memory_space<vmem_shared>>
        %dma_start3A_72 = arith.constant 0 : i32
        %dma_start3A_73 = tpu.memref_slice %arg24[%dma_start3A_72] : memref<800xf32, #tpu.memory_space<vmem>> -> memref<800xf32, #tpu.memory_space<vmem>>
        tpu.enqueue_dma source(%dma_start3A_73 : memref<800xf32, #tpu.memory_space<vmem>>) target(%dma_start3A_71 : memref<800xf32, #tpu.memory_space<vmem_shared>>) target_semaphore(%run_scoped3A : memref<!tpu.dma_semaphore, #tpu.memory_space<semaphore_mem>>)
        %dma_wait3A = arith.constant 0 : i32
        %dma_wait3A_74 = tpu.memref_slice %arg24[%dma_wait3A] : memref<800xf32, #tpu.memory_space<vmem>> -> memref<800xf32, #tpu.memory_space<vmem>>
        %dma_wait3A_75 = tpu.memref_slice %arg31[%add3A_62] : memref<102400xf32, #tpu.memory_space<vmem_shared>> -> memref<800xf32, #tpu.memory_space<vmem_shared>>
        %dma_wait3A_76 = tpu.memref_slice %arg31[%add3A_62] : memref<102400xf32, #tpu.memory_space<vmem_shared>> -> memref<800xf32, #tpu.memory_space<vmem_shared>>
        %dma_wait3A_77 = arith.constant 0 : i32
        %dma_wait3A_78 = tpu.memref_slice %arg24[%dma_wait3A_77] : memref<800xf32, #tpu.memory_space<vmem>> -> memref<800xf32, #tpu.memory_space<vmem>>
        tpu.wait_dma2 semaphore(%run_scoped3A : memref<!tpu.dma_semaphore, #tpu.memory_space<semaphore_mem>>) src(%dma_wait3A_78 : memref<800xf32, #tpu.memory_space<vmem>>) dst(%dma_wait3A_76 : memref<800xf32, #tpu.memory_space<vmem_shared>>)
        tpu.yield
      }) : () -> ()
      %add3A_63 = arith.constant 4000 : i32
      %add3A_64 = arith.addi %mul3A_37, %add3A_63 : i32
      "tpu.region"() ({
        %run_scoped3A = tpu.sem_alloc : memref<!tpu.dma_semaphore, #tpu.memory_space<semaphore_mem>>
        %dma_start3A = arith.constant 0 : i32
        %dma_start3A_69 = tpu.memref_slice %arg24[%dma_start3A] : memref<800xf32, #tpu.memory_space<vmem>> -> memref<800xf32, #tpu.memory_space<vmem>>
        %dma_start3A_70 = tpu.memref_slice %arg31[%add3A_64] : memref<102400xf32, #tpu.memory_space<vmem_shared>> -> memref<800xf32, #tpu.memory_space<vmem_shared>>
        %dma_start3A_71 = tpu.memref_slice %arg31[%add3A_64] : memref<102400xf32, #tpu.memory_space<vmem_shared>> -> memref<800xf32, #tpu.memory_space<vmem_shared>>
        %dma_start3A_72 = arith.constant 0 : i32
        %dma_start3A_73 = tpu.memref_slice %arg24[%dma_start3A_72] : memref<800xf32, #tpu.memory_space<vmem>> -> memref<800xf32, #tpu.memory_space<vmem>>
        tpu.enqueue_dma source(%dma_start3A_73 : memref<800xf32, #tpu.memory_space<vmem>>) target(%dma_start3A_71 : memref<800xf32, #tpu.memory_space<vmem_shared>>) target_semaphore(%run_scoped3A : memref<!tpu.dma_semaphore, #tpu.memory_space<semaphore_mem>>)
        %dma_wait3A = arith.constant 0 : i32
        %dma_wait3A_74 = tpu.memref_slice %arg24[%dma_wait3A] : memref<800xf32, #tpu.memory_space<vmem>> -> memref<800xf32, #tpu.memory_space<vmem>>
        %dma_wait3A_75 = tpu.memref_slice %arg31[%add3A_64] : memref<102400xf32, #tpu.memory_space<vmem_shared>> -> memref<800xf32, #tpu.memory_space<vmem_shared>>
        %dma_wait3A_76 = tpu.memref_slice %arg31[%add3A_64] : memref<102400xf32, #tpu.memory_space<vmem_shared>> -> memref<800xf32, #tpu.memory_space<vmem_shared>>
        %dma_wait3A_77 = arith.constant 0 : i32
        %dma_wait3A_78 = tpu.memref_slice %arg24[%dma_wait3A_77] : memref<800xf32, #tpu.memory_space<vmem>> -> memref<800xf32, #tpu.memory_space<vmem>>
        tpu.wait_dma2 semaphore(%run_scoped3A : memref<!tpu.dma_semaphore, #tpu.memory_space<semaphore_mem>>) src(%dma_wait3A_78 : memref<800xf32, #tpu.memory_space<vmem>>) dst(%dma_wait3A_76 : memref<800xf32, #tpu.memory_space<vmem_shared>>)
        tpu.yield
      }) : () -> ()
      %add3A_65 = arith.constant 4800 : i32
      %add3A_66 = arith.addi %mul3A_37, %add3A_65 : i32
      "tpu.region"() ({
        %run_scoped3A = tpu.sem_alloc : memref<!tpu.dma_semaphore, #tpu.memory_space<semaphore_mem>>
        %dma_start3A = arith.constant 0 : i32
        %dma_start3A_69 = tpu.memref_slice %arg24[%dma_start3A] : memref<800xf32, #tpu.memory_space<vmem>> -> memref<800xf32, #tpu.memory_space<vmem>>
        %dma_start3A_70 = tpu.memref_slice %arg31[%add3A_66] : memref<102400xf32, #tpu.memory_space<vmem_shared>> -> memref<800xf32, #tpu.memory_space<vmem_shared>>
        %dma_start3A_71 = tpu.memref_slice %arg31[%add3A_66] : memref<102400xf32, #tpu.memory_space<vmem_shared>> -> memref<800xf32, #tpu.memory_space<vmem_shared>>
        %dma_start3A_72 = arith.constant 0 : i32
        %dma_start3A_73 = tpu.memref_slice %arg24[%dma_start3A_72] : memref<800xf32, #tpu.memory_space<vmem>> -> memref<800xf32, #tpu.memory_space<vmem>>
        tpu.enqueue_dma source(%dma_start3A_73 : memref<800xf32, #tpu.memory_space<vmem>>) target(%dma_start3A_71 : memref<800xf32, #tpu.memory_space<vmem_shared>>) target_semaphore(%run_scoped3A : memref<!tpu.dma_semaphore, #tpu.memory_space<semaphore_mem>>)
        %dma_wait3A = arith.constant 0 : i32
        %dma_wait3A_74 = tpu.memref_slice %arg24[%dma_wait3A] : memref<800xf32, #tpu.memory_space<vmem>> -> memref<800xf32, #tpu.memory_space<vmem>>
        %dma_wait3A_75 = tpu.memref_slice %arg31[%add3A_66] : memref<102400xf32, #tpu.memory_space<vmem_shared>> -> memref<800xf32, #tpu.memory_space<vmem_shared>>
        %dma_wait3A_76 = tpu.memref_slice %arg31[%add3A_66] : memref<102400xf32, #tpu.memory_space<vmem_shared>> -> memref<800xf32, #tpu.memory_space<vmem_shared>>
        %dma_wait3A_77 = arith.constant 0 : i32
        %dma_wait3A_78 = tpu.memref_slice %arg24[%dma_wait3A_77] : memref<800xf32, #tpu.memory_space<vmem>> -> memref<800xf32, #tpu.memory_space<vmem>>
        tpu.wait_dma2 semaphore(%run_scoped3A : memref<!tpu.dma_semaphore, #tpu.memory_space<semaphore_mem>>) src(%dma_wait3A_78 : memref<800xf32, #tpu.memory_space<vmem>>) dst(%dma_wait3A_76 : memref<800xf32, #tpu.memory_space<vmem_shared>>)
        tpu.yield
      }) : () -> ()
      %add3A_67 = arith.constant 5600 : i32
      %add3A_68 = arith.addi %mul3A_37, %add3A_67 : i32
      "tpu.region"() ({
        %run_scoped3A = tpu.sem_alloc : memref<!tpu.dma_semaphore, #tpu.memory_space<semaphore_mem>>
        %dma_start3A = arith.constant 0 : i32
        %dma_start3A_69 = tpu.memref_slice %arg24[%dma_start3A] : memref<800xf32, #tpu.memory_space<vmem>> -> memref<800xf32, #tpu.memory_space<vmem>>
        %dma_start3A_70 = tpu.memref_slice %arg31[%add3A_68] : memref<102400xf32, #tpu.memory_space<vmem_shared>> -> memref<800xf32, #tpu.memory_space<vmem_shared>>
        %dma_start3A_71 = tpu.memref_slice %arg31[%add3A_68] : memref<102400xf32, #tpu.memory_space<vmem_shared>> -> memref<800xf32, #tpu.memory_space<vmem_shared>>
        %dma_start3A_72 = arith.constant 0 : i32
        %dma_start3A_73 = tpu.memref_slice %arg24[%dma_start3A_72] : memref<800xf32, #tpu.memory_space<vmem>> -> memref<800xf32, #tpu.memory_space<vmem>>
        tpu.enqueue_dma source(%dma_start3A_73 : memref<800xf32, #tpu.memory_space<vmem>>) target(%dma_start3A_71 : memref<800xf32, #tpu.memory_space<vmem_shared>>) target_semaphore(%run_scoped3A : memref<!tpu.dma_semaphore, #tpu.memory_space<semaphore_mem>>)
        %dma_wait3A = arith.constant 0 : i32
        %dma_wait3A_74 = tpu.memref_slice %arg24[%dma_wait3A] : memref<800xf32, #tpu.memory_space<vmem>> -> memref<800xf32, #tpu.memory_space<vmem>>
        %dma_wait3A_75 = tpu.memref_slice %arg31[%add3A_68] : memref<102400xf32, #tpu.memory_space<vmem_shared>> -> memref<800xf32, #tpu.memory_space<vmem_shared>>
        %dma_wait3A_76 = tpu.memref_slice %arg31[%add3A_68] : memref<102400xf32, #tpu.memory_space<vmem_shared>> -> memref<800xf32, #tpu.memory_space<vmem_shared>>
        %dma_wait3A_77 = arith.constant 0 : i32
        %dma_wait3A_78 = tpu.memref_slice %arg24[%dma_wait3A_77] : memref<800xf32, #tpu.memory_space<vmem>> -> memref<800xf32, #tpu.memory_space<vmem>>
        tpu.wait_dma2 semaphore(%run_scoped3A : memref<!tpu.dma_semaphore, #tpu.memory_space<semaphore_mem>>) src(%dma_wait3A_78 : memref<800xf32, #tpu.memory_space<vmem>>) dst(%dma_wait3A_76 : memref<800xf32, #tpu.memory_space<vmem_shared>>)
        tpu.yield
      }) : () -> ()
    } else {
    }
    %eq3A_2 = arith.constant 1 : i32
    %eq3A_3 = arith.cmpi eq, %arg0, %eq3A_2 : i32
    %convert_element_type3A_4 = arith.extui %eq3A_3 : i1 to i32
    %cond3A_5 = arith.constant 0 : i32
    %cond3A_6 = arith.cmpi ne, %convert_element_type3A_4, %cond3A_5 : i32
    scf.if %cond3A_6 {
      %scan3A = arith.constant 0 : i32
      %scan3A_28 = arith.constant 800 : i32
      %scan3A_29 = arith.addi %scan3A, %scan3A_28 : i32
      %scan3A_30 = arith.constant 1 : i32
      scf.for %scan3A_53 = %scan3A to %scan3A_29 step %scan3A_30  : i32 {
        %mul3A_54 = arith.constant 1 : i32
        %mul3A_55 = arith.muli %scan3A_53, %mul3A_54 : i32
        %add3A_56 = arith.constant 0 : i32
        %add3A_57 = arith.addi %add3A_56, %mul3A_55 : i32
        %broadcast_in_dim3A = arith.constant 0.000000e+00 : f32
        %broadcast_in_dim3A_58 = vector.broadcast %broadcast_in_dim3A : f32 to vector<16xf32>
        %swap3A = arith.index_cast %add3A_57 : i32 to index
        %swap3A_59 = arith.constant 0 : index
        %swap3A_60 = tpu.vector_load %arg25[%swap3A, %swap3A_59] {strides = array<i32>} : memref<800x16xf32, #tpu.memory_space<vmem>>, vector<16xf32>,
        tpu.vector_store %arg25[%swap3A, %swap3A_59], %broadcast_in_dim3A_58 {strides = array<i32>} : memref<800x16xf32, #tpu.memory_space<vmem>>, vector<16xf32>,
      }
      %scan3A_31 = arith.constant 800 : i32
      %scan3A_32 = arith.constant 0 : i32
      %scan3A_33 = arith.constant 50 : i32
      %scan3A_34 = arith.addi %scan3A_32, %scan3A_33 : i32
      %scan3A_35 = arith.constant 1 : i32
      scf.for %scan3A_53 = %scan3A_32 to %scan3A_34 step %scan3A_35  : i32 {
        %mul3A_54 = arith.constant 16 : i32
        %mul3A_55 = arith.muli %scan3A_53, %mul3A_54 : i32
        %add3A_56 = arith.constant 0 : i32
        %add3A_57 = arith.addi %add3A_56, %mul3A_55 : i32
        %broadcast_in_dim3A = arith.constant 0.000000e+00 : f32
        %broadcast_in_dim3A_58 = vector.broadcast %broadcast_in_dim3A : f32 to vector<16xf32>
        %swap3A = arith.index_cast %add3A_57 : i32 to index
        %swap3A_59 = tpu.vector_load %arg24[%swap3A] {strides = array<i32>} : memref<800xf32, #tpu.memory_space<vmem>>, vector<16xf32>,
        tpu.vector_store %arg24[%swap3A], %broadcast_in_dim3A_58 {strides = array<i32>} : memref<800xf32, #tpu.memory_space<vmem>>, vector<16xf32>,
      }
      %scan3A_36 = arith.constant 50 : i32
      %mul3A = arith.constant 6400 : i32
      %mul3A_37 = arith.muli %arg1, %mul3A : i32
      %add3A = arith.constant 0 : i32
      %add3A_38 = arith.addi %mul3A_37, %add3A : i32
      "tpu.region"() ({
        %run_scoped3A = tpu.sem_alloc : memref<!tpu.dma_semaphore, #tpu.memory_space<semaphore_mem>>
        %dma_start3A = arith.constant 0 : i32
        %dma_start3A_53 = arith.constant 0 : i32
        %dma_start3A_54 = tpu.memref_slice %arg25[%dma_start3A, %dma_start3A_53] : memref<800x16xf32, #tpu.memory_space<vmem>> -> memref<800x16xf32, #tpu.memory_space<vmem>>
        %dma_start3A_55 = arith.constant 0 : i32
        %dma_start3A_56 = tpu.memref_slice %arg30[%add3A_38, %dma_start3A_55] : memref<102400x16xf32, #tpu.memory_space<vmem_shared>> -> memref<800x16xf32, #tpu.memory_space<vmem_shared>>
        %dma_start3A_57 = arith.constant 0 : i32
        %dma_start3A_58 = tpu.memref_slice %arg30[%add3A_38, %dma_start3A_57] : memref<102400x16xf32, #tpu.memory_space<vmem_shared>> -> memref<800x16xf32, #tpu.memory_space<vmem_shared>>
        %dma_start3A_59 = arith.constant 0 : i32
        %dma_start3A_60 = arith.constant 0 : i32
        %dma_start3A_61 = tpu.memref_slice %arg25[%dma_start3A_59, %dma_start3A_60] : memref<800x16xf32, #tpu.memory_space<vmem>> -> memref<800x16xf32, #tpu.memory_space<vmem>>
        tpu.enqueue_dma source(%dma_start3A_61 : memref<800x16xf32, #tpu.memory_space<vmem>>) target(%dma_start3A_58 : memref<800x16xf32, #tpu.memory_space<vmem_shared>>) target_semaphore(%run_scoped3A : memref<!tpu.dma_semaphore, #tpu.memory_space<semaphore_mem>>)
        %dma_wait3A = arith.constant 0 : i32
        %dma_wait3A_62 = arith.constant 0 : i32
        %dma_wait3A_63 = tpu.memref_slice %arg25[%dma_wait3A, %dma_wait3A_62] : memref<800x16xf32, #tpu.memory_space<vmem>> -> memref<800x16xf32, #tpu.memory_space<vmem>>
        %dma_wait3A_64 = arith.constant 0 : i32
        %dma_wait3A_65 = tpu.memref_slice %arg30[%add3A_38, %dma_wait3A_64] : memref<102400x16xf32, #tpu.memory_space<vmem_shared>> -> memref<800x16xf32, #tpu.memory_space<vmem_shared>>
        %dma_wait3A_66 = arith.constant 0 : i32
        %dma_wait3A_67 = tpu.memref_slice %arg30[%add3A_38, %dma_wait3A_66] : memref<102400x16xf32, #tpu.memory_space<vmem_shared>> -> memref<800x16xf32, #tpu.memory_space<vmem_shared>>
        %dma_wait3A_68 = arith.constant 0 : i32
        %dma_wait3A_69 = arith.constant 0 : i32
        %dma_wait3A_70 = tpu.memref_slice %arg25[%dma_wait3A_68, %dma_wait3A_69] : memref<800x16xf32, #tpu.memory_space<vmem>> -> memref<800x16xf32, #tpu.memory_space<vmem>>
        tpu.wait_dma2 semaphore(%run_scoped3A : memref<!tpu.dma_semaphore, #tpu.memory_space<semaphore_mem>>) src(%dma_wait3A_70 : memref<800x16xf32, #tpu.memory_space<vmem>>) dst(%dma_wait3A_67 : memref<800x16xf32, #tpu.memory_space<vmem_shared>>)
        tpu.yield
      }) : () -> ()
      %add3A_39 = arith.constant 800 : i32
      %add3A_40 = arith.addi %mul3A_37, %add3A_39 : i32
      "tpu.region"() ({
        %run_scoped3A = tpu.sem_alloc : memref<!tpu.dma_semaphore, #tpu.memory_space<semaphore_mem>>
        %dma_start3A = arith.constant 0 : i32
        %dma_start3A_53 = arith.constant 0 : i32
        %dma_start3A_54 = tpu.memref_slice %arg25[%dma_start3A, %dma_start3A_53] : memref<800x16xf32, #tpu.memory_space<vmem>> -> memref<800x16xf32, #tpu.memory_space<vmem>>
        %dma_start3A_55 = arith.constant 0 : i32
        %dma_start3A_56 = tpu.memref_slice %arg30[%add3A_40, %dma_start3A_55] : memref<102400x16xf32, #tpu.memory_space<vmem_shared>> -> memref<800x16xf32, #tpu.memory_space<vmem_shared>>
        %dma_start3A_57 = arith.constant 0 : i32
        %dma_start3A_58 = tpu.memref_slice %arg30[%add3A_40, %dma_start3A_57] : memref<102400x16xf32, #tpu.memory_space<vmem_shared>> -> memref<800x16xf32, #tpu.memory_space<vmem_shared>>
        %dma_start3A_59 = arith.constant 0 : i32
        %dma_start3A_60 = arith.constant 0 : i32
        %dma_start3A_61 = tpu.memref_slice %arg25[%dma_start3A_59, %dma_start3A_60] : memref<800x16xf32, #tpu.memory_space<vmem>> -> memref<800x16xf32, #tpu.memory_space<vmem>>
        tpu.enqueue_dma source(%dma_start3A_61 : memref<800x16xf32, #tpu.memory_space<vmem>>) target(%dma_start3A_58 : memref<800x16xf32, #tpu.memory_space<vmem_shared>>) target_semaphore(%run_scoped3A : memref<!tpu.dma_semaphore, #tpu.memory_space<semaphore_mem>>)
        %dma_wait3A = arith.constant 0 : i32
        %dma_wait3A_62 = arith.constant 0 : i32
        %dma_wait3A_63 = tpu.memref_slice %arg25[%dma_wait3A, %dma_wait3A_62] : memref<800x16xf32, #tpu.memory_space<vmem>> -> memref<800x16xf32, #tpu.memory_space<vmem>>
        %dma_wait3A_64 = arith.constant 0 : i32
        %dma_wait3A_65 = tpu.memref_slice %arg30[%add3A_40, %dma_wait3A_64] : memref<102400x16xf32, #tpu.memory_space<vmem_shared>> -> memref<800x16xf32, #tpu.memory_space<vmem_shared>>
        %dma_wait3A_66 = arith.constant 0 : i32
        %dma_wait3A_67 = tpu.memref_slice %arg30[%add3A_40, %dma_wait3A_66] : memref<102400x16xf32, #tpu.memory_space<vmem_shared>> -> memref<800x16xf32, #tpu.memory_space<vmem_shared>>
        %dma_wait3A_68 = arith.constant 0 : i32
        %dma_wait3A_69 = arith.constant 0 : i32
        %dma_wait3A_70 = tpu.memref_slice %arg25[%dma_wait3A_68, %dma_wait3A_69] : memref<800x16xf32, #tpu.memory_space<vmem>> -> memref<800x16xf32, #tpu.memory_space<vmem>>
        tpu.wait_dma2 semaphore(%run_scoped3A : memref<!tpu.dma_semaphore, #tpu.memory_space<semaphore_mem>>) src(%dma_wait3A_70 : memref<800x16xf32, #tpu.memory_space<vmem>>) dst(%dma_wait3A_67 : memref<800x16xf32, #tpu.memory_space<vmem_shared>>)
        tpu.yield
      }) : () -> ()
      %add3A_41 = arith.constant 1600 : i32
      %add3A_42 = arith.addi %mul3A_37, %add3A_41 : i32
      "tpu.region"() ({
        %run_scoped3A = tpu.sem_alloc : memref<!tpu.dma_semaphore, #tpu.memory_space<semaphore_mem>>
        %dma_start3A = arith.constant 0 : i32
        %dma_start3A_53 = arith.constant 0 : i32
        %dma_start3A_54 = tpu.memref_slice %arg25[%dma_start3A, %dma_start3A_53] : memref<800x16xf32, #tpu.memory_space<vmem>> -> memref<800x16xf32, #tpu.memory_space<vmem>>
        %dma_start3A_55 = arith.constant 0 : i32
        %dma_start3A_56 = tpu.memref_slice %arg30[%add3A_42, %dma_start3A_55] : memref<102400x16xf32, #tpu.memory_space<vmem_shared>> -> memref<800x16xf32, #tpu.memory_space<vmem_shared>>
        %dma_start3A_57 = arith.constant 0 : i32
        %dma_start3A_58 = tpu.memref_slice %arg30[%add3A_42, %dma_start3A_57] : memref<102400x16xf32, #tpu.memory_space<vmem_shared>> -> memref<800x16xf32, #tpu.memory_space<vmem_shared>>
        %dma_start3A_59 = arith.constant 0 : i32
        %dma_start3A_60 = arith.constant 0 : i32
        %dma_start3A_61 = tpu.memref_slice %arg25[%dma_start3A_59, %dma_start3A_60] : memref<800x16xf32, #tpu.memory_space<vmem>> -> memref<800x16xf32, #tpu.memory_space<vmem>>
        tpu.enqueue_dma source(%dma_start3A_61 : memref<800x16xf32, #tpu.memory_space<vmem>>) target(%dma_start3A_58 : memref<800x16xf32, #tpu.memory_space<vmem_shared>>) target_semaphore(%run_scoped3A : memref<!tpu.dma_semaphore, #tpu.memory_space<semaphore_mem>>)
        %dma_wait3A = arith.constant 0 : i32
        %dma_wait3A_62 = arith.constant 0 : i32
        %dma_wait3A_63 = tpu.memref_slice %arg25[%dma_wait3A, %dma_wait3A_62] : memref<800x16xf32, #tpu.memory_space<vmem>> -> memref<800x16xf32, #tpu.memory_space<vmem>>
        %dma_wait3A_64 = arith.constant 0 : i32
        %dma_wait3A_65 = tpu.memref_slice %arg30[%add3A_42, %dma_wait3A_64] : memref<102400x16xf32, #tpu.memory_space<vmem_shared>> -> memref<800x16xf32, #tpu.memory_space<vmem_shared>>
        %dma_wait3A_66 = arith.constant 0 : i32
        %dma_wait3A_67 = tpu.memref_slice %arg30[%add3A_42, %dma_wait3A_66] : memref<102400x16xf32, #tpu.memory_space<vmem_shared>> -> memref<800x16xf32, #tpu.memory_space<vmem_shared>>
        %dma_wait3A_68 = arith.constant 0 : i32
        %dma_wait3A_69 = arith.constant 0 : i32
        %dma_wait3A_70 = tpu.memref_slice %arg25[%dma_wait3A_68, %dma_wait3A_69] : memref<800x16xf32, #tpu.memory_space<vmem>> -> memref<800x16xf32, #tpu.memory_space<vmem>>
        tpu.wait_dma2 semaphore(%run_scoped3A : memref<!tpu.dma_semaphore, #tpu.memory_space<semaphore_mem>>) src(%dma_wait3A_70 : memref<800x16xf32, #tpu.memory_space<vmem>>) dst(%dma_wait3A_67 : memref<800x16xf32, #tpu.memory_space<vmem_shared>>)
        tpu.yield
      }) : () -> ()
      %add3A_43 = arith.constant 2400 : i32
      %add3A_44 = arith.addi %mul3A_37, %add3A_43 : i32
      "tpu.region"() ({
        %run_scoped3A = tpu.sem_alloc : memref<!tpu.dma_semaphore, #tpu.memory_space<semaphore_mem>>
        %dma_start3A = arith.constant 0 : i32
        %dma_start3A_53 = arith.constant 0 : i32
        %dma_start3A_54 = tpu.memref_slice %arg25[%dma_start3A, %dma_start3A_53] : memref<800x16xf32, #tpu.memory_space<vmem>> -> memref<800x16xf32, #tpu.memory_space<vmem>>
        %dma_start3A_55 = arith.constant 0 : i32
        %dma_start3A_56 = tpu.memref_slice %arg30[%add3A_44, %dma_start3A_55] : memref<102400x16xf32, #tpu.memory_space<vmem_shared>> -> memref<800x16xf32, #tpu.memory_space<vmem_shared>>
        %dma_start3A_57 = arith.constant 0 : i32
        %dma_start3A_58 = tpu.memref_slice %arg30[%add3A_44, %dma_start3A_57] : memref<102400x16xf32, #tpu.memory_space<vmem_shared>> -> memref<800x16xf32, #tpu.memory_space<vmem_shared>>
        %dma_start3A_59 = arith.constant 0 : i32
        %dma_start3A_60 = arith.constant 0 : i32
        %dma_start3A_61 = tpu.memref_slice %arg25[%dma_start3A_59, %dma_start3A_60] : memref<800x16xf32, #tpu.memory_space<vmem>> -> memref<800x16xf32, #tpu.memory_space<vmem>>
        tpu.enqueue_dma source(%dma_start3A_61 : memref<800x16xf32, #tpu.memory_space<vmem>>) target(%dma_start3A_58 : memref<800x16xf32, #tpu.memory_space<vmem_shared>>) target_semaphore(%run_scoped3A : memref<!tpu.dma_semaphore, #tpu.memory_space<semaphore_mem>>)
        %dma_wait3A = arith.constant 0 : i32
        %dma_wait3A_62 = arith.constant 0 : i32
        %dma_wait3A_63 = tpu.memref_slice %arg25[%dma_wait3A, %dma_wait3A_62] : memref<800x16xf32, #tpu.memory_space<vmem>> -> memref<800x16xf32, #tpu.memory_space<vmem>>
        %dma_wait3A_64 = arith.constant 0 : i32
        %dma_wait3A_65 = tpu.memref_slice %arg30[%add3A_44, %dma_wait3A_64] : memref<102400x16xf32, #tpu.memory_space<vmem_shared>> -> memref<800x16xf32, #tpu.memory_space<vmem_shared>>
        %dma_wait3A_66 = arith.constant 0 : i32
        %dma_wait3A_67 = tpu.memref_slice %arg30[%add3A_44, %dma_wait3A_66] : memref<102400x16xf32, #tpu.memory_space<vmem_shared>> -> memref<800x16xf32, #tpu.memory_space<vmem_shared>>
        %dma_wait3A_68 = arith.constant 0 : i32
        %dma_wait3A_69 = arith.constant 0 : i32
        %dma_wait3A_70 = tpu.memref_slice %arg25[%dma_wait3A_68, %dma_wait3A_69] : memref<800x16xf32, #tpu.memory_space<vmem>> -> memref<800x16xf32, #tpu.memory_space<vmem>>
        tpu.wait_dma2 semaphore(%run_scoped3A : memref<!tpu.dma_semaphore, #tpu.memory_space<semaphore_mem>>) src(%dma_wait3A_70 : memref<800x16xf32, #tpu.memory_space<vmem>>) dst(%dma_wait3A_67 : memref<800x16xf32, #tpu.memory_space<vmem_shared>>)
        tpu.yield
      }) : () -> ()
      %add3A_45 = arith.constant 3200 : i32
      %add3A_46 = arith.addi %mul3A_37, %add3A_45 : i32
      "tpu.region"() ({
        %run_scoped3A = tpu.sem_alloc : memref<!tpu.dma_semaphore, #tpu.memory_space<semaphore_mem>>
        %dma_start3A = arith.constant 0 : i32
        %dma_start3A_53 = arith.constant 0 : i32
        %dma_start3A_54 = tpu.memref_slice %arg25[%dma_start3A, %dma_start3A_53] : memref<800x16xf32, #tpu.memory_space<vmem>> -> memref<800x16xf32, #tpu.memory_space<vmem>>
        %dma_start3A_55 = arith.constant 0 : i32
        %dma_start3A_56 = tpu.memref_slice %arg30[%add3A_46, %dma_start3A_55] : memref<102400x16xf32, #tpu.memory_space<vmem_shared>> -> memref<800x16xf32, #tpu.memory_space<vmem_shared>>
        %dma_start3A_57 = arith.constant 0 : i32
        %dma_start3A_58 = tpu.memref_slice %arg30[%add3A_46, %dma_start3A_57] : memref<102400x16xf32, #tpu.memory_space<vmem_shared>> -> memref<800x16xf32, #tpu.memory_space<vmem_shared>>
        %dma_start3A_59 = arith.constant 0 : i32
        %dma_start3A_60 = arith.constant 0 : i32
        %dma_start3A_61 = tpu.memref_slice %arg25[%dma_start3A_59, %dma_start3A_60] : memref<800x16xf32, #tpu.memory_space<vmem>> -> memref<800x16xf32, #tpu.memory_space<vmem>>
        tpu.enqueue_dma source(%dma_start3A_61 : memref<800x16xf32, #tpu.memory_space<vmem>>) target(%dma_start3A_58 : memref<800x16xf32, #tpu.memory_space<vmem_shared>>) target_semaphore(%run_scoped3A : memref<!tpu.dma_semaphore, #tpu.memory_space<semaphore_mem>>)
        %dma_wait3A = arith.constant 0 : i32
        %dma_wait3A_62 = arith.constant 0 : i32
        %dma_wait3A_63 = tpu.memref_slice %arg25[%dma_wait3A, %dma_wait3A_62] : memref<800x16xf32, #tpu.memory_space<vmem>> -> memref<800x16xf32, #tpu.memory_space<vmem>>
        %dma_wait3A_64 = arith.constant 0 : i32
        %dma_wait3A_65 = tpu.memref_slice %arg30[%add3A_46, %dma_wait3A_64] : memref<102400x16xf32, #tpu.memory_space<vmem_shared>> -> memref<800x16xf32, #tpu.memory_space<vmem_shared>>
        %dma_wait3A_66 = arith.constant 0 : i32
        %dma_wait3A_67 = tpu.memref_slice %arg30[%add3A_46, %dma_wait3A_66] : memref<102400x16xf32, #tpu.memory_space<vmem_shared>> -> memref<800x16xf32, #tpu.memory_space<vmem_shared>>
        %dma_wait3A_68 = arith.constant 0 : i32
        %dma_wait3A_69 = arith.constant 0 : i32
        %dma_wait3A_70 = tpu.memref_slice %arg25[%dma_wait3A_68, %dma_wait3A_69] : memref<800x16xf32, #tpu.memory_space<vmem>> -> memref<800x16xf32, #tpu.memory_space<vmem>>
        tpu.wait_dma2 semaphore(%run_scoped3A : memref<!tpu.dma_semaphore, #tpu.memory_space<semaphore_mem>>) src(%dma_wait3A_70 : memref<800x16xf32, #tpu.memory_space<vmem>>) dst(%dma_wait3A_67 : memref<800x16xf32, #tpu.memory_space<vmem_shared>>)
        tpu.yield
      }) : () -> ()
      %add3A_47 = arith.constant 4000 : i32
      %add3A_48 = arith.addi %mul3A_37, %add3A_47 : i32
      "tpu.region"() ({
        %run_scoped3A = tpu.sem_alloc : memref<!tpu.dma_semaphore, #tpu.memory_space<semaphore_mem>>
        %dma_start3A = arith.constant 0 : i32
        %dma_start3A_53 = arith.constant 0 : i32
        %dma_start3A_54 = tpu.memref_slice %arg25[%dma_start3A, %dma_start3A_53] : memref<800x16xf32, #tpu.memory_space<vmem>> -> memref<800x16xf32, #tpu.memory_space<vmem>>
        %dma_start3A_55 = arith.constant 0 : i32
        %dma_start3A_56 = tpu.memref_slice %arg30[%add3A_48, %dma_start3A_55] : memref<102400x16xf32, #tpu.memory_space<vmem_shared>> -> memref<800x16xf32, #tpu.memory_space<vmem_shared>>
        %dma_start3A_57 = arith.constant 0 : i32
        %dma_start3A_58 = tpu.memref_slice %arg30[%add3A_48, %dma_start3A_57] : memref<102400x16xf32, #tpu.memory_space<vmem_shared>> -> memref<800x16xf32, #tpu.memory_space<vmem_shared>>
        %dma_start3A_59 = arith.constant 0 : i32
        %dma_start3A_60 = arith.constant 0 : i32
        %dma_start3A_61 = tpu.memref_slice %arg25[%dma_start3A_59, %dma_start3A_60] : memref<800x16xf32, #tpu.memory_space<vmem>> -> memref<800x16xf32, #tpu.memory_space<vmem>>
        tpu.enqueue_dma source(%dma_start3A_61 : memref<800x16xf32, #tpu.memory_space<vmem>>) target(%dma_start3A_58 : memref<800x16xf32, #tpu.memory_space<vmem_shared>>) target_semaphore(%run_scoped3A : memref<!tpu.dma_semaphore, #tpu.memory_space<semaphore_mem>>)
        %dma_wait3A = arith.constant 0 : i32
        %dma_wait3A_62 = arith.constant 0 : i32
        %dma_wait3A_63 = tpu.memref_slice %arg25[%dma_wait3A, %dma_wait3A_62] : memref<800x16xf32, #tpu.memory_space<vmem>> -> memref<800x16xf32, #tpu.memory_space<vmem>>
        %dma_wait3A_64 = arith.constant 0 : i32
        %dma_wait3A_65 = tpu.memref_slice %arg30[%add3A_48, %dma_wait3A_64] : memref<102400x16xf32, #tpu.memory_space<vmem_shared>> -> memref<800x16xf32, #tpu.memory_space<vmem_shared>>
        %dma_wait3A_66 = arith.constant 0 : i32
        %dma_wait3A_67 = tpu.memref_slice %arg30[%add3A_48, %dma_wait3A_66] : memref<102400x16xf32, #tpu.memory_space<vmem_shared>> -> memref<800x16xf32, #tpu.memory_space<vmem_shared>>
        %dma_wait3A_68 = arith.constant 0 : i32
        %dma_wait3A_69 = arith.constant 0 : i32
        %dma_wait3A_70 = tpu.memref_slice %arg25[%dma_wait3A_68, %dma_wait3A_69] : memref<800x16xf32, #tpu.memory_space<vmem>> -> memref<800x16xf32, #tpu.memory_space<vmem>>
        tpu.wait_dma2 semaphore(%run_scoped3A : memref<!tpu.dma_semaphore, #tpu.memory_space<semaphore_mem>>) src(%dma_wait3A_70 : memref<800x16xf32, #tpu.memory_space<vmem>>) dst(%dma_wait3A_67 : memref<800x16xf32, #tpu.memory_space<vmem_shared>>)
        tpu.yield
      }) : () -> ()
      %add3A_49 = arith.constant 4800 : i32
      %add3A_50 = arith.addi %mul3A_37, %add3A_49 : i32
      "tpu.region"() ({
        %run_scoped3A = tpu.sem_alloc : memref<!tpu.dma_semaphore, #tpu.memory_space<semaphore_mem>>
        %dma_start3A = arith.constant 0 : i32
        %dma_start3A_53 = arith.constant 0 : i32
        %dma_start3A_54 = tpu.memref_slice %arg25[%dma_start3A, %dma_start3A_53] : memref<800x16xf32, #tpu.memory_space<vmem>> -> memref<800x16xf32, #tpu.memory_space<vmem>>
        %dma_start3A_55 = arith.constant 0 : i32
        %dma_start3A_56 = tpu.memref_slice %arg30[%add3A_50, %dma_start3A_55] : memref<102400x16xf32, #tpu.memory_space<vmem_shared>> -> memref<800x16xf32, #tpu.memory_space<vmem_shared>>
        %dma_start3A_57 = arith.constant 0 : i32
        %dma_start3A_58 = tpu.memref_slice %arg30[%add3A_50, %dma_start3A_57] : memref<102400x16xf32, #tpu.memory_space<vmem_shared>> -> memref<800x16xf32, #tpu.memory_space<vmem_shared>>
        %dma_start3A_59 = arith.constant 0 : i32
        %dma_start3A_60 = arith.constant 0 : i32
        %dma_start3A_61 = tpu.memref_slice %arg25[%dma_start3A_59, %dma_start3A_60] : memref<800x16xf32, #tpu.memory_space<vmem>> -> memref<800x16xf32, #tpu.memory_space<vmem>>
        tpu.enqueue_dma source(%dma_start3A_61 : memref<800x16xf32, #tpu.memory_space<vmem>>) target(%dma_start3A_58 : memref<800x16xf32, #tpu.memory_space<vmem_shared>>) target_semaphore(%run_scoped3A : memref<!tpu.dma_semaphore, #tpu.memory_space<semaphore_mem>>)
        %dma_wait3A = arith.constant 0 : i32
        %dma_wait3A_62 = arith.constant 0 : i32
        %dma_wait3A_63 = tpu.memref_slice %arg25[%dma_wait3A, %dma_wait3A_62] : memref<800x16xf32, #tpu.memory_space<vmem>> -> memref<800x16xf32, #tpu.memory_space<vmem>>
        %dma_wait3A_64 = arith.constant 0 : i32
        %dma_wait3A_65 = tpu.memref_slice %arg30[%add3A_50, %dma_wait3A_64] : memref<102400x16xf32, #tpu.memory_space<vmem_shared>> -> memref<800x16xf32, #tpu.memory_space<vmem_shared>>
        %dma_wait3A_66 = arith.constant 0 : i32
        %dma_wait3A_67 = tpu.memref_slice %arg30[%add3A_50, %dma_wait3A_66] : memref<102400x16xf32, #tpu.memory_space<vmem_shared>> -> memref<800x16xf32, #tpu.memory_space<vmem_shared>>
        %dma_wait3A_68 = arith.constant 0 : i32
        %dma_wait3A_69 = arith.constant 0 : i32
        %dma_wait3A_70 = tpu.memref_slice %arg25[%dma_wait3A_68, %dma_wait3A_69] : memref<800x16xf32, #tpu.memory_space<vmem>> -> memref<800x16xf32, #tpu.memory_space<vmem>>
        tpu.wait_dma2 semaphore(%run_scoped3A : memref<!tpu.dma_semaphore, #tpu.memory_space<semaphore_mem>>) src(%dma_wait3A_70 : memref<800x16xf32, #tpu.memory_space<vmem>>) dst(%dma_wait3A_67 : memref<800x16xf32, #tpu.memory_space<vmem_shared>>)
        tpu.yield
      }) : () -> ()
      %add3A_51 = arith.constant 5600 : i32
      %add3A_52 = arith.addi %mul3A_37, %add3A_51 : i32
      "tpu.region"() ({
        %run_scoped3A = tpu.sem_alloc : memref<!tpu.dma_semaphore, #tpu.memory_space<semaphore_mem>>
        %dma_start3A = arith.constant 0 : i32
        %dma_start3A_53 = arith.constant 0 : i32
        %dma_start3A_54 = tpu.memref_slice %arg25[%dma_start3A, %dma_start3A_53] : memref<800x16xf32, #tpu.memory_space<vmem>> -> memref<800x16xf32, #tpu.memory_space<vmem>>
        %dma_start3A_55 = arith.constant 0 : i32
        %dma_start3A_56 = tpu.memref_slice %arg30[%add3A_52, %dma_start3A_55] : memref<102400x16xf32, #tpu.memory_space<vmem_shared>> -> memref<800x16xf32, #tpu.memory_space<vmem_shared>>
        %dma_start3A_57 = arith.constant 0 : i32
        %dma_start3A_58 = tpu.memref_slice %arg30[%add3A_52, %dma_start3A_57] : memref<102400x16xf32, #tpu.memory_space<vmem_shared>> -> memref<800x16xf32, #tpu.memory_space<vmem_shared>>
        %dma_start3A_59 = arith.constant 0 : i32
        %dma_start3A_60 = arith.constant 0 : i32
        %dma_start3A_61 = tpu.memref_slice %arg25[%dma_start3A_59, %dma_start3A_60] : memref<800x16xf32, #tpu.memory_space<vmem>> -> memref<800x16xf32, #tpu.memory_space<vmem>>
        tpu.enqueue_dma source(%dma_start3A_61 : memref<800x16xf32, #tpu.memory_space<vmem>>) target(%dma_start3A_58 : memref<800x16xf32, #tpu.memory_space<vmem_shared>>) target_semaphore(%run_scoped3A : memref<!tpu.dma_semaphore, #tpu.memory_space<semaphore_mem>>)
        %dma_wait3A = arith.constant 0 : i32
        %dma_wait3A_62 = arith.constant 0 : i32
        %dma_wait3A_63 = tpu.memref_slice %arg25[%dma_wait3A, %dma_wait3A_62] : memref<800x16xf32, #tpu.memory_space<vmem>> -> memref<800x16xf32, #tpu.memory_space<vmem>>
        %dma_wait3A_64 = arith.constant 0 : i32
        %dma_wait3A_65 = tpu.memref_slice %arg30[%add3A_52, %dma_wait3A_64] : memref<102400x16xf32, #tpu.memory_space<vmem_shared>> -> memref<800x16xf32, #tpu.memory_space<vmem_shared>>
        %dma_wait3A_66 = arith.constant 0 : i32
        %dma_wait3A_67 = tpu.memref_slice %arg30[%add3A_52, %dma_wait3A_66] : memref<102400x16xf32, #tpu.memory_space<vmem_shared>> -> memref<800x16xf32, #tpu.memory_space<vmem_shared>>
        %dma_wait3A_68 = arith.constant 0 : i32
        %dma_wait3A_69 = arith.constant 0 : i32
        %dma_wait3A_70 = tpu.memref_slice %arg25[%dma_wait3A_68, %dma_wait3A_69] : memref<800x16xf32, #tpu.memory_space<vmem>> -> memref<800x16xf32, #tpu.memory_space<vmem>>
        tpu.wait_dma2 semaphore(%run_scoped3A : memref<!tpu.dma_semaphore, #tpu.memory_space<semaphore_mem>>) src(%dma_wait3A_70 : memref<800x16xf32, #tpu.memory_space<vmem>>) dst(%dma_wait3A_67 : memref<800x16xf32, #tpu.memory_space<vmem_shared>>)
        tpu.yield
      }) : () -> ()
    } else {
    }
    %barrier3A = arith.constant 0 : index
    tpu.barrier barrier_id(%barrier3A)
    %eq3A_7 = arith.constant 0 : i32
    %eq3A_8 = arith.cmpi eq, %arg0, %eq3A_7 : i32
    %convert_element_type3A_9 = arith.extui %eq3A_8 : i1 to i32
    %cond3A_10 = arith.constant 0 : i32
    %cond3A_11 = arith.cmpi ne, %convert_element_type3A_9, %cond3A_10 : i32
    scf.if %cond3A_11 {
      %broadcast_in_dim3A = arith.constant 0 : i32
      %broadcast_in_dim3A_28 = vector.broadcast %broadcast_in_dim3A : i32 to vector<16xi32>
      %broadcast_in_dim3A_29 = arith.constant 1 : i32
      %broadcast_in_dim3A_30 = vector.broadcast %broadcast_in_dim3A_29 : i32 to vector<16xi32>
      %gather3A = tpu.vector_load_idx %arg26[%broadcast_in_dim3A_30, %broadcast_in_dim3A_28] : memref<8x16xf32, #tpu.memory_space<vmem>>[vector<16xi32>, vector<16xi32>], vector<16xf32>,
      %broadcast_in_dim3A_31 = arith.constant 2 : i32
      %broadcast_in_dim3A_32 = vector.broadcast %broadcast_in_dim3A_31 : i32 to vector<16xi32>
      %gather3A_33 = tpu.vector_load_idx %arg26[%broadcast_in_dim3A_32, %broadcast_in_dim3A_28] : memref<8x16xf32, #tpu.memory_space<vmem>>[vector<16xi32>, vector<16xi32>], vector<16xf32>,
      %broadcast_in_dim3A_34 = arith.constant 3 : i32
      %broadcast_in_dim3A_35 = vector.broadcast %broadcast_in_dim3A_34 : i32 to vector<16xi32>
      %gather3A_36 = tpu.vector_load_idx %arg26[%broadcast_in_dim3A_35, %broadcast_in_dim3A_28] : memref<8x16xf32, #tpu.memory_space<vmem>>[vector<16xi32>, vector<16xi32>], vector<16xf32>,
      %mul3A = arith.constant 100000 : i32
      %mul3A_37 = arith.muli %arg1, %mul3A : i32
      %scan3A = arith.constant 0 : i32
      %scan3A_38 = arith.constant 125 : i32
      %scan3A_39 = arith.addi %scan3A, %scan3A_38 : i32
      %scan3A_40 = arith.constant 1 : i32
      scf.for %scan3A_42 = %scan3A to %scan3A_39 step %scan3A_40  : i32 {
        %mul3A_43 = arith.constant 800 : i32
        %mul3A_44 = arith.muli %scan3A_42, %mul3A_43 : i32
        %add3A = arith.constant 0 : i32
        %add3A_45 = arith.addi %add3A, %mul3A_44 : i32
        %add3A_46 = arith.addi %mul3A_37, %add3A_45 : i32
        "tpu.region"() ({
          %run_scoped3A = tpu.sem_alloc : memref<!tpu.dma_semaphore, #tpu.memory_space<semaphore_mem>>
          %dma_start3A_64 = tpu.memref_slice %arg2[%add3A_46] : memref<1600000xi32, #tpu.memory_space<hbm>> -> memref<800xi32, #tpu.memory_space<hbm>>
          %dma_start3A_65 = tpu.memref_slice %arg2[%add3A_46] : memref<1600000xi32, #tpu.memory_space<hbm>> -> memref<800xi32, #tpu.memory_space<hbm>>
          tpu.enqueue_dma source(%dma_start3A_65 : memref<800xi32, #tpu.memory_space<hbm>>) target(%arg16 : memref<800xi32, #tpu.memory_space<vmem>>) target_semaphore(%run_scoped3A : memref<!tpu.dma_semaphore, #tpu.memory_space<semaphore_mem>>)
          %dma_wait3A_66 = tpu.memref_slice %arg2[%add3A_46] : memref<1600000xi32, #tpu.memory_space<hbm>> -> memref<800xi32, #tpu.memory_space<hbm>>
          %dma_wait3A_67 = tpu.memref_slice %arg2[%add3A_46] : memref<1600000xi32, #tpu.memory_space<hbm>> -> memref<800xi32, #tpu.memory_space<hbm>>
          tpu.wait_dma2 semaphore(%run_scoped3A : memref<!tpu.dma_semaphore, #tpu.memory_space<semaphore_mem>>) src(%dma_wait3A_67 : memref<800xi32, #tpu.memory_space<hbm>>) dst(%arg16 : memref<800xi32, #tpu.memory_space<vmem>>)
          tpu.yield
        }) : () -> ()
        "tpu.region"() ({
          %run_scoped3A = tpu.sem_alloc : memref<!tpu.dma_semaphore, #tpu.memory_space<semaphore_mem>>
          %dma_start3A_64 = tpu.memref_slice %arg3[%add3A_46] : memref<1600000xi32, #tpu.memory_space<hbm>> -> memref<800xi32, #tpu.memory_space<hbm>>
          %dma_start3A_65 = tpu.memref_slice %arg3[%add3A_46] : memref<1600000xi32, #tpu.memory_space<hbm>> -> memref<800xi32, #tpu.memory_space<hbm>>
          tpu.enqueue_dma source(%dma_start3A_65 : memref<800xi32, #tpu.memory_space<hbm>>) target(%arg17 : memref<800xi32, #tpu.memory_space<vmem>>) target_semaphore(%run_scoped3A : memref<!tpu.dma_semaphore, #tpu.memory_space<semaphore_mem>>)
          %dma_wait3A_66 = tpu.memref_slice %arg3[%add3A_46] : memref<1600000xi32, #tpu.memory_space<hbm>> -> memref<800xi32, #tpu.memory_space<hbm>>
          %dma_wait3A_67 = tpu.memref_slice %arg3[%add3A_46] : memref<1600000xi32, #tpu.memory_space<hbm>> -> memref<800xi32, #tpu.memory_space<hbm>>
          tpu.wait_dma2 semaphore(%run_scoped3A : memref<!tpu.dma_semaphore, #tpu.memory_space<semaphore_mem>>) src(%dma_wait3A_67 : memref<800xi32, #tpu.memory_space<hbm>>) dst(%arg17 : memref<800xi32, #tpu.memory_space<vmem>>)
          tpu.yield
        }) : () -> ()
        "tpu.region"() ({
          %run_scoped3A = tpu.sem_alloc : memref<!tpu.dma_semaphore, #tpu.memory_space<semaphore_mem>>
          %dma_start3A_64 = tpu.memref_slice %arg4[%add3A_46] : memref<1600000xi32, #tpu.memory_space<hbm>> -> memref<800xi32, #tpu.memory_space<hbm>>
          %dma_start3A_65 = tpu.memref_slice %arg4[%add3A_46] : memref<1600000xi32, #tpu.memory_space<hbm>> -> memref<800xi32, #tpu.memory_space<hbm>>
          tpu.enqueue_dma source(%dma_start3A_65 : memref<800xi32, #tpu.memory_space<hbm>>) target(%arg18 : memref<800xi32, #tpu.memory_space<vmem>>) target_semaphore(%run_scoped3A : memref<!tpu.dma_semaphore, #tpu.memory_space<semaphore_mem>>)
          %dma_wait3A_66 = tpu.memref_slice %arg4[%add3A_46] : memref<1600000xi32, #tpu.memory_space<hbm>> -> memref<800xi32, #tpu.memory_space<hbm>>
          %dma_wait3A_67 = tpu.memref_slice %arg4[%add3A_46] : memref<1600000xi32, #tpu.memory_space<hbm>> -> memref<800xi32, #tpu.memory_space<hbm>>
          tpu.wait_dma2 semaphore(%run_scoped3A : memref<!tpu.dma_semaphore, #tpu.memory_space<semaphore_mem>>) src(%dma_wait3A_67 : memref<800xi32, #tpu.memory_space<hbm>>) dst(%arg18 : memref<800xi32, #tpu.memory_space<vmem>>)
          tpu.yield
        }) : () -> ()
        "tpu.region"() ({
          %run_scoped3A = tpu.sem_alloc : memref<!tpu.dma_semaphore, #tpu.memory_space<semaphore_mem>>
          %dma_start3A_64 = tpu.memref_slice %arg5[%add3A_46] : memref<1600000xf32, #tpu.memory_space<hbm>> -> memref<800xf32, #tpu.memory_space<hbm>>
          %dma_start3A_65 = tpu.memref_slice %arg5[%add3A_46] : memref<1600000xf32, #tpu.memory_space<hbm>> -> memref<800xf32, #tpu.memory_space<hbm>>
          tpu.enqueue_dma source(%dma_start3A_65 : memref<800xf32, #tpu.memory_space<hbm>>) target(%arg19 : memref<800xf32, #tpu.memory_space<vmem>>) target_semaphore(%run_scoped3A : memref<!tpu.dma_semaphore, #tpu.memory_space<semaphore_mem>>)
          %dma_wait3A_66 = tpu.memref_slice %arg5[%add3A_46] : memref<1600000xf32, #tpu.memory_space<hbm>> -> memref<800xf32, #tpu.memory_space<hbm>>
          %dma_wait3A_67 = tpu.memref_slice %arg5[%add3A_46] : memref<1600000xf32, #tpu.memory_space<hbm>> -> memref<800xf32, #tpu.memory_space<hbm>>
          tpu.wait_dma2 semaphore(%run_scoped3A : memref<!tpu.dma_semaphore, #tpu.memory_space<semaphore_mem>>) src(%dma_wait3A_67 : memref<800xf32, #tpu.memory_space<hbm>>) dst(%arg19 : memref<800xf32, #tpu.memory_space<vmem>>)
          tpu.yield
        }) : () -> ()
        "tpu.region"() ({
          %run_scoped3A = tpu.sem_alloc : memref<!tpu.dma_semaphore, #tpu.memory_space<semaphore_mem>>
          %dma_start3A_64 = tpu.memref_slice %arg6[%add3A_46] : memref<1600000xf32, #tpu.memory_space<hbm>> -> memref<800xf32, #tpu.memory_space<hbm>>
          %dma_start3A_65 = tpu.memref_slice %arg6[%add3A_46] : memref<1600000xf32, #tpu.memory_space<hbm>> -> memref<800xf32, #tpu.memory_space<hbm>>
          tpu.enqueue_dma source(%dma_start3A_65 : memref<800xf32, #tpu.memory_space<hbm>>) target(%arg20 : memref<800xf32, #tpu.memory_space<vmem>>) target_semaphore(%run_scoped3A : memref<!tpu.dma_semaphore, #tpu.memory_space<semaphore_mem>>)
          %dma_wait3A_66 = tpu.memref_slice %arg6[%add3A_46] : memref<1600000xf32, #tpu.memory_space<hbm>> -> memref<800xf32, #tpu.memory_space<hbm>>
          %dma_wait3A_67 = tpu.memref_slice %arg6[%add3A_46] : memref<1600000xf32, #tpu.memory_space<hbm>> -> memref<800xf32, #tpu.memory_space<hbm>>
          tpu.wait_dma2 semaphore(%run_scoped3A : memref<!tpu.dma_semaphore, #tpu.memory_space<semaphore_mem>>) src(%dma_wait3A_67 : memref<800xf32, #tpu.memory_space<hbm>>) dst(%arg20 : memref<800xf32, #tpu.memory_space<vmem>>)
          tpu.yield
        }) : () -> ()
        "tpu.region"() ({
          %run_scoped3A = tpu.sem_alloc : memref<!tpu.dma_semaphore, #tpu.memory_space<semaphore_mem>>
          %dma_start3A_64 = tpu.memref_slice %arg7[%add3A_46] : memref<1600000xf32, #tpu.memory_space<hbm>> -> memref<800xf32, #tpu.memory_space<hbm>>
          %dma_start3A_65 = tpu.memref_slice %arg7[%add3A_46] : memref<1600000xf32, #tpu.memory_space<hbm>> -> memref<800xf32, #tpu.memory_space<hbm>>
          tpu.enqueue_dma source(%dma_start3A_65 : memref<800xf32, #tpu.memory_space<hbm>>) target(%arg21 : memref<800xf32, #tpu.memory_space<vmem>>) target_semaphore(%run_scoped3A : memref<!tpu.dma_semaphore, #tpu.memory_space<semaphore_mem>>)
          %dma_wait3A_66 = tpu.memref_slice %arg7[%add3A_46] : memref<1600000xf32, #tpu.memory_space<hbm>> -> memref<800xf32, #tpu.memory_space<hbm>>
          %dma_wait3A_67 = tpu.memref_slice %arg7[%add3A_46] : memref<1600000xf32, #tpu.memory_space<hbm>> -> memref<800xf32, #tpu.memory_space<hbm>>
          tpu.wait_dma2 semaphore(%run_scoped3A : memref<!tpu.dma_semaphore, #tpu.memory_space<semaphore_mem>>) src(%dma_wait3A_67 : memref<800xf32, #tpu.memory_space<hbm>>) dst(%arg21 : memref<800xf32, #tpu.memory_space<vmem>>)
          tpu.yield
        }) : () -> ()
        %dma_start3A = arith.constant 0 : i32
        %dma_start3A_47 = tpu.memref_slice %arg8[%dma_start3A] : memref<102400xf32, #tpu.memory_space<hbm>> -> memref<102400xf32, #tpu.memory_space<hbm>>
        tpu.enqueue_indirect_dma source(%dma_start3A_47 : memref<102400xf32, #tpu.memory_space<hbm>>) target(%arg22 : memref<800xf32, #tpu.memory_space<vmem>>) offsets(%arg16 : memref<800xi32, #tpu.memory_space<vmem>>) semaphore(%arg27 : memref<!tpu.dma_semaphore, #tpu.memory_space<semaphore_mem>>)
        %dma_start3A_48 = arith.constant 0 : i32
        %dma_start3A_49 = tpu.memref_slice %arg9[%dma_start3A_48] : memref<102400xf32, #tpu.memory_space<hbm>> -> memref<102400xf32, #tpu.memory_space<hbm>>
        tpu.enqueue_indirect_dma source(%dma_start3A_49 : memref<102400xf32, #tpu.memory_space<hbm>>) target(%arg23 : memref<800xf32, #tpu.memory_space<vmem>>) offsets(%arg17 : memref<800xi32, #tpu.memory_space<vmem>>) semaphore(%arg28 : memref<!tpu.dma_semaphore, #tpu.memory_space<semaphore_mem>>)
        %dma_start3A_50 = arith.constant 0 : i32
        %dma_start3A_51 = arith.constant 0 : i32
        %dma_start3A_52 = tpu.memref_slice %arg10[%dma_start3A_50, %dma_start3A_51] : memref<102400x16xf32, #tpu.memory_space<hbm>> -> memref<102400x16xf32, #tpu.memory_space<hbm>>
        tpu.enqueue_indirect_dma source(%dma_start3A_52 : memref<102400x16xf32, #tpu.memory_space<hbm>>) target(%arg25 : memref<800x16xf32, #tpu.memory_space<vmem>>) offsets(%arg16 : memref<800xi32, #tpu.memory_space<vmem>>) semaphore(%arg29 : memref<!tpu.dma_semaphore, #tpu.memory_space<semaphore_mem>>)
        %dma_wait3A = arith.constant 0 : i32
        %dma_wait3A_53 = tpu.memref_slice %arg8[%dma_wait3A] : memref<102400xf32, #tpu.memory_space<hbm>> -> memref<102400xf32, #tpu.memory_space<hbm>>
        tpu.wait_indirect_dma semaphore(%arg27 : memref<!tpu.dma_semaphore, #tpu.memory_space<semaphore_mem>>) src(%dma_wait3A_53 : memref<102400xf32, #tpu.memory_space<hbm>>) dst(%arg22 : memref<800xf32, #tpu.memory_space<vmem>>)
        %dma_wait3A_54 = arith.constant 0 : i32
        %dma_wait3A_55 = tpu.memref_slice %arg9[%dma_wait3A_54] : memref<102400xf32, #tpu.memory_space<hbm>> -> memref<102400xf32, #tpu.memory_space<hbm>>
        tpu.wait_indirect_dma semaphore(%arg28 : memref<!tpu.dma_semaphore, #tpu.memory_space<semaphore_mem>>) src(%dma_wait3A_55 : memref<102400xf32, #tpu.memory_space<hbm>>) dst(%arg23 : memref<800xf32, #tpu.memory_space<vmem>>)
        %dma_wait3A_56 = arith.constant 0 : i32
        %dma_wait3A_57 = arith.constant 0 : i32
        %dma_wait3A_58 = tpu.memref_slice %arg10[%dma_wait3A_56, %dma_wait3A_57] : memref<102400x16xf32, #tpu.memory_space<hbm>> -> memref<102400x16xf32, #tpu.memory_space<hbm>>
        tpu.wait_indirect_dma semaphore(%arg29 : memref<!tpu.dma_semaphore, #tpu.memory_space<semaphore_mem>>) src(%dma_wait3A_58 : memref<102400x16xf32, #tpu.memory_space<hbm>>) dst(%arg25 : memref<800x16xf32, #tpu.memory_space<vmem>>)
        %scan3A_59 = arith.constant 0 : i32
        %scan3A_60 = arith.constant 50 : i32
        %scan3A_61 = arith.addi %scan3A_59, %scan3A_60 : i32
        %scan3A_62 = arith.constant 1 : i32
        scf.for %scan3A_64 = %scan3A_59 to %scan3A_61 step %scan3A_62  : i32 {
          %mul3A_65 = arith.constant 16 : i32
          %mul3A_66 = arith.muli %scan3A_64, %mul3A_65 : i32
          %add3A_67 = arith.constant 0 : i32
          %add3A_68 = arith.addi %add3A_67, %mul3A_66 : i32
          %get3A = arith.index_cast %add3A_68 : i32 to index
          %get3A_69 = tpu.vector_load %arg18[%get3A] {strides = array<i32>} : memref<800xi32, #tpu.memory_space<vmem>>, vector<16xi32>,
          %gather3A_70 = tpu.vector_load_idx %arg26[%broadcast_in_dim3A_28, %get3A_69] : memref<8x16xf32, #tpu.memory_space<vmem>>[vector<16xi32>, vector<16xi32>], vector<16xf32>,
          %get3A_71 = arith.index_cast %add3A_68 : i32 to index
          %get3A_72 = tpu.vector_load %arg22[%get3A_71] {strides = array<i32>} : memref<800xf32, #tpu.memory_space<vmem>>, vector<16xf32>,
          %get3A_73 = arith.index_cast %add3A_68 : i32 to index
          %get3A_74 = tpu.vector_load %arg23[%get3A_73] {strides = array<i32>} : memref<800xf32, #tpu.memory_space<vmem>>, vector<16xf32>,
          %add3A_75 = arith.addf %get3A_72, %get3A_74 : vector<16xf32>
          %add3A_76 = arith.addf %add3A_75, %gather3A_70 : vector<16xf32>
          %get3A_77 = arith.index_cast %add3A_68 : i32 to index
          %get3A_78 = tpu.vector_load %arg19[%get3A_77] {strides = array<i32>} : memref<800xf32, #tpu.memory_space<vmem>>, vector<16xf32>,
          %mul3A_79 = arith.mulf %get3A_78, %gather3A : vector<16xf32>
          %add3A_80 = arith.addf %add3A_76, %mul3A_79 : vector<16xf32>
          %get3A_81 = arith.index_cast %add3A_68 : i32 to index
          %get3A_82 = tpu.vector_load %arg20[%get3A_81] {strides = array<i32>} : memref<800xf32, #tpu.memory_space<vmem>>, vector<16xf32>,
          %mul3A_83 = arith.mulf %get3A_82, %gather3A_33 : vector<16xf32>
          %add3A_84 = arith.addf %add3A_80, %mul3A_83 : vector<16xf32>
          %get3A_85 = arith.index_cast %add3A_68 : i32 to index
          %get3A_86 = tpu.vector_load %arg21[%get3A_85] {strides = array<i32>} : memref<800xf32, #tpu.memory_space<vmem>>, vector<16xf32>,
          %mul3A_87 = arith.mulf %get3A_86, %gather3A_36 : vector<16xf32>
          %add3A_88 = arith.addf %add3A_84, %mul3A_87 : vector<16xf32>
          %mul3A_89 = arith.constant 2.000000e-01 : f32
          %mul3A_90 = vector.broadcast %mul3A_89 : f32 to vector<16xf32>
          %mul3A_91 = arith.mulf %mul3A_90, %add3A_88 : vector<16xf32>
          %max3A = arith.maximumf %add3A_88, %mul3A_91 : vector<16xf32>
          %exp3A = math.exp %max3A : vector<16xf32>
          %swap3A = arith.index_cast %add3A_68 : i32 to index
          %swap3A_92 = tpu.vector_load %arg24[%swap3A] {strides = array<i32>} : memref<800xf32, #tpu.memory_space<vmem>>, vector<16xf32>,
          tpu.vector_store %arg24[%swap3A], %exp3A {strides = array<i32>} : memref<800xf32, #tpu.memory_space<vmem>>, vector<16xf32>,
          %add3A_93 = arith.constant 0 : i32
          %add3A_94 = arith.addi %add3A_68, %add3A_93 : i32
          %broadcast_in_dim3A_95 = vector.broadcast %add3A_94 : i32 to vector<16xi32>
          %gather3A_96 = tpu.vector_load_idx %arg24[%broadcast_in_dim3A_95] : memref<800xf32, #tpu.memory_space<vmem>>[vector<16xi32>], vector<16xf32>,
          %add3A_97 = arith.constant 0 : i32
          %add3A_98 = arith.addi %add3A_68, %add3A_97 : i32
          %get3A_99 = arith.index_cast %add3A_98 : i32 to index
          %get3A_100 = arith.constant 0 : index
          %get3A_101 = tpu.vector_load %arg25[%get3A_99, %get3A_100] {strides = array<i32>} : memref<800x16xf32, #tpu.memory_space<vmem>>, vector<16xf32>,
          %mul3A_102 = arith.mulf %get3A_101, %gather3A_96 : vector<16xf32>
          %add3A_103 = arith.constant 0 : i32
          %add3A_104 = arith.addi %add3A_68, %add3A_103 : i32
          %swap3A_105 = arith.index_cast %add3A_104 : i32 to index
          %swap3A_106 = arith.constant 0 : index
          %swap3A_107 = tpu.vector_load %arg25[%swap3A_105, %swap3A_106] {strides = array<i32>} : memref<800x16xf32, #tpu.memory_space<vmem>>, vector<16xf32>,
          tpu.vector_store %arg25[%swap3A_105, %swap3A_106], %mul3A_102 {strides = array<i32>} : memref<800x16xf32, #tpu.memory_space<vmem>>, vector<16xf32>,
          %add3A_108 = arith.constant 1 : i32
          %add3A_109 = arith.addi %add3A_68, %add3A_108 : i32
          %broadcast_in_dim3A_110 = vector.broadcast %add3A_109 : i32 to vector<16xi32>
          %gather3A_111 = tpu.vector_load_idx %arg24[%broadcast_in_dim3A_110] : memref<800xf32, #tpu.memory_space<vmem>>[vector<16xi32>], vector<16xf32>,
          %add3A_112 = arith.constant 1 : i32
          %add3A_113 = arith.addi %add3A_68, %add3A_112 : i32
          %get3A_114 = arith.index_cast %add3A_113 : i32 to index
          %get3A_115 = arith.constant 0 : index
          %get3A_116 = tpu.vector_load %arg25[%get3A_114, %get3A_115] {strides = array<i32>} : memref<800x16xf32, #tpu.memory_space<vmem>>, vector<16xf32>,
          %mul3A_117 = arith.mulf %get3A_116, %gather3A_111 : vector<16xf32>
          %add3A_118 = arith.constant 1 : i32
          %add3A_119 = arith.addi %add3A_68, %add3A_118 : i32
          %swap3A_120 = arith.index_cast %add3A_119 : i32 to index
          %swap3A_121 = arith.constant 0 : index
          %swap3A_122 = tpu.vector_load %arg25[%swap3A_120, %swap3A_121] {strides = array<i32>} : memref<800x16xf32, #tpu.memory_space<vmem>>, vector<16xf32>,
          tpu.vector_store %arg25[%swap3A_120, %swap3A_121], %mul3A_117 {strides = array<i32>} : memref<800x16xf32, #tpu.memory_space<vmem>>, vector<16xf32>,
          %add3A_123 = arith.constant 2 : i32
          %add3A_124 = arith.addi %add3A_68, %add3A_123 : i32
          %broadcast_in_dim3A_125 = vector.broadcast %add3A_124 : i32 to vector<16xi32>
          %gather3A_126 = tpu.vector_load_idx %arg24[%broadcast_in_dim3A_125] : memref<800xf32, #tpu.memory_space<vmem>>[vector<16xi32>], vector<16xf32>,
          %add3A_127 = arith.constant 2 : i32
          %add3A_128 = arith.addi %add3A_68, %add3A_127 : i32
          %get3A_129 = arith.index_cast %add3A_128 : i32 to index
          %get3A_130 = arith.constant 0 : index
          %get3A_131 = tpu.vector_load %arg25[%get3A_129, %get3A_130] {strides = array<i32>} : memref<800x16xf32, #tpu.memory_space<vmem>>, vector<16xf32>,
          %mul3A_132 = arith.mulf %get3A_131, %gather3A_126 : vector<16xf32>
          %add3A_133 = arith.constant 2 : i32
          %add3A_134 = arith.addi %add3A_68, %add3A_133 : i32
          %swap3A_135 = arith.index_cast %add3A_134 : i32 to index
          %swap3A_136 = arith.constant 0 : index
          %swap3A_137 = tpu.vector_load %arg25[%swap3A_135, %swap3A_136] {strides = array<i32>} : memref<800x16xf32, #tpu.memory_space<vmem>>, vector<16xf32>,
          tpu.vector_store %arg25[%swap3A_135, %swap3A_136], %mul3A_132 {strides = array<i32>} : memref<800x16xf32, #tpu.memory_space<vmem>>, vector<16xf32>,
          %add3A_138 = arith.constant 3 : i32
          %add3A_139 = arith.addi %add3A_68, %add3A_138 : i32
          %broadcast_in_dim3A_140 = vector.broadcast %add3A_139 : i32 to vector<16xi32>
          %gather3A_141 = tpu.vector_load_idx %arg24[%broadcast_in_dim3A_140] : memref<800xf32, #tpu.memory_space<vmem>>[vector<16xi32>], vector<16xf32>,
          %add3A_142 = arith.constant 3 : i32
          %add3A_143 = arith.addi %add3A_68, %add3A_142 : i32
          %get3A_144 = arith.index_cast %add3A_143 : i32 to index
          %get3A_145 = arith.constant 0 : index
          %get3A_146 = tpu.vector_load %arg25[%get3A_144, %get3A_145] {strides = array<i32>} : memref<800x16xf32, #tpu.memory_space<vmem>>, vector<16xf32>,
          %mul3A_147 = arith.mulf %get3A_146, %gather3A_141 : vector<16xf32>
          %add3A_148 = arith.constant 3 : i32
          %add3A_149 = arith.addi %add3A_68, %add3A_148 : i32
          %swap3A_150 = arith.index_cast %add3A_149 : i32 to index
          %swap3A_151 = arith.constant 0 : index
          %swap3A_152 = tpu.vector_load %arg25[%swap3A_150, %swap3A_151] {strides = array<i32>} : memref<800x16xf32, #tpu.memory_space<vmem>>, vector<16xf32>,
          tpu.vector_store %arg25[%swap3A_150, %swap3A_151], %mul3A_147 {strides = array<i32>} : memref<800x16xf32, #tpu.memory_space<vmem>>, vector<16xf32>,
          %add3A_153 = arith.constant 4 : i32
          %add3A_154 = arith.addi %add3A_68, %add3A_153 : i32
          %broadcast_in_dim3A_155 = vector.broadcast %add3A_154 : i32 to vector<16xi32>
          %gather3A_156 = tpu.vector_load_idx %arg24[%broadcast_in_dim3A_155] : memref<800xf32, #tpu.memory_space<vmem>>[vector<16xi32>], vector<16xf32>,
          %add3A_157 = arith.constant 4 : i32
          %add3A_158 = arith.addi %add3A_68, %add3A_157 : i32
          %get3A_159 = arith.index_cast %add3A_158 : i32 to index
          %get3A_160 = arith.constant 0 : index
          %get3A_161 = tpu.vector_load %arg25[%get3A_159, %get3A_160] {strides = array<i32>} : memref<800x16xf32, #tpu.memory_space<vmem>>, vector<16xf32>,
          %mul3A_162 = arith.mulf %get3A_161, %gather3A_156 : vector<16xf32>
          %add3A_163 = arith.constant 4 : i32
          %add3A_164 = arith.addi %add3A_68, %add3A_163 : i32
          %swap3A_165 = arith.index_cast %add3A_164 : i32 to index
          %swap3A_166 = arith.constant 0 : index
          %swap3A_167 = tpu.vector_load %arg25[%swap3A_165, %swap3A_166] {strides = array<i32>} : memref<800x16xf32, #tpu.memory_space<vmem>>, vector<16xf32>,
          tpu.vector_store %arg25[%swap3A_165, %swap3A_166], %mul3A_162 {strides = array<i32>} : memref<800x16xf32, #tpu.memory_space<vmem>>, vector<16xf32>,
          %add3A_168 = arith.constant 5 : i32
          %add3A_169 = arith.addi %add3A_68, %add3A_168 : i32
          %broadcast_in_dim3A_170 = vector.broadcast %add3A_169 : i32 to vector<16xi32>
          %gather3A_171 = tpu.vector_load_idx %arg24[%broadcast_in_dim3A_170] : memref<800xf32, #tpu.memory_space<vmem>>[vector<16xi32>], vector<16xf32>,
          %add3A_172 = arith.constant 5 : i32
          %add3A_173 = arith.addi %add3A_68, %add3A_172 : i32
          %get3A_174 = arith.index_cast %add3A_173 : i32 to index
          %get3A_175 = arith.constant 0 : index
          %get3A_176 = tpu.vector_load %arg25[%get3A_174, %get3A_175] {strides = array<i32>} : memref<800x16xf32, #tpu.memory_space<vmem>>, vector<16xf32>,
          %mul3A_177 = arith.mulf %get3A_176, %gather3A_171 : vector<16xf32>
          %add3A_178 = arith.constant 5 : i32
          %add3A_179 = arith.addi %add3A_68, %add3A_178 : i32
          %swap3A_180 = arith.index_cast %add3A_179 : i32 to index
          %swap3A_181 = arith.constant 0 : index
          %swap3A_182 = tpu.vector_load %arg25[%swap3A_180, %swap3A_181] {strides = array<i32>} : memref<800x16xf32, #tpu.memory_space<vmem>>, vector<16xf32>,
          tpu.vector_store %arg25[%swap3A_180, %swap3A_181], %mul3A_177 {strides = array<i32>} : memref<800x16xf32, #tpu.memory_space<vmem>>, vector<16xf32>,
          %add3A_183 = arith.constant 6 : i32
          %add3A_184 = arith.addi %add3A_68, %add3A_183 : i32
          %broadcast_in_dim3A_185 = vector.broadcast %add3A_184 : i32 to vector<16xi32>
          %gather3A_186 = tpu.vector_load_idx %arg24[%broadcast_in_dim3A_185] : memref<800xf32, #tpu.memory_space<vmem>>[vector<16xi32>], vector<16xf32>,
          %add3A_187 = arith.constant 6 : i32
          %add3A_188 = arith.addi %add3A_68, %add3A_187 : i32
          %get3A_189 = arith.index_cast %add3A_188 : i32 to index
          %get3A_190 = arith.constant 0 : index
          %get3A_191 = tpu.vector_load %arg25[%get3A_189, %get3A_190] {strides = array<i32>} : memref<800x16xf32, #tpu.memory_space<vmem>>, vector<16xf32>,
          %mul3A_192 = arith.mulf %get3A_191, %gather3A_186 : vector<16xf32>
          %add3A_193 = arith.constant 6 : i32
          %add3A_194 = arith.addi %add3A_68, %add3A_193 : i32
          %swap3A_195 = arith.index_cast %add3A_194 : i32 to index
          %swap3A_196 = arith.constant 0 : index
          %swap3A_197 = tpu.vector_load %arg25[%swap3A_195, %swap3A_196] {strides = array<i32>} : memref<800x16xf32, #tpu.memory_space<vmem>>, vector<16xf32>,
          tpu.vector_store %arg25[%swap3A_195, %swap3A_196], %mul3A_192 {strides = array<i32>} : memref<800x16xf32, #tpu.memory_space<vmem>>, vector<16xf32>,
          %add3A_198 = arith.constant 7 : i32
          %add3A_199 = arith.addi %add3A_68, %add3A_198 : i32
          %broadcast_in_dim3A_200 = vector.broadcast %add3A_199 : i32 to vector<16xi32>
          %gather3A_201 = tpu.vector_load_idx %arg24[%broadcast_in_dim3A_200] : memref<800xf32, #tpu.memory_space<vmem>>[vector<16xi32>], vector<16xf32>,
          %add3A_202 = arith.constant 7 : i32
          %add3A_203 = arith.addi %add3A_68, %add3A_202 : i32
          %get3A_204 = arith.index_cast %add3A_203 : i32 to index
          %get3A_205 = arith.constant 0 : index
          %get3A_206 = tpu.vector_load %arg25[%get3A_204, %get3A_205] {strides = array<i32>} : memref<800x16xf32, #tpu.memory_space<vmem>>, vector<16xf32>,
          %mul3A_207 = arith.mulf %get3A_206, %gather3A_201 : vector<16xf32>
          %add3A_208 = arith.constant 7 : i32
          %add3A_209 = arith.addi %add3A_68, %add3A_208 : i32
          %swap3A_210 = arith.index_cast %add3A_209 : i32 to index
          %swap3A_211 = arith.constant 0 : index
          %swap3A_212 = tpu.vector_load %arg25[%swap3A_210, %swap3A_211] {strides = array<i32>} : memref<800x16xf32, #tpu.memory_space<vmem>>, vector<16xf32>,
          tpu.vector_store %arg25[%swap3A_210, %swap3A_211], %mul3A_207 {strides = array<i32>} : memref<800x16xf32, #tpu.memory_space<vmem>>, vector<16xf32>,
          %add3A_213 = arith.constant 8 : i32
          %add3A_214 = arith.addi %add3A_68, %add3A_213 : i32
          %broadcast_in_dim3A_215 = vector.broadcast %add3A_214 : i32 to vector<16xi32>
          %gather3A_216 = tpu.vector_load_idx %arg24[%broadcast_in_dim3A_215] : memref<800xf32, #tpu.memory_space<vmem>>[vector<16xi32>], vector<16xf32>,
          %add3A_217 = arith.constant 8 : i32
          %add3A_218 = arith.addi %add3A_68, %add3A_217 : i32
          %get3A_219 = arith.index_cast %add3A_218 : i32 to index
          %get3A_220 = arith.constant 0 : index
          %get3A_221 = tpu.vector_load %arg25[%get3A_219, %get3A_220] {strides = array<i32>} : memref<800x16xf32, #tpu.memory_space<vmem>>, vector<16xf32>,
          %mul3A_222 = arith.mulf %get3A_221, %gather3A_216 : vector<16xf32>
          %add3A_223 = arith.constant 8 : i32
          %add3A_224 = arith.addi %add3A_68, %add3A_223 : i32
          %swap3A_225 = arith.index_cast %add3A_224 : i32 to index
          %swap3A_226 = arith.constant 0 : index
          %swap3A_227 = tpu.vector_load %arg25[%swap3A_225, %swap3A_226] {strides = array<i32>} : memref<800x16xf32, #tpu.memory_space<vmem>>, vector<16xf32>,
          tpu.vector_store %arg25[%swap3A_225, %swap3A_226], %mul3A_222 {strides = array<i32>} : memref<800x16xf32, #tpu.memory_space<vmem>>, vector<16xf32>,
          %add3A_228 = arith.constant 9 : i32
          %add3A_229 = arith.addi %add3A_68, %add3A_228 : i32
          %broadcast_in_dim3A_230 = vector.broadcast %add3A_229 : i32 to vector<16xi32>
          %gather3A_231 = tpu.vector_load_idx %arg24[%broadcast_in_dim3A_230] : memref<800xf32, #tpu.memory_space<vmem>>[vector<16xi32>], vector<16xf32>,
          %add3A_232 = arith.constant 9 : i32
          %add3A_233 = arith.addi %add3A_68, %add3A_232 : i32
          %get3A_234 = arith.index_cast %add3A_233 : i32 to index
          %get3A_235 = arith.constant 0 : index
          %get3A_236 = tpu.vector_load %arg25[%get3A_234, %get3A_235] {strides = array<i32>} : memref<800x16xf32, #tpu.memory_space<vmem>>, vector<16xf32>,
          %mul3A_237 = arith.mulf %get3A_236, %gather3A_231 : vector<16xf32>
          %add3A_238 = arith.constant 9 : i32
          %add3A_239 = arith.addi %add3A_68, %add3A_238 : i32
          %swap3A_240 = arith.index_cast %add3A_239 : i32 to index
          %swap3A_241 = arith.constant 0 : index
          %swap3A_242 = tpu.vector_load %arg25[%swap3A_240, %swap3A_241] {strides = array<i32>} : memref<800x16xf32, #tpu.memory_space<vmem>>, vector<16xf32>,
          tpu.vector_store %arg25[%swap3A_240, %swap3A_241], %mul3A_237 {strides = array<i32>} : memref<800x16xf32, #tpu.memory_space<vmem>>, vector<16xf32>,
          %add3A_243 = arith.constant 10 : i32
          %add3A_244 = arith.addi %add3A_68, %add3A_243 : i32
          %broadcast_in_dim3A_245 = vector.broadcast %add3A_244 : i32 to vector<16xi32>
          %gather3A_246 = tpu.vector_load_idx %arg24[%broadcast_in_dim3A_245] : memref<800xf32, #tpu.memory_space<vmem>>[vector<16xi32>], vector<16xf32>,
          %add3A_247 = arith.constant 10 : i32
          %add3A_248 = arith.addi %add3A_68, %add3A_247 : i32
          %get3A_249 = arith.index_cast %add3A_248 : i32 to index
          %get3A_250 = arith.constant 0 : index
          %get3A_251 = tpu.vector_load %arg25[%get3A_249, %get3A_250] {strides = array<i32>} : memref<800x16xf32, #tpu.memory_space<vmem>>, vector<16xf32>,
          %mul3A_252 = arith.mulf %get3A_251, %gather3A_246 : vector<16xf32>
          %add3A_253 = arith.constant 10 : i32
          %add3A_254 = arith.addi %add3A_68, %add3A_253 : i32
          %swap3A_255 = arith.index_cast %add3A_254 : i32 to index
          %swap3A_256 = arith.constant 0 : index
          %swap3A_257 = tpu.vector_load %arg25[%swap3A_255, %swap3A_256] {strides = array<i32>} : memref<800x16xf32, #tpu.memory_space<vmem>>, vector<16xf32>,
          tpu.vector_store %arg25[%swap3A_255, %swap3A_256], %mul3A_252 {strides = array<i32>} : memref<800x16xf32, #tpu.memory_space<vmem>>, vector<16xf32>,
          %add3A_258 = arith.constant 11 : i32
          %add3A_259 = arith.addi %add3A_68, %add3A_258 : i32
          %broadcast_in_dim3A_260 = vector.broadcast %add3A_259 : i32 to vector<16xi32>
          %gather3A_261 = tpu.vector_load_idx %arg24[%broadcast_in_dim3A_260] : memref<800xf32, #tpu.memory_space<vmem>>[vector<16xi32>], vector<16xf32>,
          %add3A_262 = arith.constant 11 : i32
          %add3A_263 = arith.addi %add3A_68, %add3A_262 : i32
          %get3A_264 = arith.index_cast %add3A_263 : i32 to index
          %get3A_265 = arith.constant 0 : index
          %get3A_266 = tpu.vector_load %arg25[%get3A_264, %get3A_265] {strides = array<i32>} : memref<800x16xf32, #tpu.memory_space<vmem>>, vector<16xf32>,
          %mul3A_267 = arith.mulf %get3A_266, %gather3A_261 : vector<16xf32>
          %add3A_268 = arith.constant 11 : i32
          %add3A_269 = arith.addi %add3A_68, %add3A_268 : i32
          %swap3A_270 = arith.index_cast %add3A_269 : i32 to index
          %swap3A_271 = arith.constant 0 : index
          %swap3A_272 = tpu.vector_load %arg25[%swap3A_270, %swap3A_271] {strides = array<i32>} : memref<800x16xf32, #tpu.memory_space<vmem>>, vector<16xf32>,
          tpu.vector_store %arg25[%swap3A_270, %swap3A_271], %mul3A_267 {strides = array<i32>} : memref<800x16xf32, #tpu.memory_space<vmem>>, vector<16xf32>,
          %add3A_273 = arith.constant 12 : i32
          %add3A_274 = arith.addi %add3A_68, %add3A_273 : i32
          %broadcast_in_dim3A_275 = vector.broadcast %add3A_274 : i32 to vector<16xi32>
          %gather3A_276 = tpu.vector_load_idx %arg24[%broadcast_in_dim3A_275] : memref<800xf32, #tpu.memory_space<vmem>>[vector<16xi32>], vector<16xf32>,
          %add3A_277 = arith.constant 12 : i32
          %add3A_278 = arith.addi %add3A_68, %add3A_277 : i32
          %get3A_279 = arith.index_cast %add3A_278 : i32 to index
          %get3A_280 = arith.constant 0 : index
          %get3A_281 = tpu.vector_load %arg25[%get3A_279, %get3A_280] {strides = array<i32>} : memref<800x16xf32, #tpu.memory_space<vmem>>, vector<16xf32>,
          %mul3A_282 = arith.mulf %get3A_281, %gather3A_276 : vector<16xf32>
          %add3A_283 = arith.constant 12 : i32
          %add3A_284 = arith.addi %add3A_68, %add3A_283 : i32
          %swap3A_285 = arith.index_cast %add3A_284 : i32 to index
          %swap3A_286 = arith.constant 0 : index
          %swap3A_287 = tpu.vector_load %arg25[%swap3A_285, %swap3A_286] {strides = array<i32>} : memref<800x16xf32, #tpu.memory_space<vmem>>, vector<16xf32>,
          tpu.vector_store %arg25[%swap3A_285, %swap3A_286], %mul3A_282 {strides = array<i32>} : memref<800x16xf32, #tpu.memory_space<vmem>>, vector<16xf32>,
          %add3A_288 = arith.constant 13 : i32
          %add3A_289 = arith.addi %add3A_68, %add3A_288 : i32
          %broadcast_in_dim3A_290 = vector.broadcast %add3A_289 : i32 to vector<16xi32>
          %gather3A_291 = tpu.vector_load_idx %arg24[%broadcast_in_dim3A_290] : memref<800xf32, #tpu.memory_space<vmem>>[vector<16xi32>], vector<16xf32>,
          %add3A_292 = arith.constant 13 : i32
          %add3A_293 = arith.addi %add3A_68, %add3A_292 : i32
          %get3A_294 = arith.index_cast %add3A_293 : i32 to index
          %get3A_295 = arith.constant 0 : index
          %get3A_296 = tpu.vector_load %arg25[%get3A_294, %get3A_295] {strides = array<i32>} : memref<800x16xf32, #tpu.memory_space<vmem>>, vector<16xf32>,
          %mul3A_297 = arith.mulf %get3A_296, %gather3A_291 : vector<16xf32>
          %add3A_298 = arith.constant 13 : i32
          %add3A_299 = arith.addi %add3A_68, %add3A_298 : i32
          %swap3A_300 = arith.index_cast %add3A_299 : i32 to index
          %swap3A_301 = arith.constant 0 : index
          %swap3A_302 = tpu.vector_load %arg25[%swap3A_300, %swap3A_301] {strides = array<i32>} : memref<800x16xf32, #tpu.memory_space<vmem>>, vector<16xf32>,
          tpu.vector_store %arg25[%swap3A_300, %swap3A_301], %mul3A_297 {strides = array<i32>} : memref<800x16xf32, #tpu.memory_space<vmem>>, vector<16xf32>,
          %add3A_303 = arith.constant 14 : i32
          %add3A_304 = arith.addi %add3A_68, %add3A_303 : i32
          %broadcast_in_dim3A_305 = vector.broadcast %add3A_304 : i32 to vector<16xi32>
          %gather3A_306 = tpu.vector_load_idx %arg24[%broadcast_in_dim3A_305] : memref<800xf32, #tpu.memory_space<vmem>>[vector<16xi32>], vector<16xf32>,
          %add3A_307 = arith.constant 14 : i32
          %add3A_308 = arith.addi %add3A_68, %add3A_307 : i32
          %get3A_309 = arith.index_cast %add3A_308 : i32 to index
          %get3A_310 = arith.constant 0 : index
          %get3A_311 = tpu.vector_load %arg25[%get3A_309, %get3A_310] {strides = array<i32>} : memref<800x16xf32, #tpu.memory_space<vmem>>, vector<16xf32>,
          %mul3A_312 = arith.mulf %get3A_311, %gather3A_306 : vector<16xf32>
          %add3A_313 = arith.constant 14 : i32
          %add3A_314 = arith.addi %add3A_68, %add3A_313 : i32
          %swap3A_315 = arith.index_cast %add3A_314 : i32 to index
          %swap3A_316 = arith.constant 0 : index
          %swap3A_317 = tpu.vector_load %arg25[%swap3A_315, %swap3A_316] {strides = array<i32>} : memref<800x16xf32, #tpu.memory_space<vmem>>, vector<16xf32>,
          tpu.vector_store %arg25[%swap3A_315, %swap3A_316], %mul3A_312 {strides = array<i32>} : memref<800x16xf32, #tpu.memory_space<vmem>>, vector<16xf32>,
          %add3A_318 = arith.constant 15 : i32
          %add3A_319 = arith.addi %add3A_68, %add3A_318 : i32
          %broadcast_in_dim3A_320 = vector.broadcast %add3A_319 : i32 to vector<16xi32>
          %gather3A_321 = tpu.vector_load_idx %arg24[%broadcast_in_dim3A_320] : memref<800xf32, #tpu.memory_space<vmem>>[vector<16xi32>], vector<16xf32>,
          %add3A_322 = arith.constant 15 : i32
          %add3A_323 = arith.addi %add3A_68, %add3A_322 : i32
          %get3A_324 = arith.index_cast %add3A_323 : i32 to index
          %get3A_325 = arith.constant 0 : index
          %get3A_326 = tpu.vector_load %arg25[%get3A_324, %get3A_325] {strides = array<i32>} : memref<800x16xf32, #tpu.memory_space<vmem>>, vector<16xf32>,
          %mul3A_327 = arith.mulf %get3A_326, %gather3A_321 : vector<16xf32>
          %add3A_328 = arith.constant 15 : i32
          %add3A_329 = arith.addi %add3A_68, %add3A_328 : i32
          %swap3A_330 = arith.index_cast %add3A_329 : i32 to index
          %swap3A_331 = arith.constant 0 : index
          %swap3A_332 = tpu.vector_load %arg25[%swap3A_330, %swap3A_331] {strides = array<i32>} : memref<800x16xf32, #tpu.memory_space<vmem>>, vector<16xf32>,
          tpu.vector_store %arg25[%swap3A_330, %swap3A_331], %mul3A_327 {strides = array<i32>} : memref<800x16xf32, #tpu.memory_space<vmem>>, vector<16xf32>,
        }
        %scan3A_63 = arith.constant 50 : i32
        "tpu.region"() ({
          %run_scoped3A = tpu.sem_alloc : memref<!tpu.dma_semaphore, #tpu.memory_space<semaphore_mem>>
          %dma_start3A_64 = arith.constant 0 : i32
          %dma_start3A_65 = arith.constant 0 : i32
          %dma_start3A_66 = tpu.memref_slice %arg30[%dma_start3A_64, %dma_start3A_65] : memref<102400x16xf32, #tpu.memory_space<vmem_shared>> -> memref<102400x16xf32, #tpu.memory_space<vmem_shared>>
          tpu.enqueue_indirect_dma source(%arg25 : memref<800x16xf32, #tpu.memory_space<vmem>>) target(%dma_start3A_66 : memref<102400x16xf32, #tpu.memory_space<vmem_shared>>) offsets(%arg17 : memref<800xi32, #tpu.memory_space<vmem>>) semaphore(%run_scoped3A : memref<!tpu.dma_semaphore, #tpu.memory_space<semaphore_mem>>) {add = true}
          %dma_wait3A_67 = arith.constant 0 : i32
          %dma_wait3A_68 = arith.constant 0 : i32
          %dma_wait3A_69 = tpu.memref_slice %arg30[%dma_wait3A_67, %dma_wait3A_68] : memref<102400x16xf32, #tpu.memory_space<vmem_shared>> -> memref<102400x16xf32, #tpu.memory_space<vmem_shared>>
          tpu.wait_indirect_dma semaphore(%run_scoped3A : memref<!tpu.dma_semaphore, #tpu.memory_space<semaphore_mem>>) src(%arg25 : memref<800x16xf32, #tpu.memory_space<vmem>>) dst(%dma_wait3A_69 : memref<102400x16xf32, #tpu.memory_space<vmem_shared>>)
          tpu.yield
        }) : () -> ()
        "tpu.region"() ({
          %run_scoped3A = tpu.sem_alloc : memref<!tpu.dma_semaphore, #tpu.memory_space<semaphore_mem>>
          %dma_start3A_64 = arith.constant 0 : i32
          %dma_start3A_65 = tpu.memref_slice %arg31[%dma_start3A_64] : memref<102400xf32, #tpu.memory_space<vmem_shared>> -> memref<102400xf32, #tpu.memory_space<vmem_shared>>
          tpu.enqueue_indirect_dma source(%arg24 : memref<800xf32, #tpu.memory_space<vmem>>) target(%dma_start3A_65 : memref<102400xf32, #tpu.memory_space<vmem_shared>>) offsets(%arg17 : memref<800xi32, #tpu.memory_space<vmem>>) semaphore(%run_scoped3A : memref<!tpu.dma_semaphore, #tpu.memory_space<semaphore_mem>>) {add = true}
          %dma_wait3A_66 = arith.constant 0 : i32
          %dma_wait3A_67 = tpu.memref_slice %arg31[%dma_wait3A_66] : memref<102400xf32, #tpu.memory_space<vmem_shared>> -> memref<102400xf32, #tpu.memory_space<vmem_shared>>
          tpu.wait_indirect_dma semaphore(%run_scoped3A : memref<!tpu.dma_semaphore, #tpu.memory_space<semaphore_mem>>) src(%arg24 : memref<800xf32, #tpu.memory_space<vmem>>) dst(%dma_wait3A_67 : memref<102400xf32, #tpu.memory_space<vmem_shared>>)
          tpu.yield
        }) : () -> ()
      }
      %scan3A_41 = arith.constant 125 : i32
    } else {
    }
    %eq3A_12 = arith.constant 1 : i32
    %eq3A_13 = arith.cmpi eq, %arg0, %eq3A_12 : i32
    %convert_element_type3A_14 = arith.extui %eq3A_13 : i1 to i32
    %cond3A_15 = arith.constant 0 : i32
    %cond3A_16 = arith.cmpi ne, %convert_element_type3A_14, %cond3A_15 : i32
    scf.if %cond3A_16 {
      %broadcast_in_dim3A = arith.constant 0 : i32
      %broadcast_in_dim3A_28 = vector.broadcast %broadcast_in_dim3A : i32 to vector<16xi32>
      %broadcast_in_dim3A_29 = arith.constant 1 : i32
      %broadcast_in_dim3A_30 = vector.broadcast %broadcast_in_dim3A_29 : i32 to vector<16xi32>
      %gather3A = tpu.vector_load_idx %arg26[%broadcast_in_dim3A_30, %broadcast_in_dim3A_28] : memref<8x16xf32, #tpu.memory_space<vmem>>[vector<16xi32>, vector<16xi32>], vector<16xf32>,
      %broadcast_in_dim3A_31 = arith.constant 2 : i32
      %broadcast_in_dim3A_32 = vector.broadcast %broadcast_in_dim3A_31 : i32 to vector<16xi32>
      %gather3A_33 = tpu.vector_load_idx %arg26[%broadcast_in_dim3A_32, %broadcast_in_dim3A_28] : memref<8x16xf32, #tpu.memory_space<vmem>>[vector<16xi32>, vector<16xi32>], vector<16xf32>,
      %broadcast_in_dim3A_34 = arith.constant 3 : i32
      %broadcast_in_dim3A_35 = vector.broadcast %broadcast_in_dim3A_34 : i32 to vector<16xi32>
      %gather3A_36 = tpu.vector_load_idx %arg26[%broadcast_in_dim3A_35, %broadcast_in_dim3A_28] : memref<8x16xf32, #tpu.memory_space<vmem>>[vector<16xi32>, vector<16xi32>], vector<16xf32>,
      %mul3A = arith.constant 100000 : i32
      %mul3A_37 = arith.muli %arg1, %mul3A : i32
      %scan3A = arith.constant 0 : i32
      %scan3A_38 = arith.constant 125 : i32
      %scan3A_39 = arith.addi %scan3A, %scan3A_38 : i32
      %scan3A_40 = arith.constant 1 : i32
      scf.for %scan3A_42 = %scan3A to %scan3A_39 step %scan3A_40  : i32 {
        %mul3A_43 = arith.constant 800 : i32
        %mul3A_44 = arith.muli %scan3A_42, %mul3A_43 : i32
        %add3A = arith.constant 0 : i32
        %add3A_45 = arith.addi %add3A, %mul3A_44 : i32
        %add3A_46 = arith.addi %mul3A_37, %add3A_45 : i32
        "tpu.region"() ({
          %run_scoped3A = tpu.sem_alloc : memref<!tpu.dma_semaphore, #tpu.memory_space<semaphore_mem>>
          %dma_start3A_64 = tpu.memref_slice %arg2[%add3A_46] : memref<1600000xi32, #tpu.memory_space<hbm>> -> memref<800xi32, #tpu.memory_space<hbm>>
          %dma_start3A_65 = tpu.memref_slice %arg2[%add3A_46] : memref<1600000xi32, #tpu.memory_space<hbm>> -> memref<800xi32, #tpu.memory_space<hbm>>
          tpu.enqueue_dma source(%dma_start3A_65 : memref<800xi32, #tpu.memory_space<hbm>>) target(%arg16 : memref<800xi32, #tpu.memory_space<vmem>>) target_semaphore(%run_scoped3A : memref<!tpu.dma_semaphore, #tpu.memory_space<semaphore_mem>>)
          %dma_wait3A_66 = tpu.memref_slice %arg2[%add3A_46] : memref<1600000xi32, #tpu.memory_space<hbm>> -> memref<800xi32, #tpu.memory_space<hbm>>
          %dma_wait3A_67 = tpu.memref_slice %arg2[%add3A_46] : memref<1600000xi32, #tpu.memory_space<hbm>> -> memref<800xi32, #tpu.memory_space<hbm>>
          tpu.wait_dma2 semaphore(%run_scoped3A : memref<!tpu.dma_semaphore, #tpu.memory_space<semaphore_mem>>) src(%dma_wait3A_67 : memref<800xi32, #tpu.memory_space<hbm>>) dst(%arg16 : memref<800xi32, #tpu.memory_space<vmem>>)
          tpu.yield
        }) : () -> ()
        "tpu.region"() ({
          %run_scoped3A = tpu.sem_alloc : memref<!tpu.dma_semaphore, #tpu.memory_space<semaphore_mem>>
          %dma_start3A_64 = tpu.memref_slice %arg3[%add3A_46] : memref<1600000xi32, #tpu.memory_space<hbm>> -> memref<800xi32, #tpu.memory_space<hbm>>
          %dma_start3A_65 = tpu.memref_slice %arg3[%add3A_46] : memref<1600000xi32, #tpu.memory_space<hbm>> -> memref<800xi32, #tpu.memory_space<hbm>>
          tpu.enqueue_dma source(%dma_start3A_65 : memref<800xi32, #tpu.memory_space<hbm>>) target(%arg17 : memref<800xi32, #tpu.memory_space<vmem>>) target_semaphore(%run_scoped3A : memref<!tpu.dma_semaphore, #tpu.memory_space<semaphore_mem>>)
          %dma_wait3A_66 = tpu.memref_slice %arg3[%add3A_46] : memref<1600000xi32, #tpu.memory_space<hbm>> -> memref<800xi32, #tpu.memory_space<hbm>>
          %dma_wait3A_67 = tpu.memref_slice %arg3[%add3A_46] : memref<1600000xi32, #tpu.memory_space<hbm>> -> memref<800xi32, #tpu.memory_space<hbm>>
          tpu.wait_dma2 semaphore(%run_scoped3A : memref<!tpu.dma_semaphore, #tpu.memory_space<semaphore_mem>>) src(%dma_wait3A_67 : memref<800xi32, #tpu.memory_space<hbm>>) dst(%arg17 : memref<800xi32, #tpu.memory_space<vmem>>)
          tpu.yield
        }) : () -> ()
        "tpu.region"() ({
          %run_scoped3A = tpu.sem_alloc : memref<!tpu.dma_semaphore, #tpu.memory_space<semaphore_mem>>
          %dma_start3A_64 = tpu.memref_slice %arg4[%add3A_46] : memref<1600000xi32, #tpu.memory_space<hbm>> -> memref<800xi32, #tpu.memory_space<hbm>>
          %dma_start3A_65 = tpu.memref_slice %arg4[%add3A_46] : memref<1600000xi32, #tpu.memory_space<hbm>> -> memref<800xi32, #tpu.memory_space<hbm>>
          tpu.enqueue_dma source(%dma_start3A_65 : memref<800xi32, #tpu.memory_space<hbm>>) target(%arg18 : memref<800xi32, #tpu.memory_space<vmem>>) target_semaphore(%run_scoped3A : memref<!tpu.dma_semaphore, #tpu.memory_space<semaphore_mem>>)
          %dma_wait3A_66 = tpu.memref_slice %arg4[%add3A_46] : memref<1600000xi32, #tpu.memory_space<hbm>> -> memref<800xi32, #tpu.memory_space<hbm>>
          %dma_wait3A_67 = tpu.memref_slice %arg4[%add3A_46] : memref<1600000xi32, #tpu.memory_space<hbm>> -> memref<800xi32, #tpu.memory_space<hbm>>
          tpu.wait_dma2 semaphore(%run_scoped3A : memref<!tpu.dma_semaphore, #tpu.memory_space<semaphore_mem>>) src(%dma_wait3A_67 : memref<800xi32, #tpu.memory_space<hbm>>) dst(%arg18 : memref<800xi32, #tpu.memory_space<vmem>>)
          tpu.yield
        }) : () -> ()
        "tpu.region"() ({
          %run_scoped3A = tpu.sem_alloc : memref<!tpu.dma_semaphore, #tpu.memory_space<semaphore_mem>>
          %dma_start3A_64 = tpu.memref_slice %arg5[%add3A_46] : memref<1600000xf32, #tpu.memory_space<hbm>> -> memref<800xf32, #tpu.memory_space<hbm>>
          %dma_start3A_65 = tpu.memref_slice %arg5[%add3A_46] : memref<1600000xf32, #tpu.memory_space<hbm>> -> memref<800xf32, #tpu.memory_space<hbm>>
          tpu.enqueue_dma source(%dma_start3A_65 : memref<800xf32, #tpu.memory_space<hbm>>) target(%arg19 : memref<800xf32, #tpu.memory_space<vmem>>) target_semaphore(%run_scoped3A : memref<!tpu.dma_semaphore, #tpu.memory_space<semaphore_mem>>)
          %dma_wait3A_66 = tpu.memref_slice %arg5[%add3A_46] : memref<1600000xf32, #tpu.memory_space<hbm>> -> memref<800xf32, #tpu.memory_space<hbm>>
          %dma_wait3A_67 = tpu.memref_slice %arg5[%add3A_46] : memref<1600000xf32, #tpu.memory_space<hbm>> -> memref<800xf32, #tpu.memory_space<hbm>>
          tpu.wait_dma2 semaphore(%run_scoped3A : memref<!tpu.dma_semaphore, #tpu.memory_space<semaphore_mem>>) src(%dma_wait3A_67 : memref<800xf32, #tpu.memory_space<hbm>>) dst(%arg19 : memref<800xf32, #tpu.memory_space<vmem>>)
          tpu.yield
        }) : () -> ()
        "tpu.region"() ({
          %run_scoped3A = tpu.sem_alloc : memref<!tpu.dma_semaphore, #tpu.memory_space<semaphore_mem>>
          %dma_start3A_64 = tpu.memref_slice %arg6[%add3A_46] : memref<1600000xf32, #tpu.memory_space<hbm>> -> memref<800xf32, #tpu.memory_space<hbm>>
          %dma_start3A_65 = tpu.memref_slice %arg6[%add3A_46] : memref<1600000xf32, #tpu.memory_space<hbm>> -> memref<800xf32, #tpu.memory_space<hbm>>
          tpu.enqueue_dma source(%dma_start3A_65 : memref<800xf32, #tpu.memory_space<hbm>>) target(%arg20 : memref<800xf32, #tpu.memory_space<vmem>>) target_semaphore(%run_scoped3A : memref<!tpu.dma_semaphore, #tpu.memory_space<semaphore_mem>>)
          %dma_wait3A_66 = tpu.memref_slice %arg6[%add3A_46] : memref<1600000xf32, #tpu.memory_space<hbm>> -> memref<800xf32, #tpu.memory_space<hbm>>
          %dma_wait3A_67 = tpu.memref_slice %arg6[%add3A_46] : memref<1600000xf32, #tpu.memory_space<hbm>> -> memref<800xf32, #tpu.memory_space<hbm>>
          tpu.wait_dma2 semaphore(%run_scoped3A : memref<!tpu.dma_semaphore, #tpu.memory_space<semaphore_mem>>) src(%dma_wait3A_67 : memref<800xf32, #tpu.memory_space<hbm>>) dst(%arg20 : memref<800xf32, #tpu.memory_space<vmem>>)
          tpu.yield
        }) : () -> ()
        "tpu.region"() ({
          %run_scoped3A = tpu.sem_alloc : memref<!tpu.dma_semaphore, #tpu.memory_space<semaphore_mem>>
          %dma_start3A_64 = tpu.memref_slice %arg7[%add3A_46] : memref<1600000xf32, #tpu.memory_space<hbm>> -> memref<800xf32, #tpu.memory_space<hbm>>
          %dma_start3A_65 = tpu.memref_slice %arg7[%add3A_46] : memref<1600000xf32, #tpu.memory_space<hbm>> -> memref<800xf32, #tpu.memory_space<hbm>>
          tpu.enqueue_dma source(%dma_start3A_65 : memref<800xf32, #tpu.memory_space<hbm>>) target(%arg21 : memref<800xf32, #tpu.memory_space<vmem>>) target_semaphore(%run_scoped3A : memref<!tpu.dma_semaphore, #tpu.memory_space<semaphore_mem>>)
          %dma_wait3A_66 = tpu.memref_slice %arg7[%add3A_46] : memref<1600000xf32, #tpu.memory_space<hbm>> -> memref<800xf32, #tpu.memory_space<hbm>>
          %dma_wait3A_67 = tpu.memref_slice %arg7[%add3A_46] : memref<1600000xf32, #tpu.memory_space<hbm>> -> memref<800xf32, #tpu.memory_space<hbm>>
          tpu.wait_dma2 semaphore(%run_scoped3A : memref<!tpu.dma_semaphore, #tpu.memory_space<semaphore_mem>>) src(%dma_wait3A_67 : memref<800xf32, #tpu.memory_space<hbm>>) dst(%arg21 : memref<800xf32, #tpu.memory_space<vmem>>)
          tpu.yield
        }) : () -> ()
        %dma_start3A = arith.constant 0 : i32
        %dma_start3A_47 = tpu.memref_slice %arg8[%dma_start3A] : memref<102400xf32, #tpu.memory_space<hbm>> -> memref<102400xf32, #tpu.memory_space<hbm>>
        tpu.enqueue_indirect_dma source(%dma_start3A_47 : memref<102400xf32, #tpu.memory_space<hbm>>) target(%arg22 : memref<800xf32, #tpu.memory_space<vmem>>) offsets(%arg16 : memref<800xi32, #tpu.memory_space<vmem>>) semaphore(%arg27 : memref<!tpu.dma_semaphore, #tpu.memory_space<semaphore_mem>>)
        %dma_start3A_48 = arith.constant 0 : i32
        %dma_start3A_49 = tpu.memref_slice %arg9[%dma_start3A_48] : memref<102400xf32, #tpu.memory_space<hbm>> -> memref<102400xf32, #tpu.memory_space<hbm>>
        tpu.enqueue_indirect_dma source(%dma_start3A_49 : memref<102400xf32, #tpu.memory_space<hbm>>) target(%arg23 : memref<800xf32, #tpu.memory_space<vmem>>) offsets(%arg17 : memref<800xi32, #tpu.memory_space<vmem>>) semaphore(%arg28 : memref<!tpu.dma_semaphore, #tpu.memory_space<semaphore_mem>>)
        %dma_start3A_50 = arith.constant 0 : i32
        %dma_start3A_51 = arith.constant 0 : i32
        %dma_start3A_52 = tpu.memref_slice %arg11[%dma_start3A_50, %dma_start3A_51] : memref<102400x16xf32, #tpu.memory_space<hbm>> -> memref<102400x16xf32, #tpu.memory_space<hbm>>
        tpu.enqueue_indirect_dma source(%dma_start3A_52 : memref<102400x16xf32, #tpu.memory_space<hbm>>) target(%arg25 : memref<800x16xf32, #tpu.memory_space<vmem>>) offsets(%arg16 : memref<800xi32, #tpu.memory_space<vmem>>) semaphore(%arg29 : memref<!tpu.dma_semaphore, #tpu.memory_space<semaphore_mem>>)
        %dma_wait3A = arith.constant 0 : i32
        %dma_wait3A_53 = tpu.memref_slice %arg8[%dma_wait3A] : memref<102400xf32, #tpu.memory_space<hbm>> -> memref<102400xf32, #tpu.memory_space<hbm>>
        tpu.wait_indirect_dma semaphore(%arg27 : memref<!tpu.dma_semaphore, #tpu.memory_space<semaphore_mem>>) src(%dma_wait3A_53 : memref<102400xf32, #tpu.memory_space<hbm>>) dst(%arg22 : memref<800xf32, #tpu.memory_space<vmem>>)
        %dma_wait3A_54 = arith.constant 0 : i32
        %dma_wait3A_55 = tpu.memref_slice %arg9[%dma_wait3A_54] : memref<102400xf32, #tpu.memory_space<hbm>> -> memref<102400xf32, #tpu.memory_space<hbm>>
        tpu.wait_indirect_dma semaphore(%arg28 : memref<!tpu.dma_semaphore, #tpu.memory_space<semaphore_mem>>) src(%dma_wait3A_55 : memref<102400xf32, #tpu.memory_space<hbm>>) dst(%arg23 : memref<800xf32, #tpu.memory_space<vmem>>)
        %dma_wait3A_56 = arith.constant 0 : i32
        %dma_wait3A_57 = arith.constant 0 : i32
        %dma_wait3A_58 = tpu.memref_slice %arg11[%dma_wait3A_56, %dma_wait3A_57] : memref<102400x16xf32, #tpu.memory_space<hbm>> -> memref<102400x16xf32, #tpu.memory_space<hbm>>
        tpu.wait_indirect_dma semaphore(%arg29 : memref<!tpu.dma_semaphore, #tpu.memory_space<semaphore_mem>>) src(%dma_wait3A_58 : memref<102400x16xf32, #tpu.memory_space<hbm>>) dst(%arg25 : memref<800x16xf32, #tpu.memory_space<vmem>>)
        %scan3A_59 = arith.constant 0 : i32
        %scan3A_60 = arith.constant 50 : i32
        %scan3A_61 = arith.addi %scan3A_59, %scan3A_60 : i32
        %scan3A_62 = arith.constant 1 : i32
        scf.for %scan3A_64 = %scan3A_59 to %scan3A_61 step %scan3A_62  : i32 {
          %mul3A_65 = arith.constant 16 : i32
          %mul3A_66 = arith.muli %scan3A_64, %mul3A_65 : i32
          %add3A_67 = arith.constant 0 : i32
          %add3A_68 = arith.addi %add3A_67, %mul3A_66 : i32
          %get3A = arith.index_cast %add3A_68 : i32 to index
          %get3A_69 = tpu.vector_load %arg18[%get3A] {strides = array<i32>} : memref<800xi32, #tpu.memory_space<vmem>>, vector<16xi32>,
          %gather3A_70 = tpu.vector_load_idx %arg26[%broadcast_in_dim3A_28, %get3A_69] : memref<8x16xf32, #tpu.memory_space<vmem>>[vector<16xi32>, vector<16xi32>], vector<16xf32>,
          %get3A_71 = arith.index_cast %add3A_68 : i32 to index
          %get3A_72 = tpu.vector_load %arg22[%get3A_71] {strides = array<i32>} : memref<800xf32, #tpu.memory_space<vmem>>, vector<16xf32>,
          %get3A_73 = arith.index_cast %add3A_68 : i32 to index
          %get3A_74 = tpu.vector_load %arg23[%get3A_73] {strides = array<i32>} : memref<800xf32, #tpu.memory_space<vmem>>, vector<16xf32>,
          %add3A_75 = arith.addf %get3A_72, %get3A_74 : vector<16xf32>
          %add3A_76 = arith.addf %add3A_75, %gather3A_70 : vector<16xf32>
          %get3A_77 = arith.index_cast %add3A_68 : i32 to index
          %get3A_78 = tpu.vector_load %arg19[%get3A_77] {strides = array<i32>} : memref<800xf32, #tpu.memory_space<vmem>>, vector<16xf32>,
          %mul3A_79 = arith.mulf %get3A_78, %gather3A : vector<16xf32>
          %add3A_80 = arith.addf %add3A_76, %mul3A_79 : vector<16xf32>
          %get3A_81 = arith.index_cast %add3A_68 : i32 to index
          %get3A_82 = tpu.vector_load %arg20[%get3A_81] {strides = array<i32>} : memref<800xf32, #tpu.memory_space<vmem>>, vector<16xf32>,
          %mul3A_83 = arith.mulf %get3A_82, %gather3A_33 : vector<16xf32>
          %add3A_84 = arith.addf %add3A_80, %mul3A_83 : vector<16xf32>
          %get3A_85 = arith.index_cast %add3A_68 : i32 to index
          %get3A_86 = tpu.vector_load %arg21[%get3A_85] {strides = array<i32>} : memref<800xf32, #tpu.memory_space<vmem>>, vector<16xf32>,
          %mul3A_87 = arith.mulf %get3A_86, %gather3A_36 : vector<16xf32>
          %add3A_88 = arith.addf %add3A_84, %mul3A_87 : vector<16xf32>
          %mul3A_89 = arith.constant 2.000000e-01 : f32
          %mul3A_90 = vector.broadcast %mul3A_89 : f32 to vector<16xf32>
          %mul3A_91 = arith.mulf %mul3A_90, %add3A_88 : vector<16xf32>
          %max3A = arith.maximumf %add3A_88, %mul3A_91 : vector<16xf32>
          %exp3A = math.exp %max3A : vector<16xf32>
          %swap3A = arith.index_cast %add3A_68 : i32 to index
          %swap3A_92 = tpu.vector_load %arg24[%swap3A] {strides = array<i32>} : memref<800xf32, #tpu.memory_space<vmem>>, vector<16xf32>,
          tpu.vector_store %arg24[%swap3A], %exp3A {strides = array<i32>} : memref<800xf32, #tpu.memory_space<vmem>>, vector<16xf32>,
          %add3A_93 = arith.constant 0 : i32
          %add3A_94 = arith.addi %add3A_68, %add3A_93 : i32
          %broadcast_in_dim3A_95 = vector.broadcast %add3A_94 : i32 to vector<16xi32>
          %gather3A_96 = tpu.vector_load_idx %arg24[%broadcast_in_dim3A_95] : memref<800xf32, #tpu.memory_space<vmem>>[vector<16xi32>], vector<16xf32>,
          %add3A_97 = arith.constant 0 : i32
          %add3A_98 = arith.addi %add3A_68, %add3A_97 : i32
          %get3A_99 = arith.index_cast %add3A_98 : i32 to index
          %get3A_100 = arith.constant 0 : index
          %get3A_101 = tpu.vector_load %arg25[%get3A_99, %get3A_100] {strides = array<i32>} : memref<800x16xf32, #tpu.memory_space<vmem>>, vector<16xf32>,
          %mul3A_102 = arith.mulf %get3A_101, %gather3A_96 : vector<16xf32>
          %add3A_103 = arith.constant 0 : i32
          %add3A_104 = arith.addi %add3A_68, %add3A_103 : i32
          %swap3A_105 = arith.index_cast %add3A_104 : i32 to index
          %swap3A_106 = arith.constant 0 : index
          %swap3A_107 = tpu.vector_load %arg25[%swap3A_105, %swap3A_106] {strides = array<i32>} : memref<800x16xf32, #tpu.memory_space<vmem>>, vector<16xf32>,
          tpu.vector_store %arg25[%swap3A_105, %swap3A_106], %mul3A_102 {strides = array<i32>} : memref<800x16xf32, #tpu.memory_space<vmem>>, vector<16xf32>,
          %add3A_108 = arith.constant 1 : i32
          %add3A_109 = arith.addi %add3A_68, %add3A_108 : i32
          %broadcast_in_dim3A_110 = vector.broadcast %add3A_109 : i32 to vector<16xi32>
          %gather3A_111 = tpu.vector_load_idx %arg24[%broadcast_in_dim3A_110] : memref<800xf32, #tpu.memory_space<vmem>>[vector<16xi32>], vector<16xf32>,
          %add3A_112 = arith.constant 1 : i32
          %add3A_113 = arith.addi %add3A_68, %add3A_112 : i32
          %get3A_114 = arith.index_cast %add3A_113 : i32 to index
          %get3A_115 = arith.constant 0 : index
          %get3A_116 = tpu.vector_load %arg25[%get3A_114, %get3A_115] {strides = array<i32>} : memref<800x16xf32, #tpu.memory_space<vmem>>, vector<16xf32>,
          %mul3A_117 = arith.mulf %get3A_116, %gather3A_111 : vector<16xf32>
          %add3A_118 = arith.constant 1 : i32
          %add3A_119 = arith.addi %add3A_68, %add3A_118 : i32
          %swap3A_120 = arith.index_cast %add3A_119 : i32 to index
          %swap3A_121 = arith.constant 0 : index
          %swap3A_122 = tpu.vector_load %arg25[%swap3A_120, %swap3A_121] {strides = array<i32>} : memref<800x16xf32, #tpu.memory_space<vmem>>, vector<16xf32>,
          tpu.vector_store %arg25[%swap3A_120, %swap3A_121], %mul3A_117 {strides = array<i32>} : memref<800x16xf32, #tpu.memory_space<vmem>>, vector<16xf32>,
          %add3A_123 = arith.constant 2 : i32
          %add3A_124 = arith.addi %add3A_68, %add3A_123 : i32
          %broadcast_in_dim3A_125 = vector.broadcast %add3A_124 : i32 to vector<16xi32>
          %gather3A_126 = tpu.vector_load_idx %arg24[%broadcast_in_dim3A_125] : memref<800xf32, #tpu.memory_space<vmem>>[vector<16xi32>], vector<16xf32>,
          %add3A_127 = arith.constant 2 : i32
          %add3A_128 = arith.addi %add3A_68, %add3A_127 : i32
          %get3A_129 = arith.index_cast %add3A_128 : i32 to index
          %get3A_130 = arith.constant 0 : index
          %get3A_131 = tpu.vector_load %arg25[%get3A_129, %get3A_130] {strides = array<i32>} : memref<800x16xf32, #tpu.memory_space<vmem>>, vector<16xf32>,
          %mul3A_132 = arith.mulf %get3A_131, %gather3A_126 : vector<16xf32>
          %add3A_133 = arith.constant 2 : i32
          %add3A_134 = arith.addi %add3A_68, %add3A_133 : i32
          %swap3A_135 = arith.index_cast %add3A_134 : i32 to index
          %swap3A_136 = arith.constant 0 : index
          %swap3A_137 = tpu.vector_load %arg25[%swap3A_135, %swap3A_136] {strides = array<i32>} : memref<800x16xf32, #tpu.memory_space<vmem>>, vector<16xf32>,
          tpu.vector_store %arg25[%swap3A_135, %swap3A_136], %mul3A_132 {strides = array<i32>} : memref<800x16xf32, #tpu.memory_space<vmem>>, vector<16xf32>,
          %add3A_138 = arith.constant 3 : i32
          %add3A_139 = arith.addi %add3A_68, %add3A_138 : i32
          %broadcast_in_dim3A_140 = vector.broadcast %add3A_139 : i32 to vector<16xi32>
          %gather3A_141 = tpu.vector_load_idx %arg24[%broadcast_in_dim3A_140] : memref<800xf32, #tpu.memory_space<vmem>>[vector<16xi32>], vector<16xf32>,
          %add3A_142 = arith.constant 3 : i32
          %add3A_143 = arith.addi %add3A_68, %add3A_142 : i32
          %get3A_144 = arith.index_cast %add3A_143 : i32 to index
          %get3A_145 = arith.constant 0 : index
          %get3A_146 = tpu.vector_load %arg25[%get3A_144, %get3A_145] {strides = array<i32>} : memref<800x16xf32, #tpu.memory_space<vmem>>, vector<16xf32>,
          %mul3A_147 = arith.mulf %get3A_146, %gather3A_141 : vector<16xf32>
          %add3A_148 = arith.constant 3 : i32
          %add3A_149 = arith.addi %add3A_68, %add3A_148 : i32
          %swap3A_150 = arith.index_cast %add3A_149 : i32 to index
          %swap3A_151 = arith.constant 0 : index
          %swap3A_152 = tpu.vector_load %arg25[%swap3A_150, %swap3A_151] {strides = array<i32>} : memref<800x16xf32, #tpu.memory_space<vmem>>, vector<16xf32>,
          tpu.vector_store %arg25[%swap3A_150, %swap3A_151], %mul3A_147 {strides = array<i32>} : memref<800x16xf32, #tpu.memory_space<vmem>>, vector<16xf32>,
          %add3A_153 = arith.constant 4 : i32
          %add3A_154 = arith.addi %add3A_68, %add3A_153 : i32
          %broadcast_in_dim3A_155 = vector.broadcast %add3A_154 : i32 to vector<16xi32>
          %gather3A_156 = tpu.vector_load_idx %arg24[%broadcast_in_dim3A_155] : memref<800xf32, #tpu.memory_space<vmem>>[vector<16xi32>], vector<16xf32>,
          %add3A_157 = arith.constant 4 : i32
          %add3A_158 = arith.addi %add3A_68, %add3A_157 : i32
          %get3A_159 = arith.index_cast %add3A_158 : i32 to index
          %get3A_160 = arith.constant 0 : index
          %get3A_161 = tpu.vector_load %arg25[%get3A_159, %get3A_160] {strides = array<i32>} : memref<800x16xf32, #tpu.memory_space<vmem>>, vector<16xf32>,
          %mul3A_162 = arith.mulf %get3A_161, %gather3A_156 : vector<16xf32>
          %add3A_163 = arith.constant 4 : i32
          %add3A_164 = arith.addi %add3A_68, %add3A_163 : i32
          %swap3A_165 = arith.index_cast %add3A_164 : i32 to index
          %swap3A_166 = arith.constant 0 : index
          %swap3A_167 = tpu.vector_load %arg25[%swap3A_165, %swap3A_166] {strides = array<i32>} : memref<800x16xf32, #tpu.memory_space<vmem>>, vector<16xf32>,
          tpu.vector_store %arg25[%swap3A_165, %swap3A_166], %mul3A_162 {strides = array<i32>} : memref<800x16xf32, #tpu.memory_space<vmem>>, vector<16xf32>,
          %add3A_168 = arith.constant 5 : i32
          %add3A_169 = arith.addi %add3A_68, %add3A_168 : i32
          %broadcast_in_dim3A_170 = vector.broadcast %add3A_169 : i32 to vector<16xi32>
          %gather3A_171 = tpu.vector_load_idx %arg24[%broadcast_in_dim3A_170] : memref<800xf32, #tpu.memory_space<vmem>>[vector<16xi32>], vector<16xf32>,
          %add3A_172 = arith.constant 5 : i32
          %add3A_173 = arith.addi %add3A_68, %add3A_172 : i32
          %get3A_174 = arith.index_cast %add3A_173 : i32 to index
          %get3A_175 = arith.constant 0 : index
          %get3A_176 = tpu.vector_load %arg25[%get3A_174, %get3A_175] {strides = array<i32>} : memref<800x16xf32, #tpu.memory_space<vmem>>, vector<16xf32>,
          %mul3A_177 = arith.mulf %get3A_176, %gather3A_171 : vector<16xf32>
          %add3A_178 = arith.constant 5 : i32
          %add3A_179 = arith.addi %add3A_68, %add3A_178 : i32
          %swap3A_180 = arith.index_cast %add3A_179 : i32 to index
          %swap3A_181 = arith.constant 0 : index
          %swap3A_182 = tpu.vector_load %arg25[%swap3A_180, %swap3A_181] {strides = array<i32>} : memref<800x16xf32, #tpu.memory_space<vmem>>, vector<16xf32>,
          tpu.vector_store %arg25[%swap3A_180, %swap3A_181], %mul3A_177 {strides = array<i32>} : memref<800x16xf32, #tpu.memory_space<vmem>>, vector<16xf32>,
          %add3A_183 = arith.constant 6 : i32
          %add3A_184 = arith.addi %add3A_68, %add3A_183 : i32
          %broadcast_in_dim3A_185 = vector.broadcast %add3A_184 : i32 to vector<16xi32>
          %gather3A_186 = tpu.vector_load_idx %arg24[%broadcast_in_dim3A_185] : memref<800xf32, #tpu.memory_space<vmem>>[vector<16xi32>], vector<16xf32>,
          %add3A_187 = arith.constant 6 : i32
          %add3A_188 = arith.addi %add3A_68, %add3A_187 : i32
          %get3A_189 = arith.index_cast %add3A_188 : i32 to index
          %get3A_190 = arith.constant 0 : index
          %get3A_191 = tpu.vector_load %arg25[%get3A_189, %get3A_190] {strides = array<i32>} : memref<800x16xf32, #tpu.memory_space<vmem>>, vector<16xf32>,
          %mul3A_192 = arith.mulf %get3A_191, %gather3A_186 : vector<16xf32>
          %add3A_193 = arith.constant 6 : i32
          %add3A_194 = arith.addi %add3A_68, %add3A_193 : i32
          %swap3A_195 = arith.index_cast %add3A_194 : i32 to index
          %swap3A_196 = arith.constant 0 : index
          %swap3A_197 = tpu.vector_load %arg25[%swap3A_195, %swap3A_196] {strides = array<i32>} : memref<800x16xf32, #tpu.memory_space<vmem>>, vector<16xf32>,
          tpu.vector_store %arg25[%swap3A_195, %swap3A_196], %mul3A_192 {strides = array<i32>} : memref<800x16xf32, #tpu.memory_space<vmem>>, vector<16xf32>,
          %add3A_198 = arith.constant 7 : i32
          %add3A_199 = arith.addi %add3A_68, %add3A_198 : i32
          %broadcast_in_dim3A_200 = vector.broadcast %add3A_199 : i32 to vector<16xi32>
          %gather3A_201 = tpu.vector_load_idx %arg24[%broadcast_in_dim3A_200] : memref<800xf32, #tpu.memory_space<vmem>>[vector<16xi32>], vector<16xf32>,
          %add3A_202 = arith.constant 7 : i32
          %add3A_203 = arith.addi %add3A_68, %add3A_202 : i32
          %get3A_204 = arith.index_cast %add3A_203 : i32 to index
          %get3A_205 = arith.constant 0 : index
          %get3A_206 = tpu.vector_load %arg25[%get3A_204, %get3A_205] {strides = array<i32>} : memref<800x16xf32, #tpu.memory_space<vmem>>, vector<16xf32>,
          %mul3A_207 = arith.mulf %get3A_206, %gather3A_201 : vector<16xf32>
          %add3A_208 = arith.constant 7 : i32
          %add3A_209 = arith.addi %add3A_68, %add3A_208 : i32
          %swap3A_210 = arith.index_cast %add3A_209 : i32 to index
          %swap3A_211 = arith.constant 0 : index
          %swap3A_212 = tpu.vector_load %arg25[%swap3A_210, %swap3A_211] {strides = array<i32>} : memref<800x16xf32, #tpu.memory_space<vmem>>, vector<16xf32>,
          tpu.vector_store %arg25[%swap3A_210, %swap3A_211], %mul3A_207 {strides = array<i32>} : memref<800x16xf32, #tpu.memory_space<vmem>>, vector<16xf32>,
          %add3A_213 = arith.constant 8 : i32
          %add3A_214 = arith.addi %add3A_68, %add3A_213 : i32
          %broadcast_in_dim3A_215 = vector.broadcast %add3A_214 : i32 to vector<16xi32>
          %gather3A_216 = tpu.vector_load_idx %arg24[%broadcast_in_dim3A_215] : memref<800xf32, #tpu.memory_space<vmem>>[vector<16xi32>], vector<16xf32>,
          %add3A_217 = arith.constant 8 : i32
          %add3A_218 = arith.addi %add3A_68, %add3A_217 : i32
          %get3A_219 = arith.index_cast %add3A_218 : i32 to index
          %get3A_220 = arith.constant 0 : index
          %get3A_221 = tpu.vector_load %arg25[%get3A_219, %get3A_220] {strides = array<i32>} : memref<800x16xf32, #tpu.memory_space<vmem>>, vector<16xf32>,
          %mul3A_222 = arith.mulf %get3A_221, %gather3A_216 : vector<16xf32>
          %add3A_223 = arith.constant 8 : i32
          %add3A_224 = arith.addi %add3A_68, %add3A_223 : i32
          %swap3A_225 = arith.index_cast %add3A_224 : i32 to index
          %swap3A_226 = arith.constant 0 : index
          %swap3A_227 = tpu.vector_load %arg25[%swap3A_225, %swap3A_226] {strides = array<i32>} : memref<800x16xf32, #tpu.memory_space<vmem>>, vector<16xf32>,
          tpu.vector_store %arg25[%swap3A_225, %swap3A_226], %mul3A_222 {strides = array<i32>} : memref<800x16xf32, #tpu.memory_space<vmem>>, vector<16xf32>,
          %add3A_228 = arith.constant 9 : i32
          %add3A_229 = arith.addi %add3A_68, %add3A_228 : i32
          %broadcast_in_dim3A_230 = vector.broadcast %add3A_229 : i32 to vector<16xi32>
          %gather3A_231 = tpu.vector_load_idx %arg24[%broadcast_in_dim3A_230] : memref<800xf32, #tpu.memory_space<vmem>>[vector<16xi32>], vector<16xf32>,
          %add3A_232 = arith.constant 9 : i32
          %add3A_233 = arith.addi %add3A_68, %add3A_232 : i32
          %get3A_234 = arith.index_cast %add3A_233 : i32 to index
          %get3A_235 = arith.constant 0 : index
          %get3A_236 = tpu.vector_load %arg25[%get3A_234, %get3A_235] {strides = array<i32>} : memref<800x16xf32, #tpu.memory_space<vmem>>, vector<16xf32>,
          %mul3A_237 = arith.mulf %get3A_236, %gather3A_231 : vector<16xf32>
          %add3A_238 = arith.constant 9 : i32
          %add3A_239 = arith.addi %add3A_68, %add3A_238 : i32
          %swap3A_240 = arith.index_cast %add3A_239 : i32 to index
          %swap3A_241 = arith.constant 0 : index
          %swap3A_242 = tpu.vector_load %arg25[%swap3A_240, %swap3A_241] {strides = array<i32>} : memref<800x16xf32, #tpu.memory_space<vmem>>, vector<16xf32>,
          tpu.vector_store %arg25[%swap3A_240, %swap3A_241], %mul3A_237 {strides = array<i32>} : memref<800x16xf32, #tpu.memory_space<vmem>>, vector<16xf32>,
          %add3A_243 = arith.constant 10 : i32
          %add3A_244 = arith.addi %add3A_68, %add3A_243 : i32
          %broadcast_in_dim3A_245 = vector.broadcast %add3A_244 : i32 to vector<16xi32>
          %gather3A_246 = tpu.vector_load_idx %arg24[%broadcast_in_dim3A_245] : memref<800xf32, #tpu.memory_space<vmem>>[vector<16xi32>], vector<16xf32>,
          %add3A_247 = arith.constant 10 : i32
          %add3A_248 = arith.addi %add3A_68, %add3A_247 : i32
          %get3A_249 = arith.index_cast %add3A_248 : i32 to index
          %get3A_250 = arith.constant 0 : index
          %get3A_251 = tpu.vector_load %arg25[%get3A_249, %get3A_250] {strides = array<i32>} : memref<800x16xf32, #tpu.memory_space<vmem>>, vector<16xf32>,
          %mul3A_252 = arith.mulf %get3A_251, %gather3A_246 : vector<16xf32>
          %add3A_253 = arith.constant 10 : i32
          %add3A_254 = arith.addi %add3A_68, %add3A_253 : i32
          %swap3A_255 = arith.index_cast %add3A_254 : i32 to index
          %swap3A_256 = arith.constant 0 : index
          %swap3A_257 = tpu.vector_load %arg25[%swap3A_255, %swap3A_256] {strides = array<i32>} : memref<800x16xf32, #tpu.memory_space<vmem>>, vector<16xf32>,
          tpu.vector_store %arg25[%swap3A_255, %swap3A_256], %mul3A_252 {strides = array<i32>} : memref<800x16xf32, #tpu.memory_space<vmem>>, vector<16xf32>,
          %add3A_258 = arith.constant 11 : i32
          %add3A_259 = arith.addi %add3A_68, %add3A_258 : i32
          %broadcast_in_dim3A_260 = vector.broadcast %add3A_259 : i32 to vector<16xi32>
          %gather3A_261 = tpu.vector_load_idx %arg24[%broadcast_in_dim3A_260] : memref<800xf32, #tpu.memory_space<vmem>>[vector<16xi32>], vector<16xf32>,
          %add3A_262 = arith.constant 11 : i32
          %add3A_263 = arith.addi %add3A_68, %add3A_262 : i32
          %get3A_264 = arith.index_cast %add3A_263 : i32 to index
          %get3A_265 = arith.constant 0 : index
          %get3A_266 = tpu.vector_load %arg25[%get3A_264, %get3A_265] {strides = array<i32>} : memref<800x16xf32, #tpu.memory_space<vmem>>, vector<16xf32>,
          %mul3A_267 = arith.mulf %get3A_266, %gather3A_261 : vector<16xf32>
          %add3A_268 = arith.constant 11 : i32
          %add3A_269 = arith.addi %add3A_68, %add3A_268 : i32
          %swap3A_270 = arith.index_cast %add3A_269 : i32 to index
          %swap3A_271 = arith.constant 0 : index
          %swap3A_272 = tpu.vector_load %arg25[%swap3A_270, %swap3A_271] {strides = array<i32>} : memref<800x16xf32, #tpu.memory_space<vmem>>, vector<16xf32>,
          tpu.vector_store %arg25[%swap3A_270, %swap3A_271], %mul3A_267 {strides = array<i32>} : memref<800x16xf32, #tpu.memory_space<vmem>>, vector<16xf32>,
          %add3A_273 = arith.constant 12 : i32
          %add3A_274 = arith.addi %add3A_68, %add3A_273 : i32
          %broadcast_in_dim3A_275 = vector.broadcast %add3A_274 : i32 to vector<16xi32>
          %gather3A_276 = tpu.vector_load_idx %arg24[%broadcast_in_dim3A_275] : memref<800xf32, #tpu.memory_space<vmem>>[vector<16xi32>], vector<16xf32>,
          %add3A_277 = arith.constant 12 : i32
          %add3A_278 = arith.addi %add3A_68, %add3A_277 : i32
          %get3A_279 = arith.index_cast %add3A_278 : i32 to index
          %get3A_280 = arith.constant 0 : index
          %get3A_281 = tpu.vector_load %arg25[%get3A_279, %get3A_280] {strides = array<i32>} : memref<800x16xf32, #tpu.memory_space<vmem>>, vector<16xf32>,
          %mul3A_282 = arith.mulf %get3A_281, %gather3A_276 : vector<16xf32>
          %add3A_283 = arith.constant 12 : i32
          %add3A_284 = arith.addi %add3A_68, %add3A_283 : i32
          %swap3A_285 = arith.index_cast %add3A_284 : i32 to index
          %swap3A_286 = arith.constant 0 : index
          %swap3A_287 = tpu.vector_load %arg25[%swap3A_285, %swap3A_286] {strides = array<i32>} : memref<800x16xf32, #tpu.memory_space<vmem>>, vector<16xf32>,
          tpu.vector_store %arg25[%swap3A_285, %swap3A_286], %mul3A_282 {strides = array<i32>} : memref<800x16xf32, #tpu.memory_space<vmem>>, vector<16xf32>,
          %add3A_288 = arith.constant 13 : i32
          %add3A_289 = arith.addi %add3A_68, %add3A_288 : i32
          %broadcast_in_dim3A_290 = vector.broadcast %add3A_289 : i32 to vector<16xi32>
          %gather3A_291 = tpu.vector_load_idx %arg24[%broadcast_in_dim3A_290] : memref<800xf32, #tpu.memory_space<vmem>>[vector<16xi32>], vector<16xf32>,
          %add3A_292 = arith.constant 13 : i32
          %add3A_293 = arith.addi %add3A_68, %add3A_292 : i32
          %get3A_294 = arith.index_cast %add3A_293 : i32 to index
          %get3A_295 = arith.constant 0 : index
          %get3A_296 = tpu.vector_load %arg25[%get3A_294, %get3A_295] {strides = array<i32>} : memref<800x16xf32, #tpu.memory_space<vmem>>, vector<16xf32>,
          %mul3A_297 = arith.mulf %get3A_296, %gather3A_291 : vector<16xf32>
          %add3A_298 = arith.constant 13 : i32
          %add3A_299 = arith.addi %add3A_68, %add3A_298 : i32
          %swap3A_300 = arith.index_cast %add3A_299 : i32 to index
          %swap3A_301 = arith.constant 0 : index
          %swap3A_302 = tpu.vector_load %arg25[%swap3A_300, %swap3A_301] {strides = array<i32>} : memref<800x16xf32, #tpu.memory_space<vmem>>, vector<16xf32>,
          tpu.vector_store %arg25[%swap3A_300, %swap3A_301], %mul3A_297 {strides = array<i32>} : memref<800x16xf32, #tpu.memory_space<vmem>>, vector<16xf32>,
          %add3A_303 = arith.constant 14 : i32
          %add3A_304 = arith.addi %add3A_68, %add3A_303 : i32
          %broadcast_in_dim3A_305 = vector.broadcast %add3A_304 : i32 to vector<16xi32>
          %gather3A_306 = tpu.vector_load_idx %arg24[%broadcast_in_dim3A_305] : memref<800xf32, #tpu.memory_space<vmem>>[vector<16xi32>], vector<16xf32>,
          %add3A_307 = arith.constant 14 : i32
          %add3A_308 = arith.addi %add3A_68, %add3A_307 : i32
          %get3A_309 = arith.index_cast %add3A_308 : i32 to index
          %get3A_310 = arith.constant 0 : index
          %get3A_311 = tpu.vector_load %arg25[%get3A_309, %get3A_310] {strides = array<i32>} : memref<800x16xf32, #tpu.memory_space<vmem>>, vector<16xf32>,
          %mul3A_312 = arith.mulf %get3A_311, %gather3A_306 : vector<16xf32>
          %add3A_313 = arith.constant 14 : i32
          %add3A_314 = arith.addi %add3A_68, %add3A_313 : i32
          %swap3A_315 = arith.index_cast %add3A_314 : i32 to index
          %swap3A_316 = arith.constant 0 : index
          %swap3A_317 = tpu.vector_load %arg25[%swap3A_315, %swap3A_316] {strides = array<i32>} : memref<800x16xf32, #tpu.memory_space<vmem>>, vector<16xf32>,
          tpu.vector_store %arg25[%swap3A_315, %swap3A_316], %mul3A_312 {strides = array<i32>} : memref<800x16xf32, #tpu.memory_space<vmem>>, vector<16xf32>,
          %add3A_318 = arith.constant 15 : i32
          %add3A_319 = arith.addi %add3A_68, %add3A_318 : i32
          %broadcast_in_dim3A_320 = vector.broadcast %add3A_319 : i32 to vector<16xi32>
          %gather3A_321 = tpu.vector_load_idx %arg24[%broadcast_in_dim3A_320] : memref<800xf32, #tpu.memory_space<vmem>>[vector<16xi32>], vector<16xf32>,
          %add3A_322 = arith.constant 15 : i32
          %add3A_323 = arith.addi %add3A_68, %add3A_322 : i32
          %get3A_324 = arith.index_cast %add3A_323 : i32 to index
          %get3A_325 = arith.constant 0 : index
          %get3A_326 = tpu.vector_load %arg25[%get3A_324, %get3A_325] {strides = array<i32>} : memref<800x16xf32, #tpu.memory_space<vmem>>, vector<16xf32>,
          %mul3A_327 = arith.mulf %get3A_326, %gather3A_321 : vector<16xf32>
          %add3A_328 = arith.constant 15 : i32
          %add3A_329 = arith.addi %add3A_68, %add3A_328 : i32
          %swap3A_330 = arith.index_cast %add3A_329 : i32 to index
          %swap3A_331 = arith.constant 0 : index
          %swap3A_332 = tpu.vector_load %arg25[%swap3A_330, %swap3A_331] {strides = array<i32>} : memref<800x16xf32, #tpu.memory_space<vmem>>, vector<16xf32>,
          tpu.vector_store %arg25[%swap3A_330, %swap3A_331], %mul3A_327 {strides = array<i32>} : memref<800x16xf32, #tpu.memory_space<vmem>>, vector<16xf32>,
        }
        %scan3A_63 = arith.constant 50 : i32
        "tpu.region"() ({
          %run_scoped3A = tpu.sem_alloc : memref<!tpu.dma_semaphore, #tpu.memory_space<semaphore_mem>>
          %dma_start3A_64 = arith.constant 0 : i32
          %dma_start3A_65 = arith.constant 0 : i32
          %dma_start3A_66 = tpu.memref_slice %arg30[%dma_start3A_64, %dma_start3A_65] : memref<102400x16xf32, #tpu.memory_space<vmem_shared>> -> memref<102400x16xf32, #tpu.memory_space<vmem_shared>>
          tpu.enqueue_indirect_dma source(%arg25 : memref<800x16xf32, #tpu.memory_space<vmem>>) target(%dma_start3A_66 : memref<102400x16xf32, #tpu.memory_space<vmem_shared>>) offsets(%arg17 : memref<800xi32, #tpu.memory_space<vmem>>) semaphore(%run_scoped3A : memref<!tpu.dma_semaphore, #tpu.memory_space<semaphore_mem>>) {add = true}
          %dma_wait3A_67 = arith.constant 0 : i32
          %dma_wait3A_68 = arith.constant 0 : i32
          %dma_wait3A_69 = tpu.memref_slice %arg30[%dma_wait3A_67, %dma_wait3A_68] : memref<102400x16xf32, #tpu.memory_space<vmem_shared>> -> memref<102400x16xf32, #tpu.memory_space<vmem_shared>>
          tpu.wait_indirect_dma semaphore(%run_scoped3A : memref<!tpu.dma_semaphore, #tpu.memory_space<semaphore_mem>>) src(%arg25 : memref<800x16xf32, #tpu.memory_space<vmem>>) dst(%dma_wait3A_69 : memref<102400x16xf32, #tpu.memory_space<vmem_shared>>)
          tpu.yield
        }) : () -> ()
      }
      %scan3A_41 = arith.constant 125 : i32
    } else {
    }
    %barrier3A_17 = arith.constant 0 : index
    tpu.barrier barrier_id(%barrier3A_17)
    %eq3A_18 = arith.constant 0 : i32
    %eq3A_19 = arith.cmpi eq, %arg0, %eq3A_18 : i32
    %convert_element_type3A_20 = arith.extui %eq3A_19 : i1 to i32
    %cond3A_21 = arith.constant 0 : i32
    %cond3A_22 = arith.cmpi ne, %convert_element_type3A_20, %cond3A_21 : i32
    scf.if %cond3A_22 {
      %mul3A = arith.constant 6400 : i32
      %mul3A_28 = arith.muli %arg1, %mul3A : i32
      %add3A = arith.constant 0 : i32
      %add3A_29 = arith.addi %mul3A_28, %add3A : i32
      "tpu.region"() ({
        %run_scoped3A = tpu.sem_alloc : memref<!tpu.dma_semaphore, #tpu.memory_space<semaphore_mem>>
        %dma_start3A = arith.constant 0 : i32
        %dma_start3A_60 = tpu.memref_slice %arg13[%add3A_29, %dma_start3A] : memref<102400x16xf32, #tpu.memory_space<hbm>> -> memref<800x16xf32, #tpu.memory_space<hbm>>
        %dma_start3A_61 = arith.constant 0 : i32
        %dma_start3A_62 = tpu.memref_slice %arg30[%add3A_29, %dma_start3A_61] : memref<102400x16xf32, #tpu.memory_space<vmem_shared>> -> memref<800x16xf32, #tpu.memory_space<vmem_shared>>
        tpu.enqueue_dma source(%dma_start3A_62 : memref<800x16xf32, #tpu.memory_space<vmem_shared>>) target(%dma_start3A_60 : memref<800x16xf32, #tpu.memory_space<hbm>>) target_semaphore(%run_scoped3A : memref<!tpu.dma_semaphore, #tpu.memory_space<semaphore_mem>>)
        %dma_wait3A = arith.constant 0 : i32
        %dma_wait3A_63 = tpu.memref_slice %arg13[%add3A_29, %dma_wait3A] : memref<102400x16xf32, #tpu.memory_space<hbm>> -> memref<800x16xf32, #tpu.memory_space<hbm>>
        %dma_wait3A_64 = arith.constant 0 : i32
        %dma_wait3A_65 = tpu.memref_slice %arg30[%add3A_29, %dma_wait3A_64] : memref<102400x16xf32, #tpu.memory_space<vmem_shared>> -> memref<800x16xf32, #tpu.memory_space<vmem_shared>>
        tpu.wait_dma2 semaphore(%run_scoped3A : memref<!tpu.dma_semaphore, #tpu.memory_space<semaphore_mem>>) src(%dma_wait3A_65 : memref<800x16xf32, #tpu.memory_space<vmem_shared>>) dst(%dma_wait3A_63 : memref<800x16xf32, #tpu.memory_space<hbm>>)
        tpu.yield
      }) : () -> ()
      %add3A_30 = arith.constant 800 : i32
      %add3A_31 = arith.addi %mul3A_28, %add3A_30 : i32
      "tpu.region"() ({
        %run_scoped3A = tpu.sem_alloc : memref<!tpu.dma_semaphore, #tpu.memory_space<semaphore_mem>>
        %dma_start3A = arith.constant 0 : i32
        %dma_start3A_60 = tpu.memref_slice %arg13[%add3A_31, %dma_start3A] : memref<102400x16xf32, #tpu.memory_space<hbm>> -> memref<800x16xf32, #tpu.memory_space<hbm>>
        %dma_start3A_61 = arith.constant 0 : i32
        %dma_start3A_62 = tpu.memref_slice %arg30[%add3A_31, %dma_start3A_61] : memref<102400x16xf32, #tpu.memory_space<vmem_shared>> -> memref<800x16xf32, #tpu.memory_space<vmem_shared>>
        tpu.enqueue_dma source(%dma_start3A_62 : memref<800x16xf32, #tpu.memory_space<vmem_shared>>) target(%dma_start3A_60 : memref<800x16xf32, #tpu.memory_space<hbm>>) target_semaphore(%run_scoped3A : memref<!tpu.dma_semaphore, #tpu.memory_space<semaphore_mem>>)
        %dma_wait3A = arith.constant 0 : i32
        %dma_wait3A_63 = tpu.memref_slice %arg13[%add3A_31, %dma_wait3A] : memref<102400x16xf32, #tpu.memory_space<hbm>> -> memref<800x16xf32, #tpu.memory_space<hbm>>
        %dma_wait3A_64 = arith.constant 0 : i32
        %dma_wait3A_65 = tpu.memref_slice %arg30[%add3A_31, %dma_wait3A_64] : memref<102400x16xf32, #tpu.memory_space<vmem_shared>> -> memref<800x16xf32, #tpu.memory_space<vmem_shared>>
        tpu.wait_dma2 semaphore(%run_scoped3A : memref<!tpu.dma_semaphore, #tpu.memory_space<semaphore_mem>>) src(%dma_wait3A_65 : memref<800x16xf32, #tpu.memory_space<vmem_shared>>) dst(%dma_wait3A_63 : memref<800x16xf32, #tpu.memory_space<hbm>>)
        tpu.yield
      }) : () -> ()
      %add3A_32 = arith.constant 1600 : i32
      %add3A_33 = arith.addi %mul3A_28, %add3A_32 : i32
      "tpu.region"() ({
        %run_scoped3A = tpu.sem_alloc : memref<!tpu.dma_semaphore, #tpu.memory_space<semaphore_mem>>
        %dma_start3A = arith.constant 0 : i32
        %dma_start3A_60 = tpu.memref_slice %arg13[%add3A_33, %dma_start3A] : memref<102400x16xf32, #tpu.memory_space<hbm>> -> memref<800x16xf32, #tpu.memory_space<hbm>>
        %dma_start3A_61 = arith.constant 0 : i32
        %dma_start3A_62 = tpu.memref_slice %arg30[%add3A_33, %dma_start3A_61] : memref<102400x16xf32, #tpu.memory_space<vmem_shared>> -> memref<800x16xf32, #tpu.memory_space<vmem_shared>>
        tpu.enqueue_dma source(%dma_start3A_62 : memref<800x16xf32, #tpu.memory_space<vmem_shared>>) target(%dma_start3A_60 : memref<800x16xf32, #tpu.memory_space<hbm>>) target_semaphore(%run_scoped3A : memref<!tpu.dma_semaphore, #tpu.memory_space<semaphore_mem>>)
        %dma_wait3A = arith.constant 0 : i32
        %dma_wait3A_63 = tpu.memref_slice %arg13[%add3A_33, %dma_wait3A] : memref<102400x16xf32, #tpu.memory_space<hbm>> -> memref<800x16xf32, #tpu.memory_space<hbm>>
        %dma_wait3A_64 = arith.constant 0 : i32
        %dma_wait3A_65 = tpu.memref_slice %arg30[%add3A_33, %dma_wait3A_64] : memref<102400x16xf32, #tpu.memory_space<vmem_shared>> -> memref<800x16xf32, #tpu.memory_space<vmem_shared>>
        tpu.wait_dma2 semaphore(%run_scoped3A : memref<!tpu.dma_semaphore, #tpu.memory_space<semaphore_mem>>) src(%dma_wait3A_65 : memref<800x16xf32, #tpu.memory_space<vmem_shared>>) dst(%dma_wait3A_63 : memref<800x16xf32, #tpu.memory_space<hbm>>)
        tpu.yield
      }) : () -> ()
      %add3A_34 = arith.constant 2400 : i32
      %add3A_35 = arith.addi %mul3A_28, %add3A_34 : i32
      "tpu.region"() ({
        %run_scoped3A = tpu.sem_alloc : memref<!tpu.dma_semaphore, #tpu.memory_space<semaphore_mem>>
        %dma_start3A = arith.constant 0 : i32
        %dma_start3A_60 = tpu.memref_slice %arg13[%add3A_35, %dma_start3A] : memref<102400x16xf32, #tpu.memory_space<hbm>> -> memref<800x16xf32, #tpu.memory_space<hbm>>
        %dma_start3A_61 = arith.constant 0 : i32
        %dma_start3A_62 = tpu.memref_slice %arg30[%add3A_35, %dma_start3A_61] : memref<102400x16xf32, #tpu.memory_space<vmem_shared>> -> memref<800x16xf32, #tpu.memory_space<vmem_shared>>
        tpu.enqueue_dma source(%dma_start3A_62 : memref<800x16xf32, #tpu.memory_space<vmem_shared>>) target(%dma_start3A_60 : memref<800x16xf32, #tpu.memory_space<hbm>>) target_semaphore(%run_scoped3A : memref<!tpu.dma_semaphore, #tpu.memory_space<semaphore_mem>>)
        %dma_wait3A = arith.constant 0 : i32
        %dma_wait3A_63 = tpu.memref_slice %arg13[%add3A_35, %dma_wait3A] : memref<102400x16xf32, #tpu.memory_space<hbm>> -> memref<800x16xf32, #tpu.memory_space<hbm>>
        %dma_wait3A_64 = arith.constant 0 : i32
        %dma_wait3A_65 = tpu.memref_slice %arg30[%add3A_35, %dma_wait3A_64] : memref<102400x16xf32, #tpu.memory_space<vmem_shared>> -> memref<800x16xf32, #tpu.memory_space<vmem_shared>>
        tpu.wait_dma2 semaphore(%run_scoped3A : memref<!tpu.dma_semaphore, #tpu.memory_space<semaphore_mem>>) src(%dma_wait3A_65 : memref<800x16xf32, #tpu.memory_space<vmem_shared>>) dst(%dma_wait3A_63 : memref<800x16xf32, #tpu.memory_space<hbm>>)
        tpu.yield
      }) : () -> ()
      %add3A_36 = arith.constant 3200 : i32
      %add3A_37 = arith.addi %mul3A_28, %add3A_36 : i32
      "tpu.region"() ({
        %run_scoped3A = tpu.sem_alloc : memref<!tpu.dma_semaphore, #tpu.memory_space<semaphore_mem>>
        %dma_start3A = arith.constant 0 : i32
        %dma_start3A_60 = tpu.memref_slice %arg13[%add3A_37, %dma_start3A] : memref<102400x16xf32, #tpu.memory_space<hbm>> -> memref<800x16xf32, #tpu.memory_space<hbm>>
        %dma_start3A_61 = arith.constant 0 : i32
        %dma_start3A_62 = tpu.memref_slice %arg30[%add3A_37, %dma_start3A_61] : memref<102400x16xf32, #tpu.memory_space<vmem_shared>> -> memref<800x16xf32, #tpu.memory_space<vmem_shared>>
        tpu.enqueue_dma source(%dma_start3A_62 : memref<800x16xf32, #tpu.memory_space<vmem_shared>>) target(%dma_start3A_60 : memref<800x16xf32, #tpu.memory_space<hbm>>) target_semaphore(%run_scoped3A : memref<!tpu.dma_semaphore, #tpu.memory_space<semaphore_mem>>)
        %dma_wait3A = arith.constant 0 : i32
        %dma_wait3A_63 = tpu.memref_slice %arg13[%add3A_37, %dma_wait3A] : memref<102400x16xf32, #tpu.memory_space<hbm>> -> memref<800x16xf32, #tpu.memory_space<hbm>>
        %dma_wait3A_64 = arith.constant 0 : i32
        %dma_wait3A_65 = tpu.memref_slice %arg30[%add3A_37, %dma_wait3A_64] : memref<102400x16xf32, #tpu.memory_space<vmem_shared>> -> memref<800x16xf32, #tpu.memory_space<vmem_shared>>
        tpu.wait_dma2 semaphore(%run_scoped3A : memref<!tpu.dma_semaphore, #tpu.memory_space<semaphore_mem>>) src(%dma_wait3A_65 : memref<800x16xf32, #tpu.memory_space<vmem_shared>>) dst(%dma_wait3A_63 : memref<800x16xf32, #tpu.memory_space<hbm>>)
        tpu.yield
      }) : () -> ()
      %add3A_38 = arith.constant 4000 : i32
      %add3A_39 = arith.addi %mul3A_28, %add3A_38 : i32
      "tpu.region"() ({
        %run_scoped3A = tpu.sem_alloc : memref<!tpu.dma_semaphore, #tpu.memory_space<semaphore_mem>>
        %dma_start3A = arith.constant 0 : i32
        %dma_start3A_60 = tpu.memref_slice %arg13[%add3A_39, %dma_start3A] : memref<102400x16xf32, #tpu.memory_space<hbm>> -> memref<800x16xf32, #tpu.memory_space<hbm>>
        %dma_start3A_61 = arith.constant 0 : i32
        %dma_start3A_62 = tpu.memref_slice %arg30[%add3A_39, %dma_start3A_61] : memref<102400x16xf32, #tpu.memory_space<vmem_shared>> -> memref<800x16xf32, #tpu.memory_space<vmem_shared>>
        tpu.enqueue_dma source(%dma_start3A_62 : memref<800x16xf32, #tpu.memory_space<vmem_shared>>) target(%dma_start3A_60 : memref<800x16xf32, #tpu.memory_space<hbm>>) target_semaphore(%run_scoped3A : memref<!tpu.dma_semaphore, #tpu.memory_space<semaphore_mem>>)
        %dma_wait3A = arith.constant 0 : i32
        %dma_wait3A_63 = tpu.memref_slice %arg13[%add3A_39, %dma_wait3A] : memref<102400x16xf32, #tpu.memory_space<hbm>> -> memref<800x16xf32, #tpu.memory_space<hbm>>
        %dma_wait3A_64 = arith.constant 0 : i32
        %dma_wait3A_65 = tpu.memref_slice %arg30[%add3A_39, %dma_wait3A_64] : memref<102400x16xf32, #tpu.memory_space<vmem_shared>> -> memref<800x16xf32, #tpu.memory_space<vmem_shared>>
        tpu.wait_dma2 semaphore(%run_scoped3A : memref<!tpu.dma_semaphore, #tpu.memory_space<semaphore_mem>>) src(%dma_wait3A_65 : memref<800x16xf32, #tpu.memory_space<vmem_shared>>) dst(%dma_wait3A_63 : memref<800x16xf32, #tpu.memory_space<hbm>>)
        tpu.yield
      }) : () -> ()
      %add3A_40 = arith.constant 4800 : i32
      %add3A_41 = arith.addi %mul3A_28, %add3A_40 : i32
      "tpu.region"() ({
        %run_scoped3A = tpu.sem_alloc : memref<!tpu.dma_semaphore, #tpu.memory_space<semaphore_mem>>
        %dma_start3A = arith.constant 0 : i32
        %dma_start3A_60 = tpu.memref_slice %arg13[%add3A_41, %dma_start3A] : memref<102400x16xf32, #tpu.memory_space<hbm>> -> memref<800x16xf32, #tpu.memory_space<hbm>>
        %dma_start3A_61 = arith.constant 0 : i32
        %dma_start3A_62 = tpu.memref_slice %arg30[%add3A_41, %dma_start3A_61] : memref<102400x16xf32, #tpu.memory_space<vmem_shared>> -> memref<800x16xf32, #tpu.memory_space<vmem_shared>>
        tpu.enqueue_dma source(%dma_start3A_62 : memref<800x16xf32, #tpu.memory_space<vmem_shared>>) target(%dma_start3A_60 : memref<800x16xf32, #tpu.memory_space<hbm>>) target_semaphore(%run_scoped3A : memref<!tpu.dma_semaphore, #tpu.memory_space<semaphore_mem>>)
        %dma_wait3A = arith.constant 0 : i32
        %dma_wait3A_63 = tpu.memref_slice %arg13[%add3A_41, %dma_wait3A] : memref<102400x16xf32, #tpu.memory_space<hbm>> -> memref<800x16xf32, #tpu.memory_space<hbm>>
        %dma_wait3A_64 = arith.constant 0 : i32
        %dma_wait3A_65 = tpu.memref_slice %arg30[%add3A_41, %dma_wait3A_64] : memref<102400x16xf32, #tpu.memory_space<vmem_shared>> -> memref<800x16xf32, #tpu.memory_space<vmem_shared>>
        tpu.wait_dma2 semaphore(%run_scoped3A : memref<!tpu.dma_semaphore, #tpu.memory_space<semaphore_mem>>) src(%dma_wait3A_65 : memref<800x16xf32, #tpu.memory_space<vmem_shared>>) dst(%dma_wait3A_63 : memref<800x16xf32, #tpu.memory_space<hbm>>)
        tpu.yield
      }) : () -> ()
      %add3A_42 = arith.constant 5600 : i32
      %add3A_43 = arith.addi %mul3A_28, %add3A_42 : i32
      "tpu.region"() ({
        %run_scoped3A = tpu.sem_alloc : memref<!tpu.dma_semaphore, #tpu.memory_space<semaphore_mem>>
        %dma_start3A = arith.constant 0 : i32
        %dma_start3A_60 = tpu.memref_slice %arg13[%add3A_43, %dma_start3A] : memref<102400x16xf32, #tpu.memory_space<hbm>> -> memref<800x16xf32, #tpu.memory_space<hbm>>
        %dma_start3A_61 = arith.constant 0 : i32
        %dma_start3A_62 = tpu.memref_slice %arg30[%add3A_43, %dma_start3A_61] : memref<102400x16xf32, #tpu.memory_space<vmem_shared>> -> memref<800x16xf32, #tpu.memory_space<vmem_shared>>
        tpu.enqueue_dma source(%dma_start3A_62 : memref<800x16xf32, #tpu.memory_space<vmem_shared>>) target(%dma_start3A_60 : memref<800x16xf32, #tpu.memory_space<hbm>>) target_semaphore(%run_scoped3A : memref<!tpu.dma_semaphore, #tpu.memory_space<semaphore_mem>>)
        %dma_wait3A = arith.constant 0 : i32
        %dma_wait3A_63 = tpu.memref_slice %arg13[%add3A_43, %dma_wait3A] : memref<102400x16xf32, #tpu.memory_space<hbm>> -> memref<800x16xf32, #tpu.memory_space<hbm>>
        %dma_wait3A_64 = arith.constant 0 : i32
        %dma_wait3A_65 = tpu.memref_slice %arg30[%add3A_43, %dma_wait3A_64] : memref<102400x16xf32, #tpu.memory_space<vmem_shared>> -> memref<800x16xf32, #tpu.memory_space<vmem_shared>>
        tpu.wait_dma2 semaphore(%run_scoped3A : memref<!tpu.dma_semaphore, #tpu.memory_space<semaphore_mem>>) src(%dma_wait3A_65 : memref<800x16xf32, #tpu.memory_space<vmem_shared>>) dst(%dma_wait3A_63 : memref<800x16xf32, #tpu.memory_space<hbm>>)
        tpu.yield
      }) : () -> ()
      %add3A_44 = arith.constant 0 : i32
      %add3A_45 = arith.addi %mul3A_28, %add3A_44 : i32
      "tpu.region"() ({
        %run_scoped3A = tpu.sem_alloc : memref<!tpu.dma_semaphore, #tpu.memory_space<semaphore_mem>>
        %dma_start3A = tpu.memref_slice %arg15[%add3A_45] : memref<102400xf32, #tpu.memory_space<hbm>> -> memref<800xf32, #tpu.memory_space<hbm>>
        %dma_start3A_60 = tpu.memref_slice %arg31[%add3A_45] : memref<102400xf32, #tpu.memory_space<vmem_shared>> -> memref<800xf32, #tpu.memory_space<vmem_shared>>
        tpu.enqueue_dma source(%dma_start3A_60 : memref<800xf32, #tpu.memory_space<vmem_shared>>) target(%dma_start3A : memref<800xf32, #tpu.memory_space<hbm>>) target_semaphore(%run_scoped3A : memref<!tpu.dma_semaphore, #tpu.memory_space<semaphore_mem>>)
        %dma_wait3A = tpu.memref_slice %arg15[%add3A_45] : memref<102400xf32, #tpu.memory_space<hbm>> -> memref<800xf32, #tpu.memory_space<hbm>>
        %dma_wait3A_61 = tpu.memref_slice %arg31[%add3A_45] : memref<102400xf32, #tpu.memory_space<vmem_shared>> -> memref<800xf32, #tpu.memory_space<vmem_shared>>
        tpu.wait_dma2 semaphore(%run_scoped3A : memref<!tpu.dma_semaphore, #tpu.memory_space<semaphore_mem>>) src(%dma_wait3A_61 : memref<800xf32, #tpu.memory_space<vmem_shared>>) dst(%dma_wait3A : memref<800xf32, #tpu.memory_space<hbm>>)
        tpu.yield
      }) : () -> ()
      %add3A_46 = arith.constant 800 : i32
      %add3A_47 = arith.addi %mul3A_28, %add3A_46 : i32
      "tpu.region"() ({
        %run_scoped3A = tpu.sem_alloc : memref<!tpu.dma_semaphore, #tpu.memory_space<semaphore_mem>>
        %dma_start3A = tpu.memref_slice %arg15[%add3A_47] : memref<102400xf32, #tpu.memory_space<hbm>> -> memref<800xf32, #tpu.memory_space<hbm>>
        %dma_start3A_60 = tpu.memref_slice %arg31[%add3A_47] : memref<102400xf32, #tpu.memory_space<vmem_shared>> -> memref<800xf32, #tpu.memory_space<vmem_shared>>
        tpu.enqueue_dma source(%dma_start3A_60 : memref<800xf32, #tpu.memory_space<vmem_shared>>) target(%dma_start3A : memref<800xf32, #tpu.memory_space<hbm>>) target_semaphore(%run_scoped3A : memref<!tpu.dma_semaphore, #tpu.memory_space<semaphore_mem>>)
        %dma_wait3A = tpu.memref_slice %arg15[%add3A_47] : memref<102400xf32, #tpu.memory_space<hbm>> -> memref<800xf32, #tpu.memory_space<hbm>>
        %dma_wait3A_61 = tpu.memref_slice %arg31[%add3A_47] : memref<102400xf32, #tpu.memory_space<vmem_shared>> -> memref<800xf32, #tpu.memory_space<vmem_shared>>
        tpu.wait_dma2 semaphore(%run_scoped3A : memref<!tpu.dma_semaphore, #tpu.memory_space<semaphore_mem>>) src(%dma_wait3A_61 : memref<800xf32, #tpu.memory_space<vmem_shared>>) dst(%dma_wait3A : memref<800xf32, #tpu.memory_space<hbm>>)
        tpu.yield
      }) : () -> ()
      %add3A_48 = arith.constant 1600 : i32
      %add3A_49 = arith.addi %mul3A_28, %add3A_48 : i32
      "tpu.region"() ({
        %run_scoped3A = tpu.sem_alloc : memref<!tpu.dma_semaphore, #tpu.memory_space<semaphore_mem>>
        %dma_start3A = tpu.memref_slice %arg15[%add3A_49] : memref<102400xf32, #tpu.memory_space<hbm>> -> memref<800xf32, #tpu.memory_space<hbm>>
        %dma_start3A_60 = tpu.memref_slice %arg31[%add3A_49] : memref<102400xf32, #tpu.memory_space<vmem_shared>> -> memref<800xf32, #tpu.memory_space<vmem_shared>>
        tpu.enqueue_dma source(%dma_start3A_60 : memref<800xf32, #tpu.memory_space<vmem_shared>>) target(%dma_start3A : memref<800xf32, #tpu.memory_space<hbm>>) target_semaphore(%run_scoped3A : memref<!tpu.dma_semaphore, #tpu.memory_space<semaphore_mem>>)
        %dma_wait3A = tpu.memref_slice %arg15[%add3A_49] : memref<102400xf32, #tpu.memory_space<hbm>> -> memref<800xf32, #tpu.memory_space<hbm>>
        %dma_wait3A_61 = tpu.memref_slice %arg31[%add3A_49] : memref<102400xf32, #tpu.memory_space<vmem_shared>> -> memref<800xf32, #tpu.memory_space<vmem_shared>>
        tpu.wait_dma2 semaphore(%run_scoped3A : memref<!tpu.dma_semaphore, #tpu.memory_space<semaphore_mem>>) src(%dma_wait3A_61 : memref<800xf32, #tpu.memory_space<vmem_shared>>) dst(%dma_wait3A : memref<800xf32, #tpu.memory_space<hbm>>)
        tpu.yield
      }) : () -> ()
      %add3A_50 = arith.constant 2400 : i32
      %add3A_51 = arith.addi %mul3A_28, %add3A_50 : i32
      "tpu.region"() ({
        %run_scoped3A = tpu.sem_alloc : memref<!tpu.dma_semaphore, #tpu.memory_space<semaphore_mem>>
        %dma_start3A = tpu.memref_slice %arg15[%add3A_51] : memref<102400xf32, #tpu.memory_space<hbm>> -> memref<800xf32, #tpu.memory_space<hbm>>
        %dma_start3A_60 = tpu.memref_slice %arg31[%add3A_51] : memref<102400xf32, #tpu.memory_space<vmem_shared>> -> memref<800xf32, #tpu.memory_space<vmem_shared>>
        tpu.enqueue_dma source(%dma_start3A_60 : memref<800xf32, #tpu.memory_space<vmem_shared>>) target(%dma_start3A : memref<800xf32, #tpu.memory_space<hbm>>) target_semaphore(%run_scoped3A : memref<!tpu.dma_semaphore, #tpu.memory_space<semaphore_mem>>)
        %dma_wait3A = tpu.memref_slice %arg15[%add3A_51] : memref<102400xf32, #tpu.memory_space<hbm>> -> memref<800xf32, #tpu.memory_space<hbm>>
        %dma_wait3A_61 = tpu.memref_slice %arg31[%add3A_51] : memref<102400xf32, #tpu.memory_space<vmem_shared>> -> memref<800xf32, #tpu.memory_space<vmem_shared>>
        tpu.wait_dma2 semaphore(%run_scoped3A : memref<!tpu.dma_semaphore, #tpu.memory_space<semaphore_mem>>) src(%dma_wait3A_61 : memref<800xf32, #tpu.memory_space<vmem_shared>>) dst(%dma_wait3A : memref<800xf32, #tpu.memory_space<hbm>>)
        tpu.yield
      }) : () -> ()
      %add3A_52 = arith.constant 3200 : i32
      %add3A_53 = arith.addi %mul3A_28, %add3A_52 : i32
      "tpu.region"() ({
        %run_scoped3A = tpu.sem_alloc : memref<!tpu.dma_semaphore, #tpu.memory_space<semaphore_mem>>
        %dma_start3A = tpu.memref_slice %arg15[%add3A_53] : memref<102400xf32, #tpu.memory_space<hbm>> -> memref<800xf32, #tpu.memory_space<hbm>>
        %dma_start3A_60 = tpu.memref_slice %arg31[%add3A_53] : memref<102400xf32, #tpu.memory_space<vmem_shared>> -> memref<800xf32, #tpu.memory_space<vmem_shared>>
        tpu.enqueue_dma source(%dma_start3A_60 : memref<800xf32, #tpu.memory_space<vmem_shared>>) target(%dma_start3A : memref<800xf32, #tpu.memory_space<hbm>>) target_semaphore(%run_scoped3A : memref<!tpu.dma_semaphore, #tpu.memory_space<semaphore_mem>>)
        %dma_wait3A = tpu.memref_slice %arg15[%add3A_53] : memref<102400xf32, #tpu.memory_space<hbm>> -> memref<800xf32, #tpu.memory_space<hbm>>
        %dma_wait3A_61 = tpu.memref_slice %arg31[%add3A_53] : memref<102400xf32, #tpu.memory_space<vmem_shared>> -> memref<800xf32, #tpu.memory_space<vmem_shared>>
        tpu.wait_dma2 semaphore(%run_scoped3A : memref<!tpu.dma_semaphore, #tpu.memory_space<semaphore_mem>>) src(%dma_wait3A_61 : memref<800xf32, #tpu.memory_space<vmem_shared>>) dst(%dma_wait3A : memref<800xf32, #tpu.memory_space<hbm>>)
        tpu.yield
      }) : () -> ()
      %add3A_54 = arith.constant 4000 : i32
      %add3A_55 = arith.addi %mul3A_28, %add3A_54 : i32
      "tpu.region"() ({
        %run_scoped3A = tpu.sem_alloc : memref<!tpu.dma_semaphore, #tpu.memory_space<semaphore_mem>>
        %dma_start3A = tpu.memref_slice %arg15[%add3A_55] : memref<102400xf32, #tpu.memory_space<hbm>> -> memref<800xf32, #tpu.memory_space<hbm>>
        %dma_start3A_60 = tpu.memref_slice %arg31[%add3A_55] : memref<102400xf32, #tpu.memory_space<vmem_shared>> -> memref<800xf32, #tpu.memory_space<vmem_shared>>
        tpu.enqueue_dma source(%dma_start3A_60 : memref<800xf32, #tpu.memory_space<vmem_shared>>) target(%dma_start3A : memref<800xf32, #tpu.memory_space<hbm>>) target_semaphore(%run_scoped3A : memref<!tpu.dma_semaphore, #tpu.memory_space<semaphore_mem>>)
        %dma_wait3A = tpu.memref_slice %arg15[%add3A_55] : memref<102400xf32, #tpu.memory_space<hbm>> -> memref<800xf32, #tpu.memory_space<hbm>>
        %dma_wait3A_61 = tpu.memref_slice %arg31[%add3A_55] : memref<102400xf32, #tpu.memory_space<vmem_shared>> -> memref<800xf32, #tpu.memory_space<vmem_shared>>
        tpu.wait_dma2 semaphore(%run_scoped3A : memref<!tpu.dma_semaphore, #tpu.memory_space<semaphore_mem>>) src(%dma_wait3A_61 : memref<800xf32, #tpu.memory_space<vmem_shared>>) dst(%dma_wait3A : memref<800xf32, #tpu.memory_space<hbm>>)
        tpu.yield
      }) : () -> ()
      %add3A_56 = arith.constant 4800 : i32
      %add3A_57 = arith.addi %mul3A_28, %add3A_56 : i32
      "tpu.region"() ({
        %run_scoped3A = tpu.sem_alloc : memref<!tpu.dma_semaphore, #tpu.memory_space<semaphore_mem>>
        %dma_start3A = tpu.memref_slice %arg15[%add3A_57] : memref<102400xf32, #tpu.memory_space<hbm>> -> memref<800xf32, #tpu.memory_space<hbm>>
        %dma_start3A_60 = tpu.memref_slice %arg31[%add3A_57] : memref<102400xf32, #tpu.memory_space<vmem_shared>> -> memref<800xf32, #tpu.memory_space<vmem_shared>>
        tpu.enqueue_dma source(%dma_start3A_60 : memref<800xf32, #tpu.memory_space<vmem_shared>>) target(%dma_start3A : memref<800xf32, #tpu.memory_space<hbm>>) target_semaphore(%run_scoped3A : memref<!tpu.dma_semaphore, #tpu.memory_space<semaphore_mem>>)
        %dma_wait3A = tpu.memref_slice %arg15[%add3A_57] : memref<102400xf32, #tpu.memory_space<hbm>> -> memref<800xf32, #tpu.memory_space<hbm>>
        %dma_wait3A_61 = tpu.memref_slice %arg31[%add3A_57] : memref<102400xf32, #tpu.memory_space<vmem_shared>> -> memref<800xf32, #tpu.memory_space<vmem_shared>>
        tpu.wait_dma2 semaphore(%run_scoped3A : memref<!tpu.dma_semaphore, #tpu.memory_space<semaphore_mem>>) src(%dma_wait3A_61 : memref<800xf32, #tpu.memory_space<vmem_shared>>) dst(%dma_wait3A : memref<800xf32, #tpu.memory_space<hbm>>)
        tpu.yield
      }) : () -> ()
      %add3A_58 = arith.constant 5600 : i32
      %add3A_59 = arith.addi %mul3A_28, %add3A_58 : i32
      "tpu.region"() ({
        %run_scoped3A = tpu.sem_alloc : memref<!tpu.dma_semaphore, #tpu.memory_space<semaphore_mem>>
        %dma_start3A = tpu.memref_slice %arg15[%add3A_59] : memref<102400xf32, #tpu.memory_space<hbm>> -> memref<800xf32, #tpu.memory_space<hbm>>
        %dma_start3A_60 = tpu.memref_slice %arg31[%add3A_59] : memref<102400xf32, #tpu.memory_space<vmem_shared>> -> memref<800xf32, #tpu.memory_space<vmem_shared>>
        tpu.enqueue_dma source(%dma_start3A_60 : memref<800xf32, #tpu.memory_space<vmem_shared>>) target(%dma_start3A : memref<800xf32, #tpu.memory_space<hbm>>) target_semaphore(%run_scoped3A : memref<!tpu.dma_semaphore, #tpu.memory_space<semaphore_mem>>)
        %dma_wait3A = tpu.memref_slice %arg15[%add3A_59] : memref<102400xf32, #tpu.memory_space<hbm>> -> memref<800xf32, #tpu.memory_space<hbm>>
        %dma_wait3A_61 = tpu.memref_slice %arg31[%add3A_59] : memref<102400xf32, #tpu.memory_space<vmem_shared>> -> memref<800xf32, #tpu.memory_space<vmem_shared>>
        tpu.wait_dma2 semaphore(%run_scoped3A : memref<!tpu.dma_semaphore, #tpu.memory_space<semaphore_mem>>) src(%dma_wait3A_61 : memref<800xf32, #tpu.memory_space<vmem_shared>>) dst(%dma_wait3A : memref<800xf32, #tpu.memory_space<hbm>>)
        tpu.yield
      }) : () -> ()
    } else {
    }
    %eq3A_23 = arith.constant 1 : i32
    %eq3A_24 = arith.cmpi eq, %arg0, %eq3A_23 : i32
    %convert_element_type3A_25 = arith.extui %eq3A_24 : i1 to i32
    %cond3A_26 = arith.constant 0 : i32
    %cond3A_27 = arith.cmpi ne, %convert_element_type3A_25, %cond3A_26 : i32
    scf.if %cond3A_27 {
      %mul3A = arith.constant 6400 : i32
      %mul3A_28 = arith.muli %arg1, %mul3A : i32
      %add3A = arith.constant 0 : i32
      %add3A_29 = arith.addi %mul3A_28, %add3A : i32
      "tpu.region"() ({
        %run_scoped3A = tpu.sem_alloc : memref<!tpu.dma_semaphore, #tpu.memory_space<semaphore_mem>>
        %dma_start3A = arith.constant 0 : i32
        %dma_start3A_44 = tpu.memref_slice %arg14[%add3A_29, %dma_start3A] : memref<102400x16xf32, #tpu.memory_space<hbm>> -> memref<800x16xf32, #tpu.memory_space<hbm>>
        %dma_start3A_45 = arith.constant 0 : i32
        %dma_start3A_46 = tpu.memref_slice %arg30[%add3A_29, %dma_start3A_45] : memref<102400x16xf32, #tpu.memory_space<vmem_shared>> -> memref<800x16xf32, #tpu.memory_space<vmem_shared>>
        tpu.enqueue_dma source(%dma_start3A_46 : memref<800x16xf32, #tpu.memory_space<vmem_shared>>) target(%dma_start3A_44 : memref<800x16xf32, #tpu.memory_space<hbm>>) target_semaphore(%run_scoped3A : memref<!tpu.dma_semaphore, #tpu.memory_space<semaphore_mem>>)
        %dma_wait3A = arith.constant 0 : i32
        %dma_wait3A_47 = tpu.memref_slice %arg14[%add3A_29, %dma_wait3A] : memref<102400x16xf32, #tpu.memory_space<hbm>> -> memref<800x16xf32, #tpu.memory_space<hbm>>
        %dma_wait3A_48 = arith.constant 0 : i32
        %dma_wait3A_49 = tpu.memref_slice %arg30[%add3A_29, %dma_wait3A_48] : memref<102400x16xf32, #tpu.memory_space<vmem_shared>> -> memref<800x16xf32, #tpu.memory_space<vmem_shared>>
        tpu.wait_dma2 semaphore(%run_scoped3A : memref<!tpu.dma_semaphore, #tpu.memory_space<semaphore_mem>>) src(%dma_wait3A_49 : memref<800x16xf32, #tpu.memory_space<vmem_shared>>) dst(%dma_wait3A_47 : memref<800x16xf32, #tpu.memory_space<hbm>>)
        tpu.yield
      }) : () -> ()
      %add3A_30 = arith.constant 800 : i32
      %add3A_31 = arith.addi %mul3A_28, %add3A_30 : i32
      "tpu.region"() ({
        %run_scoped3A = tpu.sem_alloc : memref<!tpu.dma_semaphore, #tpu.memory_space<semaphore_mem>>
        %dma_start3A = arith.constant 0 : i32
        %dma_start3A_44 = tpu.memref_slice %arg14[%add3A_31, %dma_start3A] : memref<102400x16xf32, #tpu.memory_space<hbm>> -> memref<800x16xf32, #tpu.memory_space<hbm>>
        %dma_start3A_45 = arith.constant 0 : i32
        %dma_start3A_46 = tpu.memref_slice %arg30[%add3A_31, %dma_start3A_45] : memref<102400x16xf32, #tpu.memory_space<vmem_shared>> -> memref<800x16xf32, #tpu.memory_space<vmem_shared>>
        tpu.enqueue_dma source(%dma_start3A_46 : memref<800x16xf32, #tpu.memory_space<vmem_shared>>) target(%dma_start3A_44 : memref<800x16xf32, #tpu.memory_space<hbm>>) target_semaphore(%run_scoped3A : memref<!tpu.dma_semaphore, #tpu.memory_space<semaphore_mem>>)
        %dma_wait3A = arith.constant 0 : i32
        %dma_wait3A_47 = tpu.memref_slice %arg14[%add3A_31, %dma_wait3A] : memref<102400x16xf32, #tpu.memory_space<hbm>> -> memref<800x16xf32, #tpu.memory_space<hbm>>
        %dma_wait3A_48 = arith.constant 0 : i32
        %dma_wait3A_49 = tpu.memref_slice %arg30[%add3A_31, %dma_wait3A_48] : memref<102400x16xf32, #tpu.memory_space<vmem_shared>> -> memref<800x16xf32, #tpu.memory_space<vmem_shared>>
        tpu.wait_dma2 semaphore(%run_scoped3A : memref<!tpu.dma_semaphore, #tpu.memory_space<semaphore_mem>>) src(%dma_wait3A_49 : memref<800x16xf32, #tpu.memory_space<vmem_shared>>) dst(%dma_wait3A_47 : memref<800x16xf32, #tpu.memory_space<hbm>>)
        tpu.yield
      }) : () -> ()
      %add3A_32 = arith.constant 1600 : i32
      %add3A_33 = arith.addi %mul3A_28, %add3A_32 : i32
      "tpu.region"() ({
        %run_scoped3A = tpu.sem_alloc : memref<!tpu.dma_semaphore, #tpu.memory_space<semaphore_mem>>
        %dma_start3A = arith.constant 0 : i32
        %dma_start3A_44 = tpu.memref_slice %arg14[%add3A_33, %dma_start3A] : memref<102400x16xf32, #tpu.memory_space<hbm>> -> memref<800x16xf32, #tpu.memory_space<hbm>>
        %dma_start3A_45 = arith.constant 0 : i32
        %dma_start3A_46 = tpu.memref_slice %arg30[%add3A_33, %dma_start3A_45] : memref<102400x16xf32, #tpu.memory_space<vmem_shared>> -> memref<800x16xf32, #tpu.memory_space<vmem_shared>>
        tpu.enqueue_dma source(%dma_start3A_46 : memref<800x16xf32, #tpu.memory_space<vmem_shared>>) target(%dma_start3A_44 : memref<800x16xf32, #tpu.memory_space<hbm>>) target_semaphore(%run_scoped3A : memref<!tpu.dma_semaphore, #tpu.memory_space<semaphore_mem>>)
        %dma_wait3A = arith.constant 0 : i32
        %dma_wait3A_47 = tpu.memref_slice %arg14[%add3A_33, %dma_wait3A] : memref<102400x16xf32, #tpu.memory_space<hbm>> -> memref<800x16xf32, #tpu.memory_space<hbm>>
        %dma_wait3A_48 = arith.constant 0 : i32
        %dma_wait3A_49 = tpu.memref_slice %arg30[%add3A_33, %dma_wait3A_48] : memref<102400x16xf32, #tpu.memory_space<vmem_shared>> -> memref<800x16xf32, #tpu.memory_space<vmem_shared>>
        tpu.wait_dma2 semaphore(%run_scoped3A : memref<!tpu.dma_semaphore, #tpu.memory_space<semaphore_mem>>) src(%dma_wait3A_49 : memref<800x16xf32, #tpu.memory_space<vmem_shared>>) dst(%dma_wait3A_47 : memref<800x16xf32, #tpu.memory_space<hbm>>)
        tpu.yield
      }) : () -> ()
      %add3A_34 = arith.constant 2400 : i32
      %add3A_35 = arith.addi %mul3A_28, %add3A_34 : i32
      "tpu.region"() ({
        %run_scoped3A = tpu.sem_alloc : memref<!tpu.dma_semaphore, #tpu.memory_space<semaphore_mem>>
        %dma_start3A = arith.constant 0 : i32
        %dma_start3A_44 = tpu.memref_slice %arg14[%add3A_35, %dma_start3A] : memref<102400x16xf32, #tpu.memory_space<hbm>> -> memref<800x16xf32, #tpu.memory_space<hbm>>
        %dma_start3A_45 = arith.constant 0 : i32
        %dma_start3A_46 = tpu.memref_slice %arg30[%add3A_35, %dma_start3A_45] : memref<102400x16xf32, #tpu.memory_space<vmem_shared>> -> memref<800x16xf32, #tpu.memory_space<vmem_shared>>
        tpu.enqueue_dma source(%dma_start3A_46 : memref<800x16xf32, #tpu.memory_space<vmem_shared>>) target(%dma_start3A_44 : memref<800x16xf32, #tpu.memory_space<hbm>>) target_semaphore(%run_scoped3A : memref<!tpu.dma_semaphore, #tpu.memory_space<semaphore_mem>>)
        %dma_wait3A = arith.constant 0 : i32
        %dma_wait3A_47 = tpu.memref_slice %arg14[%add3A_35, %dma_wait3A] : memref<102400x16xf32, #tpu.memory_space<hbm>> -> memref<800x16xf32, #tpu.memory_space<hbm>>
        %dma_wait3A_48 = arith.constant 0 : i32
        %dma_wait3A_49 = tpu.memref_slice %arg30[%add3A_35, %dma_wait3A_48] : memref<102400x16xf32, #tpu.memory_space<vmem_shared>> -> memref<800x16xf32, #tpu.memory_space<vmem_shared>>
        tpu.wait_dma2 semaphore(%run_scoped3A : memref<!tpu.dma_semaphore, #tpu.memory_space<semaphore_mem>>) src(%dma_wait3A_49 : memref<800x16xf32, #tpu.memory_space<vmem_shared>>) dst(%dma_wait3A_47 : memref<800x16xf32, #tpu.memory_space<hbm>>)
        tpu.yield
      }) : () -> ()
      %add3A_36 = arith.constant 3200 : i32
      %add3A_37 = arith.addi %mul3A_28, %add3A_36 : i32
      "tpu.region"() ({
        %run_scoped3A = tpu.sem_alloc : memref<!tpu.dma_semaphore, #tpu.memory_space<semaphore_mem>>
        %dma_start3A = arith.constant 0 : i32
        %dma_start3A_44 = tpu.memref_slice %arg14[%add3A_37, %dma_start3A] : memref<102400x16xf32, #tpu.memory_space<hbm>> -> memref<800x16xf32, #tpu.memory_space<hbm>>
        %dma_start3A_45 = arith.constant 0 : i32
        %dma_start3A_46 = tpu.memref_slice %arg30[%add3A_37, %dma_start3A_45] : memref<102400x16xf32, #tpu.memory_space<vmem_shared>> -> memref<800x16xf32, #tpu.memory_space<vmem_shared>>
        tpu.enqueue_dma source(%dma_start3A_46 : memref<800x16xf32, #tpu.memory_space<vmem_shared>>) target(%dma_start3A_44 : memref<800x16xf32, #tpu.memory_space<hbm>>) target_semaphore(%run_scoped3A : memref<!tpu.dma_semaphore, #tpu.memory_space<semaphore_mem>>)
        %dma_wait3A = arith.constant 0 : i32
        %dma_wait3A_47 = tpu.memref_slice %arg14[%add3A_37, %dma_wait3A] : memref<102400x16xf32, #tpu.memory_space<hbm>> -> memref<800x16xf32, #tpu.memory_space<hbm>>
        %dma_wait3A_48 = arith.constant 0 : i32
        %dma_wait3A_49 = tpu.memref_slice %arg30[%add3A_37, %dma_wait3A_48] : memref<102400x16xf32, #tpu.memory_space<vmem_shared>> -> memref<800x16xf32, #tpu.memory_space<vmem_shared>>
        tpu.wait_dma2 semaphore(%run_scoped3A : memref<!tpu.dma_semaphore, #tpu.memory_space<semaphore_mem>>) src(%dma_wait3A_49 : memref<800x16xf32, #tpu.memory_space<vmem_shared>>) dst(%dma_wait3A_47 : memref<800x16xf32, #tpu.memory_space<hbm>>)
        tpu.yield
      }) : () -> ()
      %add3A_38 = arith.constant 4000 : i32
      %add3A_39 = arith.addi %mul3A_28, %add3A_38 : i32
      "tpu.region"() ({
        %run_scoped3A = tpu.sem_alloc : memref<!tpu.dma_semaphore, #tpu.memory_space<semaphore_mem>>
        %dma_start3A = arith.constant 0 : i32
        %dma_start3A_44 = tpu.memref_slice %arg14[%add3A_39, %dma_start3A] : memref<102400x16xf32, #tpu.memory_space<hbm>> -> memref<800x16xf32, #tpu.memory_space<hbm>>
        %dma_start3A_45 = arith.constant 0 : i32
        %dma_start3A_46 = tpu.memref_slice %arg30[%add3A_39, %dma_start3A_45] : memref<102400x16xf32, #tpu.memory_space<vmem_shared>> -> memref<800x16xf32, #tpu.memory_space<vmem_shared>>
        tpu.enqueue_dma source(%dma_start3A_46 : memref<800x16xf32, #tpu.memory_space<vmem_shared>>) target(%dma_start3A_44 : memref<800x16xf32, #tpu.memory_space<hbm>>) target_semaphore(%run_scoped3A : memref<!tpu.dma_semaphore, #tpu.memory_space<semaphore_mem>>)
        %dma_wait3A = arith.constant 0 : i32
        %dma_wait3A_47 = tpu.memref_slice %arg14[%add3A_39, %dma_wait3A] : memref<102400x16xf32, #tpu.memory_space<hbm>> -> memref<800x16xf32, #tpu.memory_space<hbm>>
        %dma_wait3A_48 = arith.constant 0 : i32
        %dma_wait3A_49 = tpu.memref_slice %arg30[%add3A_39, %dma_wait3A_48] : memref<102400x16xf32, #tpu.memory_space<vmem_shared>> -> memref<800x16xf32, #tpu.memory_space<vmem_shared>>
        tpu.wait_dma2 semaphore(%run_scoped3A : memref<!tpu.dma_semaphore, #tpu.memory_space<semaphore_mem>>) src(%dma_wait3A_49 : memref<800x16xf32, #tpu.memory_space<vmem_shared>>) dst(%dma_wait3A_47 : memref<800x16xf32, #tpu.memory_space<hbm>>)
        tpu.yield
      }) : () -> ()
      %add3A_40 = arith.constant 4800 : i32
      %add3A_41 = arith.addi %mul3A_28, %add3A_40 : i32
      "tpu.region"() ({
        %run_scoped3A = tpu.sem_alloc : memref<!tpu.dma_semaphore, #tpu.memory_space<semaphore_mem>>
        %dma_start3A = arith.constant 0 : i32
        %dma_start3A_44 = tpu.memref_slice %arg14[%add3A_41, %dma_start3A] : memref<102400x16xf32, #tpu.memory_space<hbm>> -> memref<800x16xf32, #tpu.memory_space<hbm>>
        %dma_start3A_45 = arith.constant 0 : i32
        %dma_start3A_46 = tpu.memref_slice %arg30[%add3A_41, %dma_start3A_45] : memref<102400x16xf32, #tpu.memory_space<vmem_shared>> -> memref<800x16xf32, #tpu.memory_space<vmem_shared>>
        tpu.enqueue_dma source(%dma_start3A_46 : memref<800x16xf32, #tpu.memory_space<vmem_shared>>) target(%dma_start3A_44 : memref<800x16xf32, #tpu.memory_space<hbm>>) target_semaphore(%run_scoped3A : memref<!tpu.dma_semaphore, #tpu.memory_space<semaphore_mem>>)
        %dma_wait3A = arith.constant 0 : i32
        %dma_wait3A_47 = tpu.memref_slice %arg14[%add3A_41, %dma_wait3A] : memref<102400x16xf32, #tpu.memory_space<hbm>> -> memref<800x16xf32, #tpu.memory_space<hbm>>
        %dma_wait3A_48 = arith.constant 0 : i32
        %dma_wait3A_49 = tpu.memref_slice %arg30[%add3A_41, %dma_wait3A_48] : memref<102400x16xf32, #tpu.memory_space<vmem_shared>> -> memref<800x16xf32, #tpu.memory_space<vmem_shared>>
        tpu.wait_dma2 semaphore(%run_scoped3A : memref<!tpu.dma_semaphore, #tpu.memory_space<semaphore_mem>>) src(%dma_wait3A_49 : memref<800x16xf32, #tpu.memory_space<vmem_shared>>) dst(%dma_wait3A_47 : memref<800x16xf32, #tpu.memory_space<hbm>>)
        tpu.yield
      }) : () -> ()
      %add3A_42 = arith.constant 5600 : i32
      %add3A_43 = arith.addi %mul3A_28, %add3A_42 : i32
      "tpu.region"() ({
        %run_scoped3A = tpu.sem_alloc : memref<!tpu.dma_semaphore, #tpu.memory_space<semaphore_mem>>
        %dma_start3A = arith.constant 0 : i32
        %dma_start3A_44 = tpu.memref_slice %arg14[%add3A_43, %dma_start3A] : memref<102400x16xf32, #tpu.memory_space<hbm>> -> memref<800x16xf32, #tpu.memory_space<hbm>>
        %dma_start3A_45 = arith.constant 0 : i32
        %dma_start3A_46 = tpu.memref_slice %arg30[%add3A_43, %dma_start3A_45] : memref<102400x16xf32, #tpu.memory_space<vmem_shared>> -> memref<800x16xf32, #tpu.memory_space<vmem_shared>>
        tpu.enqueue_dma source(%dma_start3A_46 : memref<800x16xf32, #tpu.memory_space<vmem_shared>>) target(%dma_start3A_44 : memref<800x16xf32, #tpu.memory_space<hbm>>) target_semaphore(%run_scoped3A : memref<!tpu.dma_semaphore, #tpu.memory_space<semaphore_mem>>)
        %dma_wait3A = arith.constant 0 : i32
        %dma_wait3A_47 = tpu.memref_slice %arg14[%add3A_43, %dma_wait3A] : memref<102400x16xf32, #tpu.memory_space<hbm>> -> memref<800x16xf32, #tpu.memory_space<hbm>>
        %dma_wait3A_48 = arith.constant 0 : i32
        %dma_wait3A_49 = tpu.memref_slice %arg30[%add3A_43, %dma_wait3A_48] : memref<102400x16xf32, #tpu.memory_space<vmem_shared>> -> memref<800x16xf32, #tpu.memory_space<vmem_shared>>
        tpu.wait_dma2 semaphore(%run_scoped3A : memref<!tpu.dma_semaphore, #tpu.memory_space<semaphore_mem>>) src(%dma_wait3A_49 : memref<800x16xf32, #tpu.memory_space<vmem_shared>>) dst(%dma_wait3A_47 : memref<800x16xf32, #tpu.memory_space<hbm>>)
        tpu.yield
      }) : () -> ()
    } else {
    }
    return
  }
}

module attributes {stable_mosaic.version = 14 : i64} {
  func.func @_node_body(%arg0: i32, %arg1: memref<2048x32xf32, #tpu.memory_space<vmem>>, %arg2: memref<32x32xf32, #tpu.memory_space<vmem>>, %arg3: memref<1x32xf32, #tpu.memory_space<vmem>>, %arg4: memref<1x32xf32, #tpu.memory_space<vmem>>, %arg5: memref<10x32xf32, #tpu.memory_space<vmem>>, %arg6: memref<35x32xf32, #tpu.memory_space<vmem>>, %arg7: memref<1x32xf32, #tpu.memory_space<vmem>>, %arg8: memref<2048x16xf32, #tpu.memory_space<vmem>>, %arg9: memref<2048x16xf32, #tpu.memory_space<vmem>>, %arg10: memref<2048x1xf32, #tpu.memory_space<vmem>>, %arg11: memref<2048x1xf32, #tpu.memory_space<vmem>>, %arg12: memref<8x16xf32, #tpu.memory_space<vmem>>) attributes {dimension_semantics = [#tpu.dimension_semantics<arbitrary>], iteration_bounds = array<i64: 50>, scalar_prefetch = 0 : i64, scratch_operands = 0 : i64, tpu.core_type = #tpu.core_type<tc>, window_params = [{transform_indices = @transform_0, window_bounds = array<i64: 2048, 32>}, {pipeline_mode = #tpu.pipeline_mode<synchronous>, transform_indices = @transform_1, window_bounds = array<i64: 32, 32>}, {pipeline_mode = #tpu.pipeline_mode<synchronous>, transform_indices = @transform_2, window_bounds = array<i64: 1, 32>}, {pipeline_mode = #tpu.pipeline_mode<synchronous>, transform_indices = @transform_3, window_bounds = array<i64: 1, 32>}, {pipeline_mode = #tpu.pipeline_mode<synchronous>, transform_indices = @transform_4, window_bounds = array<i64: 10, 32>}, {pipeline_mode = #tpu.pipeline_mode<synchronous>, transform_indices = @transform_5, window_bounds = array<i64: 35, 32>}, {pipeline_mode = #tpu.pipeline_mode<synchronous>, transform_indices = @transform_6, window_bounds = array<i64: 1, 32>}, {transform_indices = @transform_7, window_bounds = array<i64: 2048, 16>}, {transform_indices = @transform_8, window_bounds = array<i64: 2048, 16>}, {transform_indices = @transform_9, window_bounds = array<i64: 2048, 1>}, {transform_indices = @transform_10, window_bounds = array<i64: 2048, 1>}, {pipeline_mode = #tpu.pipeline_mode<synchronous>, transform_indices = @transform_11, window_bounds = array<i64: 8, 16>}]} {
    %get3A = arith.constant 0 : index
    %get3A_0 = arith.constant 0 : index
    %get3A_1 = vector.load %arg1[%get3A, %get3A_0] : memref<2048x32xf32, #tpu.memory_space<vmem>>, vector<2048x32xf32>
    %get3A_2 = arith.constant 0 : index
    %get3A_3 = arith.constant 0 : index
    %get3A_4 = vector.load %arg2[%get3A_2, %get3A_3] : memref<32x32xf32, #tpu.memory_space<vmem>>, vector<32x32xf32>
    %dot_general3A = arith.constant dense<0.000000e+00> : vector<2048x32xf32>
    %dot_general3A_5 = tpu.matmul %get3A_1, %get3A_4, %dot_general3A {dimension_numbers = #tpu.dot_dimension_numbers<[1], [0], [0], [1], [0, 0, 1, 1], [], []>, precision = #tpu.contract_precision<fp32>, transpose_lhs_hint = false} : vector<2048x32xf32>, vector<32x32xf32>, vector<2048x32xf32> -> vector<2048x32xf32>
    %slice3A = vector.extract_strided_slice %dot_general3A_5 {offsets = [0, 0], sizes = [2048, 16], strides = [1, 1]} : vector<2048x32xf32> to vector<2048x16xf32>
    %swap3A = arith.constant 0 : index
    %swap3A_6 = arith.constant 0 : index
    %swap3A_7 = vector.load %arg8[%swap3A, %swap3A_6] : memref<2048x16xf32, #tpu.memory_space<vmem>>, vector<2048x16xf32>
    tpu.vector_store %arg8[%swap3A, %swap3A_6], %slice3A {strides = array<i32>} : memref<2048x16xf32, #tpu.memory_space<vmem>>, vector<2048x16xf32>,
    %slice3A_8 = vector.extract_strided_slice %dot_general3A_5 {offsets = [0, 16], sizes = [2048, 16], strides = [1, 1]} : vector<2048x32xf32> to vector<2048x16xf32>
    %swap3A_9 = arith.constant 0 : index
    %swap3A_10 = arith.constant 0 : index
    %swap3A_11 = vector.load %arg9[%swap3A_9, %swap3A_10] : memref<2048x16xf32, #tpu.memory_space<vmem>>, vector<2048x16xf32>
    tpu.vector_store %arg9[%swap3A_9, %swap3A_10], %slice3A_8 {strides = array<i32>} : memref<2048x16xf32, #tpu.memory_space<vmem>>, vector<2048x16xf32>,
    %get3A_12 = arith.constant 0 : index
    %get3A_13 = arith.constant 0 : index
    %get3A_14 = vector.load %arg3[%get3A_12, %get3A_13] : memref<1x32xf32, #tpu.memory_space<vmem>>, vector<1x32xf32>
    %mul3A = vector.broadcast %get3A_14 : vector<1x32xf32> to vector<2048x32xf32>
    %mul3A_15 = arith.mulf %dot_general3A_5, %mul3A : vector<2048x32xf32>
    %reduce_sum3A = arith.constant dense<0.000000e+00> : vector<2048xf32>
    %reduce_sum3A_16 = vector.multi_reduction <add>, %mul3A_15, %reduce_sum3A [1] : vector<2048x32xf32> to vector<2048xf32>
    %broadcast_in_dim3A = vector.shape_cast %reduce_sum3A_16 : vector<2048xf32> to vector<2048x1xf32>
    %swap3A_17 = arith.constant 0 : index
    %swap3A_18 = arith.constant 0 : index
    %swap3A_19 = vector.load %arg10[%swap3A_17, %swap3A_18] : memref<2048x1xf32, #tpu.memory_space<vmem>>, vector<2048x1xf32>
    tpu.vector_store %arg10[%swap3A_17, %swap3A_18], %broadcast_in_dim3A {strides = array<i32>} : memref<2048x1xf32, #tpu.memory_space<vmem>>, vector<2048x1xf32>,
    %get3A_20 = arith.constant 0 : index
    %get3A_21 = arith.constant 0 : index
    %get3A_22 = vector.load %arg4[%get3A_20, %get3A_21] : memref<1x32xf32, #tpu.memory_space<vmem>>, vector<1x32xf32>
    %mul3A_23 = vector.broadcast %get3A_22 : vector<1x32xf32> to vector<2048x32xf32>
    %mul3A_24 = arith.mulf %dot_general3A_5, %mul3A_23 : vector<2048x32xf32>
    %reduce_sum3A_25 = arith.constant dense<0.000000e+00> : vector<2048xf32>
    %reduce_sum3A_26 = vector.multi_reduction <add>, %mul3A_24, %reduce_sum3A_25 [1] : vector<2048x32xf32> to vector<2048xf32>
    %broadcast_in_dim3A_27 = vector.shape_cast %reduce_sum3A_26 : vector<2048xf32> to vector<2048x1xf32>
    %swap3A_28 = arith.constant 0 : index
    %swap3A_29 = arith.constant 0 : index
    %swap3A_30 = vector.load %arg11[%swap3A_28, %swap3A_29] : memref<2048x1xf32, #tpu.memory_space<vmem>>, vector<2048x1xf32>
    tpu.vector_store %arg11[%swap3A_28, %swap3A_29], %broadcast_in_dim3A_27 {strides = array<i32>} : memref<2048x1xf32, #tpu.memory_space<vmem>>, vector<2048x1xf32>,
    %eq3A = arith.constant 0 : i32
    %eq3A_31 = arith.cmpi eq, %arg0, %eq3A : i32
    %convert_element_type3A = arith.extui %eq3A_31 : i1 to i32
    %cond3A = arith.constant 0 : i32
    %cond3A_32 = arith.cmpi ne, %convert_element_type3A, %cond3A : i32
    scf.if %cond3A_32 {
      %get3A_33 = arith.constant 0 : index
      %get3A_34 = arith.constant 0 : index
      %get3A_35 = vector.load %arg7[%get3A_33, %get3A_34] : memref<1x32xf32, #tpu.memory_space<vmem>>, vector<1x32xf32>
      %get3A_36 = arith.constant 0 : index
      %get3A_37 = arith.constant 0 : index
      %get3A_38 = vector.load %arg6[%get3A_36, %get3A_37] : memref<35x32xf32, #tpu.memory_space<vmem>>, vector<35x32xf32>
      %dot_general3A_39 = arith.constant dense<0.000000e+00> : vector<1x35xf32>
      %dot_general3A_40 = tpu.matmul %get3A_35, %get3A_38, %dot_general3A_39 {dimension_numbers = #tpu.dot_dimension_numbers<[1], [1], [0], [0], [0, 0, 1, 0], [], []>, precision = #tpu.contract_precision<fp32>, transpose_lhs_hint = false} : vector<1x32xf32>, vector<35x32xf32>, vector<1x35xf32> -> vector<1x35xf32>
      %slice3A_41 = vector.extract_strided_slice %dot_general3A_40 {offsets = [0, 0], sizes = [1, 32], strides = [1, 1]} : vector<1x35xf32> to vector<1x32xf32>
      %get3A_42 = arith.constant 0 : index
      %get3A_43 = arith.constant 0 : index
      %get3A_44 = vector.load %arg5[%get3A_42, %get3A_43] : memref<10x32xf32, #tpu.memory_space<vmem>>, vector<10x32xf32>
      %dot_general3A_45 = arith.constant dense<0.000000e+00> : vector<1x10xf32>
      %dot_general3A_46 = tpu.matmul %slice3A_41, %get3A_44, %dot_general3A_45 {dimension_numbers = #tpu.dot_dimension_numbers<[1], [1], [0], [0], [0, 0, 1, 0], [], []>, precision = #tpu.contract_precision<fp32>, transpose_lhs_hint = false} : vector<1x32xf32>, vector<10x32xf32>, vector<1x10xf32> -> vector<1x10xf32>
      %broadcast_in_dim3A_47 = arith.constant 0.000000e+00 : f32
      %broadcast_in_dim3A_48 = vector.broadcast %broadcast_in_dim3A_47 : f32 to vector<1x6xf32>
      %concatenate3A = tpu.concatenate %dot_general3A_46, %broadcast_in_dim3A_48 in 1 : vector<1x10xf32>, vector<1x6xf32> -> vector<1x16xf32>
      %slice3A_49 = vector.extract_strided_slice %dot_general3A_40 {offsets = [0, 32], sizes = [1, 1], strides = [1, 1]} : vector<1x35xf32> to vector<1x1xf32>
      %broadcast_in_dim3A_50 = vector.shape_cast %slice3A_49 : vector<1x1xf32> to vector<1x1xf32>
      %broadcast_in_dim3A_51 = vector.broadcast %broadcast_in_dim3A_50 : vector<1x1xf32> to vector<1x16xf32>
      %slice3A_52 = vector.extract_strided_slice %dot_general3A_40 {offsets = [0, 33], sizes = [1, 1], strides = [1, 1]} : vector<1x35xf32> to vector<1x1xf32>
      %broadcast_in_dim3A_53 = vector.shape_cast %slice3A_52 : vector<1x1xf32> to vector<1x1xf32>
      %broadcast_in_dim3A_54 = vector.broadcast %broadcast_in_dim3A_53 : vector<1x1xf32> to vector<1x16xf32>
      %slice3A_55 = vector.extract_strided_slice %dot_general3A_40 {offsets = [0, 34], sizes = [1, 1], strides = [1, 1]} : vector<1x35xf32> to vector<1x1xf32>
      %broadcast_in_dim3A_56 = vector.shape_cast %slice3A_55 : vector<1x1xf32> to vector<1x1xf32>
      %broadcast_in_dim3A_57 = vector.broadcast %broadcast_in_dim3A_56 : vector<1x1xf32> to vector<1x16xf32>
      %broadcast_in_dim3A_58 = arith.constant 0.000000e+00 : f32
      %broadcast_in_dim3A_59 = vector.broadcast %broadcast_in_dim3A_58 : f32 to vector<4x16xf32>
      %concatenate3A_60 = tpu.concatenate %concatenate3A, %broadcast_in_dim3A_51, %broadcast_in_dim3A_54, %broadcast_in_dim3A_57, %broadcast_in_dim3A_59 in 0 : vector<1x16xf32>, vector<1x16xf32>, vector<1x16xf32>, vector<1x16xf32>, vector<4x16xf32> -> vector<8x16xf32>
      %swap3A_61 = arith.constant 0 : index
      %swap3A_62 = arith.constant 0 : index
      %swap3A_63 = vector.load %arg12[%swap3A_61, %swap3A_62] : memref<8x16xf32, #tpu.memory_space<vmem>>, vector<8x16xf32>
      tpu.vector_store %arg12[%swap3A_61, %swap3A_62], %concatenate3A_60 {strides = array<i32>} : memref<8x16xf32, #tpu.memory_space<vmem>>, vector<8x16xf32>,
    } else {
    }
    return
  }
  func.func @transform_0(%arg0: i32) -> (i32, i32) {
    %c0_i32 = arith.constant 0 : i32
    %c0_i32_0 = arith.constant 0 : i32
    return %arg0, %c0_i32 : i32, i32
  }
  func.func @transform_1(%arg0: i32) -> (i32, i32) {
    %c0_i32 = arith.constant 0 : i32
    %c0_i32_0 = arith.constant 0 : i32
    %c0_i32_1 = arith.constant 0 : i32
    return %c0_i32, %c0_i32_0 : i32, i32
  }
  func.func @transform_2(%arg0: i32) -> (i32, i32) {
    %c0_i32 = arith.constant 0 : i32
    %c0_i32_0 = arith.constant 0 : i32
    %c0_i32_1 = arith.constant 0 : i32
    return %c0_i32, %c0_i32_0 : i32, i32
  }
  func.func @transform_3(%arg0: i32) -> (i32, i32) {
    %c0_i32 = arith.constant 0 : i32
    %c0_i32_0 = arith.constant 0 : i32
    %c0_i32_1 = arith.constant 0 : i32
    return %c0_i32, %c0_i32_0 : i32, i32
  }
  func.func @transform_4(%arg0: i32) -> (i32, i32) {
    %c0_i32 = arith.constant 0 : i32
    %c0_i32_0 = arith.constant 0 : i32
    %c0_i32_1 = arith.constant 0 : i32
    return %c0_i32, %c0_i32_0 : i32, i32
  }
  func.func @transform_5(%arg0: i32) -> (i32, i32) {
    %c0_i32 = arith.constant 0 : i32
    %c0_i32_0 = arith.constant 0 : i32
    %c0_i32_1 = arith.constant 0 : i32
    return %c0_i32, %c0_i32_0 : i32, i32
  }
  func.func @transform_6(%arg0: i32) -> (i32, i32) {
    %c0_i32 = arith.constant 0 : i32
    %c0_i32_0 = arith.constant 0 : i32
    %c0_i32_1 = arith.constant 0 : i32
    return %c0_i32, %c0_i32_0 : i32, i32
  }
  func.func @transform_7(%arg0: i32) -> (i32, i32) {
    %c0_i32 = arith.constant 0 : i32
    %c0_i32_0 = arith.constant 0 : i32
    return %arg0, %c0_i32 : i32, i32
  }
  func.func @transform_8(%arg0: i32) -> (i32, i32) {
    %c0_i32 = arith.constant 0 : i32
    %c0_i32_0 = arith.constant 0 : i32
    return %arg0, %c0_i32 : i32, i32
  }
  func.func @transform_9(%arg0: i32) -> (i32, i32) {
    %c0_i32 = arith.constant 0 : i32
    %c0_i32_0 = arith.constant 0 : i32
    return %arg0, %c0_i32 : i32, i32
  }
  func.func @transform_10(%arg0: i32) -> (i32, i32) {
    %c0_i32 = arith.constant 0 : i32
    %c0_i32_0 = arith.constant 0 : i32
    return %arg0, %c0_i32 : i32, i32
  }
  func.func @transform_11(%arg0: i32) -> (i32, i32) {
    %c0_i32 = arith.constant 0 : i32
    %c0_i32_0 = arith.constant 0 : i32
    %c0_i32_1 = arith.constant 0 : i32
    return %c0_i32, %c0_i32_0 : i32, i32
  }
}

module attributes {stable_mosaic.version = 14 : i64} {
  func.func @_pool_body(%arg0: i32, %arg1: memref<2048x16xf32, #tpu.memory_space<vmem>>, %arg2: memref<2048x16xf32, #tpu.memory_space<vmem>>, %arg3: memref<2048x1xf32, #tpu.memory_space<vmem>>, %arg4: memref<2048x1xi32, #tpu.memory_space<vmem>>, %arg5: memref<1x32xf32, #tpu.memory_space<vmem>>, %arg6: memref<32x16xf32, #tpu.memory_space<vmem>>, %arg7: memref<1x16xf32, #tpu.memory_space<vmem>>, %arg8: memref<256x16xf32, #tpu.memory_space<vmem>>, %arg9: memref<256x32xf32, #tpu.memory_space<vmem>>, %arg10: memref<256x1xf32, #tpu.memory_space<vmem>>) attributes {dimension_semantics = [#tpu.dimension_semantics<arbitrary>], iteration_bounds = array<i64: 50>, scalar_prefetch = 0 : i64, scratch_operands = 2 : i64, tpu.core_type = #tpu.core_type<tc>, window_params = [{transform_indices = @transform_0, window_bounds = array<i64: 2048, 16>}, {transform_indices = @transform_1, window_bounds = array<i64: 2048, 16>}, {transform_indices = @transform_2, window_bounds = array<i64: 2048, 1>}, {transform_indices = @transform_3, window_bounds = array<i64: 2048, 1>}, {pipeline_mode = #tpu.pipeline_mode<synchronous>, transform_indices = @transform_4, window_bounds = array<i64: 1, 32>}, {pipeline_mode = #tpu.pipeline_mode<synchronous>, transform_indices = @transform_5, window_bounds = array<i64: 32, 16>}, {pipeline_mode = #tpu.pipeline_mode<synchronous>, transform_indices = @transform_6, window_bounds = array<i64: 1, 16>}, {pipeline_mode = #tpu.pipeline_mode<synchronous>, transform_indices = @transform_7, window_bounds = array<i64: 256, 16>}]} {
    %eq3A = arith.constant 0 : i32
    %eq3A_0 = arith.cmpi eq, %arg0, %eq3A : i32
    %convert_element_type3A = arith.extui %eq3A_0 : i1 to i32
    %cond3A = arith.constant 0 : i32
    %cond3A_1 = arith.cmpi ne, %convert_element_type3A, %cond3A : i32
    scf.if %cond3A_1 {
      %broadcast_in_dim3A_49 = arith.constant 0.000000e+00 : f32
      %broadcast_in_dim3A_50 = vector.broadcast %broadcast_in_dim3A_49 : f32 to vector<256x32xf32>
      %swap3A_51 = arith.constant 0 : index
      %swap3A_52 = arith.constant 0 : index
      %swap3A_53 = vector.load %arg9[%swap3A_51, %swap3A_52] : memref<256x32xf32, #tpu.memory_space<vmem>>, vector<256x32xf32>
      tpu.vector_store %arg9[%swap3A_51, %swap3A_52], %broadcast_in_dim3A_50 {strides = array<i32>} : memref<256x32xf32, #tpu.memory_space<vmem>>, vector<256x32xf32>,
      %broadcast_in_dim3A_54 = arith.constant 0.000000e+00 : f32
      %broadcast_in_dim3A_55 = vector.broadcast %broadcast_in_dim3A_54 : f32 to vector<256x1xf32>
      %swap3A_56 = arith.constant 0 : index
      %swap3A_57 = arith.constant 0 : index
      %swap3A_58 = vector.load %arg10[%swap3A_56, %swap3A_57] : memref<256x1xf32, #tpu.memory_space<vmem>>, vector<256x1xf32>
      tpu.vector_store %arg10[%swap3A_56, %swap3A_57], %broadcast_in_dim3A_55 {strides = array<i32>} : memref<256x1xf32, #tpu.memory_space<vmem>>, vector<256x1xf32>,
    } else {
    }
    %get3A = arith.constant 0 : index
    %get3A_2 = arith.constant 0 : index
    %get3A_3 = vector.load %arg1[%get3A, %get3A_2] : memref<2048x16xf32, #tpu.memory_space<vmem>>, vector<2048x16xf32>
    %get3A_4 = arith.constant 0 : index
    %get3A_5 = arith.constant 0 : index
    %get3A_6 = vector.load %arg2[%get3A_4, %get3A_5] : memref<2048x16xf32, #tpu.memory_space<vmem>>, vector<2048x16xf32>
    %concatenate3A = tpu.concatenate %get3A_3, %get3A_6 in 1 : vector<2048x16xf32>, vector<2048x16xf32> -> vector<2048x32xf32>
    %get3A_7 = arith.constant 0 : index
    %get3A_8 = arith.constant 0 : index
    %get3A_9 = vector.load %arg3[%get3A_7, %get3A_8] : memref<2048x1xf32, #tpu.memory_space<vmem>>, vector<2048x1xf32>
    %add3A = arith.constant 1.000000e-16 : f32
    %add3A_10 = vector.broadcast %add3A : f32 to vector<2048x1xf32>
    %add3A_11 = arith.addf %get3A_9, %add3A_10 : vector<2048x1xf32>
    %div3A = vector.broadcast %add3A_11 : vector<2048x1xf32> to vector<2048x32xf32>
    %div3A_12 = arith.divf %concatenate3A, %div3A : vector<2048x32xf32>
    %get3A_13 = arith.constant 0 : index
    %get3A_14 = arith.constant 0 : index
    %get3A_15 = vector.load %arg5[%get3A_13, %get3A_14] : memref<1x32xf32, #tpu.memory_space<vmem>>, vector<1x32xf32>
    %add3A_16 = vector.broadcast %get3A_15 : vector<1x32xf32> to vector<2048x32xf32>
    %add3A_17 = arith.addf %div3A_12, %add3A_16 : vector<2048x32xf32>
    %max3A = arith.constant 0.000000e+00 : f32
    %max3A_18 = vector.broadcast %max3A : f32 to vector<2048x32xf32>
    %max3A_19 = arith.maximumf %add3A_17, %max3A_18 : vector<2048x32xf32>
    %get3A_20 = arith.constant 0 : index
    %get3A_21 = arith.constant 0 : index
    %get3A_22 = vector.load %arg4[%get3A_20, %get3A_21] : memref<2048x1xi32, #tpu.memory_space<vmem>>, vector<2048x1xi32>
    %iota3A = tpu.iota {dimensions = array<i32: 1>} : vector<2048x256xi32>
    %eq3A_23 = vector.broadcast %get3A_22 : vector<2048x1xi32> to vector<2048x256xi32>
    %eq3A_24 = arith.cmpi eq, %eq3A_23, %iota3A : vector<2048x256xi32>
    %convert_element_type3A_25 = arith.extui %eq3A_24 : vector<2048x256xi1> to vector<2048x256xi32>
    %convert_element_type3A_26 = arith.sitofp %convert_element_type3A_25 : vector<2048x256xi32> to vector<2048x256xf32>
    %get3A_27 = arith.constant 0 : index
    %get3A_28 = arith.constant 0 : index
    %get3A_29 = vector.load %arg9[%get3A_27, %get3A_28] : memref<256x32xf32, #tpu.memory_space<vmem>>, vector<256x32xf32>
    %dot_general3A = arith.constant dense<0.000000e+00> : vector<256x32xf32>
    %dot_general3A_30 = tpu.matmul %convert_element_type3A_26, %max3A_19, %dot_general3A {dimension_numbers = #tpu.dot_dimension_numbers<[0], [0], [1], [1], [0, 1, 1, 1], [], []>, precision = #tpu.contract_precision<fp32>, transpose_lhs_hint = false} : vector<2048x256xf32>, vector<2048x32xf32>, vector<256x32xf32> -> vector<256x32xf32>
    %add3A_31 = arith.addf %get3A_29, %dot_general3A_30 : vector<256x32xf32>
    %swap3A = arith.constant 0 : index
    %swap3A_32 = arith.constant 0 : index
    %swap3A_33 = vector.load %arg9[%swap3A, %swap3A_32] : memref<256x32xf32, #tpu.memory_space<vmem>>, vector<256x32xf32>
    tpu.vector_store %arg9[%swap3A, %swap3A_32], %add3A_31 {strides = array<i32>} : memref<256x32xf32, #tpu.memory_space<vmem>>, vector<256x32xf32>,
    %get3A_34 = arith.constant 0 : index
    %get3A_35 = arith.constant 0 : index
    %get3A_36 = vector.load %arg10[%get3A_34, %get3A_35] : memref<256x1xf32, #tpu.memory_space<vmem>>, vector<256x1xf32>
    %broadcast_in_dim3A = arith.constant 1.000000e+00 : f32
    %broadcast_in_dim3A_37 = vector.broadcast %broadcast_in_dim3A : f32 to vector<2048x1xf32>
    %dot_general3A_38 = arith.constant dense<0.000000e+00> : vector<256x1xf32>
    %dot_general3A_39 = tpu.matmul %convert_element_type3A_26, %broadcast_in_dim3A_37, %dot_general3A_38 {dimension_numbers = #tpu.dot_dimension_numbers<[0], [0], [1], [1], [0, 1, 1, 1], [], []>, precision = #tpu.contract_precision<fp32>, transpose_lhs_hint = false} : vector<2048x256xf32>, vector<2048x1xf32>, vector<256x1xf32> -> vector<256x1xf32>
    %add3A_40 = arith.addf %get3A_36, %dot_general3A_39 : vector<256x1xf32>
    %swap3A_41 = arith.constant 0 : index
    %swap3A_42 = arith.constant 0 : index
    %swap3A_43 = vector.load %arg10[%swap3A_41, %swap3A_42] : memref<256x1xf32, #tpu.memory_space<vmem>>, vector<256x1xf32>
    tpu.vector_store %arg10[%swap3A_41, %swap3A_42], %add3A_40 {strides = array<i32>} : memref<256x1xf32, #tpu.memory_space<vmem>>, vector<256x1xf32>,
    %eq3A_44 = arith.constant 49 : i32
    %eq3A_45 = arith.cmpi eq, %arg0, %eq3A_44 : i32
    %convert_element_type3A_46 = arith.extui %eq3A_45 : i1 to i32
    %cond3A_47 = arith.constant 0 : i32
    %cond3A_48 = arith.cmpi ne, %convert_element_type3A_46, %cond3A_47 : i32
    scf.if %cond3A_48 {
      %get3A_49 = arith.constant 0 : index
      %get3A_50 = arith.constant 0 : index
      %get3A_51 = vector.load %arg9[%get3A_49, %get3A_50] : memref<256x32xf32, #tpu.memory_space<vmem>>, vector<256x32xf32>
      %get3A_52 = arith.constant 0 : index
      %get3A_53 = arith.constant 0 : index
      %get3A_54 = vector.load %arg10[%get3A_52, %get3A_53] : memref<256x1xf32, #tpu.memory_space<vmem>>, vector<256x1xf32>
      %max3A_55 = arith.constant 1.000000e+00 : f32
      %max3A_56 = vector.broadcast %max3A_55 : f32 to vector<256x1xf32>
      %max3A_57 = arith.maximumf %get3A_54, %max3A_56 : vector<256x1xf32>
      %div3A_58 = vector.broadcast %max3A_57 : vector<256x1xf32> to vector<256x32xf32>
      %div3A_59 = arith.divf %get3A_51, %div3A_58 : vector<256x32xf32>
      %get3A_60 = arith.constant 0 : index
      %get3A_61 = arith.constant 0 : index
      %get3A_62 = vector.load %arg6[%get3A_60, %get3A_61] : memref<32x16xf32, #tpu.memory_space<vmem>>, vector<32x16xf32>
      %dot_general3A_63 = arith.constant dense<0.000000e+00> : vector<256x16xf32>
      %dot_general3A_64 = tpu.matmul %div3A_59, %get3A_62, %dot_general3A_63 {dimension_numbers = #tpu.dot_dimension_numbers<[1], [0], [0], [1], [0, 0, 1, 1], [], []>, precision = #tpu.contract_precision<fp32>, transpose_lhs_hint = false} : vector<256x32xf32>, vector<32x16xf32>, vector<256x16xf32> -> vector<256x16xf32>
      %get3A_65 = arith.constant 0 : index
      %get3A_66 = arith.constant 0 : index
      %get3A_67 = vector.load %arg7[%get3A_65, %get3A_66] : memref<1x16xf32, #tpu.memory_space<vmem>>, vector<1x16xf32>
      %add3A_68 = vector.broadcast %get3A_67 : vector<1x16xf32> to vector<256x16xf32>
      %add3A_69 = arith.addf %dot_general3A_64, %add3A_68 : vector<256x16xf32>
      %reduce_max3A = arith.constant dense<0xFF800000> : vector<256xf32>
      %reduce_max3A_70 = vector.multi_reduction <maximumf>, %add3A_69, %reduce_max3A [1] : vector<256x16xf32> to vector<256xf32>
      %broadcast_in_dim3A_71 = vector.shape_cast %reduce_max3A_70 : vector<256xf32> to vector<256x1xf32>
      %sub3A = vector.broadcast %broadcast_in_dim3A_71 : vector<256x1xf32> to vector<256x16xf32>
      %sub3A_72 = arith.subf %add3A_69, %sub3A : vector<256x16xf32>
      %exp3A = math.exp %sub3A_72 : vector<256x16xf32>
      %reduce_sum3A = arith.constant dense<0.000000e+00> : vector<256xf32>
      %reduce_sum3A_73 = vector.multi_reduction <add>, %exp3A, %reduce_sum3A [1] : vector<256x16xf32> to vector<256xf32>
      %broadcast_in_dim3A_74 = vector.shape_cast %reduce_sum3A_73 : vector<256xf32> to vector<256x1xf32>
      %log3A = math.log %broadcast_in_dim3A_74 : vector<256x1xf32>
      %sub3A_75 = vector.broadcast %log3A : vector<256x1xf32> to vector<256x16xf32>
      %sub3A_76 = arith.subf %sub3A_72, %sub3A_75 : vector<256x16xf32>
      %swap3A_77 = arith.constant 0 : index
      %swap3A_78 = arith.constant 0 : index
      %swap3A_79 = vector.load %arg8[%swap3A_77, %swap3A_78] : memref<256x16xf32, #tpu.memory_space<vmem>>, vector<256x16xf32>
      tpu.vector_store %arg8[%swap3A_77, %swap3A_78], %sub3A_76 {strides = array<i32>} : memref<256x16xf32, #tpu.memory_space<vmem>>, vector<256x16xf32>,
    } else {
    }
    return
  }
  func.func @transform_0(%arg0: i32) -> (i32, i32) {
    %c0_i32 = arith.constant 0 : i32
    %c0_i32_0 = arith.constant 0 : i32
    return %arg0, %c0_i32 : i32, i32
  }
  func.func @transform_1(%arg0: i32) -> (i32, i32) {
    %c0_i32 = arith.constant 0 : i32
    %c0_i32_0 = arith.constant 0 : i32
    return %arg0, %c0_i32 : i32, i32
  }
  func.func @transform_2(%arg0: i32) -> (i32, i32) {
    %c0_i32 = arith.constant 0 : i32
    %c0_i32_0 = arith.constant 0 : i32
    return %arg0, %c0_i32 : i32, i32
  }
  func.func @transform_3(%arg0: i32) -> (i32, i32) {
    %c0_i32 = arith.constant 0 : i32
    %c0_i32_0 = arith.constant 0 : i32
    return %arg0, %c0_i32 : i32, i32
  }
  func.func @transform_4(%arg0: i32) -> (i32, i32) {
    %c0_i32 = arith.constant 0 : i32
    %c0_i32_0 = arith.constant 0 : i32
    %c0_i32_1 = arith.constant 0 : i32
    return %c0_i32, %c0_i32_0 : i32, i32
  }
  func.func @transform_5(%arg0: i32) -> (i32, i32) {
    %c0_i32 = arith.constant 0 : i32
    %c0_i32_0 = arith.constant 0 : i32
    %c0_i32_1 = arith.constant 0 : i32
    return %c0_i32, %c0_i32_0 : i32, i32
  }
  func.func @transform_6(%arg0: i32) -> (i32, i32) {
    %c0_i32 = arith.constant 0 : i32
    %c0_i32_0 = arith.constant 0 : i32
    %c0_i32_1 = arith.constant 0 : i32
    return %c0_i32, %c0_i32_0 : i32, i32
  }
  func.func @transform_7(%arg0: i32) -> (i32, i32) {
    %c0_i32 = arith.constant 0 : i32
    %c0_i32_0 = arith.constant 0 : i32
    %c0_i32_1 = arith.constant 0 : i32
    return %c0_i32, %c0_i32_0 : i32, i32
  }
}

</mosaic_0001>

<sc_bundles>
// kernel: kernel.6.cloned.1.call-start
scs
__scs_entry_jumppad:
0x0: {  	(pc) =	sbr.rel $0x88, $3  }
0x1: {  	(tag) =	ssettag $0x0;
	lr =	simm.s32 $0x1  }
0x2: {  	[smem:$0x3F8E] =	sst lr;
	_ =	strace $0xD0000000  }
0x3: {  	_ = 	snop  }
0x4: {  	_ = 	snop  }
0x5: {  	_ = 	snop  }
0x6: {  	_ = 	snop  }
0x7: {  	_ = 	snop  }
__scs_overlays_trampoline_lowered:
0x8: {  	[smem:$0x3F9D] =	sst s0  }
0x9: {  	[smem:$0x3F9E] =	sst s1  }
0xa: {  	[smem:$0x3F9F] =	sst s2  }
0xb: {  	[smem:$0x3FA0] =	sst s3  }
0xc: {  	[smem:$0x3FA1] =	sst s4  }
0xd: {  	[smem:$0x3FA2] =	sst s5  }
0xe: {  	[smem:$0x3FA3] =	sst s6  }
0xf: {  	[smem:$0x3FA4] =	sst s7  }
0x10: {  	[smem:$0x3FA5] =	sst s8  }
0x11: {  	[smem:$0x3FA6] =	sst s9;
	s0 =	simm.s32 @!p0 $0x0  }
0x12: {  	s1 =	sld [smem:$0x3F8C];
	s0 =	simm.s32 @p0 $0x1  }
0x13: {  	[smem:$0x3FA7] =	sst s0;
	s0 =	simm.s32 @!p1 $0x0  }
0x14: {  	s2 =	sld [smem:$0x3F8B];
	s0 =	simm.s32 @p1 $0x1  }
0x15: {  	[smem:$0x3FA8] =	sst s0;
	s0 =	simm.s32 @!p2 $0x0  }
0x16: {  	s3 =	sld [smem:$0x3FDB];
	s0 =	simm.s32 @p2 $0x1  }
0x17: {  	s4 =	simm.s32 $0x1BF5;
	[smem:$0x3FAA] =	sst s0  }
0x18: {  	s0 =	sld [smem:$0x3F8D];
	_ =	swait.ge [sflag:s4], $0x0  }
0x19: {  	s7 =	sld [smem:$0x3F8E]  }
0x1a: {  	s8 =	sadd.s32 $0xFFFFE003, lr  }
0x1b: {  	s9 =	sadd.s32 $0xFFFFFEF7, lr;
	s5 =	simm.s32 $0xFFFFFFFF;
	p2 =	slt.u32 s8, $0xFFFFF086  }
0x1c: {  	p1 =	slt.u32 s9, $0xF7A;
	s5 =	simm.s32 @!p2 $0x0  }
0x1d: {  	s5 =	simm.s32 @p1 $0x1;
	p0 =	seq.s32 s7, s2  }
0x1e: {  	s7 =	smul.u32 @!p0 $0xF7A, s2;
	p2 =	seq.s32 @!p0 s5, $0x0  }
0x1f: {  	s9 =	smul.u32 $0xF7A, s1;
	s8 =	simm.s32 @!p0 $0x1BF5;
	p2 =	por !p2, p0  }
0x20: {  	[sflag:s8] =	ssyncset.s32 @!p0 $0xFFFFF086;
	s6 =	sadd.s32 @!p0 s3, s7;
	s7 =	simm.s32 @!p0 $0x108  }
0x21: {  	s3 =	sadd.s32 s3, s9;
	s6 =	sadd.s32 @!p0 $0x88, s6;
	s7 =	simm.s32 @p2 $0x1082  }
0x22: {  	[simem:s7], [sflag:s8] =	dma.local @!p0 [hbm:s6], $0xF7A  }
0x23: {  	s9 =	sor.u32 $0xD0000000, s2;
	s6 =	simm.s32 $0x108;
	_ =	swait.ge @!p0 [sflag:s8], $0x0  }
0x24: {  	s3 =	sadd.s32 $0x88, s3;
	s6 =	simm.s32 @!p1 $0x1082;
	[sflag:s4] =	ssyncset.s32 $0xFFFFF086  }
0x25: {  	[simem:s6], [sflag:s4] =	dma.local [hbm:s3], $0xF7A  }
0x26: {  	[smem:$0x3F8E] =	sst s1;
	(tag) =	ssettag s2;
	_ =	strace s9  }
0x27: {  	s1 =	sld [smem:$0x3F9E]  }
0x28: {  	s2 =	sld [smem:$0x3F9F]  }
0x29: {  	s4 =	sld [smem:$0x3FA1]  }
0x2a: {  	p0 =	seq.s32 s5, $0x0;
	s5 =	sld [smem:$0x3FA2]  }
0x2b: {  	s6 =	sld [smem:$0x3FA3]  }
0x2c: {  	s7 =	sld [smem:$0x3FA4]  }
0x2d: {  	s3 =	simm.s32 $0x108;
	s8 =	sld [smem:$0x3FA5]  }
0x2e: {  	s3 =	simm.s32 @!p0 $0x1082;
	s9 =	sld [smem:$0x3FA6]  }
0x2f: {  	lr =	sadd.s32 s0, s3;
	s0 =	sld [smem:$0x3F9D]  }
0x30: {  	s3 =	sld [smem:$0x3FA0]  }
0x31: {  	[smem:$0x3FA9] =	sst s10  }
0x32: {  	s10 =	sld [smem:$0x3FA7];
	_ =	sdelay $0x3  }
0x33: {  	p0 =	seq.s32 s10, $0x1;
	s10 =	sld [smem:$0x3FA9];
	_ =	sdelay $0x3  }
0x34: {  	[smem:$0x3FA9] =	sst s10  }
0x35: {  	s10 =	sld [smem:$0x3FA8];
	_ =	sdelay $0x3  }
0x36: {  	p1 =	seq.s32 s10, $0x1;
	s10 =	sld [smem:$0x3FA9];
	_ =	sdelay $0x3  }
0x37: {  	[smem:$0x3FA9] =	sst s10  }
0x38: {  	s10 =	sld [smem:$0x3FAA]  }
0x39: {  	_ = 	snop;
	(pc) =	sbr.ind lr, $3  }
0x3a: {  	_ = 	snop  }
0x3b: {  	_ = 	snop  }
0x3c: {  	p2 =	seq.s32 s10, $0x1;
	s10 =	sld [smem:$0x3FA9]  }
0x3d: {  	_ =	shalt  }
0x3e: {  	_ =	shalt  }
0x3f: {  	_ =	shalt  }
0x40: {  	_ =	shalt  }
0x41: {  	_ =	shalt  }
0x42: {  	_ =	shalt  }
0x43: {  	_ =	shalt  }
0x44: {  	_ =	shalt  }
0x45: {  	_ =	shalt  }
0x46: {  	_ =	shalt  }
0x47: {  	_ =	shalt  }
0x48: {  	_ =	shalt  }
0x49: {  	_ =	shalt  }
0x4a: {  	_ =	shalt  }
0x4b: {  	_ =	shalt  }
0x4c: {  	_ =	shalt  }
0x4d: {  	_ =	shalt  }
0x4e: {  	_ =	shalt  }
0x4f: {  	_ =	shalt  }
0x50: {  	_ =	shalt  }
0x51: {  	_ =	shalt  }
0x52: {  	_ =	shalt  }
0x53: {  	_ =	shalt  }
0x54: {  	_ =	shalt  }
0x55: {  	_ =	shalt  }
0x56: {  	_ =	shalt  }
0x57: {  	_ =	shalt  }
0x58: {  	_ =	shalt  }
0x59: {  	_ =	shalt  }
0x5a: {  	_ =	shalt  }
0x5b: {  	_ =	shalt  }
0x5c: {  	_ =	shalt  }
0x5d: {  	_ =	shalt  }
0x5e: {  	_ =	shalt  }
0x5f: {  	_ =	shalt  }
0x60: {  	_ =	shalt  }
0x61: {  	_ =	shalt  }
0x62: {  	_ =	shalt  }
0x63: {  	_ =	shalt  }
0x64: {  	_ =	shalt  }
0x65: {  	_ =	shalt  }
0x66: {  	_ =	shalt  }
0x67: {  	_ =	shalt  }
0x68: {  	_ =	shalt  }
0x69: {  	_ =	shalt  }
0x6a: {  	_ =	shalt  }
0x6b: {  	_ =	shalt  }
0x6c: {  	_ =	shalt  }
0x6d: {  	_ =	shalt  }
0x6e: {  	_ =	shalt  }
0x6f: {  	_ =	shalt  }
0x70: {  	_ =	shalt  }
0x71: {  	_ =	shalt  }
0x72: {  	_ =	shalt  }
0x73: {  	_ =	shalt  }
0x74: {  	_ =	shalt  }
0x75: {  	_ =	shalt  }
0x76: {  	_ =	shalt  }
0x77: {  	_ =	shalt  }
0x78: {  	_ =	shalt  }
0x79: {  	_ =	shalt  }
0x7a: {  	_ =	shalt  }
0x7b: {  	_ =	shalt  }
0x7c: {  	_ =	shalt  }
0x7d: {  	_ =	shalt  }
0x7e: {  	_ =	shalt  }
0x7f: {  	_ =	shalt  }
0x80: {  	_ =	shalt  }
0x81: {  	_ =	shalt  }
0x82: {  	_ =	shalt  }
0x83: {  	_ =	shalt  }
0x84: {  	_ =	shalt  }
0x85: {  	_ =	shalt  }
0x86: {  	_ =	shalt  }
0x87: {  	_ =	shalt  }
.Lfunc_end0:
.L_simem_size_0:
called_computation_lowered:
.L_overlay_start_0:
0x88: {  	s2 =	sld [smem:$0x3FD9]  }
0x89: {  	s3 =	sld [smem:$0x3FFE];
	_ =	sdelay $0x1  }
0x8a: {  	s1 =	srdreg.scid  }
0x8b: {  	s0 =	sand.u32 $0x1, s1  }
0x8c: {  	s17 =	sshll.u32 s0, $0xA;
	s2 =	sadd.s32 s3, s2  }
0x8d: {  	s2 =	sadd.s32 s2, s17  }
0x8e: {  	[smem:$0x3FB5] =	sst s2  }
0x8f: {  	_ = 	snop  }
0x90: {  	s2 =	sld [smem:$0x3FD0];
	(tm) =	ssettm $0x1  }
0x91: {  	s18 =	sld [smem:$0x3FFB];
	_ =	sdelay $0x3  }
0x92: {  	_ =	strace s18  }
0x93: {  	s3 =	sld [smem:$0x3FFC];
	_ =	sdelay $0x3  }
0x94: {  	_ =	strace s3  }
0x95: {  	s3 =	sld [smem:$0x3FFD];
	_ =	sdelay $0x3  }
0x96: {  	_ =	strace s3  }
0x97: {  	_ =	strace $0x8FFFFFFF  }
0x98: {  	s19 =	sld [smem:$0x3FDB];
	_ =	sdelay $0x1  }
0x99: {  	s4 =	simm.s32 $_scs_section_size  }
0x9a: {  	s5 =	simm.s32 $_size__tile_overlayer_lowered;
	s6 =	simm.s32 $_tile_overlayer_lowered  }
0x9b: {  	s22 =	simm.s32 $0x1BFF;
	s21 =	sshll.u32 s6, $0x1;
	s3 =	sadd.s32 s4, s19  }
0x9c: {  	s7 =	simm.s32 $0x0;
	s20 =	sshll.u32 s5, $0x1;
	s5 =	sadd.s32 s21, s3  }
0x9d: {  	[timem:s7], [sflag:s22] =	dma.local [hbm:s5], s20  }
0x9e: {  	_ =	swait.ge [sflag:s22], s20  }
0x9f: {  	s4 =	ssub.s32 $0x0, s20;
	[sflag:s22] =	ssyncset.done $0x0  }
0xa0: {  	[sflag:s22] =	ssyncadd.s32 s4;
	_ =	sdelay $0x1  }
0xa1: {  	s23 =	simm.s32 $0x1B8B  }
0xa2: {  	_ =	swait.ge [sflag:s23], $0x1  }
0xa3: {  	[sflag:s23] =	ssyncset.done $0x0  }
0xa4: {  	s25 =	simm.s32 $0x1B8E;
	s24 =	sld [smem:$0x3FFE];
	[sflag:s23] =	ssyncadd.s32 $0xFFFFFFFF  }
0xa5: {  	s26 =	simm.s32 $execute0_lowered;
	[smem:$0x3FD2] =	sst s25  }
0xa6: {  	s5 =	sshll.u32 s26, $0x1;
	_ =	strace $0x80000046;
	[dreg:$0x1] =	wrdreg $0xFFFFFFFF  }
0xa7: {  	s28 =	simm.s32 $_size_execute0_lowered;
	s3 =	sadd.s32 s3, s5;
	[dreg:$0x0] =	wrdreg $0x0  }
0xa8: {  	s5 =	sshll.u32 s28, $0x1;
	[dreg:$0x2] =	wrdreg s3  }
0xa9: {  	[dreg:$0x3] =	wrdreg s5  }
0xaa: {  	[dreg:$0x4] =	wrdreg $0xC0  }
0xab: {  	_ =	task [dreg:s7], $0x5FFFF  }
0xac: {  	[dreg:$0x1] =	wrdreg $0xFFFFFFFF  }
0xad: {  	[dreg:$0x0] =	wrdreg $0x60  }
0xae: {  	[dreg:$0x2] =	wrdreg s24  }
0xaf: {  	[dreg:$0x3] =	wrdreg s2  }
0xb0: {  	[dreg:$0x4] =	wrdreg $0x9  }
0xb1: {  	_ =	task.clear_ibuf [dreg:s7], $0x5FFFF;
	_ =	strace $0x90000046  }
0xb2: {  	s29 =	simm.s32 $0x9;
	_ =	strace $0x80000048  }
0xb3: {  	_ =	swait.ge [sflag:s29], $0x1  }
0xb4: {  	[sflag:s29] =	ssyncadd.s32 $0xFFFFFFFF  }
0xb5: {  	_ =	strace $0x90000048  }
0xb6: {  	_ =	sfence  }
0xb7: {  	s30 =	sld [smem:$0x0];
	_ =	sdelay $0x2  }
0xb8: {  	s31 =	sshll.u32 s1, $0xD;
	s1 =	sshrl.u32 s1, $0x2  }
0xb9: {  	s3 =	sand.u32 $0x4000, s31;
	s1 =	sadd.s32 s1, s30  }
0xba: {  	s0 =	sor.u32 s3, s0;
	s1 =	sshll.u32 s1, $0x11  }
0xbb: {  	s0 =	sor.u32 s1, s0  }
0xbc: {  	s0 =	sadd.s32 $0x8F2B, s0  }
0xbd: {  	[sflag:s0] =	ssyncadd.remote.s32 $0x1  }
0xbe: {  	_ =	sfence.sel $0xFFFF  }
0xbf: {  	[dreg:$0x0] =	wrdreg $0xFFFFFFFF;
	(pc) =	sbr.abs _section_cstart, $3  }
0xc0: {  	[dreg:$0x1] =	wrdreg $0xFFFFFFFF  }
0xc1: {  	_ =	task.clear_ibuf [dreg:s7], $0x2FFFF;
	_ =	strace $0x9FFFFFFF  }
0xc2: {  	(tm) =	ssettm $0x7FFFFFFF  }
0xc3: {  	_ =	shalt  }
tec
execute0_lowered:
.L_overlay_start_1:
0x0: {  	(tag) =	ssettag $0x1  }
0x1: {  	s7 =	rddreg [dreg:$0x0]  }
0x2: {  	s1 =	rddreg [dreg:$0x1]  }
0x3: {  	s0 =	rddreg [dreg:$0x2]  }
0x4: {  	s2 =	simm.s32 $0x0;
	s3 =	srdreg.scid;
	s12 =	simm.s32 $0x500  }
0x5: {  	s13 =	simm.s32 $0x5500;
	s14 =	simm.s32 $0x1;
	s15 =	simm.s32 $0x2  }
0x6: {  	s16 =	simm.s32 $0x0;
	[smem:$0x7FF] =	sst s2;
	s4 =	sadd.s32 $0x6400, s7  }
0x7: {  	s8 =	sand.u32 $0x1, s3;
	s5 =	sadd.s32 $0x3200, s7;
	s3 =	stileid.u32  }
0x8: {  	s6 =	sadd.s32 $0x2200, s7;
	s7 =	sadd.s32 $0x9600, s7;
	s9 =	ssub.s32 $0x2, s8  }
0x9: {  	_ =	strace $0x80000047;
	s11 =	sshll.u32 s3, $0x1;
	s10 =	sshrl.u32 s9, $0x1  }
0xa: {  	s8 =	sor.u32 s8, s11;
	s11 =	simm.s32 $0x280;
	s9 =	ssub.s32 s9, s10  }
0xb: {  	s8 =	smul.u32 $0xC80, s8;
	s10 =	simm.s32 $0x3;
	s9 =	smax.u32 s9, $0x1  }
.LBB2_1:
0xc: {  	s17 =	simm.s32 $0x0  }
.LBB2_2:
0xd: {  	s18 =	smul.u32 $0x280, s17;
	_ =	sdelay $0x1  }
0xe: {  	s18 =	sadd.s32 s8, s18  }
0xf: {  	s19 =	sshrl.u32 s18, $0x3  }
0x10: {  	s21 =	simm.s32 $0x0;
	s20 =	sadd.s32 s4, s19  }
0x11: {  	[tilespmem:s21], [sflag:$0x3] =	stream.linear.gather [hbm4b:s20+s21], $0x280, $0x38;
	[tilespmem:$0xA500] =	vst v63  }
0x12: {  	_ =	swait.ge [sflag:s10], $0x280  }
0x13: {  	[sflag:s10] =	ssyncset.done $0x0  }
0x14: {  	s19 =	sadd.s32 s5, s19;
	[sflag:s10] =	ssyncadd.s32 $0xFFFFFD80  }
0x15: {  	[tilespmem:s11], [sflag:$0x3] =	stream.linear.gather [hbm4b:s19+s21], $0x280, $0x38;
	[tilespmem:$0xA500] =	vst v63  }
0x16: {  	_ =	swait.ge [sflag:s10], $0x280  }
0x17: {  	[sflag:s10] =	ssyncset.done $0x0  }
0x18: {  	[sflag:s10] =	ssyncadd.s32 $0xFFFFFD80  }
0x19: {  	[tilespmem:s12], [sflag:$0x1] =	stream.indirect.gather [hbm4b:s1+s11], $0x20, s21, s11, $0xb8;
	[tilespmem:$0xA500] =	vst v63  }
0x1a: {  	_ = 	snop  }
0x1b: {  	[tilespmem:s13], [sflag:$0x2] =	stream.indirect.gather [hbm4b:s6+s11], $0x20, s11, s11, $0xb8;
	[tilespmem:$0xA500] =	vst v63  }
0x1c: {  	_ =	swait.ge [sflag:s14], $0x5000  }
0x1d: {  	[sflag:s14] =	ssyncset.done $0x0  }
0x1e: {  	[sflag:s14] =	ssyncadd.s32 $0xFFFFB000  }
0x1f: {  	_ =	swait.ge [sflag:s15], $0x5000  }
0x20: {  	[sflag:s15] =	ssyncset.done $0x0  }
0x21: {  	s19 =	simm.s32 $0x0;
	[sflag:s15] =	ssyncadd.s32 $0xFFFFB000  }
0x22: {  	v0 =	vld [tilespmem:s19+$0x5500]  }
0x23: {  	v1 =	vld [tilespmem:s19+$0x5510]  }
0x24: {  	s20 =	simm.s32 $0x80;
	v2 =	vld [tilespmem:s19+$0x500]  }
.LBB2_3:
0x25: {  	p0 =	sne.s32 s20, $0x13F80;
	v3 =	vld [tilespmem:s19+$0x510];
	_ =	sdelay $0x3  }
.Ltmp0:
0x26: {  	v2 =	vadd.f32 v0, v2;
	(pc) =	sbr.rel @p0 .LBB2_3-.Ltmp0, $4  }
0x27: {  	s21 =	sshra.s32 s20, $0x2;
	v3 =	vadd.f32 v1, v3  }
0x28: {  	v0 =	vld [tilespmem:s21+$0x5500];
	v2 =	vmax.f32 v2, $0.0e+00  }
0x29: {  	v1 =	vld [tilespmem:s21+$0x5510];
	[tilespmem:s19+$0x500] =	vst v2;
	v3 =	vmax.f32 v3, $0.0e+00  }
0x2a: {  	s20 =	sadd.s32 $0x80, s20;
	v2 =	vld [tilespmem:s21+$0x500];
	[tilespmem:s19+$0x510] =	vst v3;
	s19 =	smov.u32 s21  }
0x2b: {  	v3 =	vld [tilespmem:s19+$0x510];
	_ =	sdelay $0x3  }
0x2c: {  	v0 =	vadd.f32 v0, v2  }
0x2d: {  	v1 =	vadd.f32 v1, v3  }
0x2e: {  	s17 =	sadd.s32 $0x1, s17;
	v0 =	vmax.f32 v0, $0.0e+00  }
0x2f: {  	s18 =	sshll.u32 s18, $0x2;
	p0 =	sne.s32 s17, $0x5;
	[tilespmem:s19+$0x500] =	vst v0;
	v63 =	vmax.f32 v1, $0.0e+00  }
.Ltmp1:
0x30: {  	s18 =	sadd.s32 s7, s18;
	[tilespmem:s19+$0x510] =	vst v63;
	(pc) =	sbr.rel @p0 .LBB2_2-.Ltmp1, $4  }
0x31: {  	[hbm4b:s18+s2] =	stream.linear.scatter [tilespmem:s12], [sflag:$0x3], $0x5000, $0x38;
	[tilespmem:$0xA500] =	vst v63  }
0x32: {  	_ =	swait.ge [sflag:s10], $0x5000  }
0x33: {  	[sflag:s10] =	ssyncset.done $0x0  }
0x34: {  	[sflag:s10] =	ssyncadd.s32 $0xFFFFB000  }
0x35: {  	s16 =	sadd.s32 $0x1, s16  }
0x36: {  	p0 =	sne.s32 s16, s9  }
.Ltmp2:
0x37: {  	_ = 	snop;
	(pc) =	sbr.rel @p0 .LBB2_1-.Ltmp2, $1  }
0x38: {  	_ =	sdelay $0x3  }
0x39: {  	_ =	sfence.sel $0x180000  }
0x3a: {  	[bflag:$0x0] =	sbarrier.arrive $0xFFFF  }
0x3b: {  	p0 =	sne.s32 s3, $0x0;
	_ =	strace $0x90000047  }
0x3c: {  	s0 =	sadd.s32 @!p0 $0x100000, s0;
	[bflag:$0x2] =	sbarrier.arrive $0xFFFF  }
0x3d: {  	[sflag:s0] =	ssyncadd.tile.s32 @!p0 $0x1;
	_ =	shalt  }
.Lfunc_end2:
_tile_overlayer_lowered:
.L_overlay_start_2:
0x3e: {  	(tag) =	ssettag $0x2  }
0x3f: {  	s0 =	rddreg [dreg:$0x0];
	s2 =	stileid.u32  }
0x40: {  	s1 =	rddreg [dreg:$0x1];
	p0 =	sne.s32 s2, $0x0  }
0x41: {  	s3 =	rddreg [dreg:$0x2];
	[bflag:$0x3] =	sbarrier.arrive $0xFFFF;
	s2 =	simm.s32 @!p0 $0x1C03  }
0x42: {  	[timem:s3], [sflag:s2] =	dma.local @!p0 [hbm:s0], s1  }
0x43: {  	s0 =	simm.s32 @!p0 $0x3  }
0x44: {  	_ =	swait.ge @!p0 [sflag:s0], s1  }
0x45: {  	s1 =	ssub.s32 @!p0 $0x0, s1;
	[sflag:s0] =	ssyncset.done @!p0 $0x0  }
0x46: {  	[sflag:s0] =	ssyncadd.s32 @!p0 s1  }
0x47: {  	[bflag:$0x3] =	sbarrier.arrive $0xFFFF  }
0x48: {  	_ =	shalt  }

// kernel: kernel.9.cloned.1.call-start
scs
__scs_entry_jumppad:
0x0: {  	(pc) =	sbr.rel $0x88, $3  }
0x1: {  	(tag) =	ssettag $0x0;
	lr =	simm.s32 $0x1  }
0x2: {  	[smem:$0x3F8E] =	sst lr;
	_ =	strace $0xD0000000  }
0x3: {  	_ = 	snop  }
0x4: {  	_ = 	snop  }
0x5: {  	_ = 	snop  }
0x6: {  	_ = 	snop  }
0x7: {  	_ = 	snop  }
__scs_overlays_trampoline_lowered:
0x8: {  	[smem:$0x3F9D] =	sst s0  }
0x9: {  	[smem:$0x3F9E] =	sst s1  }
0xa: {  	[smem:$0x3F9F] =	sst s2  }
0xb: {  	[smem:$0x3FA0] =	sst s3  }
0xc: {  	[smem:$0x3FA1] =	sst s4  }
0xd: {  	[smem:$0x3FA2] =	sst s5  }
0xe: {  	[smem:$0x3FA3] =	sst s6  }
0xf: {  	[smem:$0x3FA4] =	sst s7  }
0x10: {  	[smem:$0x3FA5] =	sst s8  }
0x11: {  	[smem:$0x3FA6] =	sst s9;
	s0 =	simm.s32 @!p0 $0x0  }
0x12: {  	s1 =	sld [smem:$0x3F8C];
	s0 =	simm.s32 @p0 $0x1  }
0x13: {  	[smem:$0x3FA7] =	sst s0;
	s0 =	simm.s32 @!p1 $0x0  }
0x14: {  	s2 =	sld [smem:$0x3F8B];
	s0 =	simm.s32 @p1 $0x1  }
0x15: {  	[smem:$0x3FA8] =	sst s0;
	s0 =	simm.s32 @!p2 $0x0  }
0x16: {  	s3 =	sld [smem:$0x3FDB];
	s0 =	simm.s32 @p2 $0x1  }
0x17: {  	s4 =	simm.s32 $0x1BF5;
	[smem:$0x3FAA] =	sst s0  }
0x18: {  	s0 =	sld [smem:$0x3F8D];
	_ =	swait.ge [sflag:s4], $0x0  }
0x19: {  	s7 =	sld [smem:$0x3F8E]  }
0x1a: {  	s8 =	sadd.s32 $0xFFFFE003, lr  }
0x1b: {  	s9 =	sadd.s32 $0xFFFFFEF7, lr;
	s5 =	simm.s32 $0xFFFFFFFF;
	p2 =	slt.u32 s8, $0xFFFFF086  }
0x1c: {  	p1 =	slt.u32 s9, $0xF7A;
	s5 =	simm.s32 @!p2 $0x0  }
0x1d: {  	s5 =	simm.s32 @p1 $0x1;
	p0 =	seq.s32 s7, s2  }
0x1e: {  	s7 =	smul.u32 @!p0 $0xF7A, s2;
	p2 =	seq.s32 @!p0 s5, $0x0  }
0x1f: {  	s9 =	smul.u32 $0xF7A, s1;
	s8 =	simm.s32 @!p0 $0x1BF5;
	p2 =	por !p2, p0  }
0x20: {  	[sflag:s8] =	ssyncset.s32 @!p0 $0xFFFFF086;
	s6 =	sadd.s32 @!p0 s3, s7;
	s7 =	simm.s32 @!p0 $0x108  }
0x21: {  	s3 =	sadd.s32 s3, s9;
	s6 =	sadd.s32 @!p0 $0x88, s6;
	s7 =	simm.s32 @p2 $0x1082  }
0x22: {  	[simem:s7], [sflag:s8] =	dma.local @!p0 [hbm:s6], $0xF7A  }
0x23: {  	s9 =	sor.u32 $0xD0000000, s2;
	s6 =	simm.s32 $0x108;
	_ =	swait.ge @!p0 [sflag:s8], $0x0  }
0x24: {  	s3 =	sadd.s32 $0x88, s3;
	s6 =	simm.s32 @!p1 $0x1082;
	[sflag:s4] =	ssyncset.s32 $0xFFFFF086  }
0x25: {  	[simem:s6], [sflag:s4] =	dma.local [hbm:s3], $0xF7A  }
0x26: {  	[smem:$0x3F8E] =	sst s1;
	(tag) =	ssettag s2;
	_ =	strace s9  }
0x27: {  	s1 =	sld [smem:$0x3F9E]  }
0x28: {  	s2 =	sld [smem:$0x3F9F]  }
0x29: {  	s4 =	sld [smem:$0x3FA1]  }
0x2a: {  	p0 =	seq.s32 s5, $0x0;
	s5 =	sld [smem:$0x3FA2]  }
0x2b: {  	s6 =	sld [smem:$0x3FA3]  }
0x2c: {  	s7 =	sld [smem:$0x3FA4]  }
0x2d: {  	s3 =	simm.s32 $0x108;
	s8 =	sld [smem:$0x3FA5]  }
0x2e: {  	s3 =	simm.s32 @!p0 $0x1082;
	s9 =	sld [smem:$0x3FA6]  }
0x2f: {  	lr =	sadd.s32 s0, s3;
	s0 =	sld [smem:$0x3F9D]  }
0x30: {  	s3 =	sld [smem:$0x3FA0]  }
0x31: {  	[smem:$0x3FA9] =	sst s10  }
0x32: {  	s10 =	sld [smem:$0x3FA7];
	_ =	sdelay $0x3  }
0x33: {  	p0 =	seq.s32 s10, $0x1;
	s10 =	sld [smem:$0x3FA9];
	_ =	sdelay $0x3  }
0x34: {  	[smem:$0x3FA9] =	sst s10  }
0x35: {  	s10 =	sld [smem:$0x3FA8];
	_ =	sdelay $0x3  }
0x36: {  	p1 =	seq.s32 s10, $0x1;
	s10 =	sld [smem:$0x3FA9];
	_ =	sdelay $0x3  }
0x37: {  	[smem:$0x3FA9] =	sst s10  }
0x38: {  	s10 =	sld [smem:$0x3FAA]  }
0x39: {  	_ = 	snop;
	(pc) =	sbr.ind lr, $3  }
0x3a: {  	_ = 	snop  }
0x3b: {  	_ = 	snop  }
0x3c: {  	p2 =	seq.s32 s10, $0x1;
	s10 =	sld [smem:$0x3FA9]  }
0x3d: {  	_ =	shalt  }
0x3e: {  	_ =	shalt  }
0x3f: {  	_ =	shalt  }
0x40: {  	_ =	shalt  }
0x41: {  	_ =	shalt  }
0x42: {  	_ =	shalt  }
0x43: {  	_ =	shalt  }
0x44: {  	_ =	shalt  }
0x45: {  	_ =	shalt  }
0x46: {  	_ =	shalt  }
0x47: {  	_ =	shalt  }
0x48: {  	_ =	shalt  }
0x49: {  	_ =	shalt  }
0x4a: {  	_ =	shalt  }
0x4b: {  	_ =	shalt  }
0x4c: {  	_ =	shalt  }
0x4d: {  	_ =	shalt  }
0x4e: {  	_ =	shalt  }
0x4f: {  	_ =	shalt  }
0x50: {  	_ =	shalt  }
0x51: {  	_ =	shalt  }
0x52: {  	_ =	shalt  }
0x53: {  	_ =	shalt  }
0x54: {  	_ =	shalt  }
0x55: {  	_ =	shalt  }
0x56: {  	_ =	shalt  }
0x57: {  	_ =	shalt  }
0x58: {  	_ =	shalt  }
0x59: {  	_ =	shalt  }
0x5a: {  	_ =	shalt  }
0x5b: {  	_ =	shalt  }
0x5c: {  	_ =	shalt  }
0x5d: {  	_ =	shalt  }
0x5e: {  	_ =	shalt  }
0x5f: {  	_ =	shalt  }
0x60: {  	_ =	shalt  }
0x61: {  	_ =	shalt  }
0x62: {  	_ =	shalt  }
0x63: {  	_ =	shalt  }
0x64: {  	_ =	shalt  }
0x65: {  	_ =	shalt  }
0x66: {  	_ =	shalt  }
0x67: {  	_ =	shalt  }
0x68: {  	_ =	shalt  }
0x69: {  	_ =	shalt  }
0x6a: {  	_ =	shalt  }
0x6b: {  	_ =	shalt  }
0x6c: {  	_ =	shalt  }
0x6d: {  	_ =	shalt  }
0x6e: {  	_ =	shalt  }
0x6f: {  	_ =	shalt  }
0x70: {  	_ =	shalt  }
0x71: {  	_ =	shalt  }
0x72: {  	_ =	shalt  }
0x73: {  	_ =	shalt  }
0x74: {  	_ =	shalt  }
0x75: {  	_ =	shalt  }
0x76: {  	_ =	shalt  }
0x77: {  	_ =	shalt  }
0x78: {  	_ =	shalt  }
0x79: {  	_ =	shalt  }
0x7a: {  	_ =	shalt  }
0x7b: {  	_ =	shalt  }
0x7c: {  	_ =	shalt  }
0x7d: {  	_ =	shalt  }
0x7e: {  	_ =	shalt  }
0x7f: {  	_ =	shalt  }
0x80: {  	_ =	shalt  }
0x81: {  	_ =	shalt  }
0x82: {  	_ =	shalt  }
0x83: {  	_ =	shalt  }
0x84: {  	_ =	shalt  }
0x85: {  	_ =	shalt  }
0x86: {  	_ =	shalt  }
0x87: {  	_ =	shalt  }
.Lfunc_end0:
.L_simem_size_0:
called_computation.1_lowered:
.L_overlay_start_0:
0x88: {  	s2 =	sld [smem:$0x3FD9]  }
0x89: {  	s3 =	sld [smem:$0x3FFE];
	_ =	sdelay $0x1  }
0x8a: {  	s1 =	srdreg.scid  }
0x8b: {  	s0 =	sand.u32 $0x1, s1  }
0x8c: {  	s17 =	sshll.u32 s0, $0xA;
	s2 =	sadd.s32 s3, s2  }
0x8d: {  	s2 =	sadd.s32 s2, s17  }
0x8e: {  	[smem:$0x3FB5] =	sst s2  }
0x8f: {  	_ = 	snop  }
0x90: {  	s2 =	sld [smem:$0x3FC7]  }
0x91: {  	s18 =	sld [smem:$0x3FC6]  }
0x92: {  	s4 =	sld [smem:$0x3FC5]  }
0x93: {  	s5 =	sld [smem:$0x3FC4]  }
0x94: {  	s6 =	sld [smem:$0x3FD0];
	(tm) =	ssettm $0x1  }
0x95: {  	s7 =	sld [smem:$0x3FFB];
	_ =	sdelay $0x3  }
0x96: {  	_ =	strace s7  }
0x97: {  	s7 =	sld [smem:$0x3FFC];
	_ =	sdelay $0x3  }
0x98: {  	_ =	strace s7  }
0x99: {  	s7 =	sld [smem:$0x3FFD];
	_ =	sdelay $0x3  }
0x9a: {  	_ =	strace s7  }
0x9b: {  	_ =	strace $0x8FFFFFFF  }
0x9c: {  	s19 =	sld [smem:$0x3FDB];
	_ =	sdelay $0x1  }
0x9d: {  	s8 =	simm.s32 $_scs_section_size  }
0x9e: {  	s9 =	simm.s32 $_size__tile_overlayer_lowered;
	s10 =	simm.s32 $_tile_overlayer_lowered  }
0x9f: {  	s22 =	simm.s32 $0x1BFF;
	s21 =	sshll.u32 s10, $0x1;
	s7 =	sadd.s32 s8, s19  }
0xa0: {  	s11 =	simm.s32 $0x0;
	s20 =	sshll.u32 s9, $0x1;
	s9 =	sadd.s32 s21, s7  }
0xa1: {  	[timem:s11], [sflag:s22] =	dma.local [hbm:s9], s20  }
0xa2: {  	_ =	swait.ge [sflag:s22], s20  }
0xa3: {  	s8 =	ssub.s32 $0x0, s20;
	[sflag:s22] =	ssyncset.done $0x0  }
0xa4: {  	[sflag:s22] =	ssyncadd.s32 s8;
	_ =	sdelay $0x1  }
0xa5: {  	s23 =	simm.s32 $0x1B8B  }
0xa6: {  	_ =	swait.ge [sflag:s23], $0x1  }
0xa7: {  	[sflag:s23] =	ssyncset.done $0x0  }
0xa8: {  	s25 =	simm.s32 $0x1B8E;
	s24 =	sld [smem:$0x3FFE];
	[sflag:s23] =	ssyncadd.s32 $0xFFFFFFFF  }
0xa9: {  	s26 =	simm.s32 $execute0_lowered;
	[smem:$0x3FD2] =	sst s25  }
0xaa: {  	s9 =	sshll.u32 s26, $0x1;
	_ =	strace $0x80000049;
	[dreg:$0x1] =	wrdreg $0xFFFFFFFF  }
0xab: {  	s28 =	simm.s32 $_size_execute0_lowered;
	s7 =	sadd.s32 s7, s9;
	[dreg:$0x0] =	wrdreg $0x0  }
0xac: {  	s9 =	sshll.u32 s28, $0x1;
	[dreg:$0x2] =	wrdreg s7  }
0xad: {  	[dreg:$0x3] =	wrdreg s9  }
0xae: {  	[dreg:$0x4] =	wrdreg $0xC0  }
0xaf: {  	_ =	task [dreg:s11], $0x5FFFF  }
0xb0: {  	[dreg:$0x1] =	wrdreg $0xFFFFFFFF  }
0xb1: {  	[dreg:$0x0] =	wrdreg $0x60  }
0xb2: {  	[dreg:$0x2] =	wrdreg s24  }
0xb3: {  	[dreg:$0x3] =	wrdreg s5  }
0xb4: {  	[dreg:$0x4] =	wrdreg s2  }
0xb5: {  	[dreg:$0x5] =	wrdreg s18  }
0xb6: {  	[dreg:$0x6] =	wrdreg s4  }
0xb7: {  	[dreg:$0x7] =	wrdreg s6  }
0xb8: {  	[dreg:$0x8] =	wrdreg $0x4EA00  }
0xb9: {  	[dreg:$0x9] =	wrdreg $0x1DEA00  }
0xba: {  	[dreg:$0xa] =	wrdreg $0x9  }
0xbb: {  	_ =	task.clear_ibuf [dreg:s11], $0xBFFFF;
	_ =	strace $0x90000049  }
0xbc: {  	s29 =	simm.s32 $0x9;
	_ =	strace $0x8000004B  }
0xbd: {  	_ =	swait.ge [sflag:s29], $0x1  }
0xbe: {  	[sflag:s29] =	ssyncadd.s32 $0xFFFFFFFF  }
0xbf: {  	_ =	strace $0x9000004B  }
0xc0: {  	_ =	sfence  }
0xc1: {  	s30 =	sld [smem:$0x0];
	_ =	sdelay $0x2  }
0xc2: {  	s31 =	sshll.u32 s1, $0xD;
	s1 =	sshrl.u32 s1, $0x2  }
0xc3: {  	s3 =	sand.u32 $0x4000, s31;
	s1 =	sadd.s32 s1, s30  }
0xc4: {  	s0 =	sor.u32 s3, s0;
	s1 =	sshll.u32 s1, $0x11  }
0xc5: {  	s0 =	sor.u32 s1, s0  }
0xc6: {  	s0 =	sadd.s32 $0x8F2B, s0  }
0xc7: {  	[sflag:s0] =	ssyncadd.remote.s32 $0x1  }
0xc8: {  	_ =	sfence.sel $0xFFFF  }
0xc9: {  	[dreg:$0x0] =	wrdreg $0xFFFFFFFF;
	(pc) =	sbr.abs _section_cstart, $3  }
0xca: {  	[dreg:$0x1] =	wrdreg $0xFFFFFFFF  }
0xcb: {  	_ =	task.clear_ibuf [dreg:s11], $0x2FFFF;
	_ =	strace $0x9FFFFFFF  }
0xcc: {  	(tm) =	ssettm $0x7FFFFFFF  }
0xcd: {  	_ =	shalt  }
tec
execute0_lowered:
.L_overlay_start_1:
0x0: {  	(tag) =	ssettag $0x1  }
0x1: {  	s8 =	rddreg [dreg:$0x0];
	s0 =	srdreg.scid  }
0x2: {  	s1 =	simm.s32 $0x0;
	s23 =	stileid.u32;
	s30 =	rddreg [dreg:$0x6]  }
0x3: {  	s3 =	sand.u32 $0x1, s0;
	[smem:$0x7FF] =	sst s1;
	s2 =	smul.u32 $0x19000, s23  }
0x4: {  	s4 =	sadd.s32 $0x104400, s8;
	s11 =	smul.u32 $0x1900, s23;
	s0 =	ssub.s32 $0x2, s3  }
0x5: {  	s6 =	sadd.s32 $0xD2400, s8;
	s5 =	sshrl.u32 s0, $0x1;
	s9 =	sadd.s32 $0x3200, s2  }
0x6: {  	s14 =	sadd.s32 $0x320, s11;
	s15 =	sadd.s32 $0x640, s11;
	s7 =	sshrl.u32 s2, $0x3  }
0x7: {  	s10 =	sadd.s32 $0x6400, s2;
	s12 =	sadd.s32 $0x9600, s2;
	s13 =	sadd.s32 $0xC800, s2  }
0x8: {  	s17 =	sadd.s32 $0x12C00, s2;
	s18 =	sadd.s32 $0x15E00, s2;
	s0 =	ssub.s32 s0, s5  }
0x9: {  	s24 =	sshrl.u32 s9, $0x3;
	s25 =	sshrl.u32 s10, $0x3;
	s26 =	sshrl.u32 s12, $0x3  }
0xa: {  	s16 =	sshrl.u32 s13, $0x3;
	s31 =	sshrl.u32 s17, $0x3;
	s20 =	sadd.s32 s6, s7  }
0xb: {  	s19 =	sshrl.u32 s18, $0x3;
	s21 =	sadd.s32 s4, s7;
	[dreg:$0x10] =	wrdreg s20  }
0xc: {  	s22 =	sshll.u32 s14, $0x1;
	s5 =	sadd.s32 s6, s24;
	[dreg:$0x11] =	wrdreg s21  }
0xd: {  	s28 =	sadd.s32 s6, s16;
	s16 =	sadd.s32 $0xFA00, s2;
	[dreg:$0x9] =	wrdreg s5  }
0xe: {  	s19 =	sadd.s32 s6, s19;
	s24 =	sshll.u32 s15, $0x1;
	[dreg:$0xc] =	wrdreg s28  }
0xf: {  	s5 =	sadd.s32 s6, s25;
	s29 =	sshrl.u32 s16, $0x3;
	[dreg:$0xf] =	wrdreg s19  }
0x10: {  	s19 =	sadd.s32 $0x960, s11;
	[dreg:$0xa] =	wrdreg s5;
	s5 =	sadd.s32 s6, s26  }
0x11: {  	s25 =	sshll.u32 s19, $0x1;
	[dreg:$0xb] =	wrdreg s5;
	s5 =	sadd.s32 s6, s29  }
0x12: {  	s20 =	sadd.s32 $0xC80, s11;
	s26 =	sadd.s32 s4, s25;
	[dreg:$0xd] =	wrdreg s5  }
0x13: {  	s21 =	sadd.s32 $0xFA0, s11;
	s5 =	sadd.s32 s6, s31;
	[dreg:$0x14] =	wrdreg s26  }
0x14: {  	s28 =	sshll.u32 s20, $0x1;
	[dreg:$0xe] =	wrdreg s5;
	s5 =	sadd.s32 s4, s22  }
0x15: {  	s22 =	sadd.s32 $0x12C0, s11;
	[dreg:$0x12] =	wrdreg s5;
	s5 =	sadd.s32 s4, s24  }
0x16: {  	s31 =	sshll.u32 s22, $0x1;
	[dreg:$0x13] =	wrdreg s5;
	s5 =	sadd.s32 s4, s28  }
0x17: {  	s25 =	sadd.s32 $0x15E0, s11;
	s7 =	sadd.s32 s4, s31;
	[dreg:$0x15] =	wrdreg s5  }
0x18: {  	s29 =	sshll.u32 s21, $0x1;
	s24 =	sshll.u32 s25, $0x1;
	[dreg:$0x17] =	wrdreg s7  }
0x19: {  	s5 =	sadd.s32 s4, s29;
	s4 =	sadd.s32 s4, s24;
	s24 =	rddreg [dreg:$0x4]  }
0x1a: {  	s26 =	sshrl.u32 s11, $0x3;
	[dreg:$0x16] =	wrdreg s5;
	s5 =	sadd.s32 $0xCF200, s8  }
0x1b: {  	s29 =	sshrl.u32 s14, $0x3;
	[dreg:$0x18] =	wrdreg s4;
	s28 =	sadd.s32 s5, s26  }
0x1c: {  	s31 =	sshrl.u32 s15, $0x3;
	s4 =	sadd.s32 s5, s29;
	[dreg:$0x19] =	wrdreg s28  }
0x1d: {  	s7 =	sshrl.u32 s19, $0x3;
	s6 =	sadd.s32 s5, s31;
	[dreg:$0x1a] =	wrdreg s4  }
0x1e: {  	s26 =	sshrl.u32 s20, $0x3;
	[dreg:$0x1b] =	wrdreg s6;
	s4 =	sadd.s32 s5, s7  }
0x1f: {  	s31 =	sshrl.u32 s22, $0x3;
	s28 =	sadd.s32 s5, s26;
	[dreg:$0x1c] =	wrdreg s4  }
0x20: {  	s6 =	sadd.s32 s5, s31;
	[dreg:$0x1d] =	wrdreg s28  }
0x21: {  	s29 =	sshrl.u32 s21, $0x3;
	[dreg:$0x1f] =	wrdreg s6  }
0x22: {  	s26 =	sshrl.u32 s25, $0x3;
	s4 =	sadd.s32 s5, s29;
	s29 =	rddreg [dreg:$0x7]  }
0x23: {  	s7 =	smul.u32 $0x64000, s23;
	s5 =	sadd.s32 s5, s26;
	[dreg:$0x1e] =	wrdreg s4  }
0x24: {  	s28 =	sshll.u32 s14, $0x4;
	[smem:$0x7DD] =	sst s5;
	s11 =	sadd.s32 s11, s29  }
0x25: {  	s14 =	sadd.s32 s14, s29;
	_ =	strace $0x8000004A;
	[smem:$0x7E5] =	sst s11  }
0x26: {  	p0 =	sne.s32 s3, $0x0;
	s2 =	sadd.s32 s2, s30;
	[smem:$0x7E6] =	sst s14  }
0x27: {  	s0 =	smax.u32 s0, $0x1;
	s26 =	sshrl.u32 s7, $0x2;
	[smem:$0x7ED] =	sst s2  }
0x28: {  	s31 =	sadd.s32 s26, s30;
	s26 =	sadd.s32 s28, s30;
	[smem:$0x7EE] =	sst s0  }
0x29: {  	s3 =	sadd.s32 $0x9E400, s8;
	s14 =	sadd.s32 s21, s29;
	[smem:$0x7DE] =	sst s26  }
0x2a: {  	s6 =	sadd.s32 $0x66200, s8;
	s28 =	sshll.u32 s19, $0x4;
	[smem:$0x7EA] =	sst s14  }
0x2b: {  	s4 =	sadd.s32 $0x6D600, s8;
	s28 =	sadd.s32 s28, s30;
	[smem:$0x7FC] =	sst s31  }
0x2c: {  	s26 =	sshll.u32 s15, $0x4;
	s15 =	sadd.s32 s15, s29;
	[smem:$0x7E0] =	sst s28  }
0x2d: {  	s5 =	sadd.s32 $0x69400, s8;
	s26 =	sadd.s32 s26, s30;
	[smem:$0x7E7] =	sst s15  }
0x2e: {  	s28 =	sshll.u32 s20, $0x4;
	s15 =	sadd.s32 s22, s29;
	[smem:$0x7DF] =	sst s26  }
0x2f: {  	s26 =	sadd.s32 s28, s30;
	s28 =	sshll.u32 s22, $0x4;
	[smem:$0x7EB] =	sst s15  }
0x30: {  	[smem:$0x7E1] =	sst s26;
	s26 =	sshll.u32 s21, $0x4;
	s28 =	sadd.s32 s28, s30  }
0x31: {  	s21 =	sadd.s32 s10, s30;
	s26 =	sadd.s32 s26, s30;
	[smem:$0x7E3] =	sst s28  }
0x32: {  	s7 =	sadd.s32 $0x34200, s8;
	s15 =	sshrl.u32 s21, $0x3;
	[smem:$0x7E2] =	sst s26  }
0x33: {  	s28 =	sshll.u32 s25, $0x4;
	s21 =	sadd.s32 $0x3200, s31;
	[smem:$0x7F0] =	sst s15  }
0x34: {  	s8 =	sadd.s32 $0x2200, s8;
	s26 =	sadd.s32 s28, s30;
	[smem:$0x7F6] =	sst s21  }
0x35: {  	s11 =	simm.s32 $0x4E20;
	s28 =	sadd.s32 s20, s29;
	[smem:$0x7E4] =	sst s26  }
0x36: {  	s22 =	sadd.s32 s12, s30;
	s26 =	sadd.s32 s19, s29;
	[smem:$0x7E9] =	sst s28  }
0x37: {  	s20 =	sadd.s32 s9, s30;
	s19 =	sadd.s32 s25, s29;
	[smem:$0x7E8] =	sst s26  }
0x38: {  	s25 =	sadd.s32 s13, s30;
	s2 =	sshrl.u32 s20, $0x3;
	[smem:$0x7EC] =	sst s19  }
0x39: {  	s26 =	sadd.s32 s16, s30;
	[smem:$0x7EF] =	sst s2;
	s16 =	sshrl.u32 s22, $0x3  }
0x3a: {  	s28 =	sadd.s32 s17, s30;
	s17 =	sshrl.u32 s25, $0x3;
	[smem:$0x7F1] =	sst s16  }
0x3b: {  	s29 =	sadd.s32 s18, s30;
	s19 =	sshrl.u32 s28, $0x3;
	[smem:$0x7F2] =	sst s17  }
0x3c: {  	s14 =	simm.s32 $0x1900;
	s20 =	sshrl.u32 s29, $0x3;
	[smem:$0x7F4] =	sst s19  }
0x3d: {  	s12 =	simm.s32 $0x4;
	s22 =	sadd.s32 $0x6400, s31;
	[smem:$0x7F5] =	sst s20  }
0x3e: {  	s10 =	smul.u32 $0x186A0, s23;
	s25 =	sadd.s32 $0x9600, s31;
	[smem:$0x7F7] =	sst s22  }
0x3f: {  	s15 =	simm.s32 $0x320;
	s28 =	sadd.s32 $0xFA00, s31;
	[smem:$0x7F8] =	sst s25  }
.Ltmp0:
0x40: {  	s29 =	sadd.s32 $0x12C00, s31;
	[smem:$0x7FA] =	sst s28;
	(pc) =	sbr.rel .LBB2_1-.Ltmp0, $4  }
0x41: {  	s13 =	simm.s32 $0x1C20;
	s18 =	sshrl.u32 s26, $0x3;
	[smem:$0x7FB] =	sst s29  }
0x42: {  	v0 =	vimm.f32 $0.0e+00;
	s2 =	simm.s32 $0x0;
	s26 =	sadd.s32 $0xC800, s31;
	[smem:$0x7F3] =	sst s18  }
0x43: {  	v1 =	vimm.s32 $0x10;
	v4 =	vimm.s32 $0x0;
	vm0 =	vcmask $0x300;
	s31 =	sadd.s32 $0x15E00, s31;
	s16 =	simm.s32 $0x1;
	[smem:$0x7F9] =	sst s26  }
0x44: {  	v2 =	vimm.s32 $0x20;
	v3 =	vimm.s32 $0x30;
	v4 =	vsel vm0, $0x3, v4;
	s17 =	simm.s32 $0x2;
	[smem:$0x7FD] =	sst s31;
	s18 =	simm.s32 $0x3  }
.LBB2_18:
0x45: {  	s0 =	sld [smem:$0x7EE];
	_ =	sdelay $0x1  }
0x46: {  	s2 =	sadd.s32 $0x1, s2  }
0x47: {  	p1 =	sne.s32 s2, s0  }
.Ltmp1:
0x48: {  	_ = 	snop;
	(pc) =	sbr.rel @!p1 .LBB2_19-.Ltmp1, $1  }
0x49: {  	_ =	sdelay $0x3  }
.LBB2_1:
0x4a: {  	[smem:$0x7DC] =	sst s2  }
.Ltmp2:
0x4b: {  	s0 =	rddreg [dreg:$0x5];
	(pc) =	sbr.rel @p0 .LBB2_10-.Ltmp2, $4  }
0x4c: {  	[tilespmem:s11], [sflag:$0x4] =	stream.linear.gather [hbm4b:s0+s1], $0x80, $0x38;
	[tilespmem:$0x1F7A0] =	vst v63  }
0x4d: {  	_ =	swait.ge [sflag:s12], $0x80  }
0x4e: {  	[sflag:s12] =	ssyncset.done $0x0  }
0x4f: {  	s2 =	simm.s32 $0x0;
	s0 =	simm.s32 $0x0;
	[sflag:s12] =	ssyncadd.s32 $0xFFFFFF80  }
.LBB2_2:
0x50: {  	p1 =	sne.s32 s0, $0xC7C0  }
.Ltmp3:
0x51: {  	_ = 	snop;
	(pc) =	sbr.rel @p1 .LBB2_2-.Ltmp3, $3  }
0x52: {  	_ =	sdelay $0x1  }
0x53: {  	s2 =	sshra.s32 s0, $0x2  }
0x54: {  	s0 =	sadd.s32 $0x40, s0;
	[tilespmem:s2+$0x1C20] =	vst v0  }
0x55: {  	s0 =	simm.s32 $0x40;
	s2 =	simm.s32 $0x0  }
.LBB2_4:
0x56: {  	p1 =	sne.s32 s0, $0xC40;
	[tilespmem:s2+$0x1900] =	vst v0;
	s2 =	smov.u32 s0;
	s0 =	sadd.s32 $0x40, s0  }
.Ltmp4:
0x57: {  	(pc) =	sbr.rel @p1 .LBB2_4-.Ltmp4, $2  }
0x58: {  	_ =	sdelay $0x2  }
0x59: {  	s2 =	sshra.s32 s2, $0x2  }
0x5a: {  	s0 =	sld [smem:$0x7FC];
	_ =	sdelay $0x1  }
0x5b: {  	[tilespmem:s2+$0x1900] =	vst v0  }
0x5c: {  	[spmem:s0] =	stream.linear.scatter [tilespmem:s13], [sflag:$0x4], $0x3200, $0x38;
	[tilespmem:$0x1F7A0] =	vst v63  }
0x5d: {  	_ =	swait.ge [sflag:s12], $0x3200  }
0x5e: {  	s28 =	sld [smem:$0x7DE]  }
0x5f: {  	[sflag:s12] =	ssyncset.done $0x0  }
0x60: {  	[sflag:s12] =	ssyncadd.s32 $0xFFFFCE00  }
0x61: {  	[spmem:s28] =	stream.linear.scatter [tilespmem:s13], [sflag:$0x4], $0x3200, $0x38;
	[tilespmem:$0x1F7A0] =	vst v63  }
0x62: {  	_ =	swait.ge [sflag:s12], $0x3200  }
0x63: {  	s29 =	sld [smem:$0x7DF]  }
0x64: {  	[sflag:s12] =	ssyncset.done $0x0  }
0x65: {  	[sflag:s12] =	ssyncadd.s32 $0xFFFFCE00  }
0x66: {  	[spmem:s29] =	stream.linear.scatter [tilespmem:s13], [sflag:$0x4], $0x3200, $0x38;
	[tilespmem:$0x1F7A0] =	vst v63  }
0x67: {  	_ =	swait.ge [sflag:s12], $0x3200  }
0x68: {  	s31 =	sld [smem:$0x7E0]  }
0x69: {  	[sflag:s12] =	ssyncset.done $0x0  }
0x6a: {  	[sflag:s12] =	ssyncadd.s32 $0xFFFFCE00  }
0x6b: {  	[spmem:s31] =	stream.linear.scatter [tilespmem:s13], [sflag:$0x4], $0x3200, $0x38;
	[tilespmem:$0x1F7A0] =	vst v63  }
0x6c: {  	_ =	swait.ge [sflag:s12], $0x3200  }
0x6d: {  	s2 =	sld [smem:$0x7E1]  }
0x6e: {  	[sflag:s12] =	ssyncset.done $0x0  }
0x6f: {  	[sflag:s12] =	ssyncadd.s32 $0xFFFFCE00  }
0x70: {  	[spmem:s2] =	stream.linear.scatter [tilespmem:s13], [sflag:$0x4], $0x3200, $0x38;
	[tilespmem:$0x1F7A0] =	vst v63  }
0x71: {  	_ =	swait.ge [sflag:s12], $0x3200  }
0x72: {  	s9 =	sld [smem:$0x7E2]  }
0x73: {  	[sflag:s12] =	ssyncset.done $0x0  }
0x74: {  	[sflag:s12] =	ssyncadd.s32 $0xFFFFCE00  }
0x75: {  	[spmem:s9] =	stream.linear.scatter [tilespmem:s13], [sflag:$0x4], $0x3200, $0x38;
	[tilespmem:$0x1F7A0] =	vst v63  }
0x76: {  	_ =	swait.ge [sflag:s12], $0x3200  }
0x77: {  	s19 =	sld [smem:$0x7E3]  }
0x78: {  	[sflag:s12] =	ssyncset.done $0x0  }
0x79: {  	[sflag:s12] =	ssyncadd.s32 $0xFFFFCE00  }
0x7a: {  	[spmem:s19] =	stream.linear.scatter [tilespmem:s13], [sflag:$0x4], $0x3200, $0x38;
	[tilespmem:$0x1F7A0] =	vst v63  }
0x7b: {  	_ =	swait.ge [sflag:s12], $0x3200  }
0x7c: {  	s20 =	sld [smem:$0x7E4]  }
0x7d: {  	[sflag:s12] =	ssyncset.done $0x0  }
0x7e: {  	[sflag:s12] =	ssyncadd.s32 $0xFFFFCE00  }
0x7f: {  	[spmem:s20] =	stream.linear.scatter [tilespmem:s13], [sflag:$0x4], $0x3200, $0x38;
	[tilespmem:$0x1F7A0] =	vst v63  }
0x80: {  	_ =	swait.ge [sflag:s12], $0x3200  }
0x81: {  	s21 =	sld [smem:$0x7E5]  }
0x82: {  	[sflag:s12] =	ssyncset.done $0x0  }
0x83: {  	[sflag:s12] =	ssyncadd.s32 $0xFFFFCE00  }
0x84: {  	[spmem:s21] =	stream.linear.scatter [tilespmem:s14], [sflag:$0x4], $0x320, $0x38;
	[tilespmem:$0x1F7A0] =	vst v63  }
0x85: {  	_ =	swait.ge [sflag:s12], $0x320  }
0x86: {  	s22 =	sld [smem:$0x7E6]  }
0x87: {  	[sflag:s12] =	ssyncset.done $0x0  }
0x88: {  	[sflag:s12] =	ssyncadd.s32 $0xFFFFFCE0  }
0x89: {  	[spmem:s22] =	stream.linear.scatter [tilespmem:s14], [sflag:$0x4], $0x320, $0x38;
	[tilespmem:$0x1F7A0] =	vst v63  }
0x8a: {  	_ =	swait.ge [sflag:s12], $0x320  }
0x8b: {  	s23 =	sld [smem:$0x7E7]  }
0x8c: {  	[sflag:s12] =	ssyncset.done $0x0  }
0x8d: {  	[sflag:s12] =	ssyncadd.s32 $0xFFFFFCE0  }
0x8e: {  	[spmem:s23] =	stream.linear.scatter [tilespmem:s14], [sflag:$0x4], $0x320, $0x38;
	[tilespmem:$0x1F7A0] =	vst v63  }
0x8f: {  	_ =	swait.ge [sflag:s12], $0x320  }
0x90: {  	s25 =	sld [smem:$0x7E8]  }
0x91: {  	[sflag:s12] =	ssyncset.done $0x0  }
0x92: {  	[sflag:s12] =	ssyncadd.s32 $0xFFFFFCE0  }
0x93: {  	[spmem:s25] =	stream.linear.scatter [tilespmem:s14], [sflag:$0x4], $0x320, $0x38;
	[tilespmem:$0x1F7A0] =	vst v63  }
0x94: {  	_ =	swait.ge [sflag:s12], $0x320  }
0x95: {  	s26 =	sld [smem:$0x7E9]  }
0x96: {  	[sflag:s12] =	ssyncset.done $0x0  }
0x97: {  	[sflag:s12] =	ssyncadd.s32 $0xFFFFFCE0  }
0x98: {  	[spmem:s26] =	stream.linear.scatter [tilespmem:s14], [sflag:$0x4], $0x320, $0x38;
	[tilespmem:$0x1F7A0] =	vst v63  }
0x99: {  	_ =	swait.ge [sflag:s12], $0x320  }
0x9a: {  	s28 =	sld [smem:$0x7EA]  }
0x9b: {  	[sflag:s12] =	ssyncset.done $0x0  }
0x9c: {  	[sflag:s12] =	ssyncadd.s32 $0xFFFFFCE0  }
0x9d: {  	[spmem:s28] =	stream.linear.scatter [tilespmem:s14], [sflag:$0x4], $0x320, $0x38;
	[tilespmem:$0x1F7A0] =	vst v63  }
0x9e: {  	_ =	swait.ge [sflag:s12], $0x320  }
0x9f: {  	s29 =	sld [smem:$0x7EB]  }
0xa0: {  	[sflag:s12] =	ssyncset.done $0x0  }
0xa1: {  	[sflag:s12] =	ssyncadd.s32 $0xFFFFFCE0  }
0xa2: {  	[spmem:s29] =	stream.linear.scatter [tilespmem:s14], [sflag:$0x4], $0x320, $0x38;
	[tilespmem:$0x1F7A0] =	vst v63  }
0xa3: {  	_ =	swait.ge [sflag:s12], $0x320  }
0xa4: {  	s31 =	sld [smem:$0x7EC]  }
0xa5: {  	[sflag:s12] =	ssyncset.done $0x0  }
0xa6: {  	[sflag:s12] =	ssyncadd.s32 $0xFFFFFCE0  }
0xa7: {  	[spmem:s31] =	stream.linear.scatter [tilespmem:s14], [sflag:$0x4], $0x320, $0x38;
	[tilespmem:$0x1F7A0] =	vst v63  }
0xa8: {  	_ =	swait.ge [sflag:s12], $0x320  }
0xa9: {  	[sflag:s12] =	ssyncset.done $0x0  }
0xaa: {  	[sflag:s12] =	ssyncadd.s32 $0xFFFFFCE0  }
0xab: {  	[bflag:$0x0] =	sbarrier.arrive $0xFFFF  }
0xac: {  	v5 =	vld.idx.msk [tilespmem:v1+s11+$0x0], $0xffff  }
0xad: {  	v6 =	vld.idx.msk [tilespmem:v2+s11+$0x0], $0xffff  }
0xae: {  	s22 =	simm.s32 $0x0;
	v7 =	vld.idx.msk [tilespmem:v3+s11+$0x0], $0xffff  }
.LBB2_6:
0xaf: {  	s0 =	smul.u32 $0x320, s22;
	_ =	sdelay $0x1  }
0xb0: {  	s0 =	sadd.s32 s10, s0  }
0xb1: {  	s0 =	sshrl.u32 s0, $0x3  }
0xb2: {  	s2 =	sadd.s32 s3, s0  }
0xb3: {  	[tilespmem:s1], [sflag:$0x4] =	stream.linear.gather [hbm4b:s2+s1], $0x320, $0x38;
	[tilespmem:$0x1F7A0] =	vst v63  }
0xb4: {  	_ =	swait.ge [sflag:s12], $0x320  }
0xb5: {  	[sflag:s12] =	ssyncset.done $0x0  }
0xb6: {  	s26 =	sadd.s32 s4, s0;
	[sflag:s12] =	ssyncadd.s32 $0xFFFFFCE0  }
0xb7: {  	[tilespmem:s15], [sflag:$0x4] =	stream.linear.gather [hbm4b:s26+s1], $0x320, $0x38;
	[tilespmem:$0x1F7A0] =	vst v63  }
0xb8: {  	_ =	swait.ge [sflag:s12], $0x320  }
0xb9: {  	[sflag:s12] =	ssyncset.done $0x0  }
0xba: {  	[sflag:s12] =	ssyncadd.s32 $0xFFFFFCE0  }
0xbb: {  	s9 =	rddreg [dreg:$0x1]  }
0xbc: {  	s2 =	sadd.s32 s9, s0;
	s9 =	simm.s32 $0x640  }
0xbd: {  	[tilespmem:s9], [sflag:$0x4] =	stream.linear.gather [hbm4b:s2+s1], $0x320, $0x38;
	[tilespmem:$0x1F7A0] =	vst v63  }
0xbe: {  	_ =	swait.ge [sflag:s12], $0x320  }
0xbf: {  	[sflag:s12] =	ssyncset.done $0x0  }
0xc0: {  	[sflag:s12] =	ssyncadd.s32 $0xFFFFFCE0  }
0xc1: {  	s19 =	rddreg [dreg:$0x2]  }
0xc2: {  	s2 =	sadd.s32 s19, s0;
	s19 =	simm.s32 $0x960  }
0xc3: {  	[tilespmem:s19], [sflag:$0x4] =	stream.linear.gather [hbm4b:s2+s1], $0x320, $0x38;
	[tilespmem:$0x1F7A0] =	vst v63  }
0xc4: {  	_ =	swait.ge [sflag:s12], $0x320  }
0xc5: {  	[sflag:s12] =	ssyncset.done $0x0  }
0xc6: {  	[sflag:s12] =	ssyncadd.s32 $0xFFFFFCE0  }
0xc7: {  	s20 =	rddreg [dreg:$0x3]  }
0xc8: {  	s25 =	simm.s32 $0xC80;
	s2 =	sadd.s32 s20, s0  }
0xc9: {  	[tilespmem:s25], [sflag:$0x4] =	stream.linear.gather [hbm4b:s2+s1], $0x320, $0x38;
	[tilespmem:$0x1F7A0] =	vst v63  }
0xca: {  	_ =	swait.ge [sflag:s12], $0x320  }
0xcb: {  	[sflag:s12] =	ssyncset.done $0x0  }
0xcc: {  	s26 =	simm.s32 $0xFA0;
	s0 =	sadd.s32 s24, s0;
	[sflag:s12] =	ssyncadd.s32 $0xFFFFFCE0  }
0xcd: {  	[tilespmem:s26], [sflag:$0x4] =	stream.linear.gather [hbm4b:s0+s1], $0x320, $0x38;
	[tilespmem:$0x1F7A0] =	vst v63  }
0xce: {  	_ =	swait.ge [sflag:s12], $0x320  }
0xcf: {  	[sflag:s12] =	ssyncset.done $0x0  }
0xd0: {  	s21 =	simm.s32 $0x12C0;
	[sflag:s12] =	ssyncadd.s32 $0xFFFFFCE0  }
0xd1: {  	[tilespmem:s21], [sflag:$0x1] =	stream.indirect.gather [hbm4b:s5+s15], $0x1, s1, s15, $0xb8;
	[tilespmem:$0x1F7A0] =	vst v63  }
0xd2: {  	s23 =	simm.s32 $0x15E0  }
0xd3: {  	[tilespmem:s23], [sflag:$0x2] =	stream.indirect.gather [hbm4b:s6+s15], $0x1, s15, s15, $0xb8;
	[tilespmem:$0x1F7A0] =	vst v63  }
0xd4: {  	_ = 	snop  }
0xd5: {  	[tilespmem:s13], [sflag:$0x3] =	stream.indirect.gather [hbm4b:s7+s15], $0x10, s1, s15, $0xb8;
	[tilespmem:$0x1F7A0] =	vst v63  }
0xd6: {  	_ =	swait.ge [sflag:s16], $0x320  }
0xd7: {  	[sflag:s16] =	ssyncset.done $0x0  }
0xd8: {  	[sflag:s16] =	ssyncadd.s32 $0xFFFFFCE0  }
0xd9: {  	_ =	swait.ge [sflag:s17], $0x320  }
0xda: {  	[sflag:s17] =	ssyncset.done $0x0  }
0xdb: {  	[sflag:s17] =	ssyncadd.s32 $0xFFFFFCE0  }
0xdc: {  	_ =	swait.ge [sflag:s18], $0x3200  }
0xdd: {  	[sflag:s18] =	ssyncset.done $0x0  }
0xde: {  	[sflag:s18] =	ssyncadd.s32 $0xFFFFCE00  }
0xdf: {  	v8 =	vld [tilespmem:s9+$0x0];
	_ =	sdelay $0x4  }
0xe0: {  	v9 =	vld [tilespmem:s23+$0x0]  }
0xe1: {  	v10 =	vld [tilespmem:s21+$0x0]  }
0xe2: {  	v11 =	vld [tilespmem:s19+$0x0]  }
0xe3: {  	v8 =	vld.idx.msk [tilespmem:v8+s11+$0x0], $0xffff;
	_ =	sdelay $0x1  }
0xe4: {  	v12 =	vld [tilespmem:s25+$0x0]  }
0xe5: {  	v9 =	vadd.f32 v9, v10  }
0xe6: {  	v10 =	vld [tilespmem:s26+$0x0]  }
0xe7: {  	v8 =	vadd.f32 v9, v8;
	v9 =	vmul.f32 v11, v5;
	_ =	sdelay $0x1  }
0xe8: {  	v8 =	vadd.f32 v9, v8;
	v9 =	vmul.f32 v12, v6;
	_ =	sdelay $0x1  }
0xe9: {  	v8 =	vadd.f32 v9, v8;
	v9 =	vmul.f32 v10, v7;
	_ =	sdelay $0x1  }
0xea: {  	v8 =	vadd.f32 v9, v8;
	_ =	sdelay $0x1  }
0xeb: {  	v9 =	vmul.f32 $2.000000030e-01, v8;
	_ =	sdelay $0x1  }
0xec: {  	v8 =	vmax.f32 v8, v9  }
0xed: {  	v8 =	vmul.f32 $1.442695020e+00, v8;
	_ =	sdelay $0x1  }
0xee: {  	(erf) = vpow2.f32 v8  }
0xef: {  	s19 =	simm.s32 $0x0  }
0xf0: {  	v8 =	vmov s19  }
0xf1: {  	v8 =	vshrl.u32 v8, $0x3  }
0xf2: {  	v8 =	vshll.u32 v8, v4  }
0xf3: {  	v8 =	vbroadcast v8, $0x0;
	_ =	sdelay $0x3  }
0xf4: {  	s31 =	simm.s32 $0x1900;
	s20 =	simm.s32 $0x1;
	v9 =	vpop (erf)  }
0xf5: {  	[tilespmem:s31+$0x0] =	vst v9;
	v9 =	vmov s20  }
0xf6: {  	s29 =	simm.s32 $0x1CA0;
	v8 =	vld.idx.msk [tilespmem:v8+s14+$0x0], $0xffff;
	v9 =	vshrl.u32 v9, $0x3  }
0xf7: {  	v10 =	vld [tilespmem:s29+$0xFFFFFF80];
	v9 =	vshll.u32 v9, v4  }
0xf8: {  	v9 =	vadd.s32 $0x1, v9  }
0xf9: {  	v9 =	vbroadcast v9, $0x0;
	_ =	sdelay $0x2  }
0xfa: {  	v8 =	vmul.f32 v10, v8  }
0xfb: {  	s21 =	simm.s32 $0x2  }
0xfc: {  	v10 =	vld [tilespmem:s29+$0xFFFFFF90];
	[tilespmem:s29+$0xFFFFFF80] =	vst v8;
	v8 =	vmov s21  }
0xfd: {  	v8 =	vshrl.u32 v8, $0x3;
	v9 =	vld.idx.msk [tilespmem:v9+s14+$0x0], $0xffff  }
0xfe: {  	v8 =	vshll.u32 v8, v4  }
0xff: {  	v8 =	vadd.s32 $0x2, v8  }
0x100: {  	v8 =	vbroadcast v8, $0x0;
	_ =	sdelay $0x1  }
0x101: {  	v9 =	vmul.f32 v10, v9  }
0x102: {  	s23 =	simm.s32 $0x3  }
0x103: {  	[tilespmem:s29+$0xFFFFFF90] =	vst v9;
	v9 =	vmov s23  }
0x104: {  	v10 =	vld [tilespmem:s29+$0xFFFFFFA0];
	v9 =	vshrl.u32 v9, $0x3  }
0x105: {  	v8 =	vld.idx.msk [tilespmem:v8+s14+$0x0], $0xffff;
	v9 =	vshll.u32 v9, v4  }
0x106: {  	v9 =	vadd.s32 $0x3, v9  }
0x107: {  	v9 =	vbroadcast v9, $0x0;
	_ =	sdelay $0x2  }
0x108: {  	v8 =	vmul.f32 v10, v8  }
0x109: {  	s2 =	simm.s32 $0x4  }
0x10a: {  	v10 =	vld [tilespmem:s29+$0xFFFFFFB0];
	[tilespmem:s29+$0xFFFFFFA0] =	vst v8;
	v8 =	vmov s2  }
0x10b: {  	v8 =	vshrl.u32 v8, $0x3;
	v9 =	vld.idx.msk [tilespmem:v9+s14+$0x0], $0xffff  }
0x10c: {  	v8 =	vshll.u32 v8, v4  }
0x10d: {  	v8 =	vadd.s32 $0x4, v8  }
0x10e: {  	v8 =	vbroadcast v8, $0x0;
	_ =	sdelay $0x1  }
0x10f: {  	v9 =	vmul.f32 v10, v9  }
0x110: {  	s9 =	simm.s32 $0x5  }
0x111: {  	[tilespmem:s29+$0xFFFFFFB0] =	vst v9;
	v9 =	vmov s9  }
0x112: {  	v10 =	vld [tilespmem:s29+$0xFFFFFFC0];
	v9 =	vshrl.u32 v9, $0x3  }
0x113: {  	v8 =	vld.idx.msk [tilespmem:v8+s14+$0x0], $0xffff;
	v9 =	vshll.u32 v9, v4  }
0x114: {  	v9 =	vadd.s32 $0x5, v9  }
0x115: {  	v9 =	vbroadcast v9, $0x0;
	_ =	sdelay $0x2  }
0x116: {  	v8 =	vmul.f32 v10, v8  }
0x117: {  	s19 =	simm.s32 $0x6  }
0x118: {  	v10 =	vld [tilespmem:s29+$0xFFFFFFD0];
	[tilespmem:s29+$0xFFFFFFC0] =	vst v8;
	v8 =	vmov s19  }
0x119: {  	v8 =	vshrl.u32 v8, $0x3;
	v9 =	vld.idx.msk [tilespmem:v9+s14+$0x0], $0xffff  }
0x11a: {  	v8 =	vshll.u32 v8, v4  }
0x11b: {  	v8 =	vadd.s32 $0x6, v8  }
0x11c: {  	v8 =	vbroadcast v8, $0x0;
	_ =	sdelay $0x1  }
0x11d: {  	v9 =	vmul.f32 v10, v9  }
0x11e: {  	s20 =	simm.s32 $0x7  }
0x11f: {  	[tilespmem:s29+$0xFFFFFFD0] =	vst v9;
	v9 =	vmov s20  }
0x120: {  	v10 =	vld [tilespmem:s29+$0xFFFFFFE0];
	v9 =	vshrl.u32 v9, $0x3  }
0x121: {  	v8 =	vld.idx.msk [tilespmem:v8+s14+$0x0], $0xffff;
	v9 =	vshll.u32 v9, v4  }
0x122: {  	v9 =	vadd.s32 $0x7, v9  }
0x123: {  	v9 =	vbroadcast v9, $0x0;
	_ =	sdelay $0x2  }
0x124: {  	v8 =	vmul.f32 v10, v8;
	_ =	sdelay $0x1  }
0x125: {  	s21 =	simm.s32 $0x8;
	v10 =	vld [tilespmem:s29+$0xFFFFFFF0];
	[tilespmem:s29+$0xFFFFFFE0] =	vst v8  }
0x126: {  	v8 =	vld.idx.msk [tilespmem:v9+s14+$0x0], $0xffff;
	v9 =	vmov s21  }
0x127: {  	v9 =	vshrl.u32 v9, $0x3  }
0x128: {  	v9 =	vshll.u32 v9, v4  }
0x129: {  	v9 =	vbroadcast v9, $0x0;
	_ =	sdelay $0x1  }
0x12a: {  	v8 =	vmul.f32 v10, v8  }
0x12b: {  	s23 =	simm.s32 $0x9  }
0x12c: {  	[tilespmem:s29+$0xFFFFFFF0] =	vst v8;
	v8 =	vmov s23  }
0x12d: {  	v10 =	vld [tilespmem:s29+$0x0];
	v8 =	vshrl.u32 v8, $0x3  }
0x12e: {  	v9 =	vld.idx.msk [tilespmem:v9+s14+$0x0], $0xffff;
	v8 =	vshll.u32 v8, v4  }
0x12f: {  	v8 =	vadd.s32 $0x1, v8  }
0x130: {  	v8 =	vbroadcast v8, $0x0;
	_ =	sdelay $0x2  }
0x131: {  	v9 =	vmul.f32 v10, v9  }
0x132: {  	s2 =	simm.s32 $0xA  }
0x133: {  	v10 =	vld [tilespmem:s29+$0x10];
	[tilespmem:s29+$0x0] =	vst v9;
	v9 =	vmov s2  }
0x134: {  	v8 =	vld.idx.msk [tilespmem:v8+s14+$0x0], $0xffff;
	v9 =	vshrl.u32 v9, $0x3  }
0x135: {  	v9 =	vshll.u32 v9, v4  }
0x136: {  	v9 =	vadd.s32 $0x2, v9  }
0x137: {  	v9 =	vbroadcast v9, $0x0;
	_ =	sdelay $0x1  }
0x138: {  	v8 =	vmul.f32 v10, v8  }
0x139: {  	s9 =	simm.s32 $0xB  }
0x13a: {  	[tilespmem:s29+$0x10] =	vst v8;
	v8 =	vmov s9  }
0x13b: {  	v10 =	vld [tilespmem:s29+$0x20];
	v8 =	vshrl.u32 v8, $0x3  }
0x13c: {  	v9 =	vld.idx.msk [tilespmem:v9+s14+$0x0], $0xffff;
	v8 =	vshll.u32 v8, v4  }
0x13d: {  	v8 =	vadd.s32 $0x3, v8  }
0x13e: {  	v8 =	vbroadcast v8, $0x0;
	_ =	sdelay $0x2  }
0x13f: {  	v9 =	vmul.f32 v10, v9  }
0x140: {  	s19 =	simm.s32 $0xC  }
0x141: {  	v10 =	vld [tilespmem:s29+$0x30];
	[tilespmem:s29+$0x20] =	vst v9;
	v9 =	vmov s19  }
0x142: {  	v8 =	vld.idx.msk [tilespmem:v8+s14+$0x0], $0xffff;
	v9 =	vshrl.u32 v9, $0x3  }
0x143: {  	v9 =	vshll.u32 v9, v4  }
0x144: {  	v9 =	vadd.s32 $0x4, v9  }
0x145: {  	v9 =	vbroadcast v9, $0x0;
	_ =	sdelay $0x1  }
0x146: {  	v8 =	vmul.f32 v10, v8  }
0x147: {  	s20 =	simm.s32 $0xD  }
0x148: {  	[tilespmem:s29+$0x30] =	vst v8;
	v8 =	vmov s20  }
0x149: {  	v10 =	vld [tilespmem:s29+$0x40];
	v8 =	vshrl.u32 v8, $0x3  }
0x14a: {  	v9 =	vld.idx.msk [tilespmem:v9+s14+$0x0], $0xffff;
	v8 =	vshll.u32 v8, v4  }
0x14b: {  	v8 =	vadd.s32 $0x5, v8  }
0x14c: {  	v8 =	vbroadcast v8, $0x0;
	_ =	sdelay $0x2  }
0x14d: {  	v9 =	vmul.f32 v10, v9  }
0x14e: {  	s21 =	simm.s32 $0xE  }
0x14f: {  	v10 =	vld [tilespmem:s29+$0x50];
	[tilespmem:s29+$0x40] =	vst v9;
	v9 =	vmov s21  }
0x150: {  	v8 =	vld.idx.msk [tilespmem:v8+s14+$0x0], $0xffff;
	v9 =	vshrl.u32 v9, $0x3  }
0x151: {  	v9 =	vshll.u32 v9, v4  }
0x152: {  	v9 =	vadd.s32 $0x6, v9  }
0x153: {  	v9 =	vbroadcast v9, $0x0;
	_ =	sdelay $0x1  }
0x154: {  	v8 =	vmul.f32 v10, v8  }
0x155: {  	s23 =	simm.s32 $0xF  }
0x156: {  	[tilespmem:s29+$0x50] =	vst v8;
	v8 =	vmov s23  }
0x157: {  	v10 =	vld [tilespmem:s29+$0x60];
	v8 =	vshrl.u32 v8, $0x3  }
0x158: {  	v9 =	vld.idx.msk [tilespmem:v9+s14+$0x0], $0xffff;
	v8 =	vshll.u32 v8, v4  }
0x159: {  	v8 =	vadd.s32 $0x7, v8  }
0x15a: {  	v8 =	vbroadcast v8, $0x0;
	_ =	sdelay $0x2  }
0x15b: {  	v9 =	vmul.f32 v10, v9;
	_ =	sdelay $0x1  }
0x15c: {  	[tilespmem:s29+$0x60] =	vst v9;
	v9 =	vld [tilespmem:s29+$0x70]  }
0x15d: {  	v8 =	vld.idx.msk [tilespmem:v8+s14+$0x0], $0xffff;
	_ =	sdelay $0x4  }
0x15e: {  	s28 =	simm.s32 $0x1F;
	s0 =	simm.s32 $0x650;
	s2 =	simm.s32 $0x15F0;
	v8 =	vmul.f32 v9, v8  }
0x15f: {  	s9 =	simm.s32 $0x1DA0;
	s19 =	simm.s32 $0x12D0;
	s21 =	simm.s32 $0x970  }
.LBB2_7:
0x160: {  	[tilespmem:s29+$0x70] =	vst v8;
	s31 =	sadd.s32 $0x10, s31;
	s26 =	sadd.s32 $0x10, s26;
	s25 =	sadd.s32 $0x10, s25  }
0x161: {  	p1 =	sne.s32 s28, $0x31F;
	s20 =	smov.u32 s28;
	s28 =	sadd.s32 $0x10, s28;
	v8 =	vld [tilespmem:s0+$0x0]  }
0x162: {  	s29 =	smov.u32 s9;
	_ =	sdelay $0x4  }
0x163: {  	v9 =	vld [tilespmem:s2+$0x0]  }
0x164: {  	v10 =	vld [tilespmem:s19+$0x0]  }
0x165: {  	v8 =	vld.idx.msk [tilespmem:v8+s11+$0x0], $0xffff  }
0x166: {  	v11 =	vld [tilespmem:s21+$0x0];
	_ =	sdelay $0x1  }
0x167: {  	v12 =	vld [tilespmem:s25+$0x0]  }
0x168: {  	v9 =	vadd.f32 v9, v10  }
0x169: {  	v10 =	vld [tilespmem:s26+$0x0]  }
0x16a: {  	v8 =	vadd.f32 v9, v8;
	v9 =	vmul.f32 v11, v5;
	_ =	sdelay $0x1  }
0x16b: {  	v8 =	vadd.f32 v9, v8;
	v9 =	vmul.f32 v12, v6;
	_ =	sdelay $0x1  }
0x16c: {  	v8 =	vadd.f32 v9, v8;
	v9 =	vmul.f32 v10, v7;
	_ =	sdelay $0x1  }
0x16d: {  	v8 =	vadd.f32 v9, v8;
	_ =	sdelay $0x1  }
0x16e: {  	v9 =	vmul.f32 $2.000000030e-01, v8;
	_ =	sdelay $0x1  }
0x16f: {  	v8 =	vmax.f32 v8, v9  }
0x170: {  	v8 =	vmul.f32 $1.442695020e+00, v8;
	_ =	sdelay $0x1  }
0x171: {  	(erf) = vpow2.f32 v8  }
0x172: {  	s23 =	sadd.s32 $0xFFFFFFF1, s20  }
0x173: {  	v8 =	vmov s23  }
0x174: {  	v8 =	vshrl.u32 v8, $0x3  }
0x175: {  	v8 =	vshll.u32 v8, v4  }
0x176: {  	v8 =	vbroadcast v8, $0x0;
	_ =	sdelay $0x3  }
0x177: {  	s23 =	sadd.s32 $0xFFFFFFF2, s20;
	v9 =	vpop (erf)  }
0x178: {  	[tilespmem:s31+$0x0] =	vst v9;
	v9 =	vmov s23  }
0x179: {  	v8 =	vld.idx.msk [tilespmem:v8+s14+$0x0], $0xffff;
	v9 =	vshrl.u32 v9, $0x3  }
0x17a: {  	v10 =	vld [tilespmem:s9+$0xFFFFFF80];
	v9 =	vshll.u32 v9, v4  }
0x17b: {  	v9 =	vadd.s32 $0x1, v9  }
0x17c: {  	v9 =	vbroadcast v9, $0x0;
	_ =	sdelay $0x2  }
0x17d: {  	v8 =	vmul.f32 v10, v8  }
0x17e: {  	s23 =	sadd.s32 $0xFFFFFFF3, s20  }
0x17f: {  	[tilespmem:s9+$0xFFFFFF80] =	vst v8;
	v8 =	vmov s23  }
0x180: {  	v9 =	vld.idx.msk [tilespmem:v9+s14+$0x0], $0xffff;
	v8 =	vshrl.u32 v8, $0x3  }
0x181: {  	v10 =	vld [tilespmem:s9+$0xFFFFFF90];
	v8 =	vshll.u32 v8, v4  }
0x182: {  	v8 =	vadd.s32 $0x2, v8  }
0x183: {  	v8 =	vbroadcast v8, $0x0;
	_ =	sdelay $0x2  }
0x184: {  	v9 =	vmul.f32 v10, v9  }
0x185: {  	s23 =	sadd.s32 $0xFFFFFFF4, s20  }
0x186: {  	[tilespmem:s9+$0xFFFFFF90] =	vst v9;
	v9 =	vmov s23  }
0x187: {  	v8 =	vld.idx.msk [tilespmem:v8+s14+$0x0], $0xffff;
	v9 =	vshrl.u32 v9, $0x3  }
0x188: {  	v10 =	vld [tilespmem:s9+$0xFFFFFFA0];
	v9 =	vshll.u32 v9, v4  }
0x189: {  	v9 =	vadd.s32 $0x3, v9  }
0x18a: {  	v9 =	vbroadcast v9, $0x0;
	_ =	sdelay $0x2  }
0x18b: {  	v8 =	vmul.f32 v10, v8  }
0x18c: {  	s23 =	sadd.s32 $0xFFFFFFF5, s20  }
0x18d: {  	[tilespmem:s9+$0xFFFFFFA0] =	vst v8;
	v8 =	vmov s23  }
0x18e: {  	v9 =	vld.idx.msk [tilespmem:v9+s14+$0x0], $0xffff;
	v8 =	vshrl.u32 v8, $0x3  }
0x18f: {  	v10 =	vld [tilespmem:s9+$0xFFFFFFB0];
	v8 =	vshll.u32 v8, v4  }
0x190: {  	v8 =	vadd.s32 $0x4, v8  }
0x191: {  	v8 =	vbroadcast v8, $0x0;
	_ =	sdelay $0x2  }
0x192: {  	v9 =	vmul.f32 v10, v9  }
0x193: {  	s23 =	sadd.s32 $0xFFFFFFF6, s20  }
0x194: {  	[tilespmem:s9+$0xFFFFFFB0] =	vst v9;
	v9 =	vmov s23  }
0x195: {  	v8 =	vld.idx.msk [tilespmem:v8+s14+$0x0], $0xffff;
	v9 =	vshrl.u32 v9, $0x3  }
0x196: {  	v10 =	vld [tilespmem:s9+$0xFFFFFFC0];
	v9 =	vshll.u32 v9, v4  }
0x197: {  	v9 =	vadd.s32 $0x5, v9  }
0x198: {  	v9 =	vbroadcast v9, $0x0;
	_ =	sdelay $0x2  }
0x199: {  	v8 =	vmul.f32 v10, v8  }
0x19a: {  	s23 =	sadd.s32 $0xFFFFFFF7, s20  }
0x19b: {  	[tilespmem:s9+$0xFFFFFFC0] =	vst v8;
	v8 =	vmov s23  }
0x19c: {  	v9 =	vld.idx.msk [tilespmem:v9+s14+$0x0], $0xffff;
	v8 =	vshrl.u32 v8, $0x3  }
0x19d: {  	v10 =	vld [tilespmem:s9+$0xFFFFFFD0];
	v8 =	vshll.u32 v8, v4  }
0x19e: {  	v8 =	vadd.s32 $0x6, v8  }
0x19f: {  	v8 =	vbroadcast v8, $0x0;
	_ =	sdelay $0x2  }
0x1a0: {  	v9 =	vmul.f32 v10, v9  }
0x1a1: {  	s23 =	sadd.s32 $0xFFFFFFF8, s20  }
0x1a2: {  	[tilespmem:s9+$0xFFFFFFD0] =	vst v9;
	v9 =	vmov s23  }
0x1a3: {  	v8 =	vld.idx.msk [tilespmem:v8+s14+$0x0], $0xffff;
	v9 =	vshrl.u32 v9, $0x3  }
0x1a4: {  	v10 =	vld [tilespmem:s9+$0xFFFFFFE0];
	v9 =	vshll.u32 v9, v4  }
0x1a5: {  	v9 =	vadd.s32 $0x7, v9  }
0x1a6: {  	v9 =	vbroadcast v9, $0x0;
	_ =	sdelay $0x2  }
0x1a7: {  	v8 =	vmul.f32 v10, v8;
	_ =	sdelay $0x1  }
0x1a8: {  	s23 =	sadd.s32 $0xFFFFFFF9, s20;
	[tilespmem:s9+$0xFFFFFFE0] =	vst v8  }
0x1a9: {  	v8 =	vld.idx.msk [tilespmem:v9+s14+$0x0], $0xffff;
	v9 =	vmov s23  }
0x1aa: {  	v10 =	vld [tilespmem:s9+$0xFFFFFFF0];
	v9 =	vshrl.u32 v9, $0x3  }
0x1ab: {  	v9 =	vshll.u32 v9, v4  }
0x1ac: {  	v9 =	vbroadcast v9, $0x0;
	_ =	sdelay $0x2  }
0x1ad: {  	v8 =	vmul.f32 v10, v8  }
0x1ae: {  	s23 =	sadd.s32 $0xFFFFFFFA, s20  }
0x1af: {  	[tilespmem:s9+$0xFFFFFFF0] =	vst v8;
	v8 =	vmov s23  }
0x1b0: {  	v9 =	vld.idx.msk [tilespmem:v9+s14+$0x0], $0xffff;
	v8 =	vshrl.u32 v8, $0x3  }
0x1b1: {  	v10 =	vld [tilespmem:s9+$0x0];
	v8 =	vshll.u32 v8, v4  }
0x1b2: {  	v8 =	vadd.s32 $0x1, v8  }
0x1b3: {  	v8 =	vbroadcast v8, $0x0;
	_ =	sdelay $0x2  }
0x1b4: {  	v9 =	vmul.f32 v10, v9  }
0x1b5: {  	s23 =	sadd.s32 $0xFFFFFFFB, s20  }
0x1b6: {  	[tilespmem:s9+$0x0] =	vst v9;
	v9 =	vmov s23  }
0x1b7: {  	v8 =	vld.idx.msk [tilespmem:v8+s14+$0x0], $0xffff;
	v9 =	vshrl.u32 v9, $0x3  }
0x1b8: {  	v10 =	vld [tilespmem:s9+$0x10];
	v9 =	vshll.u32 v9, v4  }
0x1b9: {  	v9 =	vadd.s32 $0x2, v9  }
0x1ba: {  	v9 =	vbroadcast v9, $0x0;
	_ =	sdelay $0x2  }
0x1bb: {  	v8 =	vmul.f32 v10, v8  }
0x1bc: {  	s23 =	sadd.s32 $0xFFFFFFFC, s20  }
0x1bd: {  	[tilespmem:s9+$0x10] =	vst v8;
	v8 =	vmov s23  }
0x1be: {  	v9 =	vld.idx.msk [tilespmem:v9+s14+$0x0], $0xffff;
	v8 =	vshrl.u32 v8, $0x3  }
0x1bf: {  	v10 =	vld [tilespmem:s9+$0x20];
	v8 =	vshll.u32 v8, v4  }
0x1c0: {  	v8 =	vadd.s32 $0x3, v8  }
0x1c1: {  	v8 =	vbroadcast v8, $0x0;
	_ =	sdelay $0x2  }
0x1c2: {  	v9 =	vmul.f32 v10, v9  }
0x1c3: {  	s23 =	sadd.s32 $0xFFFFFFFD, s20  }
0x1c4: {  	[tilespmem:s9+$0x20] =	vst v9;
	v9 =	vmov s23  }
0x1c5: {  	v8 =	vld.idx.msk [tilespmem:v8+s14+$0x0], $0xffff;
	v9 =	vshrl.u32 v9, $0x3  }
0x1c6: {  	v10 =	vld [tilespmem:s9+$0x30];
	v9 =	vshll.u32 v9, v4  }
0x1c7: {  	v9 =	vadd.s32 $0x4, v9  }
0x1c8: {  	v9 =	vbroadcast v9, $0x0;
	_ =	sdelay $0x2  }
0x1c9: {  	v8 =	vmul.f32 v10, v8  }
0x1ca: {  	s23 =	sadd.s32 $0xFFFFFFFE, s20  }
0x1cb: {  	[tilespmem:s9+$0x30] =	vst v8;
	v8 =	vmov s23  }
0x1cc: {  	v9 =	vld.idx.msk [tilespmem:v9+s14+$0x0], $0xffff;
	v8 =	vshrl.u32 v8, $0x3  }
0x1cd: {  	v10 =	vld [tilespmem:s9+$0x40];
	v8 =	vshll.u32 v8, v4  }
0x1ce: {  	v8 =	vadd.s32 $0x5, v8  }
0x1cf: {  	v8 =	vbroadcast v8, $0x0;
	_ =	sdelay $0x2  }
0x1d0: {  	v9 =	vmul.f32 v10, v9  }
0x1d1: {  	s23 =	sadd.s32 $0xFFFFFFFF, s20  }
0x1d2: {  	[tilespmem:s9+$0x40] =	vst v9;
	v9 =	vmov s23  }
0x1d3: {  	v8 =	vld.idx.msk [tilespmem:v8+s14+$0x0], $0xffff;
	v9 =	vshrl.u32 v9, $0x3  }
0x1d4: {  	v10 =	vld [tilespmem:s9+$0x50];
	v9 =	vshll.u32 v9, v4  }
0x1d5: {  	v9 =	vadd.s32 $0x6, v9  }
0x1d6: {  	v9 =	vbroadcast v9, $0x0;
	_ =	sdelay $0x2  }
0x1d7: {  	v8 =	vmul.f32 v10, v8;
	_ =	sdelay $0x1  }
0x1d8: {  	[tilespmem:s9+$0x50] =	vst v8;
	v8 =	vmov s20  }
0x1d9: {  	v9 =	vld.idx.msk [tilespmem:v9+s14+$0x0], $0xffff;
	v8 =	vshrl.u32 v8, $0x3  }
0x1da: {  	v10 =	vld [tilespmem:s9+$0x60];
	v8 =	vshll.u32 v8, v4  }
0x1db: {  	v8 =	vadd.s32 $0x7, v8  }
0x1dc: {  	v8 =	vbroadcast v8, $0x0;
	_ =	sdelay $0x2  }
0x1dd: {  	v9 =	vmul.f32 v10, v9;
	_ =	sdelay $0x1  }
0x1de: {  	[tilespmem:s9+$0x60] =	vst v9  }
0x1df: {  	v8 =	vld.idx.msk [tilespmem:v8+s14+$0x0], $0xffff  }
0x1e0: {  	v9 =	vld [tilespmem:s9+$0x70];
	_ =	sdelay $0x1  }
.Ltmp5:
0x1e1: {  	(pc) =	sbr.rel @p1 .LBB2_7-.Ltmp5, $3  }
0x1e2: {  	_ =	sdelay $0x1  }
0x1e3: {  	s0 =	sadd.s32 $0x10, s0;
	s9 =	sadd.s32 $0x100, s9;
	v8 =	vmul.f32 v9, v8  }
0x1e4: {  	s2 =	sadd.s32 $0x10, s2;
	s19 =	sadd.s32 $0x10, s19;
	s21 =	sadd.s32 $0x10, s21  }
0x1e5: {  	[tilespmem:s29+$0x70] =	vst v8  }
0x1e6: {  	[spmem:s30] =	stream.indirect.scatter.add.f32 [tilespmem:s13], [sflag:$0x4], $0x10, s15, s15, $0xb8;
	[tilespmem:$0x1F7A0] =	vst v63  }
0x1e7: {  	_ =	swait.ge [sflag:s12], $0x3200  }
0x1e8: {  	s22 =	sadd.s32 $0x1, s22;
	[sflag:s12] =	ssyncset.done $0x0  }
0x1e9: {  	p1 =	seq.s32 s22, $0x7D;
	[sflag:s12] =	ssyncadd.s32 $0xFFFFCE00  }
.Ltmp6:
0x1ea: {  	s0 =	rddreg [dreg:$0x7];
	(pc) =	sbr.rel @!p1 .LBB2_6-.Ltmp6, $4  }
0x1eb: {  	[spmem:s0] =	stream.indirect.scatter.add.f32 [tilespmem:s14], [sflag:$0x4], $0x1, s15, s15, $0xb8;
	[tilespmem:$0x1F7A0] =	vst v63  }
0x1ec: {  	_ =	swait.ge [sflag:s12], $0x320  }
0x1ed: {  	[sflag:s12] =	ssyncset.done $0x0  }
0x1ee: {  	[sflag:s12] =	ssyncadd.s32 $0xFFFFFCE0  }
0x1ef: {  	[bflag:$0x0] =	sbarrier.arrive $0xFFFF  }
0x1f0: {  	s2 =	sld [smem:$0x7ED]  }
0x1f1: {  	s0 =	stileid.u32  }
0x1f2: {  	s0 =	sshll.u32 s0, $0x6  }
0x1f3: {  	s9 =	rddreg [dreg:$0x11];
	s0 =	sor.u32 $0x1C04, s0;
	s2 =	sshrl.u32 s2, $0x3  }
0x1f4: {  	[hbm:s9], [sflag:s0] =	dma.local [spmem:s2], $0x640  }
0x1f5: {  	_ =	swait.ge [sflag:s12], $0x640  }
0x1f6: {  	s19 =	sld [smem:$0x7DE];
	_ =	sdelay $0x1  }
0x1f7: {  	[sflag:s12] =	ssyncset.done $0x0  }
0x1f8: {  	s20 =	rddreg [dreg:$0x12];
	[sflag:s12] =	ssyncadd.s32 $0xFFFFF9C0;
	s2 =	sshrl.u32 s19, $0x3  }
0x1f9: {  	[hbm:s20], [sflag:s0] =	dma.local [spmem:s2], $0x640  }
0x1fa: {  	_ =	swait.ge [sflag:s12], $0x640  }
0x1fb: {  	s21 =	sld [smem:$0x7DF];
	_ =	sdelay $0x1  }
0x1fc: {  	[sflag:s12] =	ssyncset.done $0x0  }
0x1fd: {  	s22 =	rddreg [dreg:$0x13];
	[sflag:s12] =	ssyncadd.s32 $0xFFFFF9C0;
	s2 =	sshrl.u32 s21, $0x3  }
0x1fe: {  	[hbm:s22], [sflag:s0] =	dma.local [spmem:s2], $0x640  }
0x1ff: {  	_ =	swait.ge [sflag:s12], $0x640  }
0x200: {  	s23 =	sld [smem:$0x7E0];
	_ =	sdelay $0x1  }
0x201: {  	[sflag:s12] =	ssyncset.done $0x0  }
0x202: {  	s25 =	rddreg [dreg:$0x14];
	[sflag:s12] =	ssyncadd.s32 $0xFFFFF9C0;
	s2 =	sshrl.u32 s23, $0x3  }
0x203: {  	[hbm:s25], [sflag:s0] =	dma.local [spmem:s2], $0x640  }
0x204: {  	_ =	swait.ge [sflag:s12], $0x640  }
0x205: {  	s26 =	sld [smem:$0x7E1];
	_ =	sdelay $0x1  }
0x206: {  	[sflag:s12] =	ssyncset.done $0x0  }
0x207: {  	s28 =	rddreg [dreg:$0x15];
	[sflag:s12] =	ssyncadd.s32 $0xFFFFF9C0;
	s2 =	sshrl.u32 s26, $0x3  }
0x208: {  	[hbm:s28], [sflag:s0] =	dma.local [spmem:s2], $0x640  }
0x209: {  	_ =	swait.ge [sflag:s12], $0x640  }
0x20a: {  	s29 =	sld [smem:$0x7E2];
	_ =	sdelay $0x1  }
0x20b: {  	[sflag:s12] =	ssyncset.done $0x0  }
0x20c: {  	s31 =	rddreg [dreg:$0x16];
	[sflag:s12] =	ssyncadd.s32 $0xFFFFF9C0;
	s2 =	sshrl.u32 s29, $0x3  }
0x20d: {  	[hbm:s31], [sflag:s0] =	dma.local [spmem:s2], $0x640  }
0x20e: {  	_ =	swait.ge [sflag:s12], $0x640  }
0x20f: {  	s19 =	sld [smem:$0x7E3];
	_ =	sdelay $0x1  }
0x210: {  	[sflag:s12] =	ssyncset.done $0x0  }
0x211: {  	s20 =	rddreg [dreg:$0x17];
	[sflag:s12] =	ssyncadd.s32 $0xFFFFF9C0;
	s2 =	sshrl.u32 s19, $0x3  }
0x212: {  	[hbm:s20], [sflag:s0] =	dma.local [spmem:s2], $0x640  }
0x213: {  	_ =	swait.ge [sflag:s12], $0x640  }
0x214: {  	s21 =	sld [smem:$0x7E4];
	_ =	sdelay $0x1  }
0x215: {  	[sflag:s12] =	ssyncset.done $0x0  }
0x216: {  	s22 =	rddreg [dreg:$0x18];
	[sflag:s12] =	ssyncadd.s32 $0xFFFFF9C0;
	s2 =	sshrl.u32 s21, $0x3  }
0x217: {  	[hbm:s22], [sflag:s0] =	dma.local [spmem:s2], $0x640  }
0x218: {  	_ =	swait.ge [sflag:s12], $0x640  }
0x219: {  	s23 =	sld [smem:$0x7E5];
	_ =	sdelay $0x1  }
0x21a: {  	[sflag:s12] =	ssyncset.done $0x0  }
0x21b: {  	s25 =	rddreg [dreg:$0x19];
	[sflag:s12] =	ssyncadd.s32 $0xFFFFF9C0;
	s2 =	sshrl.u32 s23, $0x3  }
0x21c: {  	[hbm:s25], [sflag:s0] =	dma.local [spmem:s2], $0x64  }
0x21d: {  	_ =	swait.ge [sflag:s12], $0x64  }
0x21e: {  	s26 =	sld [smem:$0x7E6];
	_ =	sdelay $0x1  }
0x21f: {  	[sflag:s12] =	ssyncset.done $0x0  }
0x220: {  	s28 =	rddreg [dreg:$0x1a];
	[sflag:s12] =	ssyncadd.s32 $0xFFFFFF9C;
	s2 =	sshrl.u32 s26, $0x3  }
0x221: {  	[hbm:s28], [sflag:s0] =	dma.local [spmem:s2], $0x64  }
0x222: {  	_ =	swait.ge [sflag:s12], $0x64  }
0x223: {  	s29 =	sld [smem:$0x7E7];
	_ =	sdelay $0x1  }
0x224: {  	[sflag:s12] =	ssyncset.done $0x0  }
0x225: {  	s31 =	rddreg [dreg:$0x1b];
	[sflag:s12] =	ssyncadd.s32 $0xFFFFFF9C;
	s2 =	sshrl.u32 s29, $0x3  }
0x226: {  	[hbm:s31], [sflag:s0] =	dma.local [spmem:s2], $0x64  }
0x227: {  	_ =	swait.ge [sflag:s12], $0x64  }
0x228: {  	s19 =	sld [smem:$0x7E8];
	_ =	sdelay $0x1  }
0x229: {  	[sflag:s12] =	ssyncset.done $0x0  }
0x22a: {  	s20 =	rddreg [dreg:$0x1c];
	[sflag:s12] =	ssyncadd.s32 $0xFFFFFF9C;
	s2 =	sshrl.u32 s19, $0x3  }
0x22b: {  	[hbm:s20], [sflag:s0] =	dma.local [spmem:s2], $0x64  }
0x22c: {  	_ =	swait.ge [sflag:s12], $0x64  }
0x22d: {  	s21 =	sld [smem:$0x7E9];
	_ =	sdelay $0x1  }
0x22e: {  	[sflag:s12] =	ssyncset.done $0x0  }
0x22f: {  	s22 =	rddreg [dreg:$0x1d];
	[sflag:s12] =	ssyncadd.s32 $0xFFFFFF9C;
	s2 =	sshrl.u32 s21, $0x3  }
0x230: {  	[hbm:s22], [sflag:s0] =	dma.local [spmem:s2], $0x64  }
0x231: {  	_ =	swait.ge [sflag:s12], $0x64  }
0x232: {  	s23 =	sld [smem:$0x7EA];
	_ =	sdelay $0x1  }
0x233: {  	[sflag:s12] =	ssyncset.done $0x0  }
0x234: {  	s25 =	rddreg [dreg:$0x1e];
	[sflag:s12] =	ssyncadd.s32 $0xFFFFFF9C;
	s2 =	sshrl.u32 s23, $0x3  }
0x235: {  	[hbm:s25], [sflag:s0] =	dma.local [spmem:s2], $0x64  }
0x236: {  	_ =	swait.ge [sflag:s12], $0x64  }
0x237: {  	s26 =	sld [smem:$0x7EB];
	_ =	sdelay $0x1  }
0x238: {  	[sflag:s12] =	ssyncset.done $0x0  }
0x239: {  	s28 =	rddreg [dreg:$0x1f];
	[sflag:s12] =	ssyncadd.s32 $0xFFFFFF9C;
	s2 =	sshrl.u32 s26, $0x3  }
0x23a: {  	[hbm:s28], [sflag:s0] =	dma.local [spmem:s2], $0x64  }
0x23b: {  	_ =	swait.ge [sflag:s12], $0x64  }
0x23c: {  	s29 =	sld [smem:$0x7EC]  }
0x23d: {  	s31 =	sld [smem:$0x7DD]  }
0x23e: {  	[sflag:s12] =	ssyncset.done $0x0  }
.Ltmp7:
0x23f: {  	[sflag:s12] =	ssyncadd.s32 $0xFFFFFF9C;
	s2 =	sshrl.u32 s29, $0x3;
	(pc) =	sbr.rel .LBB2_18-.Ltmp7, $4  }
0x240: {  	[hbm:s31], [sflag:s0] =	dma.local [spmem:s2], $0x64  }
0x241: {  	_ =	swait.ge [sflag:s12], $0x64  }
0x242: {  	[sflag:s12] =	ssyncset.done $0x0  }
0x243: {  	s2 =	sld [smem:$0x7DC];
	[sflag:s12] =	ssyncadd.s32 $0xFFFFFF9C  }
.LBB2_10:
0x244: {  	p1 =	sne.s32 s2, $0xC7C0  }
.Ltmp8:
0x245: {  	_ = 	snop;
	(pc) =	sbr.rel @p1 .LBB2_10-.Ltmp8, $3  }
0x246: {  	_ =	sdelay $0x1  }
0x247: {  	s0 =	sshra.s32 s2, $0x2  }
0x248: {  	s2 =	sadd.s32 $0x40, s2;
	[tilespmem:s0+$0x1C20] =	vst v0  }
0x249: {  	s0 =	simm.s32 $0x40;
	s2 =	simm.s32 $0x0  }
.LBB2_12:
0x24a: {  	p1 =	seq.s32 s0, $0xC40;
	[tilespmem:s2+$0x1900] =	vst v0;
	s2 =	smov.u32 s0;
	s0 =	sadd.s32 $0x40, s0  }
.Ltmp9:
0x24b: {  	(pc) =	sbr.rel @!p1 .LBB2_12-.Ltmp9, $2  }
0x24c: {  	_ =	sdelay $0x2  }
0x24d: {  	s2 =	sshra.s32 s2, $0x2  }
0x24e: {  	s0 =	sld [smem:$0x7FC];
	_ =	sdelay $0x1  }
0x24f: {  	[tilespmem:s2+$0x1900] =	vst v0  }
0x250: {  	[spmem:s0] =	stream.linear.scatter [tilespmem:s13], [sflag:$0x4], $0x3200, $0x38;
	[tilespmem:$0x1F7A0] =	vst v63  }
0x251: {  	_ =	swait.ge [sflag:s12], $0x3200  }
0x252: {  	s22 =	sld [smem:$0x7F6]  }
0x253: {  	[sflag:s12] =	ssyncset.done $0x0  }
0x254: {  	[sflag:s12] =	ssyncadd.s32 $0xFFFFCE00  }
0x255: {  	[spmem:s22] =	stream.linear.scatter [tilespmem:s13], [sflag:$0x4], $0x3200, $0x38;
	[tilespmem:$0x1F7A0] =	vst v63  }
0x256: {  	_ =	swait.ge [sflag:s12], $0x3200  }
0x257: {  	s23 =	sld [smem:$0x7F7]  }
0x258: {  	[sflag:s12] =	ssyncset.done $0x0  }
0x259: {  	[sflag:s12] =	ssyncadd.s32 $0xFFFFCE00  }
0x25a: {  	[spmem:s23] =	stream.linear.scatter [tilespmem:s13], [sflag:$0x4], $0x3200, $0x38;
	[tilespmem:$0x1F7A0] =	vst v63  }
0x25b: {  	_ =	swait.ge [sflag:s12], $0x3200  }
0x25c: {  	s25 =	sld [smem:$0x7F8]  }
0x25d: {  	[sflag:s12] =	ssyncset.done $0x0  }
0x25e: {  	[sflag:s12] =	ssyncadd.s32 $0xFFFFCE00  }
0x25f: {  	[spmem:s25] =	stream.linear.scatter [tilespmem:s13], [sflag:$0x4], $0x3200, $0x38;
	[tilespmem:$0x1F7A0] =	vst v63  }
0x260: {  	_ =	swait.ge [sflag:s12], $0x3200  }
0x261: {  	s26 =	sld [smem:$0x7F9]  }
0x262: {  	[sflag:s12] =	ssyncset.done $0x0  }
0x263: {  	[sflag:s12] =	ssyncadd.s32 $0xFFFFCE00  }
0x264: {  	[spmem:s26] =	stream.linear.scatter [tilespmem:s13], [sflag:$0x4], $0x3200, $0x38;
	[tilespmem:$0x1F7A0] =	vst v63  }
0x265: {  	_ =	swait.ge [sflag:s12], $0x3200  }
0x266: {  	s28 =	sld [smem:$0x7FA]  }
0x267: {  	[sflag:s12] =	ssyncset.done $0x0  }
0x268: {  	[sflag:s12] =	ssyncadd.s32 $0xFFFFCE00  }
0x269: {  	[spmem:s28] =	stream.linear.scatter [tilespmem:s13], [sflag:$0x4], $0x3200, $0x38;
	[tilespmem:$0x1F7A0] =	vst v63  }
0x26a: {  	_ =	swait.ge [sflag:s12], $0x3200  }
0x26b: {  	s29 =	sld [smem:$0x7FB]  }
0x26c: {  	[sflag:s12] =	ssyncset.done $0x0  }
0x26d: {  	[sflag:s12] =	ssyncadd.s32 $0xFFFFCE00  }
0x26e: {  	[spmem:s29] =	stream.linear.scatter [tilespmem:s13], [sflag:$0x4], $0x3200, $0x38;
	[tilespmem:$0x1F7A0] =	vst v63  }
0x26f: {  	_ =	swait.ge [sflag:s12], $0x3200  }
0x270: {  	s31 =	sld [smem:$0x7FD]  }
0x271: {  	[sflag:s12] =	ssyncset.done $0x0  }
0x272: {  	[sflag:s12] =	ssyncadd.s32 $0xFFFFCE00  }
0x273: {  	[spmem:s31] =	stream.linear.scatter [tilespmem:s13], [sflag:$0x4], $0x3200, $0x38;
	[tilespmem:$0x1F7A0] =	vst v63  }
0x274: {  	_ =	swait.ge [sflag:s12], $0x3200  }
0x275: {  	[sflag:s12] =	ssyncset.done $0x0  }
0x276: {  	[sflag:s12] =	ssyncadd.s32 $0xFFFFCE00  }
0x277: {  	[bflag:$0x0] =	sbarrier.arrive $0xFFFF  }
0x278: {  	v5 =	vld.idx.msk [tilespmem:v1+s11+$0x0], $0xffff  }
0x279: {  	v6 =	vld.idx.msk [tilespmem:v2+s11+$0x0], $0xffff  }
0x27a: {  	s22 =	simm.s32 $0x0;
	v7 =	vld.idx.msk [tilespmem:v3+s11+$0x0], $0xffff  }
.LBB2_14:
0x27b: {  	s0 =	smul.u32 $0x320, s22;
	_ =	sdelay $0x1  }
0x27c: {  	s0 =	sadd.s32 s10, s0  }
0x27d: {  	s0 =	sshrl.u32 s0, $0x3  }
0x27e: {  	s2 =	sadd.s32 s3, s0  }
0x27f: {  	[tilespmem:s1], [sflag:$0x4] =	stream.linear.gather [hbm4b:s2+s1], $0x320, $0x38;
	[tilespmem:$0x1F7A0] =	vst v63  }
0x280: {  	_ =	swait.ge [sflag:s12], $0x320  }
0x281: {  	[sflag:s12] =	ssyncset.done $0x0  }
0x282: {  	s26 =	sadd.s32 s4, s0;
	[sflag:s12] =	ssyncadd.s32 $0xFFFFFCE0  }
0x283: {  	[tilespmem:s15], [sflag:$0x4] =	stream.linear.gather [hbm4b:s26+s1], $0x320, $0x38;
	[tilespmem:$0x1F7A0] =	vst v63  }
0x284: {  	_ =	swait.ge [sflag:s12], $0x320  }
0x285: {  	[sflag:s12] =	ssyncset.done $0x0  }
0x286: {  	[sflag:s12] =	ssyncadd.s32 $0xFFFFFCE0  }
0x287: {  	s9 =	rddreg [dreg:$0x1]  }
0x288: {  	s2 =	sadd.s32 s9, s0;
	s9 =	simm.s32 $0x640  }
0x289: {  	[tilespmem:s9], [sflag:$0x4] =	stream.linear.gather [hbm4b:s2+s1], $0x320, $0x38;
	[tilespmem:$0x1F7A0] =	vst v63  }
0x28a: {  	_ =	swait.ge [sflag:s12], $0x320  }
0x28b: {  	[sflag:s12] =	ssyncset.done $0x0  }
0x28c: {  	[sflag:s12] =	ssyncadd.s32 $0xFFFFFCE0  }
0x28d: {  	s19 =	rddreg [dreg:$0x2]  }
0x28e: {  	s2 =	sadd.s32 s19, s0;
	s19 =	simm.s32 $0x960  }
0x28f: {  	[tilespmem:s19], [sflag:$0x4] =	stream.linear.gather [hbm4b:s2+s1], $0x320, $0x38;
	[tilespmem:$0x1F7A0] =	vst v63  }
0x290: {  	_ =	swait.ge [sflag:s12], $0x320  }
0x291: {  	[sflag:s12] =	ssyncset.done $0x0  }
0x292: {  	[sflag:s12] =	ssyncadd.s32 $0xFFFFFCE0  }
0x293: {  	s20 =	rddreg [dreg:$0x3]  }
0x294: {  	s25 =	simm.s32 $0xC80;
	s2 =	sadd.s32 s20, s0  }
0x295: {  	[tilespmem:s25], [sflag:$0x4] =	stream.linear.gather [hbm4b:s2+s1], $0x320, $0x38;
	[tilespmem:$0x1F7A0] =	vst v63  }
0x296: {  	_ =	swait.ge [sflag:s12], $0x320  }
0x297: {  	[sflag:s12] =	ssyncset.done $0x0  }
0x298: {  	s26 =	simm.s32 $0xFA0;
	s0 =	sadd.s32 s24, s0;
	[sflag:s12] =	ssyncadd.s32 $0xFFFFFCE0  }
0x299: {  	[tilespmem:s26], [sflag:$0x4] =	stream.linear.gather [hbm4b:s0+s1], $0x320, $0x38;
	[tilespmem:$0x1F7A0] =	vst v63  }
0x29a: {  	_ =	swait.ge [sflag:s12], $0x320  }
0x29b: {  	[sflag:s12] =	ssyncset.done $0x0  }
0x29c: {  	s21 =	simm.s32 $0x12C0;
	[sflag:s12] =	ssyncadd.s32 $0xFFFFFCE0  }
0x29d: {  	[tilespmem:s21], [sflag:$0x1] =	stream.indirect.gather [hbm4b:s5+s15], $0x1, s1, s15, $0xb8;
	[tilespmem:$0x1F7A0] =	vst v63  }
0x29e: {  	s23 =	simm.s32 $0x15E0  }
0x29f: {  	[tilespmem:s23], [sflag:$0x2] =	stream.indirect.gather [hbm4b:s6+s15], $0x1, s15, s15, $0xb8;
	[tilespmem:$0x1F7A0] =	vst v63  }
0x2a0: {  	_ = 	snop  }
0x2a1: {  	[tilespmem:s13], [sflag:$0x3] =	stream.indirect.gather [hbm4b:s8+s15], $0x10, s1, s15, $0xb8;
	[tilespmem:$0x1F7A0] =	vst v63  }
0x2a2: {  	_ =	swait.ge [sflag:s16], $0x320  }
0x2a3: {  	[sflag:s16] =	ssyncset.done $0x0  }
0x2a4: {  	[sflag:s16] =	ssyncadd.s32 $0xFFFFFCE0  }
0x2a5: {  	_ =	swait.ge [sflag:s17], $0x320  }
0x2a6: {  	[sflag:s17] =	ssyncset.done $0x0  }
0x2a7: {  	[sflag:s17] =	ssyncadd.s32 $0xFFFFFCE0  }
0x2a8: {  	_ =	swait.ge [sflag:s18], $0x3200  }
0x2a9: {  	[sflag:s18] =	ssyncset.done $0x0  }
0x2aa: {  	[sflag:s18] =	ssyncadd.s32 $0xFFFFCE00  }
0x2ab: {  	v8 =	vld [tilespmem:s9+$0x0];
	_ =	sdelay $0x4  }
0x2ac: {  	v9 =	vld [tilespmem:s23+$0x0]  }
0x2ad: {  	v10 =	vld [tilespmem:s21+$0x0]  }
0x2ae: {  	v11 =	vld [tilespmem:s19+$0x0]  }
0x2af: {  	v8 =	vld.idx.msk [tilespmem:v8+s11+$0x0], $0xffff;
	_ =	sdelay $0x1  }
0x2b0: {  	v12 =	vld [tilespmem:s25+$0x0]  }
0x2b1: {  	v9 =	vadd.f32 v9, v10  }
0x2b2: {  	v10 =	vld [tilespmem:s26+$0x0]  }
0x2b3: {  	v8 =	vadd.f32 v9, v8;
	v9 =	vmul.f32 v11, v5;
	_ =	sdelay $0x1  }
0x2b4: {  	v8 =	vadd.f32 v9, v8;
	v9 =	vmul.f32 v12, v6;
	_ =	sdelay $0x1  }
0x2b5: {  	v8 =	vadd.f32 v9, v8;
	v9 =	vmul.f32 v10, v7;
	_ =	sdelay $0x1  }
0x2b6: {  	v8 =	vadd.f32 v9, v8;
	_ =	sdelay $0x1  }
0x2b7: {  	v9 =	vmul.f32 $2.000000030e-01, v8;
	_ =	sdelay $0x1  }
0x2b8: {  	v8 =	vmax.f32 v8, v9  }
0x2b9: {  	v8 =	vmul.f32 $1.442695020e+00, v8;
	_ =	sdelay $0x1  }
0x2ba: {  	(erf) = vpow2.f32 v8  }
0x2bb: {  	s19 =	simm.s32 $0x0  }
0x2bc: {  	v8 =	vmov s19  }
0x2bd: {  	v8 =	vshrl.u32 v8, $0x3  }
0x2be: {  	v8 =	vshll.u32 v8, v4  }
0x2bf: {  	v8 =	vbroadcast v8, $0x0;
	_ =	sdelay $0x3  }
0x2c0: {  	s31 =	simm.s32 $0x1900;
	s20 =	simm.s32 $0x1;
	v9 =	vpop (erf)  }
0x2c1: {  	[tilespmem:s31+$0x0] =	vst v9;
	v9 =	vmov s20  }
0x2c2: {  	s29 =	simm.s32 $0x1CA0;
	v8 =	vld.idx.msk [tilespmem:v8+s14+$0x0], $0xffff;
	v9 =	vshrl.u32 v9, $0x3  }
0x2c3: {  	v10 =	vld [tilespmem:s29+$0xFFFFFF80];
	v9 =	vshll.u32 v9, v4  }
0x2c4: {  	v9 =	vadd.s32 $0x1, v9  }
0x2c5: {  	v9 =	vbroadcast v9, $0x0;
	_ =	sdelay $0x2  }
0x2c6: {  	v8 =	vmul.f32 v10, v8  }
0x2c7: {  	s21 =	simm.s32 $0x2  }
0x2c8: {  	v10 =	vld [tilespmem:s29+$0xFFFFFF90];
	[tilespmem:s29+$0xFFFFFF80] =	vst v8;
	v8 =	vmov s21  }
0x2c9: {  	v8 =	vshrl.u32 v8, $0x3;
	v9 =	vld.idx.msk [tilespmem:v9+s14+$0x0], $0xffff  }
0x2ca: {  	v8 =	vshll.u32 v8, v4  }
0x2cb: {  	v8 =	vadd.s32 $0x2, v8  }
0x2cc: {  	v8 =	vbroadcast v8, $0x0;
	_ =	sdelay $0x1  }
0x2cd: {  	v9 =	vmul.f32 v10, v9  }
0x2ce: {  	s23 =	simm.s32 $0x3  }
0x2cf: {  	[tilespmem:s29+$0xFFFFFF90] =	vst v9;
	v9 =	vmov s23  }
0x2d0: {  	v10 =	vld [tilespmem:s29+$0xFFFFFFA0];
	v9 =	vshrl.u32 v9, $0x3  }
0x2d1: {  	v8 =	vld.idx.msk [tilespmem:v8+s14+$0x0], $0xffff;
	v9 =	vshll.u32 v9, v4  }
0x2d2: {  	v9 =	vadd.s32 $0x3, v9  }
0x2d3: {  	v9 =	vbroadcast v9, $0x0;
	_ =	sdelay $0x2  }
0x2d4: {  	v8 =	vmul.f32 v10, v8  }
0x2d5: {  	s2 =	simm.s32 $0x4  }
0x2d6: {  	v10 =	vld [tilespmem:s29+$0xFFFFFFB0];
	[tilespmem:s29+$0xFFFFFFA0] =	vst v8;
	v8 =	vmov s2  }
0x2d7: {  	v8 =	vshrl.u32 v8, $0x3;
	v9 =	vld.idx.msk [tilespmem:v9+s14+$0x0], $0xffff  }
0x2d8: {  	v8 =	vshll.u32 v8, v4  }
0x2d9: {  	v8 =	vadd.s32 $0x4, v8  }
0x2da: {  	v8 =	vbroadcast v8, $0x0;
	_ =	sdelay $0x1  }
0x2db: {  	v9 =	vmul.f32 v10, v9  }
0x2dc: {  	s9 =	simm.s32 $0x5  }
0x2dd: {  	[tilespmem:s29+$0xFFFFFFB0] =	vst v9;
	v9 =	vmov s9  }
0x2de: {  	v10 =	vld [tilespmem:s29+$0xFFFFFFC0];
	v9 =	vshrl.u32 v9, $0x3  }
0x2df: {  	v8 =	vld.idx.msk [tilespmem:v8+s14+$0x0], $0xffff;
	v9 =	vshll.u32 v9, v4  }
0x2e0: {  	v9 =	vadd.s32 $0x5, v9  }
0x2e1: {  	v9 =	vbroadcast v9, $0x0;
	_ =	sdelay $0x2  }
0x2e2: {  	v8 =	vmul.f32 v10, v8  }
0x2e3: {  	s19 =	simm.s32 $0x6  }
0x2e4: {  	v10 =	vld [tilespmem:s29+$0xFFFFFFD0];
	[tilespmem:s29+$0xFFFFFFC0] =	vst v8;
	v8 =	vmov s19  }
0x2e5: {  	v8 =	vshrl.u32 v8, $0x3;
	v9 =	vld.idx.msk [tilespmem:v9+s14+$0x0], $0xffff  }
0x2e6: {  	v8 =	vshll.u32 v8, v4  }
0x2e7: {  	v8 =	vadd.s32 $0x6, v8  }
0x2e8: {  	v8 =	vbroadcast v8, $0x0;
	_ =	sdelay $0x1  }
0x2e9: {  	v9 =	vmul.f32 v10, v9  }
0x2ea: {  	s20 =	simm.s32 $0x7  }
0x2eb: {  	[tilespmem:s29+$0xFFFFFFD0] =	vst v9;
	v9 =	vmov s20  }
0x2ec: {  	v10 =	vld [tilespmem:s29+$0xFFFFFFE0];
	v9 =	vshrl.u32 v9, $0x3  }
0x2ed: {  	v8 =	vld.idx.msk [tilespmem:v8+s14+$0x0], $0xffff;
	v9 =	vshll.u32 v9, v4  }
0x2ee: {  	v9 =	vadd.s32 $0x7, v9  }
0x2ef: {  	v9 =	vbroadcast v9, $0x0;
	_ =	sdelay $0x2  }
0x2f0: {  	v8 =	vmul.f32 v10, v8;
	_ =	sdelay $0x1  }
0x2f1: {  	s21 =	simm.s32 $0x8;
	v10 =	vld [tilespmem:s29+$0xFFFFFFF0];
	[tilespmem:s29+$0xFFFFFFE0] =	vst v8  }
0x2f2: {  	v8 =	vld.idx.msk [tilespmem:v9+s14+$0x0], $0xffff;
	v9 =	vmov s21  }
0x2f3: {  	v9 =	vshrl.u32 v9, $0x3  }
0x2f4: {  	v9 =	vshll.u32 v9, v4  }
0x2f5: {  	v9 =	vbroadcast v9, $0x0;
	_ =	sdelay $0x1  }
0x2f6: {  	v8 =	vmul.f32 v10, v8  }
0x2f7: {  	s23 =	simm.s32 $0x9  }
0x2f8: {  	[tilespmem:s29+$0xFFFFFFF0] =	vst v8;
	v8 =	vmov s23  }
0x2f9: {  	v10 =	vld [tilespmem:s29+$0x0];
	v8 =	vshrl.u32 v8, $0x3  }
0x2fa: {  	v9 =	vld.idx.msk [tilespmem:v9+s14+$0x0], $0xffff;
	v8 =	vshll.u32 v8, v4  }
0x2fb: {  	v8 =	vadd.s32 $0x1, v8  }
0x2fc: {  	v8 =	vbroadcast v8, $0x0;
	_ =	sdelay $0x2  }
0x2fd: {  	v9 =	vmul.f32 v10, v9  }
0x2fe: {  	s2 =	simm.s32 $0xA  }
0x2ff: {  	v10 =	vld [tilespmem:s29+$0x10];
	[tilespmem:s29+$0x0] =	vst v9;
	v9 =	vmov s2  }
0x300: {  	v8 =	vld.idx.msk [tilespmem:v8+s14+$0x0], $0xffff;
	v9 =	vshrl.u32 v9, $0x3  }
0x301: {  	v9 =	vshll.u32 v9, v4  }
0x302: {  	v9 =	vadd.s32 $0x2, v9  }
0x303: {  	v9 =	vbroadcast v9, $0x0;
	_ =	sdelay $0x1  }
0x304: {  	v8 =	vmul.f32 v10, v8  }
0x305: {  	s9 =	simm.s32 $0xB  }
0x306: {  	[tilespmem:s29+$0x10] =	vst v8;
	v8 =	vmov s9  }
0x307: {  	v10 =	vld [tilespmem:s29+$0x20];
	v8 =	vshrl.u32 v8, $0x3  }
0x308: {  	v9 =	vld.idx.msk [tilespmem:v9+s14+$0x0], $0xffff;
	v8 =	vshll.u32 v8, v4  }
0x309: {  	v8 =	vadd.s32 $0x3, v8  }
0x30a: {  	v8 =	vbroadcast v8, $0x0;
	_ =	sdelay $0x2  }
0x30b: {  	v9 =	vmul.f32 v10, v9  }
0x30c: {  	s19 =	simm.s32 $0xC  }
0x30d: {  	v10 =	vld [tilespmem:s29+$0x30];
	[tilespmem:s29+$0x20] =	vst v9;
	v9 =	vmov s19  }
0x30e: {  	v8 =	vld.idx.msk [tilespmem:v8+s14+$0x0], $0xffff;
	v9 =	vshrl.u32 v9, $0x3  }
0x30f: {  	v9 =	vshll.u32 v9, v4  }
0x310: {  	v9 =	vadd.s32 $0x4, v9  }
0x311: {  	v9 =	vbroadcast v9, $0x0;
	_ =	sdelay $0x1  }
0x312: {  	v8 =	vmul.f32 v10, v8  }
0x313: {  	s20 =	simm.s32 $0xD  }
0x314: {  	[tilespmem:s29+$0x30] =	vst v8;
	v8 =	vmov s20  }
0x315: {  	v10 =	vld [tilespmem:s29+$0x40];
	v8 =	vshrl.u32 v8, $0x3  }
0x316: {  	v9 =	vld.idx.msk [tilespmem:v9+s14+$0x0], $0xffff;
	v8 =	vshll.u32 v8, v4  }
0x317: {  	v8 =	vadd.s32 $0x5, v8  }
0x318: {  	v8 =	vbroadcast v8, $0x0;
	_ =	sdelay $0x2  }
0x319: {  	v9 =	vmul.f32 v10, v9  }
0x31a: {  	s21 =	simm.s32 $0xE  }
0x31b: {  	v10 =	vld [tilespmem:s29+$0x50];
	[tilespmem:s29+$0x40] =	vst v9;
	v9 =	vmov s21  }
0x31c: {  	v8 =	vld.idx.msk [tilespmem:v8+s14+$0x0], $0xffff;
	v9 =	vshrl.u32 v9, $0x3  }
0x31d: {  	v9 =	vshll.u32 v9, v4  }
0x31e: {  	v9 =	vadd.s32 $0x6, v9  }
0x31f: {  	v9 =	vbroadcast v9, $0x0;
	_ =	sdelay $0x1  }
0x320: {  	v8 =	vmul.f32 v10, v8  }
0x321: {  	s23 =	simm.s32 $0xF  }
0x322: {  	[tilespmem:s29+$0x50] =	vst v8;
	v8 =	vmov s23  }
0x323: {  	v10 =	vld [tilespmem:s29+$0x60];
	v8 =	vshrl.u32 v8, $0x3  }
0x324: {  	v9 =	vld.idx.msk [tilespmem:v9+s14+$0x0], $0xffff;
	v8 =	vshll.u32 v8, v4  }
0x325: {  	v8 =	vadd.s32 $0x7, v8  }
0x326: {  	v8 =	vbroadcast v8, $0x0;
	_ =	sdelay $0x2  }
0x327: {  	v9 =	vmul.f32 v10, v9;
	_ =	sdelay $0x1  }
0x328: {  	[tilespmem:s29+$0x60] =	vst v9;
	v9 =	vld [tilespmem:s29+$0x70]  }
0x329: {  	v8 =	vld.idx.msk [tilespmem:v8+s14+$0x0], $0xffff;
	_ =	sdelay $0x4  }
0x32a: {  	s28 =	simm.s32 $0x1F;
	s0 =	simm.s32 $0x650;
	s2 =	simm.s32 $0x15F0;
	v8 =	vmul.f32 v9, v8  }
0x32b: {  	s9 =	simm.s32 $0x1DA0;
	s19 =	simm.s32 $0x12D0;
	s21 =	simm.s32 $0x970  }
.LBB2_15:
0x32c: {  	[tilespmem:s29+$0x70] =	vst v8;
	s31 =	sadd.s32 $0x10, s31;
	s26 =	sadd.s32 $0x10, s26;
	s25 =	sadd.s32 $0x10, s25  }
0x32d: {  	p1 =	sne.s32 s28, $0x31F;
	s20 =	smov.u32 s28;
	s28 =	sadd.s32 $0x10, s28;
	v8 =	vld [tilespmem:s0+$0x0]  }
0x32e: {  	s29 =	smov.u32 s9;
	_ =	sdelay $0x4  }
0x32f: {  	v9 =	vld [tilespmem:s2+$0x0]  }
0x330: {  	v10 =	vld [tilespmem:s19+$0x0]  }
0x331: {  	v8 =	vld.idx.msk [tilespmem:v8+s11+$0x0], $0xffff  }
0x332: {  	v11 =	vld [tilespmem:s21+$0x0];
	_ =	sdelay $0x1  }
0x333: {  	v12 =	vld [tilespmem:s25+$0x0]  }
0x334: {  	v9 =	vadd.f32 v9, v10  }
0x335: {  	v10 =	vld [tilespmem:s26+$0x0]  }
0x336: {  	v8 =	vadd.f32 v9, v8;
	v9 =	vmul.f32 v11, v5;
	_ =	sdelay $0x1  }
0x337: {  	v8 =	vadd.f32 v9, v8;
	v9 =	vmul.f32 v12, v6;
	_ =	sdelay $0x1  }
0x338: {  	v8 =	vadd.f32 v9, v8;
	v9 =	vmul.f32 v10, v7;
	_ =	sdelay $0x1  }
0x339: {  	v8 =	vadd.f32 v9, v8;
	_ =	sdelay $0x1  }
0x33a: {  	v9 =	vmul.f32 $2.000000030e-01, v8;
	_ =	sdelay $0x1  }
0x33b: {  	v8 =	vmax.f32 v8, v9  }
0x33c: {  	v8 =	vmul.f32 $1.442695020e+00, v8;
	_ =	sdelay $0x1  }
0x33d: {  	(erf) = vpow2.f32 v8  }
0x33e: {  	s23 =	sadd.s32 $0xFFFFFFF1, s20  }
0x33f: {  	v8 =	vmov s23  }
0x340: {  	v8 =	vshrl.u32 v8, $0x3  }
0x341: {  	v8 =	vshll.u32 v8, v4  }
0x342: {  	v8 =	vbroadcast v8, $0x0;
	_ =	sdelay $0x3  }
0x343: {  	s23 =	sadd.s32 $0xFFFFFFF2, s20;
	v9 =	vpop (erf)  }
0x344: {  	[tilespmem:s31+$0x0] =	vst v9;
	v9 =	vmov s23  }
0x345: {  	v8 =	vld.idx.msk [tilespmem:v8+s14+$0x0], $0xffff;
	v9 =	vshrl.u32 v9, $0x3  }
0x346: {  	v10 =	vld [tilespmem:s9+$0xFFFFFF80];
	v9 =	vshll.u32 v9, v4  }
0x347: {  	v9 =	vadd.s32 $0x1, v9  }
0x348: {  	v9 =	vbroadcast v9, $0x0;
	_ =	sdelay $0x2  }
0x349: {  	v8 =	vmul.f32 v10, v8  }
0x34a: {  	s23 =	sadd.s32 $0xFFFFFFF3, s20  }
0x34b: {  	[tilespmem:s9+$0xFFFFFF80] =	vst v8;
	v8 =	vmov s23  }
0x34c: {  	v9 =	vld.idx.msk [tilespmem:v9+s14+$0x0], $0xffff;
	v8 =	vshrl.u32 v8, $0x3  }
0x34d: {  	v10 =	vld [tilespmem:s9+$0xFFFFFF90];
	v8 =	vshll.u32 v8, v4  }
0x34e: {  	v8 =	vadd.s32 $0x2, v8  }
0x34f: {  	v8 =	vbroadcast v8, $0x0;
	_ =	sdelay $0x2  }
0x350: {  	v9 =	vmul.f32 v10, v9  }
0x351: {  	s23 =	sadd.s32 $0xFFFFFFF4, s20  }
0x352: {  	[tilespmem:s9+$0xFFFFFF90] =	vst v9;
	v9 =	vmov s23  }
0x353: {  	v8 =	vld.idx.msk [tilespmem:v8+s14+$0x0], $0xffff;
	v9 =	vshrl.u32 v9, $0x3  }
0x354: {  	v10 =	vld [tilespmem:s9+$0xFFFFFFA0];
	v9 =	vshll.u32 v9, v4  }
0x355: {  	v9 =	vadd.s32 $0x3, v9  }
0x356: {  	v9 =	vbroadcast v9, $0x0;
	_ =	sdelay $0x2  }
0x357: {  	v8 =	vmul.f32 v10, v8  }
0x358: {  	s23 =	sadd.s32 $0xFFFFFFF5, s20  }
0x359: {  	[tilespmem:s9+$0xFFFFFFA0] =	vst v8;
	v8 =	vmov s23  }
0x35a: {  	v9 =	vld.idx.msk [tilespmem:v9+s14+$0x0], $0xffff;
	v8 =	vshrl.u32 v8, $0x3  }
0x35b: {  	v10 =	vld [tilespmem:s9+$0xFFFFFFB0];
	v8 =	vshll.u32 v8, v4  }
0x35c: {  	v8 =	vadd.s32 $0x4, v8  }
0x35d: {  	v8 =	vbroadcast v8, $0x0;
	_ =	sdelay $0x2  }
0x35e: {  	v9 =	vmul.f32 v10, v9  }
0x35f: {  	s23 =	sadd.s32 $0xFFFFFFF6, s20  }
0x360: {  	[tilespmem:s9+$0xFFFFFFB0] =	vst v9;
	v9 =	vmov s23  }
0x361: {  	v8 =	vld.idx.msk [tilespmem:v8+s14+$0x0], $0xffff;
	v9 =	vshrl.u32 v9, $0x3  }
0x362: {  	v10 =	vld [tilespmem:s9+$0xFFFFFFC0];
	v9 =	vshll.u32 v9, v4  }
0x363: {  	v9 =	vadd.s32 $0x5, v9  }
0x364: {  	v9 =	vbroadcast v9, $0x0;
	_ =	sdelay $0x2  }
0x365: {  	v8 =	vmul.f32 v10, v8  }
0x366: {  	s23 =	sadd.s32 $0xFFFFFFF7, s20  }
0x367: {  	[tilespmem:s9+$0xFFFFFFC0] =	vst v8;
	v8 =	vmov s23  }
0x368: {  	v9 =	vld.idx.msk [tilespmem:v9+s14+$0x0], $0xffff;
	v8 =	vshrl.u32 v8, $0x3  }
0x369: {  	v10 =	vld [tilespmem:s9+$0xFFFFFFD0];
	v8 =	vshll.u32 v8, v4  }
0x36a: {  	v8 =	vadd.s32 $0x6, v8  }
0x36b: {  	v8 =	vbroadcast v8, $0x0;
	_ =	sdelay $0x2  }
0x36c: {  	v9 =	vmul.f32 v10, v9  }
0x36d: {  	s23 =	sadd.s32 $0xFFFFFFF8, s20  }
0x36e: {  	[tilespmem:s9+$0xFFFFFFD0] =	vst v9;
	v9 =	vmov s23  }
0x36f: {  	v8 =	vld.idx.msk [tilespmem:v8+s14+$0x0], $0xffff;
	v9 =	vshrl.u32 v9, $0x3  }
0x370: {  	v10 =	vld [tilespmem:s9+$0xFFFFFFE0];
	v9 =	vshll.u32 v9, v4  }
0x371: {  	v9 =	vadd.s32 $0x7, v9  }
0x372: {  	v9 =	vbroadcast v9, $0x0;
	_ =	sdelay $0x2  }
0x373: {  	v8 =	vmul.f32 v10, v8;
	_ =	sdelay $0x1  }
0x374: {  	s23 =	sadd.s32 $0xFFFFFFF9, s20;
	[tilespmem:s9+$0xFFFFFFE0] =	vst v8  }
0x375: {  	v8 =	vld.idx.msk [tilespmem:v9+s14+$0x0], $0xffff;
	v9 =	vmov s23  }
0x376: {  	v10 =	vld [tilespmem:s9+$0xFFFFFFF0];
	v9 =	vshrl.u32 v9, $0x3  }
0x377: {  	v9 =	vshll.u32 v9, v4  }
0x378: {  	v9 =	vbroadcast v9, $0x0;
	_ =	sdelay $0x2  }
0x379: {  	v8 =	vmul.f32 v10, v8  }
0x37a: {  	s23 =	sadd.s32 $0xFFFFFFFA, s20  }
0x37b: {  	[tilespmem:s9+$0xFFFFFFF0] =	vst v8;
	v8 =	vmov s23  }
0x37c: {  	v9 =	vld.idx.msk [tilespmem:v9+s14+$0x0], $0xffff;
	v8 =	vshrl.u32 v8, $0x3  }
0x37d: {  	v10 =	vld [tilespmem:s9+$0x0];
	v8 =	vshll.u32 v8, v4  }
0x37e: {  	v8 =	vadd.s32 $0x1, v8  }
0x37f: {  	v8 =	vbroadcast v8, $0x0;
	_ =	sdelay $0x2  }
0x380: {  	v9 =	vmul.f32 v10, v9  }
0x381: {  	s23 =	sadd.s32 $0xFFFFFFFB, s20  }
0x382: {  	[tilespmem:s9+$0x0] =	vst v9;
	v9 =	vmov s23  }
0x383: {  	v8 =	vld.idx.msk [tilespmem:v8+s14+$0x0], $0xffff;
	v9 =	vshrl.u32 v9, $0x3  }
0x384: {  	v10 =	vld [tilespmem:s9+$0x10];
	v9 =	vshll.u32 v9, v4  }
0x385: {  	v9 =	vadd.s32 $0x2, v9  }
0x386: {  	v9 =	vbroadcast v9, $0x0;
	_ =	sdelay $0x2  }
0x387: {  	v8 =	vmul.f32 v10, v8  }
0x388: {  	s23 =	sadd.s32 $0xFFFFFFFC, s20  }
0x389: {  	[tilespmem:s9+$0x10] =	vst v8;
	v8 =	vmov s23  }
0x38a: {  	v9 =	vld.idx.msk [tilespmem:v9+s14+$0x0], $0xffff;
	v8 =	vshrl.u32 v8, $0x3  }
0x38b: {  	v10 =	vld [tilespmem:s9+$0x20];
	v8 =	vshll.u32 v8, v4  }
0x38c: {  	v8 =	vadd.s32 $0x3, v8  }
0x38d: {  	v8 =	vbroadcast v8, $0x0;
	_ =	sdelay $0x2  }
0x38e: {  	v9 =	vmul.f32 v10, v9  }
0x38f: {  	s23 =	sadd.s32 $0xFFFFFFFD, s20  }
0x390: {  	[tilespmem:s9+$0x20] =	vst v9;
	v9 =	vmov s23  }
0x391: {  	v8 =	vld.idx.msk [tilespmem:v8+s14+$0x0], $0xffff;
	v9 =	vshrl.u32 v9, $0x3  }
0x392: {  	v10 =	vld [tilespmem:s9+$0x30];
	v9 =	vshll.u32 v9, v4  }
0x393: {  	v9 =	vadd.s32 $0x4, v9  }
0x394: {  	v9 =	vbroadcast v9, $0x0;
	_ =	sdelay $0x2  }
0x395: {  	v8 =	vmul.f32 v10, v8  }
0x396: {  	s23 =	sadd.s32 $0xFFFFFFFE, s20  }
0x397: {  	[tilespmem:s9+$0x30] =	vst v8;
	v8 =	vmov s23  }
0x398: {  	v9 =	vld.idx.msk [tilespmem:v9+s14+$0x0], $0xffff;
	v8 =	vshrl.u32 v8, $0x3  }
0x399: {  	v10 =	vld [tilespmem:s9+$0x40];
	v8 =	vshll.u32 v8, v4  }
0x39a: {  	v8 =	vadd.s32 $0x5, v8  }
0x39b: {  	v8 =	vbroadcast v8, $0x0;
	_ =	sdelay $0x2  }
0x39c: {  	v9 =	vmul.f32 v10, v9  }
0x39d: {  	s23 =	sadd.s32 $0xFFFFFFFF, s20  }
0x39e: {  	[tilespmem:s9+$0x40] =	vst v9;
	v9 =	vmov s23  }
0x39f: {  	v8 =	vld.idx.msk [tilespmem:v8+s14+$0x0], $0xffff;
	v9 =	vshrl.u32 v9, $0x3  }
0x3a0: {  	v10 =	vld [tilespmem:s9+$0x50];
	v9 =	vshll.u32 v9, v4  }
0x3a1: {  	v9 =	vadd.s32 $0x6, v9  }
0x3a2: {  	v9 =	vbroadcast v9, $0x0;
	_ =	sdelay $0x2  }
0x3a3: {  	v8 =	vmul.f32 v10, v8;
	_ =	sdelay $0x1  }
0x3a4: {  	[tilespmem:s9+$0x50] =	vst v8;
	v8 =	vmov s20  }
0x3a5: {  	v9 =	vld.idx.msk [tilespmem:v9+s14+$0x0], $0xffff;
	v8 =	vshrl.u32 v8, $0x3  }
0x3a6: {  	v10 =	vld [tilespmem:s9+$0x60];
	v8 =	vshll.u32 v8, v4  }
0x3a7: {  	v8 =	vadd.s32 $0x7, v8  }
0x3a8: {  	v8 =	vbroadcast v8, $0x0;
	_ =	sdelay $0x2  }
0x3a9: {  	v9 =	vmul.f32 v10, v9;
	_ =	sdelay $0x1  }
0x3aa: {  	[tilespmem:s9+$0x60] =	vst v9  }
0x3ab: {  	v8 =	vld.idx.msk [tilespmem:v8+s14+$0x0], $0xffff  }
0x3ac: {  	v9 =	vld [tilespmem:s9+$0x70];
	_ =	sdelay $0x1  }
.Ltmp10:
0x3ad: {  	(pc) =	sbr.rel @p1 .LBB2_15-.Ltmp10, $3  }
0x3ae: {  	_ =	sdelay $0x1  }
0x3af: {  	s0 =	sadd.s32 $0x10, s0;
	s9 =	sadd.s32 $0x100, s9;
	v8 =	vmul.f32 v9, v8  }
0x3b0: {  	s2 =	sadd.s32 $0x10, s2;
	s19 =	sadd.s32 $0x10, s19;
	s21 =	sadd.s32 $0x10, s21  }
0x3b1: {  	s22 =	sadd.s32 $0x1, s22  }
0x3b2: {  	p1 =	seq.s32 s22, $0x7D  }
.Ltmp11:
0x3b3: {  	[tilespmem:s29+$0x70] =	vst v8;
	(pc) =	sbr.rel @!p1 .LBB2_14-.Ltmp11, $4  }
0x3b4: {  	[spmem:s30] =	stream.indirect.scatter.add.f32 [tilespmem:s13], [sflag:$0x4], $0x10, s15, s15, $0xb8;
	[tilespmem:$0x1F7A0] =	vst v63  }
0x3b5: {  	_ =	swait.ge [sflag:s12], $0x3200  }
0x3b6: {  	[sflag:s12] =	ssyncset.done $0x0  }
0x3b7: {  	[sflag:s12] =	ssyncadd.s32 $0xFFFFCE00  }
0x3b8: {  	[bflag:$0x0] =	sbarrier.arrive $0xFFFF  }
0x3b9: {  	s2 =	sld [smem:$0x7ED]  }
0x3ba: {  	s0 =	stileid.u32  }
0x3bb: {  	s0 =	sshll.u32 s0, $0x6  }
0x3bc: {  	s9 =	rddreg [dreg:$0x10];
	s0 =	sor.u32 $0x1C04, s0;
	s2 =	sshrl.u32 s2, $0x3  }
0x3bd: {  	[hbm:s9], [sflag:s0] =	dma.local [spmem:s2], $0x640  }
0x3be: {  	_ =	swait.ge [sflag:s12], $0x640  }
0x3bf: {  	s28 =	sld [smem:$0x7EF]  }
0x3c0: {  	[sflag:s12] =	ssyncset.done $0x0  }
0x3c1: {  	s26 =	rddreg [dreg:$0x9];
	[sflag:s12] =	ssyncadd.s32 $0xFFFFF9C0  }
0x3c2: {  	[hbm:s26], [sflag:s0] =	dma.local [spmem:s28], $0x640  }
0x3c3: {  	_ =	swait.ge [sflag:s12], $0x640  }
0x3c4: {  	s31 =	sld [smem:$0x7F0]  }
0x3c5: {  	[sflag:s12] =	ssyncset.done $0x0  }
0x3c6: {  	s29 =	rddreg [dreg:$0xa];
	[sflag:s12] =	ssyncadd.s32 $0xFFFFF9C0  }
0x3c7: {  	[hbm:s29], [sflag:s0] =	dma.local [spmem:s31], $0x640  }
0x3c8: {  	_ =	swait.ge [sflag:s12], $0x640  }
0x3c9: {  	s20 =	sld [smem:$0x7F1]  }
0x3ca: {  	[sflag:s12] =	ssyncset.done $0x0  }
0x3cb: {  	s19 =	rddreg [dreg:$0xb];
	[sflag:s12] =	ssyncadd.s32 $0xFFFFF9C0  }
0x3cc: {  	[hbm:s19], [sflag:s0] =	dma.local [spmem:s20], $0x640  }
0x3cd: {  	_ =	swait.ge [sflag:s12], $0x640  }
0x3ce: {  	s22 =	sld [smem:$0x7F2]  }
0x3cf: {  	[sflag:s12] =	ssyncset.done $0x0  }
0x3d0: {  	s21 =	rddreg [dreg:$0xc];
	[sflag:s12] =	ssyncadd.s32 $0xFFFFF9C0  }
0x3d1: {  	[hbm:s21], [sflag:s0] =	dma.local [spmem:s22], $0x640  }
0x3d2: {  	_ =	swait.ge [sflag:s12], $0x640  }
0x3d3: {  	s25 =	sld [smem:$0x7F3]  }
0x3d4: {  	[sflag:s12] =	ssyncset.done $0x0  }
0x3d5: {  	s23 =	rddreg [dreg:$0xd];
	[sflag:s12] =	ssyncadd.s32 $0xFFFFF9C0  }
0x3d6: {  	[hbm:s23], [sflag:s0] =	dma.local [spmem:s25], $0x640  }
0x3d7: {  	_ =	swait.ge [sflag:s12], $0x640  }
0x3d8: {  	s28 =	sld [smem:$0x7F4]  }
0x3d9: {  	[sflag:s12] =	ssyncset.done $0x0  }
0x3da: {  	s26 =	rddreg [dreg:$0xe];
	[sflag:s12] =	ssyncadd.s32 $0xFFFFF9C0  }
0x3db: {  	[hbm:s26], [sflag:s0] =	dma.local [spmem:s28], $0x640  }
0x3dc: {  	_ =	swait.ge [sflag:s12], $0x640  }
0x3dd: {  	s31 =	sld [smem:$0x7F5]  }
0x3de: {  	[sflag:s12] =	ssyncset.done $0x0  }
.Ltmp12:
0x3df: {  	s29 =	rddreg [dreg:$0xf];
	[sflag:s12] =	ssyncadd.s32 $0xFFFFF9C0;
	(pc) =	sbr.rel .LBB2_18-.Ltmp12, $4  }
0x3e0: {  	[hbm:s29], [sflag:s0] =	dma.local [spmem:s31], $0x640  }
0x3e1: {  	_ =	swait.ge [sflag:s12], $0x640  }
0x3e2: {  	[sflag:s12] =	ssyncset.done $0x0  }
0x3e3: {  	s2 =	sld [smem:$0x7DC];
	[sflag:s12] =	ssyncadd.s32 $0xFFFFF9C0  }
.LBB2_19:
0x3e4: {  	_ =	sfence.sel $0x180000  }
0x3e5: {  	[bflag:$0x0] =	sbarrier.arrive $0xFFFF  }
0x3e6: {  	_ =	strace $0x9000004A  }
0x3e7: {  	s0 =	stileid.u32;
	[bflag:$0x2] =	sbarrier.arrive $0xFFFF  }
0x3e8: {  	p0 =	sne.s32 s0, $0x0;
	s0 =	rddreg [dreg:$0x8]  }
0x3e9: {  	s0 =	sadd.s32 @!p0 $0x100000, s0  }
0x3ea: {  	[sflag:s0] =	ssyncadd.tile.s32 @!p0 $0x1;
	_ =	shalt  }
.Lfunc_end2:
_tile_overlayer_lowered:
.L_overlay_start_2:
0x3eb: {  	(tag) =	ssettag $0x2  }
0x3ec: {  	s0 =	rddreg [dreg:$0x0];
	s2 =	stileid.u32  }
0x3ed: {  	s1 =	rddreg [dreg:$0x1];
	p0 =	sne.s32 s2, $0x0  }
0x3ee: {  	s3 =	rddreg [dreg:$0x2];
	[bflag:$0x3] =	sbarrier.arrive $0xFFFF;
	s2 =	simm.s32 @!p0 $0x1C04  }
0x3ef: {  	[timem:s3], [sflag:s2] =	dma.local @!p0 [hbm:s0], s1  }
0x3f0: {  	s0 =	simm.s32 @!p0 $0x4  }
0x3f1: {  	_ =	swait.ge @!p0 [sflag:s0], s1  }
0x3f2: {  	s1 =	ssub.s32 @!p0 $0x0, s1;
	[sflag:s0] =	ssyncset.done @!p0 $0x0  }
0x3f3: {  	[sflag:s0] =	ssyncadd.s32 @!p0 s1  }
0x3f4: {  	[bflag:$0x3] =	sbarrier.arrive $0xFFFF  }
0x3f5: {  	_ =	shalt  }

</sc_bundles>
